<compile_context>
chip_gen: v7x
topology: tpu7x:2x2x1
jax: 0.10.2.dev20260603
libtpu: 0.0.44.dev20260713+nightly
codegen_flags: <defaults>
</compile_context>

<pallas_src>
import functools

import jax
import jax.numpy as jnp
from jax import lax
from jax.experimental import pallas as pl
from jax.experimental.pallas import tpu as pltpu
from jax.experimental.pallas import tpu_sc as plsc

NC = 2
NS = 16
L = 16
NW = NC * NS
NBUF = 4


def _embed_body(P, NCHUNK, B, D,
                ids_hbm, wte_hbm, wpe_hbm, out_hbm,
                idx_v, wte_buf, wpe_buf, *sems):
    wid = lax.axis_index("s") * NC + lax.axis_index("c")
    spw = NCHUNK * P
    pos_base = wid * spw
    gsems = sems[:NBUF]
    wsems = sems[NBUF:]

    pltpu.sync_copy(ids_hbm.at[wid], idx_v)

    def in_copies(ci, j):
        pos = pos_base + ci * P
        return [
            pltpu.make_async_copy(
                wpe_hbm.at[pl.ds(pos, P)], wpe_buf.at[j], gsems[j]),
            pltpu.make_async_copy(
                wte_hbm.at[idx_v.at[ci]], wte_buf.at[j], gsems[j]),
        ]

    def out_copy(ci, j, b):
        pos = pos_base + ci * P
        return pltpu.make_async_copy(
            wte_buf.at[j, pl.ds(b * P, P)], out_hbm.at[b, pl.ds(pos, P)],
            wsems[j])

    def out_copies(ci, j):
        return [out_copy(ci, j, b) for b in range(B)]

    def compute(j):
        @plsc.parallel_loop(0, D // L, unroll=2)
        def grp(g):
            col = pl.ds(g * L, L)
            for r in range(P):
                v = wpe_buf[j, r, col]
                for b in range(B):
                    plsc.addupdate(wte_buf.at[j, b * P + r, col], v)

    for c0 in range(2):
        for cp in in_copies(c0, c0):
            cp.start()

    def outer(o, carry):
        for j in range(NBUF):
            ci = o * NBUF + j
            nj = (j + 2) % NBUF

            @pl.when(ci + 2 < NCHUNK)
            def _prefetch():
                @pl.when(ci >= NBUF - 2)
                def _drain():
                    for cp in out_copies(ci - (NBUF - 2), nj):
                        cp.wait()
                for cp in in_copies(ci + 2, nj):
                    cp.start()

            for cp in in_copies(ci, j):
                cp.wait()
            compute(j)
            for cp in out_copies(ci, j):
                cp.start()
        return carry

    lax.fori_loop(0, NCHUNK // NBUF, outer, 0, unroll=False)

    for k in range(NBUF):
        ci = NCHUNK - NBUF + k
        for cp in out_copies(ci, ci % NBUF):
            cp.wait()


def kernel(input_ids, wte, wpe):
    B, S = input_ids.shape
    V, D = wte.shape
    P = 4
    spw = S // NW
    NCHUNK = spw // P

    ids = (input_ids.astype(jnp.int32)
           .reshape(B, NW, NCHUNK, P)
           .transpose(1, 2, 0, 3)
           .reshape(NW, NCHUNK, B * P))

    mesh = plsc.VectorSubcoreMesh(
        core_axis_name="c", subcore_axis_name="s",
        num_cores=NC, num_subcores=NS)

    run = pl.kernel(
        functools.partial(_embed_body, P, NCHUNK, B, D),
        out_type=jax.ShapeDtypeStruct((B, S, D), jnp.float32),
        mesh=mesh,
        scratch_types=[
            pltpu.VMEM((NCHUNK, B * P), jnp.int32),
            pltpu.VMEM((NBUF, B * P, D), jnp.float32),
            pltpu.VMEM((NBUF, P, D), jnp.float32),
        ] + [pltpu.SemaphoreType.DMA] * (2 * NBUF),
    )
    return run(ids, wte, wpe)

# --- scband reference (transcript-rebuilt; emitter-appended) ---
"""Pipeline reference for scband-test-gptembed-62337155334521 (READ-ONLY COPY).

The authoritative reference and input builder live on the scoring server;
editing this copy changes nothing except your own understanding.
"""

import jax, jax.numpy as jnp
import numpy as np

VOCAB = 100000
MAX_POS = 8192
D = 1024
B = 4
S = 8192

def setup_inputs(seed: int = 0) -> dict:
    key = jax.random.key(seed)
    k_ids, k_wte, k_wpe = jax.random.split(key, 3)
    input_ids = jax.random.randint(k_ids, (B, S), 0, VOCAB, dtype=jnp.int64) if jax.config.jax_enable_x64 else jax.random.randint(k_ids, (B, S), 0, VOCAB, dtype=jnp.int32)
    wte = jax.random.normal(k_wte, (VOCAB, D), dtype=jnp.float32) * 0.02
    wpe = jax.random.normal(k_wpe, (MAX_POS, D), dtype=jnp.float32) * 0.02
    return {"input_ids": input_ids, "wte": wte, "wpe": wpe}

def reference(input_ids, wte, wpe):
    # input_ids: [B, S] int; wte: [VOCAB, D]; wpe: [MAX_POS, D]
    input_shape = input_ids.shape
    input_ids = input_ids.reshape(-1, input_shape[-1])
    seq_len = input_shape[-1]
    # default position_ids: arange over seq length, broadcast to batch
    position_ids = jnp.arange(0, seq_len, dtype=input_ids.dtype)
    position_ids = position_ids[None, :]
    input_embeds = jnp.take(wte, input_ids, axis=0)          # [B, S, D] gather
    position_embeds = jnp.take(wpe, position_ids, axis=0)    # [1, S, D] gather
    hidden_states = input_embeds + position_embeds
    # dropout_embed with p=0.0 is identity (eval/inference semantics)
    return hidden_states

if __name__ == "__main__":
    import jax
    _d = setup_inputs()
    print(jax.jit(kernel)(*tuple(_d.values())))

</pallas_src>

<mosaic_0001>
#map = affine_map<(d0, d1) -> (0, 0, 0)>
#map1 = affine_map<(d0, d1) -> (0, 0)>
module attributes {stable_mosaic.version = 14 : i64} {
  func.func @_embed_body(%arg0: i32, %arg1: i32, %arg2: memref<32x64x16xi32, #tpu.memory_space<hbm>>, %arg3: memref<100000x1024xf32, #tpu.memory_space<hbm>>, %arg4: memref<8192x1024xf32, #tpu.memory_space<hbm>>, %arg5: memref<4x8192x1024xf32, #tpu.memory_space<hbm>>, %arg6: memref<64x16xi32, #tpu.memory_space<vmem>>, %arg7: memref<4x16x1024xf32, #tpu.memory_space<vmem>>, %arg8: memref<4x4x1024xf32, #tpu.memory_space<vmem>>, %arg9: memref<!tpu.dma_semaphore, #tpu.memory_space<semaphore_mem>>, %arg10: memref<!tpu.dma_semaphore, #tpu.memory_space<semaphore_mem>>, %arg11: memref<!tpu.dma_semaphore, #tpu.memory_space<semaphore_mem>>, %arg12: memref<!tpu.dma_semaphore, #tpu.memory_space<semaphore_mem>>, %arg13: memref<!tpu.dma_semaphore, #tpu.memory_space<semaphore_mem>>, %arg14: memref<!tpu.dma_semaphore, #tpu.memory_space<semaphore_mem>>, %arg15: memref<!tpu.dma_semaphore, #tpu.memory_space<semaphore_mem>>, %arg16: memref<!tpu.dma_semaphore, #tpu.memory_space<semaphore_mem>>) attributes {dimension_semantics = [#tpu.dimension_semantics<core_parallel>, #tpu.dimension_semantics<subcore_parallel>], iteration_bounds = array<i64: 2, 16>, scalar_prefetch = 0 : i64, scratch_operands = 11 : i64, tpu.core_type = #tpu.core_type<sc_vector_subcore>, window_params = [{transform_indices = #map}, {transform_indices = #map1}, {transform_indices = #map1}, {transform_indices = #map}]} {
    %mul3A = arith.constant 2 : i32
    %mul3A_0 = arith.muli %arg1, %mul3A : i32
    %add3A = arith.addi %mul3A_0, %arg0 : i32
    %mul3A_1 = arith.constant 256 : i32
    %mul3A_2 = arith.muli %add3A, %mul3A_1 : i32
    "tpu.region"() ({
      %run_scoped3A = tpu.sem_alloc : memref<!tpu.dma_semaphore, #tpu.memory_space<semaphore_mem>>
      %dma_start3A_348 = arith.constant 0 : i32
      %dma_start3A_349 = arith.constant 0 : i32
      %dma_start3A_350 = tpu.memref_slice %arg2[%add3A, %dma_start3A_348, %dma_start3A_349] : memref<32x64x16xi32, #tpu.memory_space<hbm>> -> memref<1x64x16xi32, #tpu.memory_space<hbm>>
      %dma_start3A_351 = tpu.memref_squeeze %dma_start3A_350 : memref<1x64x16xi32, #tpu.memory_space<hbm>> -> memref<64x16xi32, #tpu.memory_space<hbm>>
      %dma_start3A_352 = arith.constant 0 : i32
      %dma_start3A_353 = arith.constant 0 : i32
      %dma_start3A_354 = tpu.memref_slice %arg2[%add3A, %dma_start3A_352, %dma_start3A_353] : memref<32x64x16xi32, #tpu.memory_space<hbm>> -> memref<1x64x16xi32, #tpu.memory_space<hbm>>
      %dma_start3A_355 = tpu.memref_squeeze %dma_start3A_354 : memref<1x64x16xi32, #tpu.memory_space<hbm>> -> memref<64x16xi32, #tpu.memory_space<hbm>>
      tpu.enqueue_dma source(%dma_start3A_355 : memref<64x16xi32, #tpu.memory_space<hbm>>) target(%arg6 : memref<64x16xi32, #tpu.memory_space<vmem>>) target_semaphore(%run_scoped3A : memref<!tpu.dma_semaphore, #tpu.memory_space<semaphore_mem>>)
      %dma_wait3A_356 = arith.constant 0 : i32
      %dma_wait3A_357 = arith.constant 0 : i32
      %dma_wait3A_358 = tpu.memref_slice %arg2[%add3A, %dma_wait3A_356, %dma_wait3A_357] : memref<32x64x16xi32, #tpu.memory_space<hbm>> -> memref<1x64x16xi32, #tpu.memory_space<hbm>>
      %dma_wait3A_359 = tpu.memref_squeeze %dma_wait3A_358 : memref<1x64x16xi32, #tpu.memory_space<hbm>> -> memref<64x16xi32, #tpu.memory_space<hbm>>
      %dma_wait3A_360 = arith.constant 0 : i32
      %dma_wait3A_361 = arith.constant 0 : i32
      %dma_wait3A_362 = tpu.memref_slice %arg2[%add3A, %dma_wait3A_360, %dma_wait3A_361] : memref<32x64x16xi32, #tpu.memory_space<hbm>> -> memref<1x64x16xi32, #tpu.memory_space<hbm>>
      %dma_wait3A_363 = tpu.memref_squeeze %dma_wait3A_362 : memref<1x64x16xi32, #tpu.memory_space<hbm>> -> memref<64x16xi32, #tpu.memory_space<hbm>>
      tpu.wait_dma2 semaphore(%run_scoped3A : memref<!tpu.dma_semaphore, #tpu.memory_space<semaphore_mem>>) src(%dma_wait3A_363 : memref<64x16xi32, #tpu.memory_space<hbm>>) dst(%arg6 : memref<64x16xi32, #tpu.memory_space<vmem>>)
      tpu.yield
    }) : () -> ()
    %add3A_3 = arith.constant 0 : i32
    %add3A_4 = arith.addi %mul3A_2, %add3A_3 : i32
    %dma_start3A = arith.constant 0 : i32
    %dma_start3A_5 = arith.constant 0 : i32
    %dma_start3A_6 = arith.constant 0 : i32
    %dma_start3A_7 = tpu.memref_slice %arg8[%dma_start3A, %dma_start3A_5, %dma_start3A_6] : memref<4x4x1024xf32, #tpu.memory_space<vmem>> -> memref<1x4x1024xf32, #tpu.memory_space<vmem>>
    %dma_start3A_8 = tpu.memref_squeeze %dma_start3A_7 : memref<1x4x1024xf32, #tpu.memory_space<vmem>> -> memref<4x1024xf32, #tpu.memory_space<vmem>>
    %dma_start3A_9 = arith.constant 0 : i32
    %dma_start3A_10 = tpu.memref_slice %arg4[%add3A_4, %dma_start3A_9] : memref<8192x1024xf32, #tpu.memory_space<hbm>> -> memref<4x1024xf32, #tpu.memory_space<hbm>>
    %dma_start3A_11 = arith.constant 0 : i32
    %dma_start3A_12 = arith.constant 0 : i32
    %dma_start3A_13 = tpu.memref_slice %arg8[%dma_start3A, %dma_start3A_11, %dma_start3A_12] : memref<4x4x1024xf32, #tpu.memory_space<vmem>> -> memref<1x4x1024xf32, #tpu.memory_space<vmem>>
    %dma_start3A_14 = tpu.memref_squeeze %dma_start3A_13 : memref<1x4x1024xf32, #tpu.memory_space<vmem>> -> memref<4x1024xf32, #tpu.memory_space<vmem>>
    %dma_start3A_15 = arith.constant 0 : i32
    %dma_start3A_16 = tpu.memref_slice %arg4[%add3A_4, %dma_start3A_15] : memref<8192x1024xf32, #tpu.memory_space<hbm>> -> memref<4x1024xf32, #tpu.memory_space<hbm>>
    tpu.enqueue_dma source(%dma_start3A_16 : memref<4x1024xf32, #tpu.memory_space<hbm>>) target(%dma_start3A_14 : memref<4x1024xf32, #tpu.memory_space<vmem>>) target_semaphore(%arg9 : memref<!tpu.dma_semaphore, #tpu.memory_space<semaphore_mem>>)
    %dma_start3A_17 = arith.constant 0 : i32
    %dma_start3A_18 = arith.constant 0 : i32
    %dma_start3A_19 = arith.constant 0 : i32
    %dma_start3A_20 = arith.constant 0 : i32
    %dma_start3A_21 = tpu.memref_slice %arg7[%dma_start3A_18, %dma_start3A_19, %dma_start3A_20] : memref<4x16x1024xf32, #tpu.memory_space<vmem>> -> memref<1x16x1024xf32, #tpu.memory_space<vmem>>
    %dma_start3A_22 = tpu.memref_squeeze %dma_start3A_21 : memref<1x16x1024xf32, #tpu.memory_space<vmem>> -> memref<16x1024xf32, #tpu.memory_space<vmem>>
    %dma_start3A_23 = arith.constant 0 : i32
    %dma_start3A_24 = tpu.memref_slice %arg6[%dma_start3A_17, %dma_start3A_23] : memref<64x16xi32, #tpu.memory_space<vmem>> -> memref<1x16xi32, #tpu.memory_space<vmem>>
    %dma_start3A_25 = tpu.memref_squeeze %dma_start3A_24 : memref<1x16xi32, #tpu.memory_space<vmem>> -> memref<16xi32, #tpu.memory_space<vmem>>
    %dma_start3A_26 = arith.constant 0 : i32
    %dma_start3A_27 = arith.constant 0 : i32
    %dma_start3A_28 = tpu.memref_slice %arg3[%dma_start3A_26, %dma_start3A_27] : memref<100000x1024xf32, #tpu.memory_space<hbm>> -> memref<100000x1024xf32, #tpu.memory_space<hbm>>
    tpu.enqueue_indirect_dma source(%dma_start3A_28 : memref<100000x1024xf32, #tpu.memory_space<hbm>>) target(%dma_start3A_22 : memref<16x1024xf32, #tpu.memory_space<vmem>>) offsets(%dma_start3A_25 : memref<16xi32, #tpu.memory_space<vmem>>) semaphore(%arg9 : memref<!tpu.dma_semaphore, #tpu.memory_space<semaphore_mem>>)
    %add3A_29 = arith.constant 4 : i32
    %add3A_30 = arith.addi %mul3A_2, %add3A_29 : i32
    %dma_start3A_31 = arith.constant 1 : i32
    %dma_start3A_32 = arith.constant 0 : i32
    %dma_start3A_33 = arith.constant 0 : i32
    %dma_start3A_34 = tpu.memref_slice %arg8[%dma_start3A_31, %dma_start3A_32, %dma_start3A_33] : memref<4x4x1024xf32, #tpu.memory_space<vmem>> -> memref<1x4x1024xf32, #tpu.memory_space<vmem>>
    %dma_start3A_35 = tpu.memref_squeeze %dma_start3A_34 : memref<1x4x1024xf32, #tpu.memory_space<vmem>> -> memref<4x1024xf32, #tpu.memory_space<vmem>>
    %dma_start3A_36 = arith.constant 0 : i32
    %dma_start3A_37 = tpu.memref_slice %arg4[%add3A_30, %dma_start3A_36] : memref<8192x1024xf32, #tpu.memory_space<hbm>> -> memref<4x1024xf32, #tpu.memory_space<hbm>>
    %dma_start3A_38 = arith.constant 0 : i32
    %dma_start3A_39 = arith.constant 0 : i32
    %dma_start3A_40 = tpu.memref_slice %arg8[%dma_start3A_31, %dma_start3A_38, %dma_start3A_39] : memref<4x4x1024xf32, #tpu.memory_space<vmem>> -> memref<1x4x1024xf32, #tpu.memory_space<vmem>>
    %dma_start3A_41 = tpu.memref_squeeze %dma_start3A_40 : memref<1x4x1024xf32, #tpu.memory_space<vmem>> -> memref<4x1024xf32, #tpu.memory_space<vmem>>
    %dma_start3A_42 = arith.constant 0 : i32
    %dma_start3A_43 = tpu.memref_slice %arg4[%add3A_30, %dma_start3A_42] : memref<8192x1024xf32, #tpu.memory_space<hbm>> -> memref<4x1024xf32, #tpu.memory_space<hbm>>
    tpu.enqueue_dma source(%dma_start3A_43 : memref<4x1024xf32, #tpu.memory_space<hbm>>) target(%dma_start3A_41 : memref<4x1024xf32, #tpu.memory_space<vmem>>) target_semaphore(%arg10 : memref<!tpu.dma_semaphore, #tpu.memory_space<semaphore_mem>>)
    %dma_start3A_44 = arith.constant 1 : i32
    %dma_start3A_45 = arith.constant 1 : i32
    %dma_start3A_46 = arith.constant 0 : i32
    %dma_start3A_47 = arith.constant 0 : i32
    %dma_start3A_48 = tpu.memref_slice %arg7[%dma_start3A_45, %dma_start3A_46, %dma_start3A_47] : memref<4x16x1024xf32, #tpu.memory_space<vmem>> -> memref<1x16x1024xf32, #tpu.memory_space<vmem>>
    %dma_start3A_49 = tpu.memref_squeeze %dma_start3A_48 : memref<1x16x1024xf32, #tpu.memory_space<vmem>> -> memref<16x1024xf32, #tpu.memory_space<vmem>>
    %dma_start3A_50 = arith.constant 0 : i32
    %dma_start3A_51 = tpu.memref_slice %arg6[%dma_start3A_44, %dma_start3A_50] : memref<64x16xi32, #tpu.memory_space<vmem>> -> memref<1x16xi32, #tpu.memory_space<vmem>>
    %dma_start3A_52 = tpu.memref_squeeze %dma_start3A_51 : memref<1x16xi32, #tpu.memory_space<vmem>> -> memref<16xi32, #tpu.memory_space<vmem>>
    %dma_start3A_53 = arith.constant 0 : i32
    %dma_start3A_54 = arith.constant 0 : i32
    %dma_start3A_55 = tpu.memref_slice %arg3[%dma_start3A_53, %dma_start3A_54] : memref<100000x1024xf32, #tpu.memory_space<hbm>> -> memref<100000x1024xf32, #tpu.memory_space<hbm>>
    tpu.enqueue_indirect_dma source(%dma_start3A_55 : memref<100000x1024xf32, #tpu.memory_space<hbm>>) target(%dma_start3A_49 : memref<16x1024xf32, #tpu.memory_space<vmem>>) offsets(%dma_start3A_52 : memref<16xi32, #tpu.memory_space<vmem>>) semaphore(%arg10 : memref<!tpu.dma_semaphore, #tpu.memory_space<semaphore_mem>>)
    %scan3A = arith.constant 0 : i32
    %scan3A_56 = arith.constant 0 : i32
    %scan3A_57 = arith.constant 16 : i32
    %scan3A_58 = arith.addi %scan3A_56, %scan3A_57 : i32
    %scan3A_59 = arith.constant 1 : i32
    scf.for %scan3A_348 = %scan3A_56 to %scan3A_58 step %scan3A_59  : i32 {
      %mul3A_349 = arith.constant 4 : i32
      %mul3A_350 = arith.muli %scan3A_348, %mul3A_349 : i32
      %add3A_351 = arith.constant 0 : i32
      %add3A_352 = arith.addi %mul3A_350, %add3A_351 : i32
      %add3A_353 = arith.constant 2 : i32
      %add3A_354 = arith.addi %add3A_352, %add3A_353 : i32
      %lt3A = arith.constant 64 : i32
      %lt3A_355 = arith.cmpi slt, %add3A_354, %lt3A : i32
      %convert_element_type3A = arith.extui %lt3A_355 : i1 to i32
      %cond3A = arith.constant 0 : i32
      %cond3A_356 = arith.cmpi ne, %convert_element_type3A, %cond3A : i32
      scf.if %cond3A_356 {
        %ge3A = arith.constant 2 : i32
        %ge3A_813 = arith.cmpi sge, %add3A_352, %ge3A : i32
        %convert_element_type3A_814 = arith.extui %ge3A_813 : i1 to i32
        %cond3A_815 = arith.constant 0 : i32
        %cond3A_816 = arith.cmpi ne, %convert_element_type3A_814, %cond3A_815 : i32
        scf.if %cond3A_816 {
          %sub3A = arith.constant 2 : i32
          %sub3A_846 = arith.subi %add3A_352, %sub3A : i32
          %mul3A_847 = arith.constant 4 : i32
          %mul3A_848 = arith.muli %sub3A_846, %mul3A_847 : i32
          %add3A_849 = arith.addi %mul3A_2, %mul3A_848 : i32
          %mul3A_850 = arith.constant 4 : i32
          %mul3A_851 = arith.muli %sub3A_846, %mul3A_850 : i32
          %add3A_852 = arith.addi %mul3A_2, %mul3A_851 : i32
          %mul3A_853 = arith.constant 4 : i32
          %mul3A_854 = arith.muli %sub3A_846, %mul3A_853 : i32
          %add3A_855 = arith.addi %mul3A_2, %mul3A_854 : i32
          %mul3A_856 = arith.constant 4 : i32
          %mul3A_857 = arith.muli %sub3A_846, %mul3A_856 : i32
          %add3A_858 = arith.addi %mul3A_2, %mul3A_857 : i32
          %dma_wait3A_859 = arith.constant 2 : i32
          %dma_wait3A_860 = arith.constant 0 : i32
          %dma_wait3A_861 = arith.constant 0 : i32
          %dma_wait3A_862 = arith.constant 0 : i32
          %dma_wait3A_863 = tpu.memref_slice %arg7[%dma_wait3A_859, %dma_wait3A_861, %dma_wait3A_862] : memref<4x16x1024xf32, #tpu.memory_space<vmem>> -> memref<1x4x1024xf32, #tpu.memory_space<vmem>>
          %dma_wait3A_864 = tpu.memref_squeeze %dma_wait3A_863 : memref<1x4x1024xf32, #tpu.memory_space<vmem>> -> memref<4x1024xf32, #tpu.memory_space<vmem>>
          %dma_wait3A_865 = arith.constant 0 : i32
          %dma_wait3A_866 = tpu.memref_slice %arg5[%dma_wait3A_860, %add3A_849, %dma_wait3A_865] : memref<4x8192x1024xf32, #tpu.memory_space<hbm>> -> memref<1x4x1024xf32, #tpu.memory_space<hbm>>
          %dma_wait3A_867 = tpu.memref_squeeze %dma_wait3A_866 : memref<1x4x1024xf32, #tpu.memory_space<hbm>> -> memref<4x1024xf32, #tpu.memory_space<hbm>>
          %dma_wait3A_868 = arith.constant 0 : i32
          %dma_wait3A_869 = tpu.memref_slice %arg5[%dma_wait3A_860, %add3A_849, %dma_wait3A_868] : memref<4x8192x1024xf32, #tpu.memory_space<hbm>> -> memref<1x4x1024xf32, #tpu.memory_space<hbm>>
          %dma_wait3A_870 = tpu.memref_squeeze %dma_wait3A_869 : memref<1x4x1024xf32, #tpu.memory_space<hbm>> -> memref<4x1024xf32, #tpu.memory_space<hbm>>
          %dma_wait3A_871 = arith.constant 0 : i32
          %dma_wait3A_872 = arith.constant 0 : i32
          %dma_wait3A_873 = tpu.memref_slice %arg7[%dma_wait3A_859, %dma_wait3A_871, %dma_wait3A_872] : memref<4x16x1024xf32, #tpu.memory_space<vmem>> -> memref<1x4x1024xf32, #tpu.memory_space<vmem>>
          %dma_wait3A_874 = tpu.memref_squeeze %dma_wait3A_873 : memref<1x4x1024xf32, #tpu.memory_space<vmem>> -> memref<4x1024xf32, #tpu.memory_space<vmem>>
          tpu.wait_dma2 semaphore(%arg15 : memref<!tpu.dma_semaphore, #tpu.memory_space<semaphore_mem>>) src(%dma_wait3A_874 : memref<4x1024xf32, #tpu.memory_space<vmem>>) dst(%dma_wait3A_870 : memref<4x1024xf32, #tpu.memory_space<hbm>>)
          %dma_wait3A_875 = arith.constant 2 : i32
          %dma_wait3A_876 = arith.constant 1 : i32
          %dma_wait3A_877 = arith.constant 4 : i32
          %dma_wait3A_878 = arith.constant 0 : i32
          %dma_wait3A_879 = tpu.memref_slice %arg7[%dma_wait3A_875, %dma_wait3A_877, %dma_wait3A_878] : memref<4x16x1024xf32, #tpu.memory_space<vmem>> -> memref<1x4x1024xf32, #tpu.memory_space<vmem>>
          %dma_wait3A_880 = tpu.memref_squeeze %dma_wait3A_879 : memref<1x4x1024xf32, #tpu.memory_space<vmem>> -> memref<4x1024xf32, #tpu.memory_space<vmem>>
          %dma_wait3A_881 = arith.constant 0 : i32
          %dma_wait3A_882 = tpu.memref_slice %arg5[%dma_wait3A_876, %add3A_852, %dma_wait3A_881] : memref<4x8192x1024xf32, #tpu.memory_space<hbm>> -> memref<1x4x1024xf32, #tpu.memory_space<hbm>>
          %dma_wait3A_883 = tpu.memref_squeeze %dma_wait3A_882 : memref<1x4x1024xf32, #tpu.memory_space<hbm>> -> memref<4x1024xf32, #tpu.memory_space<hbm>>
          %dma_wait3A_884 = arith.constant 0 : i32
          %dma_wait3A_885 = tpu.memref_slice %arg5[%dma_wait3A_876, %add3A_852, %dma_wait3A_884] : memref<4x8192x1024xf32, #tpu.memory_space<hbm>> -> memref<1x4x1024xf32, #tpu.memory_space<hbm>>
          %dma_wait3A_886 = tpu.memref_squeeze %dma_wait3A_885 : memref<1x4x1024xf32, #tpu.memory_space<hbm>> -> memref<4x1024xf32, #tpu.memory_space<hbm>>
          %dma_wait3A_887 = arith.constant 4 : i32
          %dma_wait3A_888 = arith.constant 0 : i32
          %dma_wait3A_889 = tpu.memref_slice %arg7[%dma_wait3A_875, %dma_wait3A_887, %dma_wait3A_888] : memref<4x16x1024xf32, #tpu.memory_space<vmem>> -> memref<1x4x1024xf32, #tpu.memory_space<vmem>>
          %dma_wait3A_890 = tpu.memref_squeeze %dma_wait3A_889 : memref<1x4x1024xf32, #tpu.memory_space<vmem>> -> memref<4x1024xf32, #tpu.memory_space<vmem>>
          tpu.wait_dma2 semaphore(%arg15 : memref<!tpu.dma_semaphore, #tpu.memory_space<semaphore_mem>>) src(%dma_wait3A_890 : memref<4x1024xf32, #tpu.memory_space<vmem>>) dst(%dma_wait3A_886 : memref<4x1024xf32, #tpu.memory_space<hbm>>)
          %dma_wait3A_891 = arith.constant 2 : i32
          %dma_wait3A_892 = arith.constant 2 : i32
          %dma_wait3A_893 = arith.constant 8 : i32
          %dma_wait3A_894 = arith.constant 0 : i32
          %dma_wait3A_895 = tpu.memref_slice %arg7[%dma_wait3A_891, %dma_wait3A_893, %dma_wait3A_894] : memref<4x16x1024xf32, #tpu.memory_space<vmem>> -> memref<1x4x1024xf32, #tpu.memory_space<vmem>>
          %dma_wait3A_896 = tpu.memref_squeeze %dma_wait3A_895 : memref<1x4x1024xf32, #tpu.memory_space<vmem>> -> memref<4x1024xf32, #tpu.memory_space<vmem>>
          %dma_wait3A_897 = arith.constant 0 : i32
          %dma_wait3A_898 = tpu.memref_slice %arg5[%dma_wait3A_892, %add3A_855, %dma_wait3A_897] : memref<4x8192x1024xf32, #tpu.memory_space<hbm>> -> memref<1x4x1024xf32, #tpu.memory_space<hbm>>
          %dma_wait3A_899 = tpu.memref_squeeze %dma_wait3A_898 : memref<1x4x1024xf32, #tpu.memory_space<hbm>> -> memref<4x1024xf32, #tpu.memory_space<hbm>>
          %dma_wait3A_900 = arith.constant 0 : i32
          %dma_wait3A_901 = tpu.memref_slice %arg5[%dma_wait3A_892, %add3A_855, %dma_wait3A_900] : memref<4x8192x1024xf32, #tpu.memory_space<hbm>> -> memref<1x4x1024xf32, #tpu.memory_space<hbm>>
          %dma_wait3A_902 = tpu.memref_squeeze %dma_wait3A_901 : memref<1x4x1024xf32, #tpu.memory_space<hbm>> -> memref<4x1024xf32, #tpu.memory_space<hbm>>
          %dma_wait3A_903 = arith.constant 8 : i32
          %dma_wait3A_904 = arith.constant 0 : i32
          %dma_wait3A_905 = tpu.memref_slice %arg7[%dma_wait3A_891, %dma_wait3A_903, %dma_wait3A_904] : memref<4x16x1024xf32, #tpu.memory_space<vmem>> -> memref<1x4x1024xf32, #tpu.memory_space<vmem>>
          %dma_wait3A_906 = tpu.memref_squeeze %dma_wait3A_905 : memref<1x4x1024xf32, #tpu.memory_space<vmem>> -> memref<4x1024xf32, #tpu.memory_space<vmem>>
          tpu.wait_dma2 semaphore(%arg15 : memref<!tpu.dma_semaphore, #tpu.memory_space<semaphore_mem>>) src(%dma_wait3A_906 : memref<4x1024xf32, #tpu.memory_space<vmem>>) dst(%dma_wait3A_902 : memref<4x1024xf32, #tpu.memory_space<hbm>>)
          %dma_wait3A_907 = arith.constant 2 : i32
          %dma_wait3A_908 = arith.constant 3 : i32
          %dma_wait3A_909 = arith.constant 12 : i32
          %dma_wait3A_910 = arith.constant 0 : i32
          %dma_wait3A_911 = tpu.memref_slice %arg7[%dma_wait3A_907, %dma_wait3A_909, %dma_wait3A_910] : memref<4x16x1024xf32, #tpu.memory_space<vmem>> -> memref<1x4x1024xf32, #tpu.memory_space<vmem>>
          %dma_wait3A_912 = tpu.memref_squeeze %dma_wait3A_911 : memref<1x4x1024xf32, #tpu.memory_space<vmem>> -> memref<4x1024xf32, #tpu.memory_space<vmem>>
          %dma_wait3A_913 = arith.constant 0 : i32
          %dma_wait3A_914 = tpu.memref_slice %arg5[%dma_wait3A_908, %add3A_858, %dma_wait3A_913] : memref<4x8192x1024xf32, #tpu.memory_space<hbm>> -> memref<1x4x1024xf32, #tpu.memory_space<hbm>>
          %dma_wait3A_915 = tpu.memref_squeeze %dma_wait3A_914 : memref<1x4x1024xf32, #tpu.memory_space<hbm>> -> memref<4x1024xf32, #tpu.memory_space<hbm>>
          %dma_wait3A_916 = arith.constant 0 : i32
          %dma_wait3A_917 = tpu.memref_slice %arg5[%dma_wait3A_908, %add3A_858, %dma_wait3A_916] : memref<4x8192x1024xf32, #tpu.memory_space<hbm>> -> memref<1x4x1024xf32, #tpu.memory_space<hbm>>
          %dma_wait3A_918 = tpu.memref_squeeze %dma_wait3A_917 : memref<1x4x1024xf32, #tpu.memory_space<hbm>> -> memref<4x1024xf32, #tpu.memory_space<hbm>>
          %dma_wait3A_919 = arith.constant 12 : i32
          %dma_wait3A_920 = arith.constant 0 : i32
          %dma_wait3A_921 = tpu.memref_slice %arg7[%dma_wait3A_907, %dma_wait3A_919, %dma_wait3A_920] : memref<4x16x1024xf32, #tpu.memory_space<vmem>> -> memref<1x4x1024xf32, #tpu.memory_space<vmem>>
          %dma_wait3A_922 = tpu.memref_squeeze %dma_wait3A_921 : memref<1x4x1024xf32, #tpu.memory_space<vmem>> -> memref<4x1024xf32, #tpu.memory_space<vmem>>
          tpu.wait_dma2 semaphore(%arg15 : memref<!tpu.dma_semaphore, #tpu.memory_space<semaphore_mem>>) src(%dma_wait3A_922 : memref<4x1024xf32, #tpu.memory_space<vmem>>) dst(%dma_wait3A_918 : memref<4x1024xf32, #tpu.memory_space<hbm>>)
        } else {
        }
        %add3A_817 = arith.constant 2 : i32
        %add3A_818 = arith.addi %add3A_352, %add3A_817 : i32
        %mul3A_819 = arith.constant 4 : i32
        %mul3A_820 = arith.muli %add3A_818, %mul3A_819 : i32
        %add3A_821 = arith.addi %mul3A_2, %mul3A_820 : i32
        %dma_start3A_822 = arith.constant 2 : i32
        %dma_start3A_823 = arith.constant 0 : i32
        %dma_start3A_824 = arith.constant 0 : i32
        %dma_start3A_825 = tpu.memref_slice %arg8[%dma_start3A_822, %dma_start3A_823, %dma_start3A_824] : memref<4x4x1024xf32, #tpu.memory_space<vmem>> -> memref<1x4x1024xf32, #tpu.memory_space<vmem>>
        %dma_start3A_826 = tpu.memref_squeeze %dma_start3A_825 : memref<1x4x1024xf32, #tpu.memory_space<vmem>> -> memref<4x1024xf32, #tpu.memory_space<vmem>>
        %dma_start3A_827 = arith.constant 0 : i32
        %dma_start3A_828 = tpu.memref_slice %arg4[%add3A_821, %dma_start3A_827] : memref<8192x1024xf32, #tpu.memory_space<hbm>> -> memref<4x1024xf32, #tpu.memory_space<hbm>>
        %dma_start3A_829 = arith.constant 0 : i32
        %dma_start3A_830 = arith.constant 0 : i32
        %dma_start3A_831 = tpu.memref_slice %arg8[%dma_start3A_822, %dma_start3A_829, %dma_start3A_830] : memref<4x4x1024xf32, #tpu.memory_space<vmem>> -> memref<1x4x1024xf32, #tpu.memory_space<vmem>>
        %dma_start3A_832 = tpu.memref_squeeze %dma_start3A_831 : memref<1x4x1024xf32, #tpu.memory_space<vmem>> -> memref<4x1024xf32, #tpu.memory_space<vmem>>
        %dma_start3A_833 = arith.constant 0 : i32
        %dma_start3A_834 = tpu.memref_slice %arg4[%add3A_821, %dma_start3A_833] : memref<8192x1024xf32, #tpu.memory_space<hbm>> -> memref<4x1024xf32, #tpu.memory_space<hbm>>
        tpu.enqueue_dma source(%dma_start3A_834 : memref<4x1024xf32, #tpu.memory_space<hbm>>) target(%dma_start3A_832 : memref<4x1024xf32, #tpu.memory_space<vmem>>) target_semaphore(%arg11 : memref<!tpu.dma_semaphore, #tpu.memory_space<semaphore_mem>>)
        %dma_start3A_835 = arith.constant 2 : i32
        %dma_start3A_836 = arith.constant 0 : i32
        %dma_start3A_837 = arith.constant 0 : i32
        %dma_start3A_838 = tpu.memref_slice %arg7[%dma_start3A_835, %dma_start3A_836, %dma_start3A_837] : memref<4x16x1024xf32, #tpu.memory_space<vmem>> -> memref<1x16x1024xf32, #tpu.memory_space<vmem>>
        %dma_start3A_839 = tpu.memref_squeeze %dma_start3A_838 : memref<1x16x1024xf32, #tpu.memory_space<vmem>> -> memref<16x1024xf32, #tpu.memory_space<vmem>>
        %dma_start3A_840 = arith.constant 0 : i32
        %dma_start3A_841 = tpu.memref_slice %arg6[%add3A_818, %dma_start3A_840] : memref<64x16xi32, #tpu.memory_space<vmem>> -> memref<1x16xi32, #tpu.memory_space<vmem>>
        %dma_start3A_842 = tpu.memref_squeeze %dma_start3A_841 : memref<1x16xi32, #tpu.memory_space<vmem>> -> memref<16xi32, #tpu.memory_space<vmem>>
        %dma_start3A_843 = arith.constant 0 : i32
        %dma_start3A_844 = arith.constant 0 : i32
        %dma_start3A_845 = tpu.memref_slice %arg3[%dma_start3A_843, %dma_start3A_844] : memref<100000x1024xf32, #tpu.memory_space<hbm>> -> memref<100000x1024xf32, #tpu.memory_space<hbm>>
        tpu.enqueue_indirect_dma source(%dma_start3A_845 : memref<100000x1024xf32, #tpu.memory_space<hbm>>) target(%dma_start3A_839 : memref<16x1024xf32, #tpu.memory_space<vmem>>) offsets(%dma_start3A_842 : memref<16xi32, #tpu.memory_space<vmem>>) semaphore(%arg11 : memref<!tpu.dma_semaphore, #tpu.memory_space<semaphore_mem>>)
      } else {
      }
      %mul3A_357 = arith.constant 4 : i32
      %mul3A_358 = arith.muli %add3A_352, %mul3A_357 : i32
      %add3A_359 = arith.addi %mul3A_2, %mul3A_358 : i32
      %dma_wait3A_360 = arith.constant 0 : i32
      %dma_wait3A_361 = arith.constant 0 : i32
      %dma_wait3A_362 = arith.constant 0 : i32
      %dma_wait3A_363 = tpu.memref_slice %arg8[%dma_wait3A_360, %dma_wait3A_361, %dma_wait3A_362] : memref<4x4x1024xf32, #tpu.memory_space<vmem>> -> memref<1x4x1024xf32, #tpu.memory_space<vmem>>
      %dma_wait3A_364 = tpu.memref_squeeze %dma_wait3A_363 : memref<1x4x1024xf32, #tpu.memory_space<vmem>> -> memref<4x1024xf32, #tpu.memory_space<vmem>>
      %dma_wait3A_365 = arith.constant 0 : i32
      %dma_wait3A_366 = tpu.memref_slice %arg4[%add3A_359, %dma_wait3A_365] : memref<8192x1024xf32, #tpu.memory_space<hbm>> -> memref<4x1024xf32, #tpu.memory_space<hbm>>
      %dma_wait3A_367 = arith.constant 0 : i32
      %dma_wait3A_368 = arith.constant 0 : i32
      %dma_wait3A_369 = tpu.memref_slice %arg8[%dma_wait3A_360, %dma_wait3A_367, %dma_wait3A_368] : memref<4x4x1024xf32, #tpu.memory_space<vmem>> -> memref<1x4x1024xf32, #tpu.memory_space<vmem>>
      %dma_wait3A_370 = tpu.memref_squeeze %dma_wait3A_369 : memref<1x4x1024xf32, #tpu.memory_space<vmem>> -> memref<4x1024xf32, #tpu.memory_space<vmem>>
      %dma_wait3A_371 = arith.constant 0 : i32
      %dma_wait3A_372 = tpu.memref_slice %arg4[%add3A_359, %dma_wait3A_371] : memref<8192x1024xf32, #tpu.memory_space<hbm>> -> memref<4x1024xf32, #tpu.memory_space<hbm>>
      tpu.wait_dma2 semaphore(%arg9 : memref<!tpu.dma_semaphore, #tpu.memory_space<semaphore_mem>>) src(%dma_wait3A_372 : memref<4x1024xf32, #tpu.memory_space<hbm>>) dst(%dma_wait3A_370 : memref<4x1024xf32, #tpu.memory_space<vmem>>)
      %dma_wait3A_373 = arith.constant 0 : i32
      %dma_wait3A_374 = arith.constant 0 : i32
      %dma_wait3A_375 = arith.constant 0 : i32
      %dma_wait3A_376 = tpu.memref_slice %arg7[%dma_wait3A_373, %dma_wait3A_374, %dma_wait3A_375] : memref<4x16x1024xf32, #tpu.memory_space<vmem>> -> memref<1x16x1024xf32, #tpu.memory_space<vmem>>
      %dma_wait3A_377 = tpu.memref_squeeze %dma_wait3A_376 : memref<1x16x1024xf32, #tpu.memory_space<vmem>> -> memref<16x1024xf32, #tpu.memory_space<vmem>>
      %dma_wait3A_378 = arith.constant 0 : i32
      %dma_wait3A_379 = tpu.memref_slice %arg6[%add3A_352, %dma_wait3A_378] : memref<64x16xi32, #tpu.memory_space<vmem>> -> memref<1x16xi32, #tpu.memory_space<vmem>>
      %dma_wait3A_380 = tpu.memref_squeeze %dma_wait3A_379 : memref<1x16xi32, #tpu.memory_space<vmem>> -> memref<16xi32, #tpu.memory_space<vmem>>
      %dma_wait3A_381 = arith.constant 0 : i32
      %dma_wait3A_382 = arith.constant 0 : i32
      %dma_wait3A_383 = tpu.memref_slice %arg3[%dma_wait3A_381, %dma_wait3A_382] : memref<100000x1024xf32, #tpu.memory_space<hbm>> -> memref<100000x1024xf32, #tpu.memory_space<hbm>>
      tpu.wait_indirect_dma semaphore(%arg9 : memref<!tpu.dma_semaphore, #tpu.memory_space<semaphore_mem>>) src(%dma_wait3A_383 : memref<100000x1024xf32, #tpu.memory_space<hbm>>) dst(%dma_wait3A_377 : memref<16x1024xf32, #tpu.memory_space<vmem>>)
      %parallel_loop3A = arith.constant 0 : i32
      %parallel_loop3A_384 = arith.constant 64 : i32
      %parallel_loop3A_385 = arith.constant 1 : i32
      scf.for %parallel_loop3A_813 = %parallel_loop3A to %parallel_loop3A_384 step %parallel_loop3A_385  : i32 {
        %parallel_loop3A_814 = arith.constant 16 : i32
        %parallel_loop3A_815 = arith.muli %parallel_loop3A_813, %parallel_loop3A_814 : i32
        %parallel_loop3A_816 = arith.constant 0 : i32
        %parallel_loop3A_817 = arith.constant 0 : i32
        %parallel_loop3A_818 = arith.index_cast %parallel_loop3A_816 : i32 to index
        %parallel_loop3A_819 = arith.index_cast %parallel_loop3A_817 : i32 to index
        %parallel_loop3A_820 = arith.index_cast %parallel_loop3A_815 : i32 to index
        %parallel_loop3A_821 = tpu.vector_load %arg8[%parallel_loop3A_818, %parallel_loop3A_819, %parallel_loop3A_820] {strides = array<i32>} : memref<4x4x1024xf32, #tpu.memory_space<vmem>>, vector<1x1x16xf32>,
        %parallel_loop3A_822 = vector.shape_cast %parallel_loop3A_821 : vector<1x1x16xf32> to vector<16xf32>
        %parallel_loop3A_823 = arith.constant 0 : i32
        %parallel_loop3A_824 = arith.constant 0 : i32
        %parallel_loop3A_825 = arith.index_cast %parallel_loop3A_823 : i32 to index
        %parallel_loop3A_826 = arith.index_cast %parallel_loop3A_824 : i32 to index
        %parallel_loop3A_827 = arith.index_cast %parallel_loop3A_815 : i32 to index
        %parallel_loop3A_828 = tpu.vector_load %arg7[%parallel_loop3A_825, %parallel_loop3A_826, %parallel_loop3A_827] {strides = array<i32>} : memref<4x16x1024xf32, #tpu.memory_space<vmem>>, vector<1x1x16xf32>,
        %parallel_loop3A_829 = vector.shape_cast %parallel_loop3A_828 : vector<1x1x16xf32> to vector<16xf32>
        %parallel_loop3A_830 = vector.shape_cast %parallel_loop3A_822 : vector<16xf32> to vector<1x1x16xf32>
        tpu.vector_store %arg7[%parallel_loop3A_825, %parallel_loop3A_826, %parallel_loop3A_827], %parallel_loop3A_830 {add = true, strides = array<i32>} : memref<4x16x1024xf32, #tpu.memory_space<vmem>>, vector<1x1x16xf32>,
        %parallel_loop3A_831 = arith.constant 0 : i32
        %parallel_loop3A_832 = arith.constant 4 : i32
        %parallel_loop3A_833 = arith.index_cast %parallel_loop3A_831 : i32 to index
        %parallel_loop3A_834 = arith.index_cast %parallel_loop3A_832 : i32 to index
        %parallel_loop3A_835 = arith.index_cast %parallel_loop3A_815 : i32 to index
        %parallel_loop3A_836 = tpu.vector_load %arg7[%parallel_loop3A_833, %parallel_loop3A_834, %parallel_loop3A_835] {strides = array<i32>} : memref<4x16x1024xf32, #tpu.memory_space<vmem>>, vector<1x1x16xf32>,
        %parallel_loop3A_837 = vector.shape_cast %parallel_loop3A_836 : vector<1x1x16xf32> to vector<16xf32>
        %parallel_loop3A_838 = vector.shape_cast %parallel_loop3A_822 : vector<16xf32> to vector<1x1x16xf32>
        tpu.vector_store %arg7[%parallel_loop3A_833, %parallel_loop3A_834, %parallel_loop3A_835], %parallel_loop3A_838 {add = true, strides = array<i32>} : memref<4x16x1024xf32, #tpu.memory_space<vmem>>, vector<1x1x16xf32>,
        %parallel_loop3A_839 = arith.constant 0 : i32
        %parallel_loop3A_840 = arith.constant 8 : i32
        %parallel_loop3A_841 = arith.index_cast %parallel_loop3A_839 : i32 to index
        %parallel_loop3A_842 = arith.index_cast %parallel_loop3A_840 : i32 to index
        %parallel_loop3A_843 = arith.index_cast %parallel_loop3A_815 : i32 to index
        %parallel_loop3A_844 = tpu.vector_load %arg7[%parallel_loop3A_841, %parallel_loop3A_842, %parallel_loop3A_843] {strides = array<i32>} : memref<4x16x1024xf32, #tpu.memory_space<vmem>>, vector<1x1x16xf32>,
        %parallel_loop3A_845 = vector.shape_cast %parallel_loop3A_844 : vector<1x1x16xf32> to vector<16xf32>
        %parallel_loop3A_846 = vector.shape_cast %parallel_loop3A_822 : vector<16xf32> to vector<1x1x16xf32>
        tpu.vector_store %arg7[%parallel_loop3A_841, %parallel_loop3A_842, %parallel_loop3A_843], %parallel_loop3A_846 {add = true, strides = array<i32>} : memref<4x16x1024xf32, #tpu.memory_space<vmem>>, vector<1x1x16xf32>,
        %parallel_loop3A_847 = arith.constant 0 : i32
        %parallel_loop3A_848 = arith.constant 12 : i32
        %parallel_loop3A_849 = arith.index_cast %parallel_loop3A_847 : i32 to index
        %parallel_loop3A_850 = arith.index_cast %parallel_loop3A_848 : i32 to index
        %parallel_loop3A_851 = arith.index_cast %parallel_loop3A_815 : i32 to index
        %parallel_loop3A_852 = tpu.vector_load %arg7[%parallel_loop3A_849, %parallel_loop3A_850, %parallel_loop3A_851] {strides = array<i32>} : memref<4x16x1024xf32, #tpu.memory_space<vmem>>, vector<1x1x16xf32>,
        %parallel_loop3A_853 = vector.shape_cast %parallel_loop3A_852 : vector<1x1x16xf32> to vector<16xf32>
        %parallel_loop3A_854 = vector.shape_cast %parallel_loop3A_822 : vector<16xf32> to vector<1x1x16xf32>
        tpu.vector_store %arg7[%parallel_loop3A_849, %parallel_loop3A_850, %parallel_loop3A_851], %parallel_loop3A_854 {add = true, strides = array<i32>} : memref<4x16x1024xf32, #tpu.memory_space<vmem>>, vector<1x1x16xf32>,
        %parallel_loop3A_855 = arith.constant 0 : i32
        %parallel_loop3A_856 = arith.constant 1 : i32
        %parallel_loop3A_857 = arith.index_cast %parallel_loop3A_855 : i32 to index
        %parallel_loop3A_858 = arith.index_cast %parallel_loop3A_856 : i32 to index
        %parallel_loop3A_859 = arith.index_cast %parallel_loop3A_815 : i32 to index
        %parallel_loop3A_860 = tpu.vector_load %arg8[%parallel_loop3A_857, %parallel_loop3A_858, %parallel_loop3A_859] {strides = array<i32>} : memref<4x4x1024xf32, #tpu.memory_space<vmem>>, vector<1x1x16xf32>,
        %parallel_loop3A_861 = vector.shape_cast %parallel_loop3A_860 : vector<1x1x16xf32> to vector<16xf32>
        %parallel_loop3A_862 = arith.constant 0 : i32
        %parallel_loop3A_863 = arith.constant 1 : i32
        %parallel_loop3A_864 = arith.index_cast %parallel_loop3A_862 : i32 to index
        %parallel_loop3A_865 = arith.index_cast %parallel_loop3A_863 : i32 to index
        %parallel_loop3A_866 = arith.index_cast %parallel_loop3A_815 : i32 to index
        %parallel_loop3A_867 = tpu.vector_load %arg7[%parallel_loop3A_864, %parallel_loop3A_865, %parallel_loop3A_866] {strides = array<i32>} : memref<4x16x1024xf32, #tpu.memory_space<vmem>>, vector<1x1x16xf32>,
        %parallel_loop3A_868 = vector.shape_cast %parallel_loop3A_867 : vector<1x1x16xf32> to vector<16xf32>
        %parallel_loop3A_869 = vector.shape_cast %parallel_loop3A_861 : vector<16xf32> to vector<1x1x16xf32>
        tpu.vector_store %arg7[%parallel_loop3A_864, %parallel_loop3A_865, %parallel_loop3A_866], %parallel_loop3A_869 {add = true, strides = array<i32>} : memref<4x16x1024xf32, #tpu.memory_space<vmem>>, vector<1x1x16xf32>,
        %parallel_loop3A_870 = arith.constant 0 : i32
        %parallel_loop3A_871 = arith.constant 5 : i32
        %parallel_loop3A_872 = arith.index_cast %parallel_loop3A_870 : i32 to index
        %parallel_loop3A_873 = arith.index_cast %parallel_loop3A_871 : i32 to index
        %parallel_loop3A_874 = arith.index_cast %parallel_loop3A_815 : i32 to index
        %parallel_loop3A_875 = tpu.vector_load %arg7[%parallel_loop3A_872, %parallel_loop3A_873, %parallel_loop3A_874] {strides = array<i32>} : memref<4x16x1024xf32, #tpu.memory_space<vmem>>, vector<1x1x16xf32>,
        %parallel_loop3A_876 = vector.shape_cast %parallel_loop3A_875 : vector<1x1x16xf32> to vector<16xf32>
        %parallel_loop3A_877 = vector.shape_cast %parallel_loop3A_861 : vector<16xf32> to vector<1x1x16xf32>
        tpu.vector_store %arg7[%parallel_loop3A_872, %parallel_loop3A_873, %parallel_loop3A_874], %parallel_loop3A_877 {add = true, strides = array<i32>} : memref<4x16x1024xf32, #tpu.memory_space<vmem>>, vector<1x1x16xf32>,
        %parallel_loop3A_878 = arith.constant 0 : i32
        %parallel_loop3A_879 = arith.constant 9 : i32
        %parallel_loop3A_880 = arith.index_cast %parallel_loop3A_878 : i32 to index
        %parallel_loop3A_881 = arith.index_cast %parallel_loop3A_879 : i32 to index
        %parallel_loop3A_882 = arith.index_cast %parallel_loop3A_815 : i32 to index
        %parallel_loop3A_883 = tpu.vector_load %arg7[%parallel_loop3A_880, %parallel_loop3A_881, %parallel_loop3A_882] {strides = array<i32>} : memref<4x16x1024xf32, #tpu.memory_space<vmem>>, vector<1x1x16xf32>,
        %parallel_loop3A_884 = vector.shape_cast %parallel_loop3A_883 : vector<1x1x16xf32> to vector<16xf32>
        %parallel_loop3A_885 = vector.shape_cast %parallel_loop3A_861 : vector<16xf32> to vector<1x1x16xf32>
        tpu.vector_store %arg7[%parallel_loop3A_880, %parallel_loop3A_881, %parallel_loop3A_882], %parallel_loop3A_885 {add = true, strides = array<i32>} : memref<4x16x1024xf32, #tpu.memory_space<vmem>>, vector<1x1x16xf32>,
        %parallel_loop3A_886 = arith.constant 0 : i32
        %parallel_loop3A_887 = arith.constant 13 : i32
        %parallel_loop3A_888 = arith.index_cast %parallel_loop3A_886 : i32 to index
        %parallel_loop3A_889 = arith.index_cast %parallel_loop3A_887 : i32 to index
        %parallel_loop3A_890 = arith.index_cast %parallel_loop3A_815 : i32 to index
        %parallel_loop3A_891 = tpu.vector_load %arg7[%parallel_loop3A_888, %parallel_loop3A_889, %parallel_loop3A_890] {strides = array<i32>} : memref<4x16x1024xf32, #tpu.memory_space<vmem>>, vector<1x1x16xf32>,
        %parallel_loop3A_892 = vector.shape_cast %parallel_loop3A_891 : vector<1x1x16xf32> to vector<16xf32>
        %parallel_loop3A_893 = vector.shape_cast %parallel_loop3A_861 : vector<16xf32> to vector<1x1x16xf32>
        tpu.vector_store %arg7[%parallel_loop3A_888, %parallel_loop3A_889, %parallel_loop3A_890], %parallel_loop3A_893 {add = true, strides = array<i32>} : memref<4x16x1024xf32, #tpu.memory_space<vmem>>, vector<1x1x16xf32>,
        %parallel_loop3A_894 = arith.constant 0 : i32
        %parallel_loop3A_895 = arith.constant 2 : i32
        %parallel_loop3A_896 = arith.index_cast %parallel_loop3A_894 : i32 to index
        %parallel_loop3A_897 = arith.index_cast %parallel_loop3A_895 : i32 to index
        %parallel_loop3A_898 = arith.index_cast %parallel_loop3A_815 : i32 to index
        %parallel_loop3A_899 = tpu.vector_load %arg8[%parallel_loop3A_896, %parallel_loop3A_897, %parallel_loop3A_898] {strides = array<i32>} : memref<4x4x1024xf32, #tpu.memory_space<vmem>>, vector<1x1x16xf32>,
        %parallel_loop3A_900 = vector.shape_cast %parallel_loop3A_899 : vector<1x1x16xf32> to vector<16xf32>
        %parallel_loop3A_901 = arith.constant 0 : i32
        %parallel_loop3A_902 = arith.constant 2 : i32
        %parallel_loop3A_903 = arith.index_cast %parallel_loop3A_901 : i32 to index
        %parallel_loop3A_904 = arith.index_cast %parallel_loop3A_902 : i32 to index
        %parallel_loop3A_905 = arith.index_cast %parallel_loop3A_815 : i32 to index
        %parallel_loop3A_906 = tpu.vector_load %arg7[%parallel_loop3A_903, %parallel_loop3A_904, %parallel_loop3A_905] {strides = array<i32>} : memref<4x16x1024xf32, #tpu.memory_space<vmem>>, vector<1x1x16xf32>,
        %parallel_loop3A_907 = vector.shape_cast %parallel_loop3A_906 : vector<1x1x16xf32> to vector<16xf32>
        %parallel_loop3A_908 = vector.shape_cast %parallel_loop3A_900 : vector<16xf32> to vector<1x1x16xf32>
        tpu.vector_store %arg7[%parallel_loop3A_903, %parallel_loop3A_904, %parallel_loop3A_905], %parallel_loop3A_908 {add = true, strides = array<i32>} : memref<4x16x1024xf32, #tpu.memory_space<vmem>>, vector<1x1x16xf32>,
        %parallel_loop3A_909 = arith.constant 0 : i32
        %parallel_loop3A_910 = arith.constant 6 : i32
        %parallel_loop3A_911 = arith.index_cast %parallel_loop3A_909 : i32 to index
        %parallel_loop3A_912 = arith.index_cast %parallel_loop3A_910 : i32 to index
        %parallel_loop3A_913 = arith.index_cast %parallel_loop3A_815 : i32 to index
        %parallel_loop3A_914 = tpu.vector_load %arg7[%parallel_loop3A_911, %parallel_loop3A_912, %parallel_loop3A_913] {strides = array<i32>} : memref<4x16x1024xf32, #tpu.memory_space<vmem>>, vector<1x1x16xf32>,
        %parallel_loop3A_915 = vector.shape_cast %parallel_loop3A_914 : vector<1x1x16xf32> to vector<16xf32>
        %parallel_loop3A_916 = vector.shape_cast %parallel_loop3A_900 : vector<16xf32> to vector<1x1x16xf32>
        tpu.vector_store %arg7[%parallel_loop3A_911, %parallel_loop3A_912, %parallel_loop3A_913], %parallel_loop3A_916 {add = true, strides = array<i32>} : memref<4x16x1024xf32, #tpu.memory_space<vmem>>, vector<1x1x16xf32>,
        %parallel_loop3A_917 = arith.constant 0 : i32
        %parallel_loop3A_918 = arith.constant 10 : i32
        %parallel_loop3A_919 = arith.index_cast %parallel_loop3A_917 : i32 to index
        %parallel_loop3A_920 = arith.index_cast %parallel_loop3A_918 : i32 to index
        %parallel_loop3A_921 = arith.index_cast %parallel_loop3A_815 : i32 to index
        %parallel_loop3A_922 = tpu.vector_load %arg7[%parallel_loop3A_919, %parallel_loop3A_920, %parallel_loop3A_921] {strides = array<i32>} : memref<4x16x1024xf32, #tpu.memory_space<vmem>>, vector<1x1x16xf32>,
        %parallel_loop3A_923 = vector.shape_cast %parallel_loop3A_922 : vector<1x1x16xf32> to vector<16xf32>
        %parallel_loop3A_924 = vector.shape_cast %parallel_loop3A_900 : vector<16xf32> to vector<1x1x16xf32>
        tpu.vector_store %arg7[%parallel_loop3A_919, %parallel_loop3A_920, %parallel_loop3A_921], %parallel_loop3A_924 {add = true, strides = array<i32>} : memref<4x16x1024xf32, #tpu.memory_space<vmem>>, vector<1x1x16xf32>,
        %parallel_loop3A_925 = arith.constant 0 : i32
        %parallel_loop3A_926 = arith.constant 14 : i32
        %parallel_loop3A_927 = arith.index_cast %parallel_loop3A_925 : i32 to index
        %parallel_loop3A_928 = arith.index_cast %parallel_loop3A_926 : i32 to index
        %parallel_loop3A_929 = arith.index_cast %parallel_loop3A_815 : i32 to index
        %parallel_loop3A_930 = tpu.vector_load %arg7[%parallel_loop3A_927, %parallel_loop3A_928, %parallel_loop3A_929] {strides = array<i32>} : memref<4x16x1024xf32, #tpu.memory_space<vmem>>, vector<1x1x16xf32>,
        %parallel_loop3A_931 = vector.shape_cast %parallel_loop3A_930 : vector<1x1x16xf32> to vector<16xf32>
        %parallel_loop3A_932 = vector.shape_cast %parallel_loop3A_900 : vector<16xf32> to vector<1x1x16xf32>
        tpu.vector_store %arg7[%parallel_loop3A_927, %parallel_loop3A_928, %parallel_loop3A_929], %parallel_loop3A_932 {add = true, strides = array<i32>} : memref<4x16x1024xf32, #tpu.memory_space<vmem>>, vector<1x1x16xf32>,
        %parallel_loop3A_933 = arith.constant 0 : i32
        %parallel_loop3A_934 = arith.constant 3 : i32
        %parallel_loop3A_935 = arith.index_cast %parallel_loop3A_933 : i32 to index
        %parallel_loop3A_936 = arith.index_cast %parallel_loop3A_934 : i32 to index
        %parallel_loop3A_937 = arith.index_cast %parallel_loop3A_815 : i32 to index
        %parallel_loop3A_938 = tpu.vector_load %arg8[%parallel_loop3A_935, %parallel_loop3A_936, %parallel_loop3A_937] {strides = array<i32>} : memref<4x4x1024xf32, #tpu.memory_space<vmem>>, vector<1x1x16xf32>,
        %parallel_loop3A_939 = vector.shape_cast %parallel_loop3A_938 : vector<1x1x16xf32> to vector<16xf32>
        %parallel_loop3A_940 = arith.constant 0 : i32
        %parallel_loop3A_941 = arith.constant 3 : i32
        %parallel_loop3A_942 = arith.index_cast %parallel_loop3A_940 : i32 to index
        %parallel_loop3A_943 = arith.index_cast %parallel_loop3A_941 : i32 to index
        %parallel_loop3A_944 = arith.index_cast %parallel_loop3A_815 : i32 to index
        %parallel_loop3A_945 = tpu.vector_load %arg7[%parallel_loop3A_942, %parallel_loop3A_943, %parallel_loop3A_944] {strides = array<i32>} : memref<4x16x1024xf32, #tpu.memory_space<vmem>>, vector<1x1x16xf32>,
        %parallel_loop3A_946 = vector.shape_cast %parallel_loop3A_945 : vector<1x1x16xf32> to vector<16xf32>
        %parallel_loop3A_947 = vector.shape_cast %parallel_loop3A_939 : vector<16xf32> to vector<1x1x16xf32>
        tpu.vector_store %arg7[%parallel_loop3A_942, %parallel_loop3A_943, %parallel_loop3A_944], %parallel_loop3A_947 {add = true, strides = array<i32>} : memref<4x16x1024xf32, #tpu.memory_space<vmem>>, vector<1x1x16xf32>,
        %parallel_loop3A_948 = arith.constant 0 : i32
        %parallel_loop3A_949 = arith.constant 7 : i32
        %parallel_loop3A_950 = arith.index_cast %parallel_loop3A_948 : i32 to index
        %parallel_loop3A_951 = arith.index_cast %parallel_loop3A_949 : i32 to index
        %parallel_loop3A_952 = arith.index_cast %parallel_loop3A_815 : i32 to index
        %parallel_loop3A_953 = tpu.vector_load %arg7[%parallel_loop3A_950, %parallel_loop3A_951, %parallel_loop3A_952] {strides = array<i32>} : memref<4x16x1024xf32, #tpu.memory_space<vmem>>, vector<1x1x16xf32>,
        %parallel_loop3A_954 = vector.shape_cast %parallel_loop3A_953 : vector<1x1x16xf32> to vector<16xf32>
        %parallel_loop3A_955 = vector.shape_cast %parallel_loop3A_939 : vector<16xf32> to vector<1x1x16xf32>
        tpu.vector_store %arg7[%parallel_loop3A_950, %parallel_loop3A_951, %parallel_loop3A_952], %parallel_loop3A_955 {add = true, strides = array<i32>} : memref<4x16x1024xf32, #tpu.memory_space<vmem>>, vector<1x1x16xf32>,
        %parallel_loop3A_956 = arith.constant 0 : i32
        %parallel_loop3A_957 = arith.constant 11 : i32
        %parallel_loop3A_958 = arith.index_cast %parallel_loop3A_956 : i32 to index
        %parallel_loop3A_959 = arith.index_cast %parallel_loop3A_957 : i32 to index
        %parallel_loop3A_960 = arith.index_cast %parallel_loop3A_815 : i32 to index
        %parallel_loop3A_961 = tpu.vector_load %arg7[%parallel_loop3A_958, %parallel_loop3A_959, %parallel_loop3A_960] {strides = array<i32>} : memref<4x16x1024xf32, #tpu.memory_space<vmem>>, vector<1x1x16xf32>,
        %parallel_loop3A_962 = vector.shape_cast %parallel_loop3A_961 : vector<1x1x16xf32> to vector<16xf32>
        %parallel_loop3A_963 = vector.shape_cast %parallel_loop3A_939 : vector<16xf32> to vector<1x1x16xf32>
        tpu.vector_store %arg7[%parallel_loop3A_958, %parallel_loop3A_959, %parallel_loop3A_960], %parallel_loop3A_963 {add = true, strides = array<i32>} : memref<4x16x1024xf32, #tpu.memory_space<vmem>>, vector<1x1x16xf32>,
        %parallel_loop3A_964 = arith.constant 0 : i32
        %parallel_loop3A_965 = arith.constant 15 : i32
        %parallel_loop3A_966 = arith.index_cast %parallel_loop3A_964 : i32 to index
        %parallel_loop3A_967 = arith.index_cast %parallel_loop3A_965 : i32 to index
        %parallel_loop3A_968 = arith.index_cast %parallel_loop3A_815 : i32 to index
        %parallel_loop3A_969 = tpu.vector_load %arg7[%parallel_loop3A_966, %parallel_loop3A_967, %parallel_loop3A_968] {strides = array<i32>} : memref<4x16x1024xf32, #tpu.memory_space<vmem>>, vector<1x1x16xf32>,
        %parallel_loop3A_970 = vector.shape_cast %parallel_loop3A_969 : vector<1x1x16xf32> to vector<16xf32>
        %parallel_loop3A_971 = vector.shape_cast %parallel_loop3A_939 : vector<16xf32> to vector<1x1x16xf32>
        tpu.vector_store %arg7[%parallel_loop3A_966, %parallel_loop3A_967, %parallel_loop3A_968], %parallel_loop3A_971 {add = true, strides = array<i32>} : memref<4x16x1024xf32, #tpu.memory_space<vmem>>, vector<1x1x16xf32>,
      } {sc.loop_unroll_factor = 2 : i64, sc.parallel_access}
      %mul3A_386 = arith.constant 4 : i32
      %mul3A_387 = arith.muli %add3A_352, %mul3A_386 : i32
      %add3A_388 = arith.addi %mul3A_2, %mul3A_387 : i32
      %mul3A_389 = arith.constant 4 : i32
      %mul3A_390 = arith.muli %add3A_352, %mul3A_389 : i32
      %add3A_391 = arith.addi %mul3A_2, %mul3A_390 : i32
      %mul3A_392 = arith.constant 4 : i32
      %mul3A_393 = arith.muli %add3A_352, %mul3A_392 : i32
      %add3A_394 = arith.addi %mul3A_2, %mul3A_393 : i32
      %mul3A_395 = arith.constant 4 : i32
      %mul3A_396 = arith.muli %add3A_352, %mul3A_395 : i32
      %add3A_397 = arith.addi %mul3A_2, %mul3A_396 : i32
      %dma_start3A_398 = arith.constant 0 : i32
      %dma_start3A_399 = arith.constant 0 : i32
      %dma_start3A_400 = arith.constant 0 : i32
      %dma_start3A_401 = arith.constant 0 : i32
      %dma_start3A_402 = tpu.memref_slice %arg7[%dma_start3A_398, %dma_start3A_400, %dma_start3A_401] : memref<4x16x1024xf32, #tpu.memory_space<vmem>> -> memref<1x4x1024xf32, #tpu.memory_space<vmem>>
      %dma_start3A_403 = tpu.memref_squeeze %dma_start3A_402 : memref<1x4x1024xf32, #tpu.memory_space<vmem>> -> memref<4x1024xf32, #tpu.memory_space<vmem>>
      %dma_start3A_404 = arith.constant 0 : i32
      %dma_start3A_405 = tpu.memref_slice %arg5[%dma_start3A_399, %add3A_388, %dma_start3A_404] : memref<4x8192x1024xf32, #tpu.memory_space<hbm>> -> memref<1x4x1024xf32, #tpu.memory_space<hbm>>
      %dma_start3A_406 = tpu.memref_squeeze %dma_start3A_405 : memref<1x4x1024xf32, #tpu.memory_space<hbm>> -> memref<4x1024xf32, #tpu.memory_space<hbm>>
      %dma_start3A_407 = arith.constant 0 : i32
      %dma_start3A_408 = tpu.memref_slice %arg5[%dma_start3A_399, %add3A_388, %dma_start3A_407] : memref<4x8192x1024xf32, #tpu.memory_space<hbm>> -> memref<1x4x1024xf32, #tpu.memory_space<hbm>>
      %dma_start3A_409 = tpu.memref_squeeze %dma_start3A_408 : memref<1x4x1024xf32, #tpu.memory_space<hbm>> -> memref<4x1024xf32, #tpu.memory_space<hbm>>
      %dma_start3A_410 = arith.constant 0 : i32
      %dma_start3A_411 = arith.constant 0 : i32
      %dma_start3A_412 = tpu.memref_slice %arg7[%dma_start3A_398, %dma_start3A_410, %dma_start3A_411] : memref<4x16x1024xf32, #tpu.memory_space<vmem>> -> memref<1x4x1024xf32, #tpu.memory_space<vmem>>
      %dma_start3A_413 = tpu.memref_squeeze %dma_start3A_412 : memref<1x4x1024xf32, #tpu.memory_space<vmem>> -> memref<4x1024xf32, #tpu.memory_space<vmem>>
      tpu.enqueue_dma source(%dma_start3A_413 : memref<4x1024xf32, #tpu.memory_space<vmem>>) target(%dma_start3A_409 : memref<4x1024xf32, #tpu.memory_space<hbm>>) target_semaphore(%arg13 : memref<!tpu.dma_semaphore, #tpu.memory_space<semaphore_mem>>)
      %dma_start3A_414 = arith.constant 0 : i32
      %dma_start3A_415 = arith.constant 1 : i32
      %dma_start3A_416 = arith.constant 4 : i32
      %dma_start3A_417 = arith.constant 0 : i32
      %dma_start3A_418 = tpu.memref_slice %arg7[%dma_start3A_414, %dma_start3A_416, %dma_start3A_417] : memref<4x16x1024xf32, #tpu.memory_space<vmem>> -> memref<1x4x1024xf32, #tpu.memory_space<vmem>>
      %dma_start3A_419 = tpu.memref_squeeze %dma_start3A_418 : memref<1x4x1024xf32, #tpu.memory_space<vmem>> -> memref<4x1024xf32, #tpu.memory_space<vmem>>
      %dma_start3A_420 = arith.constant 0 : i32
      %dma_start3A_421 = tpu.memref_slice %arg5[%dma_start3A_415, %add3A_391, %dma_start3A_420] : memref<4x8192x1024xf32, #tpu.memory_space<hbm>> -> memref<1x4x1024xf32, #tpu.memory_space<hbm>>
      %dma_start3A_422 = tpu.memref_squeeze %dma_start3A_421 : memref<1x4x1024xf32, #tpu.memory_space<hbm>> -> memref<4x1024xf32, #tpu.memory_space<hbm>>
      %dma_start3A_423 = arith.constant 0 : i32
      %dma_start3A_424 = tpu.memref_slice %arg5[%dma_start3A_415, %add3A_391, %dma_start3A_423] : memref<4x8192x1024xf32, #tpu.memory_space<hbm>> -> memref<1x4x1024xf32, #tpu.memory_space<hbm>>
      %dma_start3A_425 = tpu.memref_squeeze %dma_start3A_424 : memref<1x4x1024xf32, #tpu.memory_space<hbm>> -> memref<4x1024xf32, #tpu.memory_space<hbm>>
      %dma_start3A_426 = arith.constant 4 : i32
      %dma_start3A_427 = arith.constant 0 : i32
      %dma_start3A_428 = tpu.memref_slice %arg7[%dma_start3A_414, %dma_start3A_426, %dma_start3A_427] : memref<4x16x1024xf32, #tpu.memory_space<vmem>> -> memref<1x4x1024xf32, #tpu.memory_space<vmem>>
      %dma_start3A_429 = tpu.memref_squeeze %dma_start3A_428 : memref<1x4x1024xf32, #tpu.memory_space<vmem>> -> memref<4x1024xf32, #tpu.memory_space<vmem>>
      tpu.enqueue_dma source(%dma_start3A_429 : memref<4x1024xf32, #tpu.memory_space<vmem>>) target(%dma_start3A_425 : memref<4x1024xf32, #tpu.memory_space<hbm>>) target_semaphore(%arg13 : memref<!tpu.dma_semaphore, #tpu.memory_space<semaphore_mem>>)
      %dma_start3A_430 = arith.constant 0 : i32
      %dma_start3A_431 = arith.constant 2 : i32
      %dma_start3A_432 = arith.constant 8 : i32
      %dma_start3A_433 = arith.constant 0 : i32
      %dma_start3A_434 = tpu.memref_slice %arg7[%dma_start3A_430, %dma_start3A_432, %dma_start3A_433] : memref<4x16x1024xf32, #tpu.memory_space<vmem>> -> memref<1x4x1024xf32, #tpu.memory_space<vmem>>
      %dma_start3A_435 = tpu.memref_squeeze %dma_start3A_434 : memref<1x4x1024xf32, #tpu.memory_space<vmem>> -> memref<4x1024xf32, #tpu.memory_space<vmem>>
      %dma_start3A_436 = arith.constant 0 : i32
      %dma_start3A_437 = tpu.memref_slice %arg5[%dma_start3A_431, %add3A_394, %dma_start3A_436] : memref<4x8192x1024xf32, #tpu.memory_space<hbm>> -> memref<1x4x1024xf32, #tpu.memory_space<hbm>>
      %dma_start3A_438 = tpu.memref_squeeze %dma_start3A_437 : memref<1x4x1024xf32, #tpu.memory_space<hbm>> -> memref<4x1024xf32, #tpu.memory_space<hbm>>
      %dma_start3A_439 = arith.constant 0 : i32
      %dma_start3A_440 = tpu.memref_slice %arg5[%dma_start3A_431, %add3A_394, %dma_start3A_439] : memref<4x8192x1024xf32, #tpu.memory_space<hbm>> -> memref<1x4x1024xf32, #tpu.memory_space<hbm>>
      %dma_start3A_441 = tpu.memref_squeeze %dma_start3A_440 : memref<1x4x1024xf32, #tpu.memory_space<hbm>> -> memref<4x1024xf32, #tpu.memory_space<hbm>>
      %dma_start3A_442 = arith.constant 8 : i32
      %dma_start3A_443 = arith.constant 0 : i32
      %dma_start3A_444 = tpu.memref_slice %arg7[%dma_start3A_430, %dma_start3A_442, %dma_start3A_443] : memref<4x16x1024xf32, #tpu.memory_space<vmem>> -> memref<1x4x1024xf32, #tpu.memory_space<vmem>>
      %dma_start3A_445 = tpu.memref_squeeze %dma_start3A_444 : memref<1x4x1024xf32, #tpu.memory_space<vmem>> -> memref<4x1024xf32, #tpu.memory_space<vmem>>
      tpu.enqueue_dma source(%dma_start3A_445 : memref<4x1024xf32, #tpu.memory_space<vmem>>) target(%dma_start3A_441 : memref<4x1024xf32, #tpu.memory_space<hbm>>) target_semaphore(%arg13 : memref<!tpu.dma_semaphore, #tpu.memory_space<semaphore_mem>>)
      %dma_start3A_446 = arith.constant 0 : i32
      %dma_start3A_447 = arith.constant 3 : i32
      %dma_start3A_448 = arith.constant 12 : i32
      %dma_start3A_449 = arith.constant 0 : i32
      %dma_start3A_450 = tpu.memref_slice %arg7[%dma_start3A_446, %dma_start3A_448, %dma_start3A_449] : memref<4x16x1024xf32, #tpu.memory_space<vmem>> -> memref<1x4x1024xf32, #tpu.memory_space<vmem>>
      %dma_start3A_451 = tpu.memref_squeeze %dma_start3A_450 : memref<1x4x1024xf32, #tpu.memory_space<vmem>> -> memref<4x1024xf32, #tpu.memory_space<vmem>>
      %dma_start3A_452 = arith.constant 0 : i32
      %dma_start3A_453 = tpu.memref_slice %arg5[%dma_start3A_447, %add3A_397, %dma_start3A_452] : memref<4x8192x1024xf32, #tpu.memory_space<hbm>> -> memref<1x4x1024xf32, #tpu.memory_space<hbm>>
      %dma_start3A_454 = tpu.memref_squeeze %dma_start3A_453 : memref<1x4x1024xf32, #tpu.memory_space<hbm>> -> memref<4x1024xf32, #tpu.memory_space<hbm>>
      %dma_start3A_455 = arith.constant 0 : i32
      %dma_start3A_456 = tpu.memref_slice %arg5[%dma_start3A_447, %add3A_397, %dma_start3A_455] : memref<4x8192x1024xf32, #tpu.memory_space<hbm>> -> memref<1x4x1024xf32, #tpu.memory_space<hbm>>
      %dma_start3A_457 = tpu.memref_squeeze %dma_start3A_456 : memref<1x4x1024xf32, #tpu.memory_space<hbm>> -> memref<4x1024xf32, #tpu.memory_space<hbm>>
      %dma_start3A_458 = arith.constant 12 : i32
      %dma_start3A_459 = arith.constant 0 : i32
      %dma_start3A_460 = tpu.memref_slice %arg7[%dma_start3A_446, %dma_start3A_458, %dma_start3A_459] : memref<4x16x1024xf32, #tpu.memory_space<vmem>> -> memref<1x4x1024xf32, #tpu.memory_space<vmem>>
      %dma_start3A_461 = tpu.memref_squeeze %dma_start3A_460 : memref<1x4x1024xf32, #tpu.memory_space<vmem>> -> memref<4x1024xf32, #tpu.memory_space<vmem>>
      tpu.enqueue_dma source(%dma_start3A_461 : memref<4x1024xf32, #tpu.memory_space<vmem>>) target(%dma_start3A_457 : memref<4x1024xf32, #tpu.memory_space<hbm>>) target_semaphore(%arg13 : memref<!tpu.dma_semaphore, #tpu.memory_space<semaphore_mem>>)
      %mul3A_462 = arith.constant 4 : i32
      %mul3A_463 = arith.muli %scan3A_348, %mul3A_462 : i32
      %add3A_464 = arith.constant 1 : i32
      %add3A_465 = arith.addi %mul3A_463, %add3A_464 : i32
      %add3A_466 = arith.constant 2 : i32
      %add3A_467 = arith.addi %add3A_465, %add3A_466 : i32
      %lt3A_468 = arith.constant 64 : i32
      %lt3A_469 = arith.cmpi slt, %add3A_467, %lt3A_468 : i32
      %convert_element_type3A_470 = arith.extui %lt3A_469 : i1 to i32
      %cond3A_471 = arith.constant 0 : i32
      %cond3A_472 = arith.cmpi ne, %convert_element_type3A_470, %cond3A_471 : i32
      scf.if %cond3A_472 {
        %ge3A = arith.constant 2 : i32
        %ge3A_813 = arith.cmpi sge, %add3A_465, %ge3A : i32
        %convert_element_type3A_814 = arith.extui %ge3A_813 : i1 to i32
        %cond3A_815 = arith.constant 0 : i32
        %cond3A_816 = arith.cmpi ne, %convert_element_type3A_814, %cond3A_815 : i32
        scf.if %cond3A_816 {
          %sub3A = arith.constant 2 : i32
          %sub3A_846 = arith.subi %add3A_465, %sub3A : i32
          %mul3A_847 = arith.constant 4 : i32
          %mul3A_848 = arith.muli %sub3A_846, %mul3A_847 : i32
          %add3A_849 = arith.addi %mul3A_2, %mul3A_848 : i32
          %mul3A_850 = arith.constant 4 : i32
          %mul3A_851 = arith.muli %sub3A_846, %mul3A_850 : i32
          %add3A_852 = arith.addi %mul3A_2, %mul3A_851 : i32
          %mul3A_853 = arith.constant 4 : i32
          %mul3A_854 = arith.muli %sub3A_846, %mul3A_853 : i32
          %add3A_855 = arith.addi %mul3A_2, %mul3A_854 : i32
          %mul3A_856 = arith.constant 4 : i32
          %mul3A_857 = arith.muli %sub3A_846, %mul3A_856 : i32
          %add3A_858 = arith.addi %mul3A_2, %mul3A_857 : i32
          %dma_wait3A_859 = arith.constant 3 : i32
          %dma_wait3A_860 = arith.constant 0 : i32
          %dma_wait3A_861 = arith.constant 0 : i32
          %dma_wait3A_862 = arith.constant 0 : i32
          %dma_wait3A_863 = tpu.memref_slice %arg7[%dma_wait3A_859, %dma_wait3A_861, %dma_wait3A_862] : memref<4x16x1024xf32, #tpu.memory_space<vmem>> -> memref<1x4x1024xf32, #tpu.memory_space<vmem>>
          %dma_wait3A_864 = tpu.memref_squeeze %dma_wait3A_863 : memref<1x4x1024xf32, #tpu.memory_space<vmem>> -> memref<4x1024xf32, #tpu.memory_space<vmem>>
          %dma_wait3A_865 = arith.constant 0 : i32
          %dma_wait3A_866 = tpu.memref_slice %arg5[%dma_wait3A_860, %add3A_849, %dma_wait3A_865] : memref<4x8192x1024xf32, #tpu.memory_space<hbm>> -> memref<1x4x1024xf32, #tpu.memory_space<hbm>>
          %dma_wait3A_867 = tpu.memref_squeeze %dma_wait3A_866 : memref<1x4x1024xf32, #tpu.memory_space<hbm>> -> memref<4x1024xf32, #tpu.memory_space<hbm>>
          %dma_wait3A_868 = arith.constant 0 : i32
          %dma_wait3A_869 = tpu.memref_slice %arg5[%dma_wait3A_860, %add3A_849, %dma_wait3A_868] : memref<4x8192x1024xf32, #tpu.memory_space<hbm>> -> memref<1x4x1024xf32, #tpu.memory_space<hbm>>
          %dma_wait3A_870 = tpu.memref_squeeze %dma_wait3A_869 : memref<1x4x1024xf32, #tpu.memory_space<hbm>> -> memref<4x1024xf32, #tpu.memory_space<hbm>>
          %dma_wait3A_871 = arith.constant 0 : i32
          %dma_wait3A_872 = arith.constant 0 : i32
          %dma_wait3A_873 = tpu.memref_slice %arg7[%dma_wait3A_859, %dma_wait3A_871, %dma_wait3A_872] : memref<4x16x1024xf32, #tpu.memory_space<vmem>> -> memref<1x4x1024xf32, #tpu.memory_space<vmem>>
          %dma_wait3A_874 = tpu.memref_squeeze %dma_wait3A_873 : memref<1x4x1024xf32, #tpu.memory_space<vmem>> -> memref<4x1024xf32, #tpu.memory_space<vmem>>
          tpu.wait_dma2 semaphore(%arg16 : memref<!tpu.dma_semaphore, #tpu.memory_space<semaphore_mem>>) src(%dma_wait3A_874 : memref<4x1024xf32, #tpu.memory_space<vmem>>) dst(%dma_wait3A_870 : memref<4x1024xf32, #tpu.memory_space<hbm>>)
          %dma_wait3A_875 = arith.constant 3 : i32
          %dma_wait3A_876 = arith.constant 1 : i32
          %dma_wait3A_877 = arith.constant 4 : i32
          %dma_wait3A_878 = arith.constant 0 : i32
          %dma_wait3A_879 = tpu.memref_slice %arg7[%dma_wait3A_875, %dma_wait3A_877, %dma_wait3A_878] : memref<4x16x1024xf32, #tpu.memory_space<vmem>> -> memref<1x4x1024xf32, #tpu.memory_space<vmem>>
          %dma_wait3A_880 = tpu.memref_squeeze %dma_wait3A_879 : memref<1x4x1024xf32, #tpu.memory_space<vmem>> -> memref<4x1024xf32, #tpu.memory_space<vmem>>
          %dma_wait3A_881 = arith.constant 0 : i32
          %dma_wait3A_882 = tpu.memref_slice %arg5[%dma_wait3A_876, %add3A_852, %dma_wait3A_881] : memref<4x8192x1024xf32, #tpu.memory_space<hbm>> -> memref<1x4x1024xf32, #tpu.memory_space<hbm>>
          %dma_wait3A_883 = tpu.memref_squeeze %dma_wait3A_882 : memref<1x4x1024xf32, #tpu.memory_space<hbm>> -> memref<4x1024xf32, #tpu.memory_space<hbm>>
          %dma_wait3A_884 = arith.constant 0 : i32
          %dma_wait3A_885 = tpu.memref_slice %arg5[%dma_wait3A_876, %add3A_852, %dma_wait3A_884] : memref<4x8192x1024xf32, #tpu.memory_space<hbm>> -> memref<1x4x1024xf32, #tpu.memory_space<hbm>>
          %dma_wait3A_886 = tpu.memref_squeeze %dma_wait3A_885 : memref<1x4x1024xf32, #tpu.memory_space<hbm>> -> memref<4x1024xf32, #tpu.memory_space<hbm>>
          %dma_wait3A_887 = arith.constant 4 : i32
          %dma_wait3A_888 = arith.constant 0 : i32
          %dma_wait3A_889 = tpu.memref_slice %arg7[%dma_wait3A_875, %dma_wait3A_887, %dma_wait3A_888] : memref<4x16x1024xf32, #tpu.memory_space<vmem>> -> memref<1x4x1024xf32, #tpu.memory_space<vmem>>
          %dma_wait3A_890 = tpu.memref_squeeze %dma_wait3A_889 : memref<1x4x1024xf32, #tpu.memory_space<vmem>> -> memref<4x1024xf32, #tpu.memory_space<vmem>>
          tpu.wait_dma2 semaphore(%arg16 : memref<!tpu.dma_semaphore, #tpu.memory_space<semaphore_mem>>) src(%dma_wait3A_890 : memref<4x1024xf32, #tpu.memory_space<vmem>>) dst(%dma_wait3A_886 : memref<4x1024xf32, #tpu.memory_space<hbm>>)
          %dma_wait3A_891 = arith.constant 3 : i32
          %dma_wait3A_892 = arith.constant 2 : i32
          %dma_wait3A_893 = arith.constant 8 : i32
          %dma_wait3A_894 = arith.constant 0 : i32
          %dma_wait3A_895 = tpu.memref_slice %arg7[%dma_wait3A_891, %dma_wait3A_893, %dma_wait3A_894] : memref<4x16x1024xf32, #tpu.memory_space<vmem>> -> memref<1x4x1024xf32, #tpu.memory_space<vmem>>
          %dma_wait3A_896 = tpu.memref_squeeze %dma_wait3A_895 : memref<1x4x1024xf32, #tpu.memory_space<vmem>> -> memref<4x1024xf32, #tpu.memory_space<vmem>>
          %dma_wait3A_897 = arith.constant 0 : i32
          %dma_wait3A_898 = tpu.memref_slice %arg5[%dma_wait3A_892, %add3A_855, %dma_wait3A_897] : memref<4x8192x1024xf32, #tpu.memory_space<hbm>> -> memref<1x4x1024xf32, #tpu.memory_space<hbm>>
          %dma_wait3A_899 = tpu.memref_squeeze %dma_wait3A_898 : memref<1x4x1024xf32, #tpu.memory_space<hbm>> -> memref<4x1024xf32, #tpu.memory_space<hbm>>
          %dma_wait3A_900 = arith.constant 0 : i32
          %dma_wait3A_901 = tpu.memref_slice %arg5[%dma_wait3A_892, %add3A_855, %dma_wait3A_900] : memref<4x8192x1024xf32, #tpu.memory_space<hbm>> -> memref<1x4x1024xf32, #tpu.memory_space<hbm>>
          %dma_wait3A_902 = tpu.memref_squeeze %dma_wait3A_901 : memref<1x4x1024xf32, #tpu.memory_space<hbm>> -> memref<4x1024xf32, #tpu.memory_space<hbm>>
          %dma_wait3A_903 = arith.constant 8 : i32
          %dma_wait3A_904 = arith.constant 0 : i32
          %dma_wait3A_905 = tpu.memref_slice %arg7[%dma_wait3A_891, %dma_wait3A_903, %dma_wait3A_904] : memref<4x16x1024xf32, #tpu.memory_space<vmem>> -> memref<1x4x1024xf32, #tpu.memory_space<vmem>>
          %dma_wait3A_906 = tpu.memref_squeeze %dma_wait3A_905 : memref<1x4x1024xf32, #tpu.memory_space<vmem>> -> memref<4x1024xf32, #tpu.memory_space<vmem>>
          tpu.wait_dma2 semaphore(%arg16 : memref<!tpu.dma_semaphore, #tpu.memory_space<semaphore_mem>>) src(%dma_wait3A_906 : memref<4x1024xf32, #tpu.memory_space<vmem>>) dst(%dma_wait3A_902 : memref<4x1024xf32, #tpu.memory_space<hbm>>)
          %dma_wait3A_907 = arith.constant 3 : i32
          %dma_wait3A_908 = arith.constant 3 : i32
          %dma_wait3A_909 = arith.constant 12 : i32
          %dma_wait3A_910 = arith.constant 0 : i32
          %dma_wait3A_911 = tpu.memref_slice %arg7[%dma_wait3A_907, %dma_wait3A_909, %dma_wait3A_910] : memref<4x16x1024xf32, #tpu.memory_space<vmem>> -> memref<1x4x1024xf32, #tpu.memory_space<vmem>>
          %dma_wait3A_912 = tpu.memref_squeeze %dma_wait3A_911 : memref<1x4x1024xf32, #tpu.memory_space<vmem>> -> memref<4x1024xf32, #tpu.memory_space<vmem>>
          %dma_wait3A_913 = arith.constant 0 : i32
          %dma_wait3A_914 = tpu.memref_slice %arg5[%dma_wait3A_908, %add3A_858, %dma_wait3A_913] : memref<4x8192x1024xf32, #tpu.memory_space<hbm>> -> memref<1x4x1024xf32, #tpu.memory_space<hbm>>
          %dma_wait3A_915 = tpu.memref_squeeze %dma_wait3A_914 : memref<1x4x1024xf32, #tpu.memory_space<hbm>> -> memref<4x1024xf32, #tpu.memory_space<hbm>>
          %dma_wait3A_916 = arith.constant 0 : i32
          %dma_wait3A_917 = tpu.memref_slice %arg5[%dma_wait3A_908, %add3A_858, %dma_wait3A_916] : memref<4x8192x1024xf32, #tpu.memory_space<hbm>> -> memref<1x4x1024xf32, #tpu.memory_space<hbm>>
          %dma_wait3A_918 = tpu.memref_squeeze %dma_wait3A_917 : memref<1x4x1024xf32, #tpu.memory_space<hbm>> -> memref<4x1024xf32, #tpu.memory_space<hbm>>
          %dma_wait3A_919 = arith.constant 12 : i32
          %dma_wait3A_920 = arith.constant 0 : i32
          %dma_wait3A_921 = tpu.memref_slice %arg7[%dma_wait3A_907, %dma_wait3A_919, %dma_wait3A_920] : memref<4x16x1024xf32, #tpu.memory_space<vmem>> -> memref<1x4x1024xf32, #tpu.memory_space<vmem>>
          %dma_wait3A_922 = tpu.memref_squeeze %dma_wait3A_921 : memref<1x4x1024xf32, #tpu.memory_space<vmem>> -> memref<4x1024xf32, #tpu.memory_space<vmem>>
          tpu.wait_dma2 semaphore(%arg16 : memref<!tpu.dma_semaphore, #tpu.memory_space<semaphore_mem>>) src(%dma_wait3A_922 : memref<4x1024xf32, #tpu.memory_space<vmem>>) dst(%dma_wait3A_918 : memref<4x1024xf32, #tpu.memory_space<hbm>>)
        } else {
        }
        %add3A_817 = arith.constant 2 : i32
        %add3A_818 = arith.addi %add3A_465, %add3A_817 : i32
        %mul3A_819 = arith.constant 4 : i32
        %mul3A_820 = arith.muli %add3A_818, %mul3A_819 : i32
        %add3A_821 = arith.addi %mul3A_2, %mul3A_820 : i32
        %dma_start3A_822 = arith.constant 3 : i32
        %dma_start3A_823 = arith.constant 0 : i32
        %dma_start3A_824 = arith.constant 0 : i32
        %dma_start3A_825 = tpu.memref_slice %arg8[%dma_start3A_822, %dma_start3A_823, %dma_start3A_824] : memref<4x4x1024xf32, #tpu.memory_space<vmem>> -> memref<1x4x1024xf32, #tpu.memory_space<vmem>>
        %dma_start3A_826 = tpu.memref_squeeze %dma_start3A_825 : memref<1x4x1024xf32, #tpu.memory_space<vmem>> -> memref<4x1024xf32, #tpu.memory_space<vmem>>
        %dma_start3A_827 = arith.constant 0 : i32
        %dma_start3A_828 = tpu.memref_slice %arg4[%add3A_821, %dma_start3A_827] : memref<8192x1024xf32, #tpu.memory_space<hbm>> -> memref<4x1024xf32, #tpu.memory_space<hbm>>
        %dma_start3A_829 = arith.constant 0 : i32
        %dma_start3A_830 = arith.constant 0 : i32
        %dma_start3A_831 = tpu.memref_slice %arg8[%dma_start3A_822, %dma_start3A_829, %dma_start3A_830] : memref<4x4x1024xf32, #tpu.memory_space<vmem>> -> memref<1x4x1024xf32, #tpu.memory_space<vmem>>
        %dma_start3A_832 = tpu.memref_squeeze %dma_start3A_831 : memref<1x4x1024xf32, #tpu.memory_space<vmem>> -> memref<4x1024xf32, #tpu.memory_space<vmem>>
        %dma_start3A_833 = arith.constant 0 : i32
        %dma_start3A_834 = tpu.memref_slice %arg4[%add3A_821, %dma_start3A_833] : memref<8192x1024xf32, #tpu.memory_space<hbm>> -> memref<4x1024xf32, #tpu.memory_space<hbm>>
        tpu.enqueue_dma source(%dma_start3A_834 : memref<4x1024xf32, #tpu.memory_space<hbm>>) target(%dma_start3A_832 : memref<4x1024xf32, #tpu.memory_space<vmem>>) target_semaphore(%arg12 : memref<!tpu.dma_semaphore, #tpu.memory_space<semaphore_mem>>)
        %dma_start3A_835 = arith.constant 3 : i32
        %dma_start3A_836 = arith.constant 0 : i32
        %dma_start3A_837 = arith.constant 0 : i32
        %dma_start3A_838 = tpu.memref_slice %arg7[%dma_start3A_835, %dma_start3A_836, %dma_start3A_837] : memref<4x16x1024xf32, #tpu.memory_space<vmem>> -> memref<1x16x1024xf32, #tpu.memory_space<vmem>>
        %dma_start3A_839 = tpu.memref_squeeze %dma_start3A_838 : memref<1x16x1024xf32, #tpu.memory_space<vmem>> -> memref<16x1024xf32, #tpu.memory_space<vmem>>
        %dma_start3A_840 = arith.constant 0 : i32
        %dma_start3A_841 = tpu.memref_slice %arg6[%add3A_818, %dma_start3A_840] : memref<64x16xi32, #tpu.memory_space<vmem>> -> memref<1x16xi32, #tpu.memory_space<vmem>>
        %dma_start3A_842 = tpu.memref_squeeze %dma_start3A_841 : memref<1x16xi32, #tpu.memory_space<vmem>> -> memref<16xi32, #tpu.memory_space<vmem>>
        %dma_start3A_843 = arith.constant 0 : i32
        %dma_start3A_844 = arith.constant 0 : i32
        %dma_start3A_845 = tpu.memref_slice %arg3[%dma_start3A_843, %dma_start3A_844] : memref<100000x1024xf32, #tpu.memory_space<hbm>> -> memref<100000x1024xf32, #tpu.memory_space<hbm>>
        tpu.enqueue_indirect_dma source(%dma_start3A_845 : memref<100000x1024xf32, #tpu.memory_space<hbm>>) target(%dma_start3A_839 : memref<16x1024xf32, #tpu.memory_space<vmem>>) offsets(%dma_start3A_842 : memref<16xi32, #tpu.memory_space<vmem>>) semaphore(%arg12 : memref<!tpu.dma_semaphore, #tpu.memory_space<semaphore_mem>>)
      } else {
      }
      %mul3A_473 = arith.constant 4 : i32
      %mul3A_474 = arith.muli %add3A_465, %mul3A_473 : i32
      %add3A_475 = arith.addi %mul3A_2, %mul3A_474 : i32
      %dma_wait3A_476 = arith.constant 1 : i32
      %dma_wait3A_477 = arith.constant 0 : i32
      %dma_wait3A_478 = arith.constant 0 : i32
      %dma_wait3A_479 = tpu.memref_slice %arg8[%dma_wait3A_476, %dma_wait3A_477, %dma_wait3A_478] : memref<4x4x1024xf32, #tpu.memory_space<vmem>> -> memref<1x4x1024xf32, #tpu.memory_space<vmem>>
      %dma_wait3A_480 = tpu.memref_squeeze %dma_wait3A_479 : memref<1x4x1024xf32, #tpu.memory_space<vmem>> -> memref<4x1024xf32, #tpu.memory_space<vmem>>
      %dma_wait3A_481 = arith.constant 0 : i32
      %dma_wait3A_482 = tpu.memref_slice %arg4[%add3A_475, %dma_wait3A_481] : memref<8192x1024xf32, #tpu.memory_space<hbm>> -> memref<4x1024xf32, #tpu.memory_space<hbm>>
      %dma_wait3A_483 = arith.constant 0 : i32
      %dma_wait3A_484 = arith.constant 0 : i32
      %dma_wait3A_485 = tpu.memref_slice %arg8[%dma_wait3A_476, %dma_wait3A_483, %dma_wait3A_484] : memref<4x4x1024xf32, #tpu.memory_space<vmem>> -> memref<1x4x1024xf32, #tpu.memory_space<vmem>>
      %dma_wait3A_486 = tpu.memref_squeeze %dma_wait3A_485 : memref<1x4x1024xf32, #tpu.memory_space<vmem>> -> memref<4x1024xf32, #tpu.memory_space<vmem>>
      %dma_wait3A_487 = arith.constant 0 : i32
      %dma_wait3A_488 = tpu.memref_slice %arg4[%add3A_475, %dma_wait3A_487] : memref<8192x1024xf32, #tpu.memory_space<hbm>> -> memref<4x1024xf32, #tpu.memory_space<hbm>>
      tpu.wait_dma2 semaphore(%arg10 : memref<!tpu.dma_semaphore, #tpu.memory_space<semaphore_mem>>) src(%dma_wait3A_488 : memref<4x1024xf32, #tpu.memory_space<hbm>>) dst(%dma_wait3A_486 : memref<4x1024xf32, #tpu.memory_space<vmem>>)
      %dma_wait3A_489 = arith.constant 1 : i32
      %dma_wait3A_490 = arith.constant 0 : i32
      %dma_wait3A_491 = arith.constant 0 : i32
      %dma_wait3A_492 = tpu.memref_slice %arg7[%dma_wait3A_489, %dma_wait3A_490, %dma_wait3A_491] : memref<4x16x1024xf32, #tpu.memory_space<vmem>> -> memref<1x16x1024xf32, #tpu.memory_space<vmem>>
      %dma_wait3A_493 = tpu.memref_squeeze %dma_wait3A_492 : memref<1x16x1024xf32, #tpu.memory_space<vmem>> -> memref<16x1024xf32, #tpu.memory_space<vmem>>
      %dma_wait3A_494 = arith.constant 0 : i32
      %dma_wait3A_495 = tpu.memref_slice %arg6[%add3A_465, %dma_wait3A_494] : memref<64x16xi32, #tpu.memory_space<vmem>> -> memref<1x16xi32, #tpu.memory_space<vmem>>
      %dma_wait3A_496 = tpu.memref_squeeze %dma_wait3A_495 : memref<1x16xi32, #tpu.memory_space<vmem>> -> memref<16xi32, #tpu.memory_space<vmem>>
      %dma_wait3A_497 = arith.constant 0 : i32
      %dma_wait3A_498 = arith.constant 0 : i32
      %dma_wait3A_499 = tpu.memref_slice %arg3[%dma_wait3A_497, %dma_wait3A_498] : memref<100000x1024xf32, #tpu.memory_space<hbm>> -> memref<100000x1024xf32, #tpu.memory_space<hbm>>
      tpu.wait_indirect_dma semaphore(%arg10 : memref<!tpu.dma_semaphore, #tpu.memory_space<semaphore_mem>>) src(%dma_wait3A_499 : memref<100000x1024xf32, #tpu.memory_space<hbm>>) dst(%dma_wait3A_493 : memref<16x1024xf32, #tpu.memory_space<vmem>>)
      %parallel_loop3A_500 = arith.constant 0 : i32
      %parallel_loop3A_501 = arith.constant 64 : i32
      %parallel_loop3A_502 = arith.constant 1 : i32
      scf.for %parallel_loop3A_813 = %parallel_loop3A_500 to %parallel_loop3A_501 step %parallel_loop3A_502  : i32 {
        %parallel_loop3A_814 = arith.constant 16 : i32
        %parallel_loop3A_815 = arith.muli %parallel_loop3A_813, %parallel_loop3A_814 : i32
        %parallel_loop3A_816 = arith.constant 1 : i32
        %parallel_loop3A_817 = arith.constant 0 : i32
        %parallel_loop3A_818 = arith.index_cast %parallel_loop3A_816 : i32 to index
        %parallel_loop3A_819 = arith.index_cast %parallel_loop3A_817 : i32 to index
        %parallel_loop3A_820 = arith.index_cast %parallel_loop3A_815 : i32 to index
        %parallel_loop3A_821 = tpu.vector_load %arg8[%parallel_loop3A_818, %parallel_loop3A_819, %parallel_loop3A_820] {strides = array<i32>} : memref<4x4x1024xf32, #tpu.memory_space<vmem>>, vector<1x1x16xf32>,
        %parallel_loop3A_822 = vector.shape_cast %parallel_loop3A_821 : vector<1x1x16xf32> to vector<16xf32>
        %parallel_loop3A_823 = arith.constant 1 : i32
        %parallel_loop3A_824 = arith.constant 0 : i32
        %parallel_loop3A_825 = arith.index_cast %parallel_loop3A_823 : i32 to index
        %parallel_loop3A_826 = arith.index_cast %parallel_loop3A_824 : i32 to index
        %parallel_loop3A_827 = arith.index_cast %parallel_loop3A_815 : i32 to index
        %parallel_loop3A_828 = tpu.vector_load %arg7[%parallel_loop3A_825, %parallel_loop3A_826, %parallel_loop3A_827] {strides = array<i32>} : memref<4x16x1024xf32, #tpu.memory_space<vmem>>, vector<1x1x16xf32>,
        %parallel_loop3A_829 = vector.shape_cast %parallel_loop3A_828 : vector<1x1x16xf32> to vector<16xf32>
        %parallel_loop3A_830 = vector.shape_cast %parallel_loop3A_822 : vector<16xf32> to vector<1x1x16xf32>
        tpu.vector_store %arg7[%parallel_loop3A_825, %parallel_loop3A_826, %parallel_loop3A_827], %parallel_loop3A_830 {add = true, strides = array<i32>} : memref<4x16x1024xf32, #tpu.memory_space<vmem>>, vector<1x1x16xf32>,
        %parallel_loop3A_831 = arith.constant 1 : i32
        %parallel_loop3A_832 = arith.constant 4 : i32
        %parallel_loop3A_833 = arith.index_cast %parallel_loop3A_831 : i32 to index
        %parallel_loop3A_834 = arith.index_cast %parallel_loop3A_832 : i32 to index
        %parallel_loop3A_835 = arith.index_cast %parallel_loop3A_815 : i32 to index
        %parallel_loop3A_836 = tpu.vector_load %arg7[%parallel_loop3A_833, %parallel_loop3A_834, %parallel_loop3A_835] {strides = array<i32>} : memref<4x16x1024xf32, #tpu.memory_space<vmem>>, vector<1x1x16xf32>,
        %parallel_loop3A_837 = vector.shape_cast %parallel_loop3A_836 : vector<1x1x16xf32> to vector<16xf32>
        %parallel_loop3A_838 = vector.shape_cast %parallel_loop3A_822 : vector<16xf32> to vector<1x1x16xf32>
        tpu.vector_store %arg7[%parallel_loop3A_833, %parallel_loop3A_834, %parallel_loop3A_835], %parallel_loop3A_838 {add = true, strides = array<i32>} : memref<4x16x1024xf32, #tpu.memory_space<vmem>>, vector<1x1x16xf32>,
        %parallel_loop3A_839 = arith.constant 1 : i32
        %parallel_loop3A_840 = arith.constant 8 : i32
        %parallel_loop3A_841 = arith.index_cast %parallel_loop3A_839 : i32 to index
        %parallel_loop3A_842 = arith.index_cast %parallel_loop3A_840 : i32 to index
        %parallel_loop3A_843 = arith.index_cast %parallel_loop3A_815 : i32 to index
        %parallel_loop3A_844 = tpu.vector_load %arg7[%parallel_loop3A_841, %parallel_loop3A_842, %parallel_loop3A_843] {strides = array<i32>} : memref<4x16x1024xf32, #tpu.memory_space<vmem>>, vector<1x1x16xf32>,
        %parallel_loop3A_845 = vector.shape_cast %parallel_loop3A_844 : vector<1x1x16xf32> to vector<16xf32>
        %parallel_loop3A_846 = vector.shape_cast %parallel_loop3A_822 : vector<16xf32> to vector<1x1x16xf32>
        tpu.vector_store %arg7[%parallel_loop3A_841, %parallel_loop3A_842, %parallel_loop3A_843], %parallel_loop3A_846 {add = true, strides = array<i32>} : memref<4x16x1024xf32, #tpu.memory_space<vmem>>, vector<1x1x16xf32>,
        %parallel_loop3A_847 = arith.constant 1 : i32
        %parallel_loop3A_848 = arith.constant 12 : i32
        %parallel_loop3A_849 = arith.index_cast %parallel_loop3A_847 : i32 to index
        %parallel_loop3A_850 = arith.index_cast %parallel_loop3A_848 : i32 to index
        %parallel_loop3A_851 = arith.index_cast %parallel_loop3A_815 : i32 to index
        %parallel_loop3A_852 = tpu.vector_load %arg7[%parallel_loop3A_849, %parallel_loop3A_850, %parallel_loop3A_851] {strides = array<i32>} : memref<4x16x1024xf32, #tpu.memory_space<vmem>>, vector<1x1x16xf32>,
        %parallel_loop3A_853 = vector.shape_cast %parallel_loop3A_852 : vector<1x1x16xf32> to vector<16xf32>
        %parallel_loop3A_854 = vector.shape_cast %parallel_loop3A_822 : vector<16xf32> to vector<1x1x16xf32>
        tpu.vector_store %arg7[%parallel_loop3A_849, %parallel_loop3A_850, %parallel_loop3A_851], %parallel_loop3A_854 {add = true, strides = array<i32>} : memref<4x16x1024xf32, #tpu.memory_space<vmem>>, vector<1x1x16xf32>,
        %parallel_loop3A_855 = arith.constant 1 : i32
        %parallel_loop3A_856 = arith.constant 1 : i32
        %parallel_loop3A_857 = arith.index_cast %parallel_loop3A_855 : i32 to index
        %parallel_loop3A_858 = arith.index_cast %parallel_loop3A_856 : i32 to index
        %parallel_loop3A_859 = arith.index_cast %parallel_loop3A_815 : i32 to index
        %parallel_loop3A_860 = tpu.vector_load %arg8[%parallel_loop3A_857, %parallel_loop3A_858, %parallel_loop3A_859] {strides = array<i32>} : memref<4x4x1024xf32, #tpu.memory_space<vmem>>, vector<1x1x16xf32>,
        %parallel_loop3A_861 = vector.shape_cast %parallel_loop3A_860 : vector<1x1x16xf32> to vector<16xf32>
        %parallel_loop3A_862 = arith.constant 1 : i32
        %parallel_loop3A_863 = arith.constant 1 : i32
        %parallel_loop3A_864 = arith.index_cast %parallel_loop3A_862 : i32 to index
        %parallel_loop3A_865 = arith.index_cast %parallel_loop3A_863 : i32 to index
        %parallel_loop3A_866 = arith.index_cast %parallel_loop3A_815 : i32 to index
        %parallel_loop3A_867 = tpu.vector_load %arg7[%parallel_loop3A_864, %parallel_loop3A_865, %parallel_loop3A_866] {strides = array<i32>} : memref<4x16x1024xf32, #tpu.memory_space<vmem>>, vector<1x1x16xf32>,
        %parallel_loop3A_868 = vector.shape_cast %parallel_loop3A_867 : vector<1x1x16xf32> to vector<16xf32>
        %parallel_loop3A_869 = vector.shape_cast %parallel_loop3A_861 : vector<16xf32> to vector<1x1x16xf32>
        tpu.vector_store %arg7[%parallel_loop3A_864, %parallel_loop3A_865, %parallel_loop3A_866], %parallel_loop3A_869 {add = true, strides = array<i32>} : memref<4x16x1024xf32, #tpu.memory_space<vmem>>, vector<1x1x16xf32>,
        %parallel_loop3A_870 = arith.constant 1 : i32
        %parallel_loop3A_871 = arith.constant 5 : i32
        %parallel_loop3A_872 = arith.index_cast %parallel_loop3A_870 : i32 to index
        %parallel_loop3A_873 = arith.index_cast %parallel_loop3A_871 : i32 to index
        %parallel_loop3A_874 = arith.index_cast %parallel_loop3A_815 : i32 to index
        %parallel_loop3A_875 = tpu.vector_load %arg7[%parallel_loop3A_872, %parallel_loop3A_873, %parallel_loop3A_874] {strides = array<i32>} : memref<4x16x1024xf32, #tpu.memory_space<vmem>>, vector<1x1x16xf32>,
        %parallel_loop3A_876 = vector.shape_cast %parallel_loop3A_875 : vector<1x1x16xf32> to vector<16xf32>
        %parallel_loop3A_877 = vector.shape_cast %parallel_loop3A_861 : vector<16xf32> to vector<1x1x16xf32>
        tpu.vector_store %arg7[%parallel_loop3A_872, %parallel_loop3A_873, %parallel_loop3A_874], %parallel_loop3A_877 {add = true, strides = array<i32>} : memref<4x16x1024xf32, #tpu.memory_space<vmem>>, vector<1x1x16xf32>,
        %parallel_loop3A_878 = arith.constant 1 : i32
        %parallel_loop3A_879 = arith.constant 9 : i32
        %parallel_loop3A_880 = arith.index_cast %parallel_loop3A_878 : i32 to index
        %parallel_loop3A_881 = arith.index_cast %parallel_loop3A_879 : i32 to index
        %parallel_loop3A_882 = arith.index_cast %parallel_loop3A_815 : i32 to index
        %parallel_loop3A_883 = tpu.vector_load %arg7[%parallel_loop3A_880, %parallel_loop3A_881, %parallel_loop3A_882] {strides = array<i32>} : memref<4x16x1024xf32, #tpu.memory_space<vmem>>, vector<1x1x16xf32>,
        %parallel_loop3A_884 = vector.shape_cast %parallel_loop3A_883 : vector<1x1x16xf32> to vector<16xf32>
        %parallel_loop3A_885 = vector.shape_cast %parallel_loop3A_861 : vector<16xf32> to vector<1x1x16xf32>
        tpu.vector_store %arg7[%parallel_loop3A_880, %parallel_loop3A_881, %parallel_loop3A_882], %parallel_loop3A_885 {add = true, strides = array<i32>} : memref<4x16x1024xf32, #tpu.memory_space<vmem>>, vector<1x1x16xf32>,
        %parallel_loop3A_886 = arith.constant 1 : i32
        %parallel_loop3A_887 = arith.constant 13 : i32
        %parallel_loop3A_888 = arith.index_cast %parallel_loop3A_886 : i32 to index
        %parallel_loop3A_889 = arith.index_cast %parallel_loop3A_887 : i32 to index
        %parallel_loop3A_890 = arith.index_cast %parallel_loop3A_815 : i32 to index
        %parallel_loop3A_891 = tpu.vector_load %arg7[%parallel_loop3A_888, %parallel_loop3A_889, %parallel_loop3A_890] {strides = array<i32>} : memref<4x16x1024xf32, #tpu.memory_space<vmem>>, vector<1x1x16xf32>,
        %parallel_loop3A_892 = vector.shape_cast %parallel_loop3A_891 : vector<1x1x16xf32> to vector<16xf32>
        %parallel_loop3A_893 = vector.shape_cast %parallel_loop3A_861 : vector<16xf32> to vector<1x1x16xf32>
        tpu.vector_store %arg7[%parallel_loop3A_888, %parallel_loop3A_889, %parallel_loop3A_890], %parallel_loop3A_893 {add = true, strides = array<i32>} : memref<4x16x1024xf32, #tpu.memory_space<vmem>>, vector<1x1x16xf32>,
        %parallel_loop3A_894 = arith.constant 1 : i32
        %parallel_loop3A_895 = arith.constant 2 : i32
        %parallel_loop3A_896 = arith.index_cast %parallel_loop3A_894 : i32 to index
        %parallel_loop3A_897 = arith.index_cast %parallel_loop3A_895 : i32 to index
        %parallel_loop3A_898 = arith.index_cast %parallel_loop3A_815 : i32 to index
        %parallel_loop3A_899 = tpu.vector_load %arg8[%parallel_loop3A_896, %parallel_loop3A_897, %parallel_loop3A_898] {strides = array<i32>} : memref<4x4x1024xf32, #tpu.memory_space<vmem>>, vector<1x1x16xf32>,
        %parallel_loop3A_900 = vector.shape_cast %parallel_loop3A_899 : vector<1x1x16xf32> to vector<16xf32>
        %parallel_loop3A_901 = arith.constant 1 : i32
        %parallel_loop3A_902 = arith.constant 2 : i32
        %parallel_loop3A_903 = arith.index_cast %parallel_loop3A_901 : i32 to index
        %parallel_loop3A_904 = arith.index_cast %parallel_loop3A_902 : i32 to index
        %parallel_loop3A_905 = arith.index_cast %parallel_loop3A_815 : i32 to index
        %parallel_loop3A_906 = tpu.vector_load %arg7[%parallel_loop3A_903, %parallel_loop3A_904, %parallel_loop3A_905] {strides = array<i32>} : memref<4x16x1024xf32, #tpu.memory_space<vmem>>, vector<1x1x16xf32>,
        %parallel_loop3A_907 = vector.shape_cast %parallel_loop3A_906 : vector<1x1x16xf32> to vector<16xf32>
        %parallel_loop3A_908 = vector.shape_cast %parallel_loop3A_900 : vector<16xf32> to vector<1x1x16xf32>
        tpu.vector_store %arg7[%parallel_loop3A_903, %parallel_loop3A_904, %parallel_loop3A_905], %parallel_loop3A_908 {add = true, strides = array<i32>} : memref<4x16x1024xf32, #tpu.memory_space<vmem>>, vector<1x1x16xf32>,
        %parallel_loop3A_909 = arith.constant 1 : i32
        %parallel_loop3A_910 = arith.constant 6 : i32
        %parallel_loop3A_911 = arith.index_cast %parallel_loop3A_909 : i32 to index
        %parallel_loop3A_912 = arith.index_cast %parallel_loop3A_910 : i32 to index
        %parallel_loop3A_913 = arith.index_cast %parallel_loop3A_815 : i32 to index
        %parallel_loop3A_914 = tpu.vector_load %arg7[%parallel_loop3A_911, %parallel_loop3A_912, %parallel_loop3A_913] {strides = array<i32>} : memref<4x16x1024xf32, #tpu.memory_space<vmem>>, vector<1x1x16xf32>,
        %parallel_loop3A_915 = vector.shape_cast %parallel_loop3A_914 : vector<1x1x16xf32> to vector<16xf32>
        %parallel_loop3A_916 = vector.shape_cast %parallel_loop3A_900 : vector<16xf32> to vector<1x1x16xf32>
        tpu.vector_store %arg7[%parallel_loop3A_911, %parallel_loop3A_912, %parallel_loop3A_913], %parallel_loop3A_916 {add = true, strides = array<i32>} : memref<4x16x1024xf32, #tpu.memory_space<vmem>>, vector<1x1x16xf32>,
        %parallel_loop3A_917 = arith.constant 1 : i32
        %parallel_loop3A_918 = arith.constant 10 : i32
        %parallel_loop3A_919 = arith.index_cast %parallel_loop3A_917 : i32 to index
        %parallel_loop3A_920 = arith.index_cast %parallel_loop3A_918 : i32 to index
        %parallel_loop3A_921 = arith.index_cast %parallel_loop3A_815 : i32 to index
        %parallel_loop3A_922 = tpu.vector_load %arg7[%parallel_loop3A_919, %parallel_loop3A_920, %parallel_loop3A_921] {strides = array<i32>} : memref<4x16x1024xf32, #tpu.memory_space<vmem>>, vector<1x1x16xf32>,
        %parallel_loop3A_923 = vector.shape_cast %parallel_loop3A_922 : vector<1x1x16xf32> to vector<16xf32>
        %parallel_loop3A_924 = vector.shape_cast %parallel_loop3A_900 : vector<16xf32> to vector<1x1x16xf32>
        tpu.vector_store %arg7[%parallel_loop3A_919, %parallel_loop3A_920, %parallel_loop3A_921], %parallel_loop3A_924 {add = true, strides = array<i32>} : memref<4x16x1024xf32, #tpu.memory_space<vmem>>, vector<1x1x16xf32>,
        %parallel_loop3A_925 = arith.constant 1 : i32
        %parallel_loop3A_926 = arith.constant 14 : i32
        %parallel_loop3A_927 = arith.index_cast %parallel_loop3A_925 : i32 to index
        %parallel_loop3A_928 = arith.index_cast %parallel_loop3A_926 : i32 to index
        %parallel_loop3A_929 = arith.index_cast %parallel_loop3A_815 : i32 to index
        %parallel_loop3A_930 = tpu.vector_load %arg7[%parallel_loop3A_927, %parallel_loop3A_928, %parallel_loop3A_929] {strides = array<i32>} : memref<4x16x1024xf32, #tpu.memory_space<vmem>>, vector<1x1x16xf32>,
        %parallel_loop3A_931 = vector.shape_cast %parallel_loop3A_930 : vector<1x1x16xf32> to vector<16xf32>
        %parallel_loop3A_932 = vector.shape_cast %parallel_loop3A_900 : vector<16xf32> to vector<1x1x16xf32>
        tpu.vector_store %arg7[%parallel_loop3A_927, %parallel_loop3A_928, %parallel_loop3A_929], %parallel_loop3A_932 {add = true, strides = array<i32>} : memref<4x16x1024xf32, #tpu.memory_space<vmem>>, vector<1x1x16xf32>,
        %parallel_loop3A_933 = arith.constant 1 : i32
        %parallel_loop3A_934 = arith.constant 3 : i32
        %parallel_loop3A_935 = arith.index_cast %parallel_loop3A_933 : i32 to index
        %parallel_loop3A_936 = arith.index_cast %parallel_loop3A_934 : i32 to index
        %parallel_loop3A_937 = arith.index_cast %parallel_loop3A_815 : i32 to index
        %parallel_loop3A_938 = tpu.vector_load %arg8[%parallel_loop3A_935, %parallel_loop3A_936, %parallel_loop3A_937] {strides = array<i32>} : memref<4x4x1024xf32, #tpu.memory_space<vmem>>, vector<1x1x16xf32>,
        %parallel_loop3A_939 = vector.shape_cast %parallel_loop3A_938 : vector<1x1x16xf32> to vector<16xf32>
        %parallel_loop3A_940 = arith.constant 1 : i32
        %parallel_loop3A_941 = arith.constant 3 : i32
        %parallel_loop3A_942 = arith.index_cast %parallel_loop3A_940 : i32 to index
        %parallel_loop3A_943 = arith.index_cast %parallel_loop3A_941 : i32 to index
        %parallel_loop3A_944 = arith.index_cast %parallel_loop3A_815 : i32 to index
        %parallel_loop3A_945 = tpu.vector_load %arg7[%parallel_loop3A_942, %parallel_loop3A_943, %parallel_loop3A_944] {strides = array<i32>} : memref<4x16x1024xf32, #tpu.memory_space<vmem>>, vector<1x1x16xf32>,
        %parallel_loop3A_946 = vector.shape_cast %parallel_loop3A_945 : vector<1x1x16xf32> to vector<16xf32>
        %parallel_loop3A_947 = vector.shape_cast %parallel_loop3A_939 : vector<16xf32> to vector<1x1x16xf32>
        tpu.vector_store %arg7[%parallel_loop3A_942, %parallel_loop3A_943, %parallel_loop3A_944], %parallel_loop3A_947 {add = true, strides = array<i32>} : memref<4x16x1024xf32, #tpu.memory_space<vmem>>, vector<1x1x16xf32>,
        %parallel_loop3A_948 = arith.constant 1 : i32
        %parallel_loop3A_949 = arith.constant 7 : i32
        %parallel_loop3A_950 = arith.index_cast %parallel_loop3A_948 : i32 to index
        %parallel_loop3A_951 = arith.index_cast %parallel_loop3A_949 : i32 to index
        %parallel_loop3A_952 = arith.index_cast %parallel_loop3A_815 : i32 to index
        %parallel_loop3A_953 = tpu.vector_load %arg7[%parallel_loop3A_950, %parallel_loop3A_951, %parallel_loop3A_952] {strides = array<i32>} : memref<4x16x1024xf32, #tpu.memory_space<vmem>>, vector<1x1x16xf32>,
        %parallel_loop3A_954 = vector.shape_cast %parallel_loop3A_953 : vector<1x1x16xf32> to vector<16xf32>
        %parallel_loop3A_955 = vector.shape_cast %parallel_loop3A_939 : vector<16xf32> to vector<1x1x16xf32>
        tpu.vector_store %arg7[%parallel_loop3A_950, %parallel_loop3A_951, %parallel_loop3A_952], %parallel_loop3A_955 {add = true, strides = array<i32>} : memref<4x16x1024xf32, #tpu.memory_space<vmem>>, vector<1x1x16xf32>,
        %parallel_loop3A_956 = arith.constant 1 : i32
        %parallel_loop3A_957 = arith.constant 11 : i32
        %parallel_loop3A_958 = arith.index_cast %parallel_loop3A_956 : i32 to index
        %parallel_loop3A_959 = arith.index_cast %parallel_loop3A_957 : i32 to index
        %parallel_loop3A_960 = arith.index_cast %parallel_loop3A_815 : i32 to index
        %parallel_loop3A_961 = tpu.vector_load %arg7[%parallel_loop3A_958, %parallel_loop3A_959, %parallel_loop3A_960] {strides = array<i32>} : memref<4x16x1024xf32, #tpu.memory_space<vmem>>, vector<1x1x16xf32>,
        %parallel_loop3A_962 = vector.shape_cast %parallel_loop3A_961 : vector<1x1x16xf32> to vector<16xf32>
        %parallel_loop3A_963 = vector.shape_cast %parallel_loop3A_939 : vector<16xf32> to vector<1x1x16xf32>
        tpu.vector_store %arg7[%parallel_loop3A_958, %parallel_loop3A_959, %parallel_loop3A_960], %parallel_loop3A_963 {add = true, strides = array<i32>} : memref<4x16x1024xf32, #tpu.memory_space<vmem>>, vector<1x1x16xf32>,
        %parallel_loop3A_964 = arith.constant 1 : i32
        %parallel_loop3A_965 = arith.constant 15 : i32
        %parallel_loop3A_966 = arith.index_cast %parallel_loop3A_964 : i32 to index
        %parallel_loop3A_967 = arith.index_cast %parallel_loop3A_965 : i32 to index
        %parallel_loop3A_968 = arith.index_cast %parallel_loop3A_815 : i32 to index
        %parallel_loop3A_969 = tpu.vector_load %arg7[%parallel_loop3A_966, %parallel_loop3A_967, %parallel_loop3A_968] {strides = array<i32>} : memref<4x16x1024xf32, #tpu.memory_space<vmem>>, vector<1x1x16xf32>,
        %parallel_loop3A_970 = vector.shape_cast %parallel_loop3A_969 : vector<1x1x16xf32> to vector<16xf32>
        %parallel_loop3A_971 = vector.shape_cast %parallel_loop3A_939 : vector<16xf32> to vector<1x1x16xf32>
        tpu.vector_store %arg7[%parallel_loop3A_966, %parallel_loop3A_967, %parallel_loop3A_968], %parallel_loop3A_971 {add = true, strides = array<i32>} : memref<4x16x1024xf32, #tpu.memory_space<vmem>>, vector<1x1x16xf32>,
      } {sc.loop_unroll_factor = 2 : i64, sc.parallel_access}
      %mul3A_503 = arith.constant 4 : i32
      %mul3A_504 = arith.muli %add3A_465, %mul3A_503 : i32
      %add3A_505 = arith.addi %mul3A_2, %mul3A_504 : i32
      %mul3A_506 = arith.constant 4 : i32
      %mul3A_507 = arith.muli %add3A_465, %mul3A_506 : i32
      %add3A_508 = arith.addi %mul3A_2, %mul3A_507 : i32
      %mul3A_509 = arith.constant 4 : i32
      %mul3A_510 = arith.muli %add3A_465, %mul3A_509 : i32
      %add3A_511 = arith.addi %mul3A_2, %mul3A_510 : i32
      %mul3A_512 = arith.constant 4 : i32
      %mul3A_513 = arith.muli %add3A_465, %mul3A_512 : i32
      %add3A_514 = arith.addi %mul3A_2, %mul3A_513 : i32
      %dma_start3A_515 = arith.constant 1 : i32
      %dma_start3A_516 = arith.constant 0 : i32
      %dma_start3A_517 = arith.constant 0 : i32
      %dma_start3A_518 = arith.constant 0 : i32
      %dma_start3A_519 = tpu.memref_slice %arg7[%dma_start3A_515, %dma_start3A_517, %dma_start3A_518] : memref<4x16x1024xf32, #tpu.memory_space<vmem>> -> memref<1x4x1024xf32, #tpu.memory_space<vmem>>
      %dma_start3A_520 = tpu.memref_squeeze %dma_start3A_519 : memref<1x4x1024xf32, #tpu.memory_space<vmem>> -> memref<4x1024xf32, #tpu.memory_space<vmem>>
      %dma_start3A_521 = arith.constant 0 : i32
      %dma_start3A_522 = tpu.memref_slice %arg5[%dma_start3A_516, %add3A_505, %dma_start3A_521] : memref<4x8192x1024xf32, #tpu.memory_space<hbm>> -> memref<1x4x1024xf32, #tpu.memory_space<hbm>>
      %dma_start3A_523 = tpu.memref_squeeze %dma_start3A_522 : memref<1x4x1024xf32, #tpu.memory_space<hbm>> -> memref<4x1024xf32, #tpu.memory_space<hbm>>
      %dma_start3A_524 = arith.constant 0 : i32
      %dma_start3A_525 = tpu.memref_slice %arg5[%dma_start3A_516, %add3A_505, %dma_start3A_524] : memref<4x8192x1024xf32, #tpu.memory_space<hbm>> -> memref<1x4x1024xf32, #tpu.memory_space<hbm>>
      %dma_start3A_526 = tpu.memref_squeeze %dma_start3A_525 : memref<1x4x1024xf32, #tpu.memory_space<hbm>> -> memref<4x1024xf32, #tpu.memory_space<hbm>>
      %dma_start3A_527 = arith.constant 0 : i32
      %dma_start3A_528 = arith.constant 0 : i32
      %dma_start3A_529 = tpu.memref_slice %arg7[%dma_start3A_515, %dma_start3A_527, %dma_start3A_528] : memref<4x16x1024xf32, #tpu.memory_space<vmem>> -> memref<1x4x1024xf32, #tpu.memory_space<vmem>>
      %dma_start3A_530 = tpu.memref_squeeze %dma_start3A_529 : memref<1x4x1024xf32, #tpu.memory_space<vmem>> -> memref<4x1024xf32, #tpu.memory_space<vmem>>
      tpu.enqueue_dma source(%dma_start3A_530 : memref<4x1024xf32, #tpu.memory_space<vmem>>) target(%dma_start3A_526 : memref<4x1024xf32, #tpu.memory_space<hbm>>) target_semaphore(%arg14 : memref<!tpu.dma_semaphore, #tpu.memory_space<semaphore_mem>>)
      %dma_start3A_531 = arith.constant 1 : i32
      %dma_start3A_532 = arith.constant 1 : i32
      %dma_start3A_533 = arith.constant 4 : i32
      %dma_start3A_534 = arith.constant 0 : i32
      %dma_start3A_535 = tpu.memref_slice %arg7[%dma_start3A_531, %dma_start3A_533, %dma_start3A_534] : memref<4x16x1024xf32, #tpu.memory_space<vmem>> -> memref<1x4x1024xf32, #tpu.memory_space<vmem>>
      %dma_start3A_536 = tpu.memref_squeeze %dma_start3A_535 : memref<1x4x1024xf32, #tpu.memory_space<vmem>> -> memref<4x1024xf32, #tpu.memory_space<vmem>>
      %dma_start3A_537 = arith.constant 0 : i32
      %dma_start3A_538 = tpu.memref_slice %arg5[%dma_start3A_532, %add3A_508, %dma_start3A_537] : memref<4x8192x1024xf32, #tpu.memory_space<hbm>> -> memref<1x4x1024xf32, #tpu.memory_space<hbm>>
      %dma_start3A_539 = tpu.memref_squeeze %dma_start3A_538 : memref<1x4x1024xf32, #tpu.memory_space<hbm>> -> memref<4x1024xf32, #tpu.memory_space<hbm>>
      %dma_start3A_540 = arith.constant 0 : i32
      %dma_start3A_541 = tpu.memref_slice %arg5[%dma_start3A_532, %add3A_508, %dma_start3A_540] : memref<4x8192x1024xf32, #tpu.memory_space<hbm>> -> memref<1x4x1024xf32, #tpu.memory_space<hbm>>
      %dma_start3A_542 = tpu.memref_squeeze %dma_start3A_541 : memref<1x4x1024xf32, #tpu.memory_space<hbm>> -> memref<4x1024xf32, #tpu.memory_space<hbm>>
      %dma_start3A_543 = arith.constant 4 : i32
      %dma_start3A_544 = arith.constant 0 : i32
      %dma_start3A_545 = tpu.memref_slice %arg7[%dma_start3A_531, %dma_start3A_543, %dma_start3A_544] : memref<4x16x1024xf32, #tpu.memory_space<vmem>> -> memref<1x4x1024xf32, #tpu.memory_space<vmem>>
      %dma_start3A_546 = tpu.memref_squeeze %dma_start3A_545 : memref<1x4x1024xf32, #tpu.memory_space<vmem>> -> memref<4x1024xf32, #tpu.memory_space<vmem>>
      tpu.enqueue_dma source(%dma_start3A_546 : memref<4x1024xf32, #tpu.memory_space<vmem>>) target(%dma_start3A_542 : memref<4x1024xf32, #tpu.memory_space<hbm>>) target_semaphore(%arg14 : memref<!tpu.dma_semaphore, #tpu.memory_space<semaphore_mem>>)
      %dma_start3A_547 = arith.constant 1 : i32
      %dma_start3A_548 = arith.constant 2 : i32
      %dma_start3A_549 = arith.constant 8 : i32
      %dma_start3A_550 = arith.constant 0 : i32
      %dma_start3A_551 = tpu.memref_slice %arg7[%dma_start3A_547, %dma_start3A_549, %dma_start3A_550] : memref<4x16x1024xf32, #tpu.memory_space<vmem>> -> memref<1x4x1024xf32, #tpu.memory_space<vmem>>
      %dma_start3A_552 = tpu.memref_squeeze %dma_start3A_551 : memref<1x4x1024xf32, #tpu.memory_space<vmem>> -> memref<4x1024xf32, #tpu.memory_space<vmem>>
      %dma_start3A_553 = arith.constant 0 : i32
      %dma_start3A_554 = tpu.memref_slice %arg5[%dma_start3A_548, %add3A_511, %dma_start3A_553] : memref<4x8192x1024xf32, #tpu.memory_space<hbm>> -> memref<1x4x1024xf32, #tpu.memory_space<hbm>>
      %dma_start3A_555 = tpu.memref_squeeze %dma_start3A_554 : memref<1x4x1024xf32, #tpu.memory_space<hbm>> -> memref<4x1024xf32, #tpu.memory_space<hbm>>
      %dma_start3A_556 = arith.constant 0 : i32
      %dma_start3A_557 = tpu.memref_slice %arg5[%dma_start3A_548, %add3A_511, %dma_start3A_556] : memref<4x8192x1024xf32, #tpu.memory_space<hbm>> -> memref<1x4x1024xf32, #tpu.memory_space<hbm>>
      %dma_start3A_558 = tpu.memref_squeeze %dma_start3A_557 : memref<1x4x1024xf32, #tpu.memory_space<hbm>> -> memref<4x1024xf32, #tpu.memory_space<hbm>>
      %dma_start3A_559 = arith.constant 8 : i32
      %dma_start3A_560 = arith.constant 0 : i32
      %dma_start3A_561 = tpu.memref_slice %arg7[%dma_start3A_547, %dma_start3A_559, %dma_start3A_560] : memref<4x16x1024xf32, #tpu.memory_space<vmem>> -> memref<1x4x1024xf32, #tpu.memory_space<vmem>>
      %dma_start3A_562 = tpu.memref_squeeze %dma_start3A_561 : memref<1x4x1024xf32, #tpu.memory_space<vmem>> -> memref<4x1024xf32, #tpu.memory_space<vmem>>
      tpu.enqueue_dma source(%dma_start3A_562 : memref<4x1024xf32, #tpu.memory_space<vmem>>) target(%dma_start3A_558 : memref<4x1024xf32, #tpu.memory_space<hbm>>) target_semaphore(%arg14 : memref<!tpu.dma_semaphore, #tpu.memory_space<semaphore_mem>>)
      %dma_start3A_563 = arith.constant 1 : i32
      %dma_start3A_564 = arith.constant 3 : i32
      %dma_start3A_565 = arith.constant 12 : i32
      %dma_start3A_566 = arith.constant 0 : i32
      %dma_start3A_567 = tpu.memref_slice %arg7[%dma_start3A_563, %dma_start3A_565, %dma_start3A_566] : memref<4x16x1024xf32, #tpu.memory_space<vmem>> -> memref<1x4x1024xf32, #tpu.memory_space<vmem>>
      %dma_start3A_568 = tpu.memref_squeeze %dma_start3A_567 : memref<1x4x1024xf32, #tpu.memory_space<vmem>> -> memref<4x1024xf32, #tpu.memory_space<vmem>>
      %dma_start3A_569 = arith.constant 0 : i32
      %dma_start3A_570 = tpu.memref_slice %arg5[%dma_start3A_564, %add3A_514, %dma_start3A_569] : memref<4x8192x1024xf32, #tpu.memory_space<hbm>> -> memref<1x4x1024xf32, #tpu.memory_space<hbm>>
      %dma_start3A_571 = tpu.memref_squeeze %dma_start3A_570 : memref<1x4x1024xf32, #tpu.memory_space<hbm>> -> memref<4x1024xf32, #tpu.memory_space<hbm>>
      %dma_start3A_572 = arith.constant 0 : i32
      %dma_start3A_573 = tpu.memref_slice %arg5[%dma_start3A_564, %add3A_514, %dma_start3A_572] : memref<4x8192x1024xf32, #tpu.memory_space<hbm>> -> memref<1x4x1024xf32, #tpu.memory_space<hbm>>
      %dma_start3A_574 = tpu.memref_squeeze %dma_start3A_573 : memref<1x4x1024xf32, #tpu.memory_space<hbm>> -> memref<4x1024xf32, #tpu.memory_space<hbm>>
      %dma_start3A_575 = arith.constant 12 : i32
      %dma_start3A_576 = arith.constant 0 : i32
      %dma_start3A_577 = tpu.memref_slice %arg7[%dma_start3A_563, %dma_start3A_575, %dma_start3A_576] : memref<4x16x1024xf32, #tpu.memory_space<vmem>> -> memref<1x4x1024xf32, #tpu.memory_space<vmem>>
      %dma_start3A_578 = tpu.memref_squeeze %dma_start3A_577 : memref<1x4x1024xf32, #tpu.memory_space<vmem>> -> memref<4x1024xf32, #tpu.memory_space<vmem>>
      tpu.enqueue_dma source(%dma_start3A_578 : memref<4x1024xf32, #tpu.memory_space<vmem>>) target(%dma_start3A_574 : memref<4x1024xf32, #tpu.memory_space<hbm>>) target_semaphore(%arg14 : memref<!tpu.dma_semaphore, #tpu.memory_space<semaphore_mem>>)
      %mul3A_579 = arith.constant 4 : i32
      %mul3A_580 = arith.muli %scan3A_348, %mul3A_579 : i32
      %add3A_581 = arith.constant 2 : i32
      %add3A_582 = arith.addi %mul3A_580, %add3A_581 : i32
      %add3A_583 = arith.constant 2 : i32
      %add3A_584 = arith.addi %add3A_582, %add3A_583 : i32
      %lt3A_585 = arith.constant 64 : i32
      %lt3A_586 = arith.cmpi slt, %add3A_584, %lt3A_585 : i32
      %convert_element_type3A_587 = arith.extui %lt3A_586 : i1 to i32
      %cond3A_588 = arith.constant 0 : i32
      %cond3A_589 = arith.cmpi ne, %convert_element_type3A_587, %cond3A_588 : i32
      scf.if %cond3A_589 {
        %ge3A = arith.constant 2 : i32
        %ge3A_813 = arith.cmpi sge, %add3A_582, %ge3A : i32
        %convert_element_type3A_814 = arith.extui %ge3A_813 : i1 to i32
        %cond3A_815 = arith.constant 0 : i32
        %cond3A_816 = arith.cmpi ne, %convert_element_type3A_814, %cond3A_815 : i32
        scf.if %cond3A_816 {
          %sub3A = arith.constant 2 : i32
          %sub3A_846 = arith.subi %add3A_582, %sub3A : i32
          %mul3A_847 = arith.constant 4 : i32
          %mul3A_848 = arith.muli %sub3A_846, %mul3A_847 : i32
          %add3A_849 = arith.addi %mul3A_2, %mul3A_848 : i32
          %mul3A_850 = arith.constant 4 : i32
          %mul3A_851 = arith.muli %sub3A_846, %mul3A_850 : i32
          %add3A_852 = arith.addi %mul3A_2, %mul3A_851 : i32
          %mul3A_853 = arith.constant 4 : i32
          %mul3A_854 = arith.muli %sub3A_846, %mul3A_853 : i32
          %add3A_855 = arith.addi %mul3A_2, %mul3A_854 : i32
          %mul3A_856 = arith.constant 4 : i32
          %mul3A_857 = arith.muli %sub3A_846, %mul3A_856 : i32
          %add3A_858 = arith.addi %mul3A_2, %mul3A_857 : i32
          %dma_wait3A_859 = arith.constant 0 : i32
          %dma_wait3A_860 = arith.constant 0 : i32
          %dma_wait3A_861 = arith.constant 0 : i32
          %dma_wait3A_862 = arith.constant 0 : i32
          %dma_wait3A_863 = tpu.memref_slice %arg7[%dma_wait3A_859, %dma_wait3A_861, %dma_wait3A_862] : memref<4x16x1024xf32, #tpu.memory_space<vmem>> -> memref<1x4x1024xf32, #tpu.memory_space<vmem>>
          %dma_wait3A_864 = tpu.memref_squeeze %dma_wait3A_863 : memref<1x4x1024xf32, #tpu.memory_space<vmem>> -> memref<4x1024xf32, #tpu.memory_space<vmem>>
          %dma_wait3A_865 = arith.constant 0 : i32
          %dma_wait3A_866 = tpu.memref_slice %arg5[%dma_wait3A_860, %add3A_849, %dma_wait3A_865] : memref<4x8192x1024xf32, #tpu.memory_space<hbm>> -> memref<1x4x1024xf32, #tpu.memory_space<hbm>>
          %dma_wait3A_867 = tpu.memref_squeeze %dma_wait3A_866 : memref<1x4x1024xf32, #tpu.memory_space<hbm>> -> memref<4x1024xf32, #tpu.memory_space<hbm>>
          %dma_wait3A_868 = arith.constant 0 : i32
          %dma_wait3A_869 = tpu.memref_slice %arg5[%dma_wait3A_860, %add3A_849, %dma_wait3A_868] : memref<4x8192x1024xf32, #tpu.memory_space<hbm>> -> memref<1x4x1024xf32, #tpu.memory_space<hbm>>
          %dma_wait3A_870 = tpu.memref_squeeze %dma_wait3A_869 : memref<1x4x1024xf32, #tpu.memory_space<hbm>> -> memref<4x1024xf32, #tpu.memory_space<hbm>>
          %dma_wait3A_871 = arith.constant 0 : i32
          %dma_wait3A_872 = arith.constant 0 : i32
          %dma_wait3A_873 = tpu.memref_slice %arg7[%dma_wait3A_859, %dma_wait3A_871, %dma_wait3A_872] : memref<4x16x1024xf32, #tpu.memory_space<vmem>> -> memref<1x4x1024xf32, #tpu.memory_space<vmem>>
          %dma_wait3A_874 = tpu.memref_squeeze %dma_wait3A_873 : memref<1x4x1024xf32, #tpu.memory_space<vmem>> -> memref<4x1024xf32, #tpu.memory_space<vmem>>
          tpu.wait_dma2 semaphore(%arg13 : memref<!tpu.dma_semaphore, #tpu.memory_space<semaphore_mem>>) src(%dma_wait3A_874 : memref<4x1024xf32, #tpu.memory_space<vmem>>) dst(%dma_wait3A_870 : memref<4x1024xf32, #tpu.memory_space<hbm>>)
          %dma_wait3A_875 = arith.constant 0 : i32
          %dma_wait3A_876 = arith.constant 1 : i32
          %dma_wait3A_877 = arith.constant 4 : i32
          %dma_wait3A_878 = arith.constant 0 : i32
          %dma_wait3A_879 = tpu.memref_slice %arg7[%dma_wait3A_875, %dma_wait3A_877, %dma_wait3A_878] : memref<4x16x1024xf32, #tpu.memory_space<vmem>> -> memref<1x4x1024xf32, #tpu.memory_space<vmem>>
          %dma_wait3A_880 = tpu.memref_squeeze %dma_wait3A_879 : memref<1x4x1024xf32, #tpu.memory_space<vmem>> -> memref<4x1024xf32, #tpu.memory_space<vmem>>
          %dma_wait3A_881 = arith.constant 0 : i32
          %dma_wait3A_882 = tpu.memref_slice %arg5[%dma_wait3A_876, %add3A_852, %dma_wait3A_881] : memref<4x8192x1024xf32, #tpu.memory_space<hbm>> -> memref<1x4x1024xf32, #tpu.memory_space<hbm>>
          %dma_wait3A_883 = tpu.memref_squeeze %dma_wait3A_882 : memref<1x4x1024xf32, #tpu.memory_space<hbm>> -> memref<4x1024xf32, #tpu.memory_space<hbm>>
          %dma_wait3A_884 = arith.constant 0 : i32
          %dma_wait3A_885 = tpu.memref_slice %arg5[%dma_wait3A_876, %add3A_852, %dma_wait3A_884] : memref<4x8192x1024xf32, #tpu.memory_space<hbm>> -> memref<1x4x1024xf32, #tpu.memory_space<hbm>>
          %dma_wait3A_886 = tpu.memref_squeeze %dma_wait3A_885 : memref<1x4x1024xf32, #tpu.memory_space<hbm>> -> memref<4x1024xf32, #tpu.memory_space<hbm>>
          %dma_wait3A_887 = arith.constant 4 : i32
          %dma_wait3A_888 = arith.constant 0 : i32
          %dma_wait3A_889 = tpu.memref_slice %arg7[%dma_wait3A_875, %dma_wait3A_887, %dma_wait3A_888] : memref<4x16x1024xf32, #tpu.memory_space<vmem>> -> memref<1x4x1024xf32, #tpu.memory_space<vmem>>
          %dma_wait3A_890 = tpu.memref_squeeze %dma_wait3A_889 : memref<1x4x1024xf32, #tpu.memory_space<vmem>> -> memref<4x1024xf32, #tpu.memory_space<vmem>>
          tpu.wait_dma2 semaphore(%arg13 : memref<!tpu.dma_semaphore, #tpu.memory_space<semaphore_mem>>) src(%dma_wait3A_890 : memref<4x1024xf32, #tpu.memory_space<vmem>>) dst(%dma_wait3A_886 : memref<4x1024xf32, #tpu.memory_space<hbm>>)
          %dma_wait3A_891 = arith.constant 0 : i32
          %dma_wait3A_892 = arith.constant 2 : i32
          %dma_wait3A_893 = arith.constant 8 : i32
          %dma_wait3A_894 = arith.constant 0 : i32
          %dma_wait3A_895 = tpu.memref_slice %arg7[%dma_wait3A_891, %dma_wait3A_893, %dma_wait3A_894] : memref<4x16x1024xf32, #tpu.memory_space<vmem>> -> memref<1x4x1024xf32, #tpu.memory_space<vmem>>
          %dma_wait3A_896 = tpu.memref_squeeze %dma_wait3A_895 : memref<1x4x1024xf32, #tpu.memory_space<vmem>> -> memref<4x1024xf32, #tpu.memory_space<vmem>>
          %dma_wait3A_897 = arith.constant 0 : i32
          %dma_wait3A_898 = tpu.memref_slice %arg5[%dma_wait3A_892, %add3A_855, %dma_wait3A_897] : memref<4x8192x1024xf32, #tpu.memory_space<hbm>> -> memref<1x4x1024xf32, #tpu.memory_space<hbm>>
          %dma_wait3A_899 = tpu.memref_squeeze %dma_wait3A_898 : memref<1x4x1024xf32, #tpu.memory_space<hbm>> -> memref<4x1024xf32, #tpu.memory_space<hbm>>
          %dma_wait3A_900 = arith.constant 0 : i32
          %dma_wait3A_901 = tpu.memref_slice %arg5[%dma_wait3A_892, %add3A_855, %dma_wait3A_900] : memref<4x8192x1024xf32, #tpu.memory_space<hbm>> -> memref<1x4x1024xf32, #tpu.memory_space<hbm>>
          %dma_wait3A_902 = tpu.memref_squeeze %dma_wait3A_901 : memref<1x4x1024xf32, #tpu.memory_space<hbm>> -> memref<4x1024xf32, #tpu.memory_space<hbm>>
          %dma_wait3A_903 = arith.constant 8 : i32
          %dma_wait3A_904 = arith.constant 0 : i32
          %dma_wait3A_905 = tpu.memref_slice %arg7[%dma_wait3A_891, %dma_wait3A_903, %dma_wait3A_904] : memref<4x16x1024xf32, #tpu.memory_space<vmem>> -> memref<1x4x1024xf32, #tpu.memory_space<vmem>>
          %dma_wait3A_906 = tpu.memref_squeeze %dma_wait3A_905 : memref<1x4x1024xf32, #tpu.memory_space<vmem>> -> memref<4x1024xf32, #tpu.memory_space<vmem>>
          tpu.wait_dma2 semaphore(%arg13 : memref<!tpu.dma_semaphore, #tpu.memory_space<semaphore_mem>>) src(%dma_wait3A_906 : memref<4x1024xf32, #tpu.memory_space<vmem>>) dst(%dma_wait3A_902 : memref<4x1024xf32, #tpu.memory_space<hbm>>)
          %dma_wait3A_907 = arith.constant 0 : i32
          %dma_wait3A_908 = arith.constant 3 : i32
          %dma_wait3A_909 = arith.constant 12 : i32
          %dma_wait3A_910 = arith.constant 0 : i32
          %dma_wait3A_911 = tpu.memref_slice %arg7[%dma_wait3A_907, %dma_wait3A_909, %dma_wait3A_910] : memref<4x16x1024xf32, #tpu.memory_space<vmem>> -> memref<1x4x1024xf32, #tpu.memory_space<vmem>>
          %dma_wait3A_912 = tpu.memref_squeeze %dma_wait3A_911 : memref<1x4x1024xf32, #tpu.memory_space<vmem>> -> memref<4x1024xf32, #tpu.memory_space<vmem>>
          %dma_wait3A_913 = arith.constant 0 : i32
          %dma_wait3A_914 = tpu.memref_slice %arg5[%dma_wait3A_908, %add3A_858, %dma_wait3A_913] : memref<4x8192x1024xf32, #tpu.memory_space<hbm>> -> memref<1x4x1024xf32, #tpu.memory_space<hbm>>
          %dma_wait3A_915 = tpu.memref_squeeze %dma_wait3A_914 : memref<1x4x1024xf32, #tpu.memory_space<hbm>> -> memref<4x1024xf32, #tpu.memory_space<hbm>>
          %dma_wait3A_916 = arith.constant 0 : i32
          %dma_wait3A_917 = tpu.memref_slice %arg5[%dma_wait3A_908, %add3A_858, %dma_wait3A_916] : memref<4x8192x1024xf32, #tpu.memory_space<hbm>> -> memref<1x4x1024xf32, #tpu.memory_space<hbm>>
          %dma_wait3A_918 = tpu.memref_squeeze %dma_wait3A_917 : memref<1x4x1024xf32, #tpu.memory_space<hbm>> -> memref<4x1024xf32, #tpu.memory_space<hbm>>
          %dma_wait3A_919 = arith.constant 12 : i32
          %dma_wait3A_920 = arith.constant 0 : i32
          %dma_wait3A_921 = tpu.memref_slice %arg7[%dma_wait3A_907, %dma_wait3A_919, %dma_wait3A_920] : memref<4x16x1024xf32, #tpu.memory_space<vmem>> -> memref<1x4x1024xf32, #tpu.memory_space<vmem>>
          %dma_wait3A_922 = tpu.memref_squeeze %dma_wait3A_921 : memref<1x4x1024xf32, #tpu.memory_space<vmem>> -> memref<4x1024xf32, #tpu.memory_space<vmem>>
          tpu.wait_dma2 semaphore(%arg13 : memref<!tpu.dma_semaphore, #tpu.memory_space<semaphore_mem>>) src(%dma_wait3A_922 : memref<4x1024xf32, #tpu.memory_space<vmem>>) dst(%dma_wait3A_918 : memref<4x1024xf32, #tpu.memory_space<hbm>>)
        } else {
        }
        %add3A_817 = arith.constant 2 : i32
        %add3A_818 = arith.addi %add3A_582, %add3A_817 : i32
        %mul3A_819 = arith.constant 4 : i32
        %mul3A_820 = arith.muli %add3A_818, %mul3A_819 : i32
        %add3A_821 = arith.addi %mul3A_2, %mul3A_820 : i32
        %dma_start3A_822 = arith.constant 0 : i32
        %dma_start3A_823 = arith.constant 0 : i32
        %dma_start3A_824 = arith.constant 0 : i32
        %dma_start3A_825 = tpu.memref_slice %arg8[%dma_start3A_822, %dma_start3A_823, %dma_start3A_824] : memref<4x4x1024xf32, #tpu.memory_space<vmem>> -> memref<1x4x1024xf32, #tpu.memory_space<vmem>>
        %dma_start3A_826 = tpu.memref_squeeze %dma_start3A_825 : memref<1x4x1024xf32, #tpu.memory_space<vmem>> -> memref<4x1024xf32, #tpu.memory_space<vmem>>
        %dma_start3A_827 = arith.constant 0 : i32
        %dma_start3A_828 = tpu.memref_slice %arg4[%add3A_821, %dma_start3A_827] : memref<8192x1024xf32, #tpu.memory_space<hbm>> -> memref<4x1024xf32, #tpu.memory_space<hbm>>
        %dma_start3A_829 = arith.constant 0 : i32
        %dma_start3A_830 = arith.constant 0 : i32
        %dma_start3A_831 = tpu.memref_slice %arg8[%dma_start3A_822, %dma_start3A_829, %dma_start3A_830] : memref<4x4x1024xf32, #tpu.memory_space<vmem>> -> memref<1x4x1024xf32, #tpu.memory_space<vmem>>
        %dma_start3A_832 = tpu.memref_squeeze %dma_start3A_831 : memref<1x4x1024xf32, #tpu.memory_space<vmem>> -> memref<4x1024xf32, #tpu.memory_space<vmem>>
        %dma_start3A_833 = arith.constant 0 : i32
        %dma_start3A_834 = tpu.memref_slice %arg4[%add3A_821, %dma_start3A_833] : memref<8192x1024xf32, #tpu.memory_space<hbm>> -> memref<4x1024xf32, #tpu.memory_space<hbm>>
        tpu.enqueue_dma source(%dma_start3A_834 : memref<4x1024xf32, #tpu.memory_space<hbm>>) target(%dma_start3A_832 : memref<4x1024xf32, #tpu.memory_space<vmem>>) target_semaphore(%arg9 : memref<!tpu.dma_semaphore, #tpu.memory_space<semaphore_mem>>)
        %dma_start3A_835 = arith.constant 0 : i32
        %dma_start3A_836 = arith.constant 0 : i32
        %dma_start3A_837 = arith.constant 0 : i32
        %dma_start3A_838 = tpu.memref_slice %arg7[%dma_start3A_835, %dma_start3A_836, %dma_start3A_837] : memref<4x16x1024xf32, #tpu.memory_space<vmem>> -> memref<1x16x1024xf32, #tpu.memory_space<vmem>>
        %dma_start3A_839 = tpu.memref_squeeze %dma_start3A_838 : memref<1x16x1024xf32, #tpu.memory_space<vmem>> -> memref<16x1024xf32, #tpu.memory_space<vmem>>
        %dma_start3A_840 = arith.constant 0 : i32
        %dma_start3A_841 = tpu.memref_slice %arg6[%add3A_818, %dma_start3A_840] : memref<64x16xi32, #tpu.memory_space<vmem>> -> memref<1x16xi32, #tpu.memory_space<vmem>>
        %dma_start3A_842 = tpu.memref_squeeze %dma_start3A_841 : memref<1x16xi32, #tpu.memory_space<vmem>> -> memref<16xi32, #tpu.memory_space<vmem>>
        %dma_start3A_843 = arith.constant 0 : i32
        %dma_start3A_844 = arith.constant 0 : i32
        %dma_start3A_845 = tpu.memref_slice %arg3[%dma_start3A_843, %dma_start3A_844] : memref<100000x1024xf32, #tpu.memory_space<hbm>> -> memref<100000x1024xf32, #tpu.memory_space<hbm>>
        tpu.enqueue_indirect_dma source(%dma_start3A_845 : memref<100000x1024xf32, #tpu.memory_space<hbm>>) target(%dma_start3A_839 : memref<16x1024xf32, #tpu.memory_space<vmem>>) offsets(%dma_start3A_842 : memref<16xi32, #tpu.memory_space<vmem>>) semaphore(%arg9 : memref<!tpu.dma_semaphore, #tpu.memory_space<semaphore_mem>>)
      } else {
      }
      %mul3A_590 = arith.constant 4 : i32
      %mul3A_591 = arith.muli %add3A_582, %mul3A_590 : i32
      %add3A_592 = arith.addi %mul3A_2, %mul3A_591 : i32
      %dma_wait3A_593 = arith.constant 2 : i32
      %dma_wait3A_594 = arith.constant 0 : i32
      %dma_wait3A_595 = arith.constant 0 : i32
      %dma_wait3A_596 = tpu.memref_slice %arg8[%dma_wait3A_593, %dma_wait3A_594, %dma_wait3A_595] : memref<4x4x1024xf32, #tpu.memory_space<vmem>> -> memref<1x4x1024xf32, #tpu.memory_space<vmem>>
      %dma_wait3A_597 = tpu.memref_squeeze %dma_wait3A_596 : memref<1x4x1024xf32, #tpu.memory_space<vmem>> -> memref<4x1024xf32, #tpu.memory_space<vmem>>
      %dma_wait3A_598 = arith.constant 0 : i32
      %dma_wait3A_599 = tpu.memref_slice %arg4[%add3A_592, %dma_wait3A_598] : memref<8192x1024xf32, #tpu.memory_space<hbm>> -> memref<4x1024xf32, #tpu.memory_space<hbm>>
      %dma_wait3A_600 = arith.constant 0 : i32
      %dma_wait3A_601 = arith.constant 0 : i32
      %dma_wait3A_602 = tpu.memref_slice %arg8[%dma_wait3A_593, %dma_wait3A_600, %dma_wait3A_601] : memref<4x4x1024xf32, #tpu.memory_space<vmem>> -> memref<1x4x1024xf32, #tpu.memory_space<vmem>>
      %dma_wait3A_603 = tpu.memref_squeeze %dma_wait3A_602 : memref<1x4x1024xf32, #tpu.memory_space<vmem>> -> memref<4x1024xf32, #tpu.memory_space<vmem>>
      %dma_wait3A_604 = arith.constant 0 : i32
      %dma_wait3A_605 = tpu.memref_slice %arg4[%add3A_592, %dma_wait3A_604] : memref<8192x1024xf32, #tpu.memory_space<hbm>> -> memref<4x1024xf32, #tpu.memory_space<hbm>>
      tpu.wait_dma2 semaphore(%arg11 : memref<!tpu.dma_semaphore, #tpu.memory_space<semaphore_mem>>) src(%dma_wait3A_605 : memref<4x1024xf32, #tpu.memory_space<hbm>>) dst(%dma_wait3A_603 : memref<4x1024xf32, #tpu.memory_space<vmem>>)
      %dma_wait3A_606 = arith.constant 2 : i32
      %dma_wait3A_607 = arith.constant 0 : i32
      %dma_wait3A_608 = arith.constant 0 : i32
      %dma_wait3A_609 = tpu.memref_slice %arg7[%dma_wait3A_606, %dma_wait3A_607, %dma_wait3A_608] : memref<4x16x1024xf32, #tpu.memory_space<vmem>> -> memref<1x16x1024xf32, #tpu.memory_space<vmem>>
      %dma_wait3A_610 = tpu.memref_squeeze %dma_wait3A_609 : memref<1x16x1024xf32, #tpu.memory_space<vmem>> -> memref<16x1024xf32, #tpu.memory_space<vmem>>
      %dma_wait3A_611 = arith.constant 0 : i32
      %dma_wait3A_612 = tpu.memref_slice %arg6[%add3A_582, %dma_wait3A_611] : memref<64x16xi32, #tpu.memory_space<vmem>> -> memref<1x16xi32, #tpu.memory_space<vmem>>
      %dma_wait3A_613 = tpu.memref_squeeze %dma_wait3A_612 : memref<1x16xi32, #tpu.memory_space<vmem>> -> memref<16xi32, #tpu.memory_space<vmem>>
      %dma_wait3A_614 = arith.constant 0 : i32
      %dma_wait3A_615 = arith.constant 0 : i32
      %dma_wait3A_616 = tpu.memref_slice %arg3[%dma_wait3A_614, %dma_wait3A_615] : memref<100000x1024xf32, #tpu.memory_space<hbm>> -> memref<100000x1024xf32, #tpu.memory_space<hbm>>
      tpu.wait_indirect_dma semaphore(%arg11 : memref<!tpu.dma_semaphore, #tpu.memory_space<semaphore_mem>>) src(%dma_wait3A_616 : memref<100000x1024xf32, #tpu.memory_space<hbm>>) dst(%dma_wait3A_610 : memref<16x1024xf32, #tpu.memory_space<vmem>>)
      %parallel_loop3A_617 = arith.constant 0 : i32
      %parallel_loop3A_618 = arith.constant 64 : i32
      %parallel_loop3A_619 = arith.constant 1 : i32
      scf.for %parallel_loop3A_813 = %parallel_loop3A_617 to %parallel_loop3A_618 step %parallel_loop3A_619  : i32 {
        %parallel_loop3A_814 = arith.constant 16 : i32
        %parallel_loop3A_815 = arith.muli %parallel_loop3A_813, %parallel_loop3A_814 : i32
        %parallel_loop3A_816 = arith.constant 2 : i32
        %parallel_loop3A_817 = arith.constant 0 : i32
        %parallel_loop3A_818 = arith.index_cast %parallel_loop3A_816 : i32 to index
        %parallel_loop3A_819 = arith.index_cast %parallel_loop3A_817 : i32 to index
        %parallel_loop3A_820 = arith.index_cast %parallel_loop3A_815 : i32 to index
        %parallel_loop3A_821 = tpu.vector_load %arg8[%parallel_loop3A_818, %parallel_loop3A_819, %parallel_loop3A_820] {strides = array<i32>} : memref<4x4x1024xf32, #tpu.memory_space<vmem>>, vector<1x1x16xf32>,
        %parallel_loop3A_822 = vector.shape_cast %parallel_loop3A_821 : vector<1x1x16xf32> to vector<16xf32>
        %parallel_loop3A_823 = arith.constant 2 : i32
        %parallel_loop3A_824 = arith.constant 0 : i32
        %parallel_loop3A_825 = arith.index_cast %parallel_loop3A_823 : i32 to index
        %parallel_loop3A_826 = arith.index_cast %parallel_loop3A_824 : i32 to index
        %parallel_loop3A_827 = arith.index_cast %parallel_loop3A_815 : i32 to index
        %parallel_loop3A_828 = tpu.vector_load %arg7[%parallel_loop3A_825, %parallel_loop3A_826, %parallel_loop3A_827] {strides = array<i32>} : memref<4x16x1024xf32, #tpu.memory_space<vmem>>, vector<1x1x16xf32>,
        %parallel_loop3A_829 = vector.shape_cast %parallel_loop3A_828 : vector<1x1x16xf32> to vector<16xf32>
        %parallel_loop3A_830 = vector.shape_cast %parallel_loop3A_822 : vector<16xf32> to vector<1x1x16xf32>
        tpu.vector_store %arg7[%parallel_loop3A_825, %parallel_loop3A_826, %parallel_loop3A_827], %parallel_loop3A_830 {add = true, strides = array<i32>} : memref<4x16x1024xf32, #tpu.memory_space<vmem>>, vector<1x1x16xf32>,
        %parallel_loop3A_831 = arith.constant 2 : i32
        %parallel_loop3A_832 = arith.constant 4 : i32
        %parallel_loop3A_833 = arith.index_cast %parallel_loop3A_831 : i32 to index
        %parallel_loop3A_834 = arith.index_cast %parallel_loop3A_832 : i32 to index
        %parallel_loop3A_835 = arith.index_cast %parallel_loop3A_815 : i32 to index
        %parallel_loop3A_836 = tpu.vector_load %arg7[%parallel_loop3A_833, %parallel_loop3A_834, %parallel_loop3A_835] {strides = array<i32>} : memref<4x16x1024xf32, #tpu.memory_space<vmem>>, vector<1x1x16xf32>,
        %parallel_loop3A_837 = vector.shape_cast %parallel_loop3A_836 : vector<1x1x16xf32> to vector<16xf32>
        %parallel_loop3A_838 = vector.shape_cast %parallel_loop3A_822 : vector<16xf32> to vector<1x1x16xf32>
        tpu.vector_store %arg7[%parallel_loop3A_833, %parallel_loop3A_834, %parallel_loop3A_835], %parallel_loop3A_838 {add = true, strides = array<i32>} : memref<4x16x1024xf32, #tpu.memory_space<vmem>>, vector<1x1x16xf32>,
        %parallel_loop3A_839 = arith.constant 2 : i32
        %parallel_loop3A_840 = arith.constant 8 : i32
        %parallel_loop3A_841 = arith.index_cast %parallel_loop3A_839 : i32 to index
        %parallel_loop3A_842 = arith.index_cast %parallel_loop3A_840 : i32 to index
        %parallel_loop3A_843 = arith.index_cast %parallel_loop3A_815 : i32 to index
        %parallel_loop3A_844 = tpu.vector_load %arg7[%parallel_loop3A_841, %parallel_loop3A_842, %parallel_loop3A_843] {strides = array<i32>} : memref<4x16x1024xf32, #tpu.memory_space<vmem>>, vector<1x1x16xf32>,
        %parallel_loop3A_845 = vector.shape_cast %parallel_loop3A_844 : vector<1x1x16xf32> to vector<16xf32>
        %parallel_loop3A_846 = vector.shape_cast %parallel_loop3A_822 : vector<16xf32> to vector<1x1x16xf32>
        tpu.vector_store %arg7[%parallel_loop3A_841, %parallel_loop3A_842, %parallel_loop3A_843], %parallel_loop3A_846 {add = true, strides = array<i32>} : memref<4x16x1024xf32, #tpu.memory_space<vmem>>, vector<1x1x16xf32>,
        %parallel_loop3A_847 = arith.constant 2 : i32
        %parallel_loop3A_848 = arith.constant 12 : i32
        %parallel_loop3A_849 = arith.index_cast %parallel_loop3A_847 : i32 to index
        %parallel_loop3A_850 = arith.index_cast %parallel_loop3A_848 : i32 to index
        %parallel_loop3A_851 = arith.index_cast %parallel_loop3A_815 : i32 to index
        %parallel_loop3A_852 = tpu.vector_load %arg7[%parallel_loop3A_849, %parallel_loop3A_850, %parallel_loop3A_851] {strides = array<i32>} : memref<4x16x1024xf32, #tpu.memory_space<vmem>>, vector<1x1x16xf32>,
        %parallel_loop3A_853 = vector.shape_cast %parallel_loop3A_852 : vector<1x1x16xf32> to vector<16xf32>
        %parallel_loop3A_854 = vector.shape_cast %parallel_loop3A_822 : vector<16xf32> to vector<1x1x16xf32>
        tpu.vector_store %arg7[%parallel_loop3A_849, %parallel_loop3A_850, %parallel_loop3A_851], %parallel_loop3A_854 {add = true, strides = array<i32>} : memref<4x16x1024xf32, #tpu.memory_space<vmem>>, vector<1x1x16xf32>,
        %parallel_loop3A_855 = arith.constant 2 : i32
        %parallel_loop3A_856 = arith.constant 1 : i32
        %parallel_loop3A_857 = arith.index_cast %parallel_loop3A_855 : i32 to index
        %parallel_loop3A_858 = arith.index_cast %parallel_loop3A_856 : i32 to index
        %parallel_loop3A_859 = arith.index_cast %parallel_loop3A_815 : i32 to index
        %parallel_loop3A_860 = tpu.vector_load %arg8[%parallel_loop3A_857, %parallel_loop3A_858, %parallel_loop3A_859] {strides = array<i32>} : memref<4x4x1024xf32, #tpu.memory_space<vmem>>, vector<1x1x16xf32>,
        %parallel_loop3A_861 = vector.shape_cast %parallel_loop3A_860 : vector<1x1x16xf32> to vector<16xf32>
        %parallel_loop3A_862 = arith.constant 2 : i32
        %parallel_loop3A_863 = arith.constant 1 : i32
        %parallel_loop3A_864 = arith.index_cast %parallel_loop3A_862 : i32 to index
        %parallel_loop3A_865 = arith.index_cast %parallel_loop3A_863 : i32 to index
        %parallel_loop3A_866 = arith.index_cast %parallel_loop3A_815 : i32 to index
        %parallel_loop3A_867 = tpu.vector_load %arg7[%parallel_loop3A_864, %parallel_loop3A_865, %parallel_loop3A_866] {strides = array<i32>} : memref<4x16x1024xf32, #tpu.memory_space<vmem>>, vector<1x1x16xf32>,
        %parallel_loop3A_868 = vector.shape_cast %parallel_loop3A_867 : vector<1x1x16xf32> to vector<16xf32>
        %parallel_loop3A_869 = vector.shape_cast %parallel_loop3A_861 : vector<16xf32> to vector<1x1x16xf32>
        tpu.vector_store %arg7[%parallel_loop3A_864, %parallel_loop3A_865, %parallel_loop3A_866], %parallel_loop3A_869 {add = true, strides = array<i32>} : memref<4x16x1024xf32, #tpu.memory_space<vmem>>, vector<1x1x16xf32>,
        %parallel_loop3A_870 = arith.constant 2 : i32
        %parallel_loop3A_871 = arith.constant 5 : i32
        %parallel_loop3A_872 = arith.index_cast %parallel_loop3A_870 : i32 to index
        %parallel_loop3A_873 = arith.index_cast %parallel_loop3A_871 : i32 to index
        %parallel_loop3A_874 = arith.index_cast %parallel_loop3A_815 : i32 to index
        %parallel_loop3A_875 = tpu.vector_load %arg7[%parallel_loop3A_872, %parallel_loop3A_873, %parallel_loop3A_874] {strides = array<i32>} : memref<4x16x1024xf32, #tpu.memory_space<vmem>>, vector<1x1x16xf32>,
        %parallel_loop3A_876 = vector.shape_cast %parallel_loop3A_875 : vector<1x1x16xf32> to vector<16xf32>
        %parallel_loop3A_877 = vector.shape_cast %parallel_loop3A_861 : vector<16xf32> to vector<1x1x16xf32>
        tpu.vector_store %arg7[%parallel_loop3A_872, %parallel_loop3A_873, %parallel_loop3A_874], %parallel_loop3A_877 {add = true, strides = array<i32>} : memref<4x16x1024xf32, #tpu.memory_space<vmem>>, vector<1x1x16xf32>,
        %parallel_loop3A_878 = arith.constant 2 : i32
        %parallel_loop3A_879 = arith.constant 9 : i32
        %parallel_loop3A_880 = arith.index_cast %parallel_loop3A_878 : i32 to index
        %parallel_loop3A_881 = arith.index_cast %parallel_loop3A_879 : i32 to index
        %parallel_loop3A_882 = arith.index_cast %parallel_loop3A_815 : i32 to index
        %parallel_loop3A_883 = tpu.vector_load %arg7[%parallel_loop3A_880, %parallel_loop3A_881, %parallel_loop3A_882] {strides = array<i32>} : memref<4x16x1024xf32, #tpu.memory_space<vmem>>, vector<1x1x16xf32>,
        %parallel_loop3A_884 = vector.shape_cast %parallel_loop3A_883 : vector<1x1x16xf32> to vector<16xf32>
        %parallel_loop3A_885 = vector.shape_cast %parallel_loop3A_861 : vector<16xf32> to vector<1x1x16xf32>
        tpu.vector_store %arg7[%parallel_loop3A_880, %parallel_loop3A_881, %parallel_loop3A_882], %parallel_loop3A_885 {add = true, strides = array<i32>} : memref<4x16x1024xf32, #tpu.memory_space<vmem>>, vector<1x1x16xf32>,
        %parallel_loop3A_886 = arith.constant 2 : i32
        %parallel_loop3A_887 = arith.constant 13 : i32
        %parallel_loop3A_888 = arith.index_cast %parallel_loop3A_886 : i32 to index
        %parallel_loop3A_889 = arith.index_cast %parallel_loop3A_887 : i32 to index
        %parallel_loop3A_890 = arith.index_cast %parallel_loop3A_815 : i32 to index
        %parallel_loop3A_891 = tpu.vector_load %arg7[%parallel_loop3A_888, %parallel_loop3A_889, %parallel_loop3A_890] {strides = array<i32>} : memref<4x16x1024xf32, #tpu.memory_space<vmem>>, vector<1x1x16xf32>,
        %parallel_loop3A_892 = vector.shape_cast %parallel_loop3A_891 : vector<1x1x16xf32> to vector<16xf32>
        %parallel_loop3A_893 = vector.shape_cast %parallel_loop3A_861 : vector<16xf32> to vector<1x1x16xf32>
        tpu.vector_store %arg7[%parallel_loop3A_888, %parallel_loop3A_889, %parallel_loop3A_890], %parallel_loop3A_893 {add = true, strides = array<i32>} : memref<4x16x1024xf32, #tpu.memory_space<vmem>>, vector<1x1x16xf32>,
        %parallel_loop3A_894 = arith.constant 2 : i32
        %parallel_loop3A_895 = arith.constant 2 : i32
        %parallel_loop3A_896 = arith.index_cast %parallel_loop3A_894 : i32 to index
        %parallel_loop3A_897 = arith.index_cast %parallel_loop3A_895 : i32 to index
        %parallel_loop3A_898 = arith.index_cast %parallel_loop3A_815 : i32 to index
        %parallel_loop3A_899 = tpu.vector_load %arg8[%parallel_loop3A_896, %parallel_loop3A_897, %parallel_loop3A_898] {strides = array<i32>} : memref<4x4x1024xf32, #tpu.memory_space<vmem>>, vector<1x1x16xf32>,
        %parallel_loop3A_900 = vector.shape_cast %parallel_loop3A_899 : vector<1x1x16xf32> to vector<16xf32>
        %parallel_loop3A_901 = arith.constant 2 : i32
        %parallel_loop3A_902 = arith.constant 2 : i32
        %parallel_loop3A_903 = arith.index_cast %parallel_loop3A_901 : i32 to index
        %parallel_loop3A_904 = arith.index_cast %parallel_loop3A_902 : i32 to index
        %parallel_loop3A_905 = arith.index_cast %parallel_loop3A_815 : i32 to index
        %parallel_loop3A_906 = tpu.vector_load %arg7[%parallel_loop3A_903, %parallel_loop3A_904, %parallel_loop3A_905] {strides = array<i32>} : memref<4x16x1024xf32, #tpu.memory_space<vmem>>, vector<1x1x16xf32>,
        %parallel_loop3A_907 = vector.shape_cast %parallel_loop3A_906 : vector<1x1x16xf32> to vector<16xf32>
        %parallel_loop3A_908 = vector.shape_cast %parallel_loop3A_900 : vector<16xf32> to vector<1x1x16xf32>
        tpu.vector_store %arg7[%parallel_loop3A_903, %parallel_loop3A_904, %parallel_loop3A_905], %parallel_loop3A_908 {add = true, strides = array<i32>} : memref<4x16x1024xf32, #tpu.memory_space<vmem>>, vector<1x1x16xf32>,
        %parallel_loop3A_909 = arith.constant 2 : i32
        %parallel_loop3A_910 = arith.constant 6 : i32
        %parallel_loop3A_911 = arith.index_cast %parallel_loop3A_909 : i32 to index
        %parallel_loop3A_912 = arith.index_cast %parallel_loop3A_910 : i32 to index
        %parallel_loop3A_913 = arith.index_cast %parallel_loop3A_815 : i32 to index
        %parallel_loop3A_914 = tpu.vector_load %arg7[%parallel_loop3A_911, %parallel_loop3A_912, %parallel_loop3A_913] {strides = array<i32>} : memref<4x16x1024xf32, #tpu.memory_space<vmem>>, vector<1x1x16xf32>,
        %parallel_loop3A_915 = vector.shape_cast %parallel_loop3A_914 : vector<1x1x16xf32> to vector<16xf32>
        %parallel_loop3A_916 = vector.shape_cast %parallel_loop3A_900 : vector<16xf32> to vector<1x1x16xf32>
        tpu.vector_store %arg7[%parallel_loop3A_911, %parallel_loop3A_912, %parallel_loop3A_913], %parallel_loop3A_916 {add = true, strides = array<i32>} : memref<4x16x1024xf32, #tpu.memory_space<vmem>>, vector<1x1x16xf32>,
        %parallel_loop3A_917 = arith.constant 2 : i32
        %parallel_loop3A_918 = arith.constant 10 : i32
        %parallel_loop3A_919 = arith.index_cast %parallel_loop3A_917 : i32 to index
        %parallel_loop3A_920 = arith.index_cast %parallel_loop3A_918 : i32 to index
        %parallel_loop3A_921 = arith.index_cast %parallel_loop3A_815 : i32 to index
        %parallel_loop3A_922 = tpu.vector_load %arg7[%parallel_loop3A_919, %parallel_loop3A_920, %parallel_loop3A_921] {strides = array<i32>} : memref<4x16x1024xf32, #tpu.memory_space<vmem>>, vector<1x1x16xf32>,
        %parallel_loop3A_923 = vector.shape_cast %parallel_loop3A_922 : vector<1x1x16xf32> to vector<16xf32>
        %parallel_loop3A_924 = vector.shape_cast %parallel_loop3A_900 : vector<16xf32> to vector<1x1x16xf32>
        tpu.vector_store %arg7[%parallel_loop3A_919, %parallel_loop3A_920, %parallel_loop3A_921], %parallel_loop3A_924 {add = true, strides = array<i32>} : memref<4x16x1024xf32, #tpu.memory_space<vmem>>, vector<1x1x16xf32>,
        %parallel_loop3A_925 = arith.constant 2 : i32
        %parallel_loop3A_926 = arith.constant 14 : i32
        %parallel_loop3A_927 = arith.index_cast %parallel_loop3A_925 : i32 to index
        %parallel_loop3A_928 = arith.index_cast %parallel_loop3A_926 : i32 to index
        %parallel_loop3A_929 = arith.index_cast %parallel_loop3A_815 : i32 to index
        %parallel_loop3A_930 = tpu.vector_load %arg7[%parallel_loop3A_927, %parallel_loop3A_928, %parallel_loop3A_929] {strides = array<i32>} : memref<4x16x1024xf32, #tpu.memory_space<vmem>>, vector<1x1x16xf32>,
        %parallel_loop3A_931 = vector.shape_cast %parallel_loop3A_930 : vector<1x1x16xf32> to vector<16xf32>
        %parallel_loop3A_932 = vector.shape_cast %parallel_loop3A_900 : vector<16xf32> to vector<1x1x16xf32>
        tpu.vector_store %arg7[%parallel_loop3A_927, %parallel_loop3A_928, %parallel_loop3A_929], %parallel_loop3A_932 {add = true, strides = array<i32>} : memref<4x16x1024xf32, #tpu.memory_space<vmem>>, vector<1x1x16xf32>,
        %parallel_loop3A_933 = arith.constant 2 : i32
        %parallel_loop3A_934 = arith.constant 3 : i32
        %parallel_loop3A_935 = arith.index_cast %parallel_loop3A_933 : i32 to index
        %parallel_loop3A_936 = arith.index_cast %parallel_loop3A_934 : i32 to index
        %parallel_loop3A_937 = arith.index_cast %parallel_loop3A_815 : i32 to index
        %parallel_loop3A_938 = tpu.vector_load %arg8[%parallel_loop3A_935, %parallel_loop3A_936, %parallel_loop3A_937] {strides = array<i32>} : memref<4x4x1024xf32, #tpu.memory_space<vmem>>, vector<1x1x16xf32>,
        %parallel_loop3A_939 = vector.shape_cast %parallel_loop3A_938 : vector<1x1x16xf32> to vector<16xf32>
        %parallel_loop3A_940 = arith.constant 2 : i32
        %parallel_loop3A_941 = arith.constant 3 : i32
        %parallel_loop3A_942 = arith.index_cast %parallel_loop3A_940 : i32 to index
        %parallel_loop3A_943 = arith.index_cast %parallel_loop3A_941 : i32 to index
        %parallel_loop3A_944 = arith.index_cast %parallel_loop3A_815 : i32 to index
        %parallel_loop3A_945 = tpu.vector_load %arg7[%parallel_loop3A_942, %parallel_loop3A_943, %parallel_loop3A_944] {strides = array<i32>} : memref<4x16x1024xf32, #tpu.memory_space<vmem>>, vector<1x1x16xf32>,
        %parallel_loop3A_946 = vector.shape_cast %parallel_loop3A_945 : vector<1x1x16xf32> to vector<16xf32>
        %parallel_loop3A_947 = vector.shape_cast %parallel_loop3A_939 : vector<16xf32> to vector<1x1x16xf32>
        tpu.vector_store %arg7[%parallel_loop3A_942, %parallel_loop3A_943, %parallel_loop3A_944], %parallel_loop3A_947 {add = true, strides = array<i32>} : memref<4x16x1024xf32, #tpu.memory_space<vmem>>, vector<1x1x16xf32>,
        %parallel_loop3A_948 = arith.constant 2 : i32
        %parallel_loop3A_949 = arith.constant 7 : i32
        %parallel_loop3A_950 = arith.index_cast %parallel_loop3A_948 : i32 to index
        %parallel_loop3A_951 = arith.index_cast %parallel_loop3A_949 : i32 to index
        %parallel_loop3A_952 = arith.index_cast %parallel_loop3A_815 : i32 to index
        %parallel_loop3A_953 = tpu.vector_load %arg7[%parallel_loop3A_950, %parallel_loop3A_951, %parallel_loop3A_952] {strides = array<i32>} : memref<4x16x1024xf32, #tpu.memory_space<vmem>>, vector<1x1x16xf32>,
        %parallel_loop3A_954 = vector.shape_cast %parallel_loop3A_953 : vector<1x1x16xf32> to vector<16xf32>
        %parallel_loop3A_955 = vector.shape_cast %parallel_loop3A_939 : vector<16xf32> to vector<1x1x16xf32>
        tpu.vector_store %arg7[%parallel_loop3A_950, %parallel_loop3A_951, %parallel_loop3A_952], %parallel_loop3A_955 {add = true, strides = array<i32>} : memref<4x16x1024xf32, #tpu.memory_space<vmem>>, vector<1x1x16xf32>,
        %parallel_loop3A_956 = arith.constant 2 : i32
        %parallel_loop3A_957 = arith.constant 11 : i32
        %parallel_loop3A_958 = arith.index_cast %parallel_loop3A_956 : i32 to index
        %parallel_loop3A_959 = arith.index_cast %parallel_loop3A_957 : i32 to index
        %parallel_loop3A_960 = arith.index_cast %parallel_loop3A_815 : i32 to index
        %parallel_loop3A_961 = tpu.vector_load %arg7[%parallel_loop3A_958, %parallel_loop3A_959, %parallel_loop3A_960] {strides = array<i32>} : memref<4x16x1024xf32, #tpu.memory_space<vmem>>, vector<1x1x16xf32>,
        %parallel_loop3A_962 = vector.shape_cast %parallel_loop3A_961 : vector<1x1x16xf32> to vector<16xf32>
        %parallel_loop3A_963 = vector.shape_cast %parallel_loop3A_939 : vector<16xf32> to vector<1x1x16xf32>
        tpu.vector_store %arg7[%parallel_loop3A_958, %parallel_loop3A_959, %parallel_loop3A_960], %parallel_loop3A_963 {add = true, strides = array<i32>} : memref<4x16x1024xf32, #tpu.memory_space<vmem>>, vector<1x1x16xf32>,
        %parallel_loop3A_964 = arith.constant 2 : i32
        %parallel_loop3A_965 = arith.constant 15 : i32
        %parallel_loop3A_966 = arith.index_cast %parallel_loop3A_964 : i32 to index
        %parallel_loop3A_967 = arith.index_cast %parallel_loop3A_965 : i32 to index
        %parallel_loop3A_968 = arith.index_cast %parallel_loop3A_815 : i32 to index
        %parallel_loop3A_969 = tpu.vector_load %arg7[%parallel_loop3A_966, %parallel_loop3A_967, %parallel_loop3A_968] {strides = array<i32>} : memref<4x16x1024xf32, #tpu.memory_space<vmem>>, vector<1x1x16xf32>,
        %parallel_loop3A_970 = vector.shape_cast %parallel_loop3A_969 : vector<1x1x16xf32> to vector<16xf32>
        %parallel_loop3A_971 = vector.shape_cast %parallel_loop3A_939 : vector<16xf32> to vector<1x1x16xf32>
        tpu.vector_store %arg7[%parallel_loop3A_966, %parallel_loop3A_967, %parallel_loop3A_968], %parallel_loop3A_971 {add = true, strides = array<i32>} : memref<4x16x1024xf32, #tpu.memory_space<vmem>>, vector<1x1x16xf32>,
      } {sc.loop_unroll_factor = 2 : i64, sc.parallel_access}
      %mul3A_620 = arith.constant 4 : i32
      %mul3A_621 = arith.muli %add3A_582, %mul3A_620 : i32
      %add3A_622 = arith.addi %mul3A_2, %mul3A_621 : i32
      %mul3A_623 = arith.constant 4 : i32
      %mul3A_624 = arith.muli %add3A_582, %mul3A_623 : i32
      %add3A_625 = arith.addi %mul3A_2, %mul3A_624 : i32
      %mul3A_626 = arith.constant 4 : i32
      %mul3A_627 = arith.muli %add3A_582, %mul3A_626 : i32
      %add3A_628 = arith.addi %mul3A_2, %mul3A_627 : i32
      %mul3A_629 = arith.constant 4 : i32
      %mul3A_630 = arith.muli %add3A_582, %mul3A_629 : i32
      %add3A_631 = arith.addi %mul3A_2, %mul3A_630 : i32
      %dma_start3A_632 = arith.constant 2 : i32
      %dma_start3A_633 = arith.constant 0 : i32
      %dma_start3A_634 = arith.constant 0 : i32
      %dma_start3A_635 = arith.constant 0 : i32
      %dma_start3A_636 = tpu.memref_slice %arg7[%dma_start3A_632, %dma_start3A_634, %dma_start3A_635] : memref<4x16x1024xf32, #tpu.memory_space<vmem>> -> memref<1x4x1024xf32, #tpu.memory_space<vmem>>
      %dma_start3A_637 = tpu.memref_squeeze %dma_start3A_636 : memref<1x4x1024xf32, #tpu.memory_space<vmem>> -> memref<4x1024xf32, #tpu.memory_space<vmem>>
      %dma_start3A_638 = arith.constant 0 : i32
      %dma_start3A_639 = tpu.memref_slice %arg5[%dma_start3A_633, %add3A_622, %dma_start3A_638] : memref<4x8192x1024xf32, #tpu.memory_space<hbm>> -> memref<1x4x1024xf32, #tpu.memory_space<hbm>>
      %dma_start3A_640 = tpu.memref_squeeze %dma_start3A_639 : memref<1x4x1024xf32, #tpu.memory_space<hbm>> -> memref<4x1024xf32, #tpu.memory_space<hbm>>
      %dma_start3A_641 = arith.constant 0 : i32
      %dma_start3A_642 = tpu.memref_slice %arg5[%dma_start3A_633, %add3A_622, %dma_start3A_641] : memref<4x8192x1024xf32, #tpu.memory_space<hbm>> -> memref<1x4x1024xf32, #tpu.memory_space<hbm>>
      %dma_start3A_643 = tpu.memref_squeeze %dma_start3A_642 : memref<1x4x1024xf32, #tpu.memory_space<hbm>> -> memref<4x1024xf32, #tpu.memory_space<hbm>>
      %dma_start3A_644 = arith.constant 0 : i32
      %dma_start3A_645 = arith.constant 0 : i32
      %dma_start3A_646 = tpu.memref_slice %arg7[%dma_start3A_632, %dma_start3A_644, %dma_start3A_645] : memref<4x16x1024xf32, #tpu.memory_space<vmem>> -> memref<1x4x1024xf32, #tpu.memory_space<vmem>>
      %dma_start3A_647 = tpu.memref_squeeze %dma_start3A_646 : memref<1x4x1024xf32, #tpu.memory_space<vmem>> -> memref<4x1024xf32, #tpu.memory_space<vmem>>
      tpu.enqueue_dma source(%dma_start3A_647 : memref<4x1024xf32, #tpu.memory_space<vmem>>) target(%dma_start3A_643 : memref<4x1024xf32, #tpu.memory_space<hbm>>) target_semaphore(%arg15 : memref<!tpu.dma_semaphore, #tpu.memory_space<semaphore_mem>>)
      %dma_start3A_648 = arith.constant 2 : i32
      %dma_start3A_649 = arith.constant 1 : i32
      %dma_start3A_650 = arith.constant 4 : i32
      %dma_start3A_651 = arith.constant 0 : i32
      %dma_start3A_652 = tpu.memref_slice %arg7[%dma_start3A_648, %dma_start3A_650, %dma_start3A_651] : memref<4x16x1024xf32, #tpu.memory_space<vmem>> -> memref<1x4x1024xf32, #tpu.memory_space<vmem>>
      %dma_start3A_653 = tpu.memref_squeeze %dma_start3A_652 : memref<1x4x1024xf32, #tpu.memory_space<vmem>> -> memref<4x1024xf32, #tpu.memory_space<vmem>>
      %dma_start3A_654 = arith.constant 0 : i32
      %dma_start3A_655 = tpu.memref_slice %arg5[%dma_start3A_649, %add3A_625, %dma_start3A_654] : memref<4x8192x1024xf32, #tpu.memory_space<hbm>> -> memref<1x4x1024xf32, #tpu.memory_space<hbm>>
      %dma_start3A_656 = tpu.memref_squeeze %dma_start3A_655 : memref<1x4x1024xf32, #tpu.memory_space<hbm>> -> memref<4x1024xf32, #tpu.memory_space<hbm>>
      %dma_start3A_657 = arith.constant 0 : i32
      %dma_start3A_658 = tpu.memref_slice %arg5[%dma_start3A_649, %add3A_625, %dma_start3A_657] : memref<4x8192x1024xf32, #tpu.memory_space<hbm>> -> memref<1x4x1024xf32, #tpu.memory_space<hbm>>
      %dma_start3A_659 = tpu.memref_squeeze %dma_start3A_658 : memref<1x4x1024xf32, #tpu.memory_space<hbm>> -> memref<4x1024xf32, #tpu.memory_space<hbm>>
      %dma_start3A_660 = arith.constant 4 : i32
      %dma_start3A_661 = arith.constant 0 : i32
      %dma_start3A_662 = tpu.memref_slice %arg7[%dma_start3A_648, %dma_start3A_660, %dma_start3A_661] : memref<4x16x1024xf32, #tpu.memory_space<vmem>> -> memref<1x4x1024xf32, #tpu.memory_space<vmem>>
      %dma_start3A_663 = tpu.memref_squeeze %dma_start3A_662 : memref<1x4x1024xf32, #tpu.memory_space<vmem>> -> memref<4x1024xf32, #tpu.memory_space<vmem>>
      tpu.enqueue_dma source(%dma_start3A_663 : memref<4x1024xf32, #tpu.memory_space<vmem>>) target(%dma_start3A_659 : memref<4x1024xf32, #tpu.memory_space<hbm>>) target_semaphore(%arg15 : memref<!tpu.dma_semaphore, #tpu.memory_space<semaphore_mem>>)
      %dma_start3A_664 = arith.constant 2 : i32
      %dma_start3A_665 = arith.constant 2 : i32
      %dma_start3A_666 = arith.constant 8 : i32
      %dma_start3A_667 = arith.constant 0 : i32
      %dma_start3A_668 = tpu.memref_slice %arg7[%dma_start3A_664, %dma_start3A_666, %dma_start3A_667] : memref<4x16x1024xf32, #tpu.memory_space<vmem>> -> memref<1x4x1024xf32, #tpu.memory_space<vmem>>
      %dma_start3A_669 = tpu.memref_squeeze %dma_start3A_668 : memref<1x4x1024xf32, #tpu.memory_space<vmem>> -> memref<4x1024xf32, #tpu.memory_space<vmem>>
      %dma_start3A_670 = arith.constant 0 : i32
      %dma_start3A_671 = tpu.memref_slice %arg5[%dma_start3A_665, %add3A_628, %dma_start3A_670] : memref<4x8192x1024xf32, #tpu.memory_space<hbm>> -> memref<1x4x1024xf32, #tpu.memory_space<hbm>>
      %dma_start3A_672 = tpu.memref_squeeze %dma_start3A_671 : memref<1x4x1024xf32, #tpu.memory_space<hbm>> -> memref<4x1024xf32, #tpu.memory_space<hbm>>
      %dma_start3A_673 = arith.constant 0 : i32
      %dma_start3A_674 = tpu.memref_slice %arg5[%dma_start3A_665, %add3A_628, %dma_start3A_673] : memref<4x8192x1024xf32, #tpu.memory_space<hbm>> -> memref<1x4x1024xf32, #tpu.memory_space<hbm>>
      %dma_start3A_675 = tpu.memref_squeeze %dma_start3A_674 : memref<1x4x1024xf32, #tpu.memory_space<hbm>> -> memref<4x1024xf32, #tpu.memory_space<hbm>>
      %dma_start3A_676 = arith.constant 8 : i32
      %dma_start3A_677 = arith.constant 0 : i32
      %dma_start3A_678 = tpu.memref_slice %arg7[%dma_start3A_664, %dma_start3A_676, %dma_start3A_677] : memref<4x16x1024xf32, #tpu.memory_space<vmem>> -> memref<1x4x1024xf32, #tpu.memory_space<vmem>>
      %dma_start3A_679 = tpu.memref_squeeze %dma_start3A_678 : memref<1x4x1024xf32, #tpu.memory_space<vmem>> -> memref<4x1024xf32, #tpu.memory_space<vmem>>
      tpu.enqueue_dma source(%dma_start3A_679 : memref<4x1024xf32, #tpu.memory_space<vmem>>) target(%dma_start3A_675 : memref<4x1024xf32, #tpu.memory_space<hbm>>) target_semaphore(%arg15 : memref<!tpu.dma_semaphore, #tpu.memory_space<semaphore_mem>>)
      %dma_start3A_680 = arith.constant 2 : i32
      %dma_start3A_681 = arith.constant 3 : i32
      %dma_start3A_682 = arith.constant 12 : i32
      %dma_start3A_683 = arith.constant 0 : i32
      %dma_start3A_684 = tpu.memref_slice %arg7[%dma_start3A_680, %dma_start3A_682, %dma_start3A_683] : memref<4x16x1024xf32, #tpu.memory_space<vmem>> -> memref<1x4x1024xf32, #tpu.memory_space<vmem>>
      %dma_start3A_685 = tpu.memref_squeeze %dma_start3A_684 : memref<1x4x1024xf32, #tpu.memory_space<vmem>> -> memref<4x1024xf32, #tpu.memory_space<vmem>>
      %dma_start3A_686 = arith.constant 0 : i32
      %dma_start3A_687 = tpu.memref_slice %arg5[%dma_start3A_681, %add3A_631, %dma_start3A_686] : memref<4x8192x1024xf32, #tpu.memory_space<hbm>> -> memref<1x4x1024xf32, #tpu.memory_space<hbm>>
      %dma_start3A_688 = tpu.memref_squeeze %dma_start3A_687 : memref<1x4x1024xf32, #tpu.memory_space<hbm>> -> memref<4x1024xf32, #tpu.memory_space<hbm>>
      %dma_start3A_689 = arith.constant 0 : i32
      %dma_start3A_690 = tpu.memref_slice %arg5[%dma_start3A_681, %add3A_631, %dma_start3A_689] : memref<4x8192x1024xf32, #tpu.memory_space<hbm>> -> memref<1x4x1024xf32, #tpu.memory_space<hbm>>
      %dma_start3A_691 = tpu.memref_squeeze %dma_start3A_690 : memref<1x4x1024xf32, #tpu.memory_space<hbm>> -> memref<4x1024xf32, #tpu.memory_space<hbm>>
      %dma_start3A_692 = arith.constant 12 : i32
      %dma_start3A_693 = arith.constant 0 : i32
      %dma_start3A_694 = tpu.memref_slice %arg7[%dma_start3A_680, %dma_start3A_692, %dma_start3A_693] : memref<4x16x1024xf32, #tpu.memory_space<vmem>> -> memref<1x4x1024xf32, #tpu.memory_space<vmem>>
      %dma_start3A_695 = tpu.memref_squeeze %dma_start3A_694 : memref<1x4x1024xf32, #tpu.memory_space<vmem>> -> memref<4x1024xf32, #tpu.memory_space<vmem>>
      tpu.enqueue_dma source(%dma_start3A_695 : memref<4x1024xf32, #tpu.memory_space<vmem>>) target(%dma_start3A_691 : memref<4x1024xf32, #tpu.memory_space<hbm>>) target_semaphore(%arg15 : memref<!tpu.dma_semaphore, #tpu.memory_space<semaphore_mem>>)
      %mul3A_696 = arith.constant 4 : i32
      %mul3A_697 = arith.muli %scan3A_348, %mul3A_696 : i32
      %add3A_698 = arith.constant 3 : i32
      %add3A_699 = arith.addi %mul3A_697, %add3A_698 : i32
      %add3A_700 = arith.constant 2 : i32
      %add3A_701 = arith.addi %add3A_699, %add3A_700 : i32
      %lt3A_702 = arith.constant 64 : i32
      %lt3A_703 = arith.cmpi slt, %add3A_701, %lt3A_702 : i32
      %convert_element_type3A_704 = arith.extui %lt3A_703 : i1 to i32
      %cond3A_705 = arith.constant 0 : i32
      %cond3A_706 = arith.cmpi ne, %convert_element_type3A_704, %cond3A_705 : i32
      scf.if %cond3A_706 {
        %ge3A = arith.constant 2 : i32
        %ge3A_813 = arith.cmpi sge, %add3A_699, %ge3A : i32
        %convert_element_type3A_814 = arith.extui %ge3A_813 : i1 to i32
        %cond3A_815 = arith.constant 0 : i32
        %cond3A_816 = arith.cmpi ne, %convert_element_type3A_814, %cond3A_815 : i32
        scf.if %cond3A_816 {
          %sub3A = arith.constant 2 : i32
          %sub3A_846 = arith.subi %add3A_699, %sub3A : i32
          %mul3A_847 = arith.constant 4 : i32
          %mul3A_848 = arith.muli %sub3A_846, %mul3A_847 : i32
          %add3A_849 = arith.addi %mul3A_2, %mul3A_848 : i32
          %mul3A_850 = arith.constant 4 : i32
          %mul3A_851 = arith.muli %sub3A_846, %mul3A_850 : i32
          %add3A_852 = arith.addi %mul3A_2, %mul3A_851 : i32
          %mul3A_853 = arith.constant 4 : i32
          %mul3A_854 = arith.muli %sub3A_846, %mul3A_853 : i32
          %add3A_855 = arith.addi %mul3A_2, %mul3A_854 : i32
          %mul3A_856 = arith.constant 4 : i32
          %mul3A_857 = arith.muli %sub3A_846, %mul3A_856 : i32
          %add3A_858 = arith.addi %mul3A_2, %mul3A_857 : i32
          %dma_wait3A_859 = arith.constant 1 : i32
          %dma_wait3A_860 = arith.constant 0 : i32
          %dma_wait3A_861 = arith.constant 0 : i32
          %dma_wait3A_862 = arith.constant 0 : i32
          %dma_wait3A_863 = tpu.memref_slice %arg7[%dma_wait3A_859, %dma_wait3A_861, %dma_wait3A_862] : memref<4x16x1024xf32, #tpu.memory_space<vmem>> -> memref<1x4x1024xf32, #tpu.memory_space<vmem>>
          %dma_wait3A_864 = tpu.memref_squeeze %dma_wait3A_863 : memref<1x4x1024xf32, #tpu.memory_space<vmem>> -> memref<4x1024xf32, #tpu.memory_space<vmem>>
          %dma_wait3A_865 = arith.constant 0 : i32
          %dma_wait3A_866 = tpu.memref_slice %arg5[%dma_wait3A_860, %add3A_849, %dma_wait3A_865] : memref<4x8192x1024xf32, #tpu.memory_space<hbm>> -> memref<1x4x1024xf32, #tpu.memory_space<hbm>>
          %dma_wait3A_867 = tpu.memref_squeeze %dma_wait3A_866 : memref<1x4x1024xf32, #tpu.memory_space<hbm>> -> memref<4x1024xf32, #tpu.memory_space<hbm>>
          %dma_wait3A_868 = arith.constant 0 : i32
          %dma_wait3A_869 = tpu.memref_slice %arg5[%dma_wait3A_860, %add3A_849, %dma_wait3A_868] : memref<4x8192x1024xf32, #tpu.memory_space<hbm>> -> memref<1x4x1024xf32, #tpu.memory_space<hbm>>
          %dma_wait3A_870 = tpu.memref_squeeze %dma_wait3A_869 : memref<1x4x1024xf32, #tpu.memory_space<hbm>> -> memref<4x1024xf32, #tpu.memory_space<hbm>>
          %dma_wait3A_871 = arith.constant 0 : i32
          %dma_wait3A_872 = arith.constant 0 : i32
          %dma_wait3A_873 = tpu.memref_slice %arg7[%dma_wait3A_859, %dma_wait3A_871, %dma_wait3A_872] : memref<4x16x1024xf32, #tpu.memory_space<vmem>> -> memref<1x4x1024xf32, #tpu.memory_space<vmem>>
          %dma_wait3A_874 = tpu.memref_squeeze %dma_wait3A_873 : memref<1x4x1024xf32, #tpu.memory_space<vmem>> -> memref<4x1024xf32, #tpu.memory_space<vmem>>
          tpu.wait_dma2 semaphore(%arg14 : memref<!tpu.dma_semaphore, #tpu.memory_space<semaphore_mem>>) src(%dma_wait3A_874 : memref<4x1024xf32, #tpu.memory_space<vmem>>) dst(%dma_wait3A_870 : memref<4x1024xf32, #tpu.memory_space<hbm>>)
          %dma_wait3A_875 = arith.constant 1 : i32
          %dma_wait3A_876 = arith.constant 1 : i32
          %dma_wait3A_877 = arith.constant 4 : i32
          %dma_wait3A_878 = arith.constant 0 : i32
          %dma_wait3A_879 = tpu.memref_slice %arg7[%dma_wait3A_875, %dma_wait3A_877, %dma_wait3A_878] : memref<4x16x1024xf32, #tpu.memory_space<vmem>> -> memref<1x4x1024xf32, #tpu.memory_space<vmem>>
          %dma_wait3A_880 = tpu.memref_squeeze %dma_wait3A_879 : memref<1x4x1024xf32, #tpu.memory_space<vmem>> -> memref<4x1024xf32, #tpu.memory_space<vmem>>
          %dma_wait3A_881 = arith.constant 0 : i32
          %dma_wait3A_882 = tpu.memref_slice %arg5[%dma_wait3A_876, %add3A_852, %dma_wait3A_881] : memref<4x8192x1024xf32, #tpu.memory_space<hbm>> -> memref<1x4x1024xf32, #tpu.memory_space<hbm>>
          %dma_wait3A_883 = tpu.memref_squeeze %dma_wait3A_882 : memref<1x4x1024xf32, #tpu.memory_space<hbm>> -> memref<4x1024xf32, #tpu.memory_space<hbm>>
          %dma_wait3A_884 = arith.constant 0 : i32
          %dma_wait3A_885 = tpu.memref_slice %arg5[%dma_wait3A_876, %add3A_852, %dma_wait3A_884] : memref<4x8192x1024xf32, #tpu.memory_space<hbm>> -> memref<1x4x1024xf32, #tpu.memory_space<hbm>>
          %dma_wait3A_886 = tpu.memref_squeeze %dma_wait3A_885 : memref<1x4x1024xf32, #tpu.memory_space<hbm>> -> memref<4x1024xf32, #tpu.memory_space<hbm>>
          %dma_wait3A_887 = arith.constant 4 : i32
          %dma_wait3A_888 = arith.constant 0 : i32
          %dma_wait3A_889 = tpu.memref_slice %arg7[%dma_wait3A_875, %dma_wait3A_887, %dma_wait3A_888] : memref<4x16x1024xf32, #tpu.memory_space<vmem>> -> memref<1x4x1024xf32, #tpu.memory_space<vmem>>
          %dma_wait3A_890 = tpu.memref_squeeze %dma_wait3A_889 : memref<1x4x1024xf32, #tpu.memory_space<vmem>> -> memref<4x1024xf32, #tpu.memory_space<vmem>>
          tpu.wait_dma2 semaphore(%arg14 : memref<!tpu.dma_semaphore, #tpu.memory_space<semaphore_mem>>) src(%dma_wait3A_890 : memref<4x1024xf32, #tpu.memory_space<vmem>>) dst(%dma_wait3A_886 : memref<4x1024xf32, #tpu.memory_space<hbm>>)
          %dma_wait3A_891 = arith.constant 1 : i32
          %dma_wait3A_892 = arith.constant 2 : i32
          %dma_wait3A_893 = arith.constant 8 : i32
          %dma_wait3A_894 = arith.constant 0 : i32
          %dma_wait3A_895 = tpu.memref_slice %arg7[%dma_wait3A_891, %dma_wait3A_893, %dma_wait3A_894] : memref<4x16x1024xf32, #tpu.memory_space<vmem>> -> memref<1x4x1024xf32, #tpu.memory_space<vmem>>
          %dma_wait3A_896 = tpu.memref_squeeze %dma_wait3A_895 : memref<1x4x1024xf32, #tpu.memory_space<vmem>> -> memref<4x1024xf32, #tpu.memory_space<vmem>>
          %dma_wait3A_897 = arith.constant 0 : i32
          %dma_wait3A_898 = tpu.memref_slice %arg5[%dma_wait3A_892, %add3A_855, %dma_wait3A_897] : memref<4x8192x1024xf32, #tpu.memory_space<hbm>> -> memref<1x4x1024xf32, #tpu.memory_space<hbm>>
          %dma_wait3A_899 = tpu.memref_squeeze %dma_wait3A_898 : memref<1x4x1024xf32, #tpu.memory_space<hbm>> -> memref<4x1024xf32, #tpu.memory_space<hbm>>
          %dma_wait3A_900 = arith.constant 0 : i32
          %dma_wait3A_901 = tpu.memref_slice %arg5[%dma_wait3A_892, %add3A_855, %dma_wait3A_900] : memref<4x8192x1024xf32, #tpu.memory_space<hbm>> -> memref<1x4x1024xf32, #tpu.memory_space<hbm>>
          %dma_wait3A_902 = tpu.memref_squeeze %dma_wait3A_901 : memref<1x4x1024xf32, #tpu.memory_space<hbm>> -> memref<4x1024xf32, #tpu.memory_space<hbm>>
          %dma_wait3A_903 = arith.constant 8 : i32
          %dma_wait3A_904 = arith.constant 0 : i32
          %dma_wait3A_905 = tpu.memref_slice %arg7[%dma_wait3A_891, %dma_wait3A_903, %dma_wait3A_904] : memref<4x16x1024xf32, #tpu.memory_space<vmem>> -> memref<1x4x1024xf32, #tpu.memory_space<vmem>>
          %dma_wait3A_906 = tpu.memref_squeeze %dma_wait3A_905 : memref<1x4x1024xf32, #tpu.memory_space<vmem>> -> memref<4x1024xf32, #tpu.memory_space<vmem>>
          tpu.wait_dma2 semaphore(%arg14 : memref<!tpu.dma_semaphore, #tpu.memory_space<semaphore_mem>>) src(%dma_wait3A_906 : memref<4x1024xf32, #tpu.memory_space<vmem>>) dst(%dma_wait3A_902 : memref<4x1024xf32, #tpu.memory_space<hbm>>)
          %dma_wait3A_907 = arith.constant 1 : i32
          %dma_wait3A_908 = arith.constant 3 : i32
          %dma_wait3A_909 = arith.constant 12 : i32
          %dma_wait3A_910 = arith.constant 0 : i32
          %dma_wait3A_911 = tpu.memref_slice %arg7[%dma_wait3A_907, %dma_wait3A_909, %dma_wait3A_910] : memref<4x16x1024xf32, #tpu.memory_space<vmem>> -> memref<1x4x1024xf32, #tpu.memory_space<vmem>>
          %dma_wait3A_912 = tpu.memref_squeeze %dma_wait3A_911 : memref<1x4x1024xf32, #tpu.memory_space<vmem>> -> memref<4x1024xf32, #tpu.memory_space<vmem>>
          %dma_wait3A_913 = arith.constant 0 : i32
          %dma_wait3A_914 = tpu.memref_slice %arg5[%dma_wait3A_908, %add3A_858, %dma_wait3A_913] : memref<4x8192x1024xf32, #tpu.memory_space<hbm>> -> memref<1x4x1024xf32, #tpu.memory_space<hbm>>
          %dma_wait3A_915 = tpu.memref_squeeze %dma_wait3A_914 : memref<1x4x1024xf32, #tpu.memory_space<hbm>> -> memref<4x1024xf32, #tpu.memory_space<hbm>>
          %dma_wait3A_916 = arith.constant 0 : i32
          %dma_wait3A_917 = tpu.memref_slice %arg5[%dma_wait3A_908, %add3A_858, %dma_wait3A_916] : memref<4x8192x1024xf32, #tpu.memory_space<hbm>> -> memref<1x4x1024xf32, #tpu.memory_space<hbm>>
          %dma_wait3A_918 = tpu.memref_squeeze %dma_wait3A_917 : memref<1x4x1024xf32, #tpu.memory_space<hbm>> -> memref<4x1024xf32, #tpu.memory_space<hbm>>
          %dma_wait3A_919 = arith.constant 12 : i32
          %dma_wait3A_920 = arith.constant 0 : i32
          %dma_wait3A_921 = tpu.memref_slice %arg7[%dma_wait3A_907, %dma_wait3A_919, %dma_wait3A_920] : memref<4x16x1024xf32, #tpu.memory_space<vmem>> -> memref<1x4x1024xf32, #tpu.memory_space<vmem>>
          %dma_wait3A_922 = tpu.memref_squeeze %dma_wait3A_921 : memref<1x4x1024xf32, #tpu.memory_space<vmem>> -> memref<4x1024xf32, #tpu.memory_space<vmem>>
          tpu.wait_dma2 semaphore(%arg14 : memref<!tpu.dma_semaphore, #tpu.memory_space<semaphore_mem>>) src(%dma_wait3A_922 : memref<4x1024xf32, #tpu.memory_space<vmem>>) dst(%dma_wait3A_918 : memref<4x1024xf32, #tpu.memory_space<hbm>>)
        } else {
        }
        %add3A_817 = arith.constant 2 : i32
        %add3A_818 = arith.addi %add3A_699, %add3A_817 : i32
        %mul3A_819 = arith.constant 4 : i32
        %mul3A_820 = arith.muli %add3A_818, %mul3A_819 : i32
        %add3A_821 = arith.addi %mul3A_2, %mul3A_820 : i32
        %dma_start3A_822 = arith.constant 1 : i32
        %dma_start3A_823 = arith.constant 0 : i32
        %dma_start3A_824 = arith.constant 0 : i32
        %dma_start3A_825 = tpu.memref_slice %arg8[%dma_start3A_822, %dma_start3A_823, %dma_start3A_824] : memref<4x4x1024xf32, #tpu.memory_space<vmem>> -> memref<1x4x1024xf32, #tpu.memory_space<vmem>>
        %dma_start3A_826 = tpu.memref_squeeze %dma_start3A_825 : memref<1x4x1024xf32, #tpu.memory_space<vmem>> -> memref<4x1024xf32, #tpu.memory_space<vmem>>
        %dma_start3A_827 = arith.constant 0 : i32
        %dma_start3A_828 = tpu.memref_slice %arg4[%add3A_821, %dma_start3A_827] : memref<8192x1024xf32, #tpu.memory_space<hbm>> -> memref<4x1024xf32, #tpu.memory_space<hbm>>
        %dma_start3A_829 = arith.constant 0 : i32
        %dma_start3A_830 = arith.constant 0 : i32
        %dma_start3A_831 = tpu.memref_slice %arg8[%dma_start3A_822, %dma_start3A_829, %dma_start3A_830] : memref<4x4x1024xf32, #tpu.memory_space<vmem>> -> memref<1x4x1024xf32, #tpu.memory_space<vmem>>
        %dma_start3A_832 = tpu.memref_squeeze %dma_start3A_831 : memref<1x4x1024xf32, #tpu.memory_space<vmem>> -> memref<4x1024xf32, #tpu.memory_space<vmem>>
        %dma_start3A_833 = arith.constant 0 : i32
        %dma_start3A_834 = tpu.memref_slice %arg4[%add3A_821, %dma_start3A_833] : memref<8192x1024xf32, #tpu.memory_space<hbm>> -> memref<4x1024xf32, #tpu.memory_space<hbm>>
        tpu.enqueue_dma source(%dma_start3A_834 : memref<4x1024xf32, #tpu.memory_space<hbm>>) target(%dma_start3A_832 : memref<4x1024xf32, #tpu.memory_space<vmem>>) target_semaphore(%arg10 : memref<!tpu.dma_semaphore, #tpu.memory_space<semaphore_mem>>)
        %dma_start3A_835 = arith.constant 1 : i32
        %dma_start3A_836 = arith.constant 0 : i32
        %dma_start3A_837 = arith.constant 0 : i32
        %dma_start3A_838 = tpu.memref_slice %arg7[%dma_start3A_835, %dma_start3A_836, %dma_start3A_837] : memref<4x16x1024xf32, #tpu.memory_space<vmem>> -> memref<1x16x1024xf32, #tpu.memory_space<vmem>>
        %dma_start3A_839 = tpu.memref_squeeze %dma_start3A_838 : memref<1x16x1024xf32, #tpu.memory_space<vmem>> -> memref<16x1024xf32, #tpu.memory_space<vmem>>
        %dma_start3A_840 = arith.constant 0 : i32
        %dma_start3A_841 = tpu.memref_slice %arg6[%add3A_818, %dma_start3A_840] : memref<64x16xi32, #tpu.memory_space<vmem>> -> memref<1x16xi32, #tpu.memory_space<vmem>>
        %dma_start3A_842 = tpu.memref_squeeze %dma_start3A_841 : memref<1x16xi32, #tpu.memory_space<vmem>> -> memref<16xi32, #tpu.memory_space<vmem>>
        %dma_start3A_843 = arith.constant 0 : i32
        %dma_start3A_844 = arith.constant 0 : i32
        %dma_start3A_845 = tpu.memref_slice %arg3[%dma_start3A_843, %dma_start3A_844] : memref<100000x1024xf32, #tpu.memory_space<hbm>> -> memref<100000x1024xf32, #tpu.memory_space<hbm>>
        tpu.enqueue_indirect_dma source(%dma_start3A_845 : memref<100000x1024xf32, #tpu.memory_space<hbm>>) target(%dma_start3A_839 : memref<16x1024xf32, #tpu.memory_space<vmem>>) offsets(%dma_start3A_842 : memref<16xi32, #tpu.memory_space<vmem>>) semaphore(%arg10 : memref<!tpu.dma_semaphore, #tpu.memory_space<semaphore_mem>>)
      } else {
      }
      %mul3A_707 = arith.constant 4 : i32
      %mul3A_708 = arith.muli %add3A_699, %mul3A_707 : i32
      %add3A_709 = arith.addi %mul3A_2, %mul3A_708 : i32
      %dma_wait3A_710 = arith.constant 3 : i32
      %dma_wait3A_711 = arith.constant 0 : i32
      %dma_wait3A_712 = arith.constant 0 : i32
      %dma_wait3A_713 = tpu.memref_slice %arg8[%dma_wait3A_710, %dma_wait3A_711, %dma_wait3A_712] : memref<4x4x1024xf32, #tpu.memory_space<vmem>> -> memref<1x4x1024xf32, #tpu.memory_space<vmem>>
      %dma_wait3A_714 = tpu.memref_squeeze %dma_wait3A_713 : memref<1x4x1024xf32, #tpu.memory_space<vmem>> -> memref<4x1024xf32, #tpu.memory_space<vmem>>
      %dma_wait3A_715 = arith.constant 0 : i32
      %dma_wait3A_716 = tpu.memref_slice %arg4[%add3A_709, %dma_wait3A_715] : memref<8192x1024xf32, #tpu.memory_space<hbm>> -> memref<4x1024xf32, #tpu.memory_space<hbm>>
      %dma_wait3A_717 = arith.constant 0 : i32
      %dma_wait3A_718 = arith.constant 0 : i32
      %dma_wait3A_719 = tpu.memref_slice %arg8[%dma_wait3A_710, %dma_wait3A_717, %dma_wait3A_718] : memref<4x4x1024xf32, #tpu.memory_space<vmem>> -> memref<1x4x1024xf32, #tpu.memory_space<vmem>>
      %dma_wait3A_720 = tpu.memref_squeeze %dma_wait3A_719 : memref<1x4x1024xf32, #tpu.memory_space<vmem>> -> memref<4x1024xf32, #tpu.memory_space<vmem>>
      %dma_wait3A_721 = arith.constant 0 : i32
      %dma_wait3A_722 = tpu.memref_slice %arg4[%add3A_709, %dma_wait3A_721] : memref<8192x1024xf32, #tpu.memory_space<hbm>> -> memref<4x1024xf32, #tpu.memory_space<hbm>>
      tpu.wait_dma2 semaphore(%arg12 : memref<!tpu.dma_semaphore, #tpu.memory_space<semaphore_mem>>) src(%dma_wait3A_722 : memref<4x1024xf32, #tpu.memory_space<hbm>>) dst(%dma_wait3A_720 : memref<4x1024xf32, #tpu.memory_space<vmem>>)
      %dma_wait3A_723 = arith.constant 3 : i32
      %dma_wait3A_724 = arith.constant 0 : i32
      %dma_wait3A_725 = arith.constant 0 : i32
      %dma_wait3A_726 = tpu.memref_slice %arg7[%dma_wait3A_723, %dma_wait3A_724, %dma_wait3A_725] : memref<4x16x1024xf32, #tpu.memory_space<vmem>> -> memref<1x16x1024xf32, #tpu.memory_space<vmem>>
      %dma_wait3A_727 = tpu.memref_squeeze %dma_wait3A_726 : memref<1x16x1024xf32, #tpu.memory_space<vmem>> -> memref<16x1024xf32, #tpu.memory_space<vmem>>
      %dma_wait3A_728 = arith.constant 0 : i32
      %dma_wait3A_729 = tpu.memref_slice %arg6[%add3A_699, %dma_wait3A_728] : memref<64x16xi32, #tpu.memory_space<vmem>> -> memref<1x16xi32, #tpu.memory_space<vmem>>
      %dma_wait3A_730 = tpu.memref_squeeze %dma_wait3A_729 : memref<1x16xi32, #tpu.memory_space<vmem>> -> memref<16xi32, #tpu.memory_space<vmem>>
      %dma_wait3A_731 = arith.constant 0 : i32
      %dma_wait3A_732 = arith.constant 0 : i32
      %dma_wait3A_733 = tpu.memref_slice %arg3[%dma_wait3A_731, %dma_wait3A_732] : memref<100000x1024xf32, #tpu.memory_space<hbm>> -> memref<100000x1024xf32, #tpu.memory_space<hbm>>
      tpu.wait_indirect_dma semaphore(%arg12 : memref<!tpu.dma_semaphore, #tpu.memory_space<semaphore_mem>>) src(%dma_wait3A_733 : memref<100000x1024xf32, #tpu.memory_space<hbm>>) dst(%dma_wait3A_727 : memref<16x1024xf32, #tpu.memory_space<vmem>>)
      %parallel_loop3A_734 = arith.constant 0 : i32
      %parallel_loop3A_735 = arith.constant 64 : i32
      %parallel_loop3A_736 = arith.constant 1 : i32
      scf.for %parallel_loop3A_813 = %parallel_loop3A_734 to %parallel_loop3A_735 step %parallel_loop3A_736  : i32 {
        %parallel_loop3A_814 = arith.constant 16 : i32
        %parallel_loop3A_815 = arith.muli %parallel_loop3A_813, %parallel_loop3A_814 : i32
        %parallel_loop3A_816 = arith.constant 3 : i32
        %parallel_loop3A_817 = arith.constant 0 : i32
        %parallel_loop3A_818 = arith.index_cast %parallel_loop3A_816 : i32 to index
        %parallel_loop3A_819 = arith.index_cast %parallel_loop3A_817 : i32 to index
        %parallel_loop3A_820 = arith.index_cast %parallel_loop3A_815 : i32 to index
        %parallel_loop3A_821 = tpu.vector_load %arg8[%parallel_loop3A_818, %parallel_loop3A_819, %parallel_loop3A_820] {strides = array<i32>} : memref<4x4x1024xf32, #tpu.memory_space<vmem>>, vector<1x1x16xf32>,
        %parallel_loop3A_822 = vector.shape_cast %parallel_loop3A_821 : vector<1x1x16xf32> to vector<16xf32>
        %parallel_loop3A_823 = arith.constant 3 : i32
        %parallel_loop3A_824 = arith.constant 0 : i32
        %parallel_loop3A_825 = arith.index_cast %parallel_loop3A_823 : i32 to index
        %parallel_loop3A_826 = arith.index_cast %parallel_loop3A_824 : i32 to index
        %parallel_loop3A_827 = arith.index_cast %parallel_loop3A_815 : i32 to index
        %parallel_loop3A_828 = tpu.vector_load %arg7[%parallel_loop3A_825, %parallel_loop3A_826, %parallel_loop3A_827] {strides = array<i32>} : memref<4x16x1024xf32, #tpu.memory_space<vmem>>, vector<1x1x16xf32>,
        %parallel_loop3A_829 = vector.shape_cast %parallel_loop3A_828 : vector<1x1x16xf32> to vector<16xf32>
        %parallel_loop3A_830 = vector.shape_cast %parallel_loop3A_822 : vector<16xf32> to vector<1x1x16xf32>
        tpu.vector_store %arg7[%parallel_loop3A_825, %parallel_loop3A_826, %parallel_loop3A_827], %parallel_loop3A_830 {add = true, strides = array<i32>} : memref<4x16x1024xf32, #tpu.memory_space<vmem>>, vector<1x1x16xf32>,
        %parallel_loop3A_831 = arith.constant 3 : i32
        %parallel_loop3A_832 = arith.constant 4 : i32
        %parallel_loop3A_833 = arith.index_cast %parallel_loop3A_831 : i32 to index
        %parallel_loop3A_834 = arith.index_cast %parallel_loop3A_832 : i32 to index
        %parallel_loop3A_835 = arith.index_cast %parallel_loop3A_815 : i32 to index
        %parallel_loop3A_836 = tpu.vector_load %arg7[%parallel_loop3A_833, %parallel_loop3A_834, %parallel_loop3A_835] {strides = array<i32>} : memref<4x16x1024xf32, #tpu.memory_space<vmem>>, vector<1x1x16xf32>,
        %parallel_loop3A_837 = vector.shape_cast %parallel_loop3A_836 : vector<1x1x16xf32> to vector<16xf32>
        %parallel_loop3A_838 = vector.shape_cast %parallel_loop3A_822 : vector<16xf32> to vector<1x1x16xf32>
        tpu.vector_store %arg7[%parallel_loop3A_833, %parallel_loop3A_834, %parallel_loop3A_835], %parallel_loop3A_838 {add = true, strides = array<i32>} : memref<4x16x1024xf32, #tpu.memory_space<vmem>>, vector<1x1x16xf32>,
        %parallel_loop3A_839 = arith.constant 3 : i32
        %parallel_loop3A_840 = arith.constant 8 : i32
        %parallel_loop3A_841 = arith.index_cast %parallel_loop3A_839 : i32 to index
        %parallel_loop3A_842 = arith.index_cast %parallel_loop3A_840 : i32 to index
        %parallel_loop3A_843 = arith.index_cast %parallel_loop3A_815 : i32 to index
        %parallel_loop3A_844 = tpu.vector_load %arg7[%parallel_loop3A_841, %parallel_loop3A_842, %parallel_loop3A_843] {strides = array<i32>} : memref<4x16x1024xf32, #tpu.memory_space<vmem>>, vector<1x1x16xf32>,
        %parallel_loop3A_845 = vector.shape_cast %parallel_loop3A_844 : vector<1x1x16xf32> to vector<16xf32>
        %parallel_loop3A_846 = vector.shape_cast %parallel_loop3A_822 : vector<16xf32> to vector<1x1x16xf32>
        tpu.vector_store %arg7[%parallel_loop3A_841, %parallel_loop3A_842, %parallel_loop3A_843], %parallel_loop3A_846 {add = true, strides = array<i32>} : memref<4x16x1024xf32, #tpu.memory_space<vmem>>, vector<1x1x16xf32>,
        %parallel_loop3A_847 = arith.constant 3 : i32
        %parallel_loop3A_848 = arith.constant 12 : i32
        %parallel_loop3A_849 = arith.index_cast %parallel_loop3A_847 : i32 to index
        %parallel_loop3A_850 = arith.index_cast %parallel_loop3A_848 : i32 to index
        %parallel_loop3A_851 = arith.index_cast %parallel_loop3A_815 : i32 to index
        %parallel_loop3A_852 = tpu.vector_load %arg7[%parallel_loop3A_849, %parallel_loop3A_850, %parallel_loop3A_851] {strides = array<i32>} : memref<4x16x1024xf32, #tpu.memory_space<vmem>>, vector<1x1x16xf32>,
        %parallel_loop3A_853 = vector.shape_cast %parallel_loop3A_852 : vector<1x1x16xf32> to vector<16xf32>
        %parallel_loop3A_854 = vector.shape_cast %parallel_loop3A_822 : vector<16xf32> to vector<1x1x16xf32>
        tpu.vector_store %arg7[%parallel_loop3A_849, %parallel_loop3A_850, %parallel_loop3A_851], %parallel_loop3A_854 {add = true, strides = array<i32>} : memref<4x16x1024xf32, #tpu.memory_space<vmem>>, vector<1x1x16xf32>,
        %parallel_loop3A_855 = arith.constant 3 : i32
        %parallel_loop3A_856 = arith.constant 1 : i32
        %parallel_loop3A_857 = arith.index_cast %parallel_loop3A_855 : i32 to index
        %parallel_loop3A_858 = arith.index_cast %parallel_loop3A_856 : i32 to index
        %parallel_loop3A_859 = arith.index_cast %parallel_loop3A_815 : i32 to index
        %parallel_loop3A_860 = tpu.vector_load %arg8[%parallel_loop3A_857, %parallel_loop3A_858, %parallel_loop3A_859] {strides = array<i32>} : memref<4x4x1024xf32, #tpu.memory_space<vmem>>, vector<1x1x16xf32>,
        %parallel_loop3A_861 = vector.shape_cast %parallel_loop3A_860 : vector<1x1x16xf32> to vector<16xf32>
        %parallel_loop3A_862 = arith.constant 3 : i32
        %parallel_loop3A_863 = arith.constant 1 : i32
        %parallel_loop3A_864 = arith.index_cast %parallel_loop3A_862 : i32 to index
        %parallel_loop3A_865 = arith.index_cast %parallel_loop3A_863 : i32 to index
        %parallel_loop3A_866 = arith.index_cast %parallel_loop3A_815 : i32 to index
        %parallel_loop3A_867 = tpu.vector_load %arg7[%parallel_loop3A_864, %parallel_loop3A_865, %parallel_loop3A_866] {strides = array<i32>} : memref<4x16x1024xf32, #tpu.memory_space<vmem>>, vector<1x1x16xf32>,
        %parallel_loop3A_868 = vector.shape_cast %parallel_loop3A_867 : vector<1x1x16xf32> to vector<16xf32>
        %parallel_loop3A_869 = vector.shape_cast %parallel_loop3A_861 : vector<16xf32> to vector<1x1x16xf32>
        tpu.vector_store %arg7[%parallel_loop3A_864, %parallel_loop3A_865, %parallel_loop3A_866], %parallel_loop3A_869 {add = true, strides = array<i32>} : memref<4x16x1024xf32, #tpu.memory_space<vmem>>, vector<1x1x16xf32>,
        %parallel_loop3A_870 = arith.constant 3 : i32
        %parallel_loop3A_871 = arith.constant 5 : i32
        %parallel_loop3A_872 = arith.index_cast %parallel_loop3A_870 : i32 to index
        %parallel_loop3A_873 = arith.index_cast %parallel_loop3A_871 : i32 to index
        %parallel_loop3A_874 = arith.index_cast %parallel_loop3A_815 : i32 to index
        %parallel_loop3A_875 = tpu.vector_load %arg7[%parallel_loop3A_872, %parallel_loop3A_873, %parallel_loop3A_874] {strides = array<i32>} : memref<4x16x1024xf32, #tpu.memory_space<vmem>>, vector<1x1x16xf32>,
        %parallel_loop3A_876 = vector.shape_cast %parallel_loop3A_875 : vector<1x1x16xf32> to vector<16xf32>
        %parallel_loop3A_877 = vector.shape_cast %parallel_loop3A_861 : vector<16xf32> to vector<1x1x16xf32>
        tpu.vector_store %arg7[%parallel_loop3A_872, %parallel_loop3A_873, %parallel_loop3A_874], %parallel_loop3A_877 {add = true, strides = array<i32>} : memref<4x16x1024xf32, #tpu.memory_space<vmem>>, vector<1x1x16xf32>,
        %parallel_loop3A_878 = arith.constant 3 : i32
        %parallel_loop3A_879 = arith.constant 9 : i32
        %parallel_loop3A_880 = arith.index_cast %parallel_loop3A_878 : i32 to index
        %parallel_loop3A_881 = arith.index_cast %parallel_loop3A_879 : i32 to index
        %parallel_loop3A_882 = arith.index_cast %parallel_loop3A_815 : i32 to index
        %parallel_loop3A_883 = tpu.vector_load %arg7[%parallel_loop3A_880, %parallel_loop3A_881, %parallel_loop3A_882] {strides = array<i32>} : memref<4x16x1024xf32, #tpu.memory_space<vmem>>, vector<1x1x16xf32>,
        %parallel_loop3A_884 = vector.shape_cast %parallel_loop3A_883 : vector<1x1x16xf32> to vector<16xf32>
        %parallel_loop3A_885 = vector.shape_cast %parallel_loop3A_861 : vector<16xf32> to vector<1x1x16xf32>
        tpu.vector_store %arg7[%parallel_loop3A_880, %parallel_loop3A_881, %parallel_loop3A_882], %parallel_loop3A_885 {add = true, strides = array<i32>} : memref<4x16x1024xf32, #tpu.memory_space<vmem>>, vector<1x1x16xf32>,
        %parallel_loop3A_886 = arith.constant 3 : i32
        %parallel_loop3A_887 = arith.constant 13 : i32
        %parallel_loop3A_888 = arith.index_cast %parallel_loop3A_886 : i32 to index
        %parallel_loop3A_889 = arith.index_cast %parallel_loop3A_887 : i32 to index
        %parallel_loop3A_890 = arith.index_cast %parallel_loop3A_815 : i32 to index
        %parallel_loop3A_891 = tpu.vector_load %arg7[%parallel_loop3A_888, %parallel_loop3A_889, %parallel_loop3A_890] {strides = array<i32>} : memref<4x16x1024xf32, #tpu.memory_space<vmem>>, vector<1x1x16xf32>,
        %parallel_loop3A_892 = vector.shape_cast %parallel_loop3A_891 : vector<1x1x16xf32> to vector<16xf32>
        %parallel_loop3A_893 = vector.shape_cast %parallel_loop3A_861 : vector<16xf32> to vector<1x1x16xf32>
        tpu.vector_store %arg7[%parallel_loop3A_888, %parallel_loop3A_889, %parallel_loop3A_890], %parallel_loop3A_893 {add = true, strides = array<i32>} : memref<4x16x1024xf32, #tpu.memory_space<vmem>>, vector<1x1x16xf32>,
        %parallel_loop3A_894 = arith.constant 3 : i32
        %parallel_loop3A_895 = arith.constant 2 : i32
        %parallel_loop3A_896 = arith.index_cast %parallel_loop3A_894 : i32 to index
        %parallel_loop3A_897 = arith.index_cast %parallel_loop3A_895 : i32 to index
        %parallel_loop3A_898 = arith.index_cast %parallel_loop3A_815 : i32 to index
        %parallel_loop3A_899 = tpu.vector_load %arg8[%parallel_loop3A_896, %parallel_loop3A_897, %parallel_loop3A_898] {strides = array<i32>} : memref<4x4x1024xf32, #tpu.memory_space<vmem>>, vector<1x1x16xf32>,
        %parallel_loop3A_900 = vector.shape_cast %parallel_loop3A_899 : vector<1x1x16xf32> to vector<16xf32>
        %parallel_loop3A_901 = arith.constant 3 : i32
        %parallel_loop3A_902 = arith.constant 2 : i32
        %parallel_loop3A_903 = arith.index_cast %parallel_loop3A_901 : i32 to index
        %parallel_loop3A_904 = arith.index_cast %parallel_loop3A_902 : i32 to index
        %parallel_loop3A_905 = arith.index_cast %parallel_loop3A_815 : i32 to index
        %parallel_loop3A_906 = tpu.vector_load %arg7[%parallel_loop3A_903, %parallel_loop3A_904, %parallel_loop3A_905] {strides = array<i32>} : memref<4x16x1024xf32, #tpu.memory_space<vmem>>, vector<1x1x16xf32>,
        %parallel_loop3A_907 = vector.shape_cast %parallel_loop3A_906 : vector<1x1x16xf32> to vector<16xf32>
        %parallel_loop3A_908 = vector.shape_cast %parallel_loop3A_900 : vector<16xf32> to vector<1x1x16xf32>
        tpu.vector_store %arg7[%parallel_loop3A_903, %parallel_loop3A_904, %parallel_loop3A_905], %parallel_loop3A_908 {add = true, strides = array<i32>} : memref<4x16x1024xf32, #tpu.memory_space<vmem>>, vector<1x1x16xf32>,
        %parallel_loop3A_909 = arith.constant 3 : i32
        %parallel_loop3A_910 = arith.constant 6 : i32
        %parallel_loop3A_911 = arith.index_cast %parallel_loop3A_909 : i32 to index
        %parallel_loop3A_912 = arith.index_cast %parallel_loop3A_910 : i32 to index
        %parallel_loop3A_913 = arith.index_cast %parallel_loop3A_815 : i32 to index
        %parallel_loop3A_914 = tpu.vector_load %arg7[%parallel_loop3A_911, %parallel_loop3A_912, %parallel_loop3A_913] {strides = array<i32>} : memref<4x16x1024xf32, #tpu.memory_space<vmem>>, vector<1x1x16xf32>,
        %parallel_loop3A_915 = vector.shape_cast %parallel_loop3A_914 : vector<1x1x16xf32> to vector<16xf32>
        %parallel_loop3A_916 = vector.shape_cast %parallel_loop3A_900 : vector<16xf32> to vector<1x1x16xf32>
        tpu.vector_store %arg7[%parallel_loop3A_911, %parallel_loop3A_912, %parallel_loop3A_913], %parallel_loop3A_916 {add = true, strides = array<i32>} : memref<4x16x1024xf32, #tpu.memory_space<vmem>>, vector<1x1x16xf32>,
        %parallel_loop3A_917 = arith.constant 3 : i32
        %parallel_loop3A_918 = arith.constant 10 : i32
        %parallel_loop3A_919 = arith.index_cast %parallel_loop3A_917 : i32 to index
        %parallel_loop3A_920 = arith.index_cast %parallel_loop3A_918 : i32 to index
        %parallel_loop3A_921 = arith.index_cast %parallel_loop3A_815 : i32 to index
        %parallel_loop3A_922 = tpu.vector_load %arg7[%parallel_loop3A_919, %parallel_loop3A_920, %parallel_loop3A_921] {strides = array<i32>} : memref<4x16x1024xf32, #tpu.memory_space<vmem>>, vector<1x1x16xf32>,
        %parallel_loop3A_923 = vector.shape_cast %parallel_loop3A_922 : vector<1x1x16xf32> to vector<16xf32>
        %parallel_loop3A_924 = vector.shape_cast %parallel_loop3A_900 : vector<16xf32> to vector<1x1x16xf32>
        tpu.vector_store %arg7[%parallel_loop3A_919, %parallel_loop3A_920, %parallel_loop3A_921], %parallel_loop3A_924 {add = true, strides = array<i32>} : memref<4x16x1024xf32, #tpu.memory_space<vmem>>, vector<1x1x16xf32>,
        %parallel_loop3A_925 = arith.constant 3 : i32
        %parallel_loop3A_926 = arith.constant 14 : i32
        %parallel_loop3A_927 = arith.index_cast %parallel_loop3A_925 : i32 to index
        %parallel_loop3A_928 = arith.index_cast %parallel_loop3A_926 : i32 to index
        %parallel_loop3A_929 = arith.index_cast %parallel_loop3A_815 : i32 to index
        %parallel_loop3A_930 = tpu.vector_load %arg7[%parallel_loop3A_927, %parallel_loop3A_928, %parallel_loop3A_929] {strides = array<i32>} : memref<4x16x1024xf32, #tpu.memory_space<vmem>>, vector<1x1x16xf32>,
        %parallel_loop3A_931 = vector.shape_cast %parallel_loop3A_930 : vector<1x1x16xf32> to vector<16xf32>
        %parallel_loop3A_932 = vector.shape_cast %parallel_loop3A_900 : vector<16xf32> to vector<1x1x16xf32>
        tpu.vector_store %arg7[%parallel_loop3A_927, %parallel_loop3A_928, %parallel_loop3A_929], %parallel_loop3A_932 {add = true, strides = array<i32>} : memref<4x16x1024xf32, #tpu.memory_space<vmem>>, vector<1x1x16xf32>,
        %parallel_loop3A_933 = arith.constant 3 : i32
        %parallel_loop3A_934 = arith.constant 3 : i32
        %parallel_loop3A_935 = arith.index_cast %parallel_loop3A_933 : i32 to index
        %parallel_loop3A_936 = arith.index_cast %parallel_loop3A_934 : i32 to index
        %parallel_loop3A_937 = arith.index_cast %parallel_loop3A_815 : i32 to index
        %parallel_loop3A_938 = tpu.vector_load %arg8[%parallel_loop3A_935, %parallel_loop3A_936, %parallel_loop3A_937] {strides = array<i32>} : memref<4x4x1024xf32, #tpu.memory_space<vmem>>, vector<1x1x16xf32>,
        %parallel_loop3A_939 = vector.shape_cast %parallel_loop3A_938 : vector<1x1x16xf32> to vector<16xf32>
        %parallel_loop3A_940 = arith.constant 3 : i32
        %parallel_loop3A_941 = arith.constant 3 : i32
        %parallel_loop3A_942 = arith.index_cast %parallel_loop3A_940 : i32 to index
        %parallel_loop3A_943 = arith.index_cast %parallel_loop3A_941 : i32 to index
        %parallel_loop3A_944 = arith.index_cast %parallel_loop3A_815 : i32 to index
        %parallel_loop3A_945 = tpu.vector_load %arg7[%parallel_loop3A_942, %parallel_loop3A_943, %parallel_loop3A_944] {strides = array<i32>} : memref<4x16x1024xf32, #tpu.memory_space<vmem>>, vector<1x1x16xf32>,
        %parallel_loop3A_946 = vector.shape_cast %parallel_loop3A_945 : vector<1x1x16xf32> to vector<16xf32>
        %parallel_loop3A_947 = vector.shape_cast %parallel_loop3A_939 : vector<16xf32> to vector<1x1x16xf32>
        tpu.vector_store %arg7[%parallel_loop3A_942, %parallel_loop3A_943, %parallel_loop3A_944], %parallel_loop3A_947 {add = true, strides = array<i32>} : memref<4x16x1024xf32, #tpu.memory_space<vmem>>, vector<1x1x16xf32>,
        %parallel_loop3A_948 = arith.constant 3 : i32
        %parallel_loop3A_949 = arith.constant 7 : i32
        %parallel_loop3A_950 = arith.index_cast %parallel_loop3A_948 : i32 to index
        %parallel_loop3A_951 = arith.index_cast %parallel_loop3A_949 : i32 to index
        %parallel_loop3A_952 = arith.index_cast %parallel_loop3A_815 : i32 to index
        %parallel_loop3A_953 = tpu.vector_load %arg7[%parallel_loop3A_950, %parallel_loop3A_951, %parallel_loop3A_952] {strides = array<i32>} : memref<4x16x1024xf32, #tpu.memory_space<vmem>>, vector<1x1x16xf32>,
        %parallel_loop3A_954 = vector.shape_cast %parallel_loop3A_953 : vector<1x1x16xf32> to vector<16xf32>
        %parallel_loop3A_955 = vector.shape_cast %parallel_loop3A_939 : vector<16xf32> to vector<1x1x16xf32>
        tpu.vector_store %arg7[%parallel_loop3A_950, %parallel_loop3A_951, %parallel_loop3A_952], %parallel_loop3A_955 {add = true, strides = array<i32>} : memref<4x16x1024xf32, #tpu.memory_space<vmem>>, vector<1x1x16xf32>,
        %parallel_loop3A_956 = arith.constant 3 : i32
        %parallel_loop3A_957 = arith.constant 11 : i32
        %parallel_loop3A_958 = arith.index_cast %parallel_loop3A_956 : i32 to index
        %parallel_loop3A_959 = arith.index_cast %parallel_loop3A_957 : i32 to index
        %parallel_loop3A_960 = arith.index_cast %parallel_loop3A_815 : i32 to index
        %parallel_loop3A_961 = tpu.vector_load %arg7[%parallel_loop3A_958, %parallel_loop3A_959, %parallel_loop3A_960] {strides = array<i32>} : memref<4x16x1024xf32, #tpu.memory_space<vmem>>, vector<1x1x16xf32>,
        %parallel_loop3A_962 = vector.shape_cast %parallel_loop3A_961 : vector<1x1x16xf32> to vector<16xf32>
        %parallel_loop3A_963 = vector.shape_cast %parallel_loop3A_939 : vector<16xf32> to vector<1x1x16xf32>
        tpu.vector_store %arg7[%parallel_loop3A_958, %parallel_loop3A_959, %parallel_loop3A_960], %parallel_loop3A_963 {add = true, strides = array<i32>} : memref<4x16x1024xf32, #tpu.memory_space<vmem>>, vector<1x1x16xf32>,
        %parallel_loop3A_964 = arith.constant 3 : i32
        %parallel_loop3A_965 = arith.constant 15 : i32
        %parallel_loop3A_966 = arith.index_cast %parallel_loop3A_964 : i32 to index
        %parallel_loop3A_967 = arith.index_cast %parallel_loop3A_965 : i32 to index
        %parallel_loop3A_968 = arith.index_cast %parallel_loop3A_815 : i32 to index
        %parallel_loop3A_969 = tpu.vector_load %arg7[%parallel_loop3A_966, %parallel_loop3A_967, %parallel_loop3A_968] {strides = array<i32>} : memref<4x16x1024xf32, #tpu.memory_space<vmem>>, vector<1x1x16xf32>,
        %parallel_loop3A_970 = vector.shape_cast %parallel_loop3A_969 : vector<1x1x16xf32> to vector<16xf32>
        %parallel_loop3A_971 = vector.shape_cast %parallel_loop3A_939 : vector<16xf32> to vector<1x1x16xf32>
        tpu.vector_store %arg7[%parallel_loop3A_966, %parallel_loop3A_967, %parallel_loop3A_968], %parallel_loop3A_971 {add = true, strides = array<i32>} : memref<4x16x1024xf32, #tpu.memory_space<vmem>>, vector<1x1x16xf32>,
      } {sc.loop_unroll_factor = 2 : i64, sc.parallel_access}
      %mul3A_737 = arith.constant 4 : i32
      %mul3A_738 = arith.muli %add3A_699, %mul3A_737 : i32
      %add3A_739 = arith.addi %mul3A_2, %mul3A_738 : i32
      %mul3A_740 = arith.constant 4 : i32
      %mul3A_741 = arith.muli %add3A_699, %mul3A_740 : i32
      %add3A_742 = arith.addi %mul3A_2, %mul3A_741 : i32
      %mul3A_743 = arith.constant 4 : i32
      %mul3A_744 = arith.muli %add3A_699, %mul3A_743 : i32
      %add3A_745 = arith.addi %mul3A_2, %mul3A_744 : i32
      %mul3A_746 = arith.constant 4 : i32
      %mul3A_747 = arith.muli %add3A_699, %mul3A_746 : i32
      %add3A_748 = arith.addi %mul3A_2, %mul3A_747 : i32
      %dma_start3A_749 = arith.constant 3 : i32
      %dma_start3A_750 = arith.constant 0 : i32
      %dma_start3A_751 = arith.constant 0 : i32
      %dma_start3A_752 = arith.constant 0 : i32
      %dma_start3A_753 = tpu.memref_slice %arg7[%dma_start3A_749, %dma_start3A_751, %dma_start3A_752] : memref<4x16x1024xf32, #tpu.memory_space<vmem>> -> memref<1x4x1024xf32, #tpu.memory_space<vmem>>
      %dma_start3A_754 = tpu.memref_squeeze %dma_start3A_753 : memref<1x4x1024xf32, #tpu.memory_space<vmem>> -> memref<4x1024xf32, #tpu.memory_space<vmem>>
      %dma_start3A_755 = arith.constant 0 : i32
      %dma_start3A_756 = tpu.memref_slice %arg5[%dma_start3A_750, %add3A_739, %dma_start3A_755] : memref<4x8192x1024xf32, #tpu.memory_space<hbm>> -> memref<1x4x1024xf32, #tpu.memory_space<hbm>>
      %dma_start3A_757 = tpu.memref_squeeze %dma_start3A_756 : memref<1x4x1024xf32, #tpu.memory_space<hbm>> -> memref<4x1024xf32, #tpu.memory_space<hbm>>
      %dma_start3A_758 = arith.constant 0 : i32
      %dma_start3A_759 = tpu.memref_slice %arg5[%dma_start3A_750, %add3A_739, %dma_start3A_758] : memref<4x8192x1024xf32, #tpu.memory_space<hbm>> -> memref<1x4x1024xf32, #tpu.memory_space<hbm>>
      %dma_start3A_760 = tpu.memref_squeeze %dma_start3A_759 : memref<1x4x1024xf32, #tpu.memory_space<hbm>> -> memref<4x1024xf32, #tpu.memory_space<hbm>>
      %dma_start3A_761 = arith.constant 0 : i32
      %dma_start3A_762 = arith.constant 0 : i32
      %dma_start3A_763 = tpu.memref_slice %arg7[%dma_start3A_749, %dma_start3A_761, %dma_start3A_762] : memref<4x16x1024xf32, #tpu.memory_space<vmem>> -> memref<1x4x1024xf32, #tpu.memory_space<vmem>>
      %dma_start3A_764 = tpu.memref_squeeze %dma_start3A_763 : memref<1x4x1024xf32, #tpu.memory_space<vmem>> -> memref<4x1024xf32, #tpu.memory_space<vmem>>
      tpu.enqueue_dma source(%dma_start3A_764 : memref<4x1024xf32, #tpu.memory_space<vmem>>) target(%dma_start3A_760 : memref<4x1024xf32, #tpu.memory_space<hbm>>) target_semaphore(%arg16 : memref<!tpu.dma_semaphore, #tpu.memory_space<semaphore_mem>>)
      %dma_start3A_765 = arith.constant 3 : i32
      %dma_start3A_766 = arith.constant 1 : i32
      %dma_start3A_767 = arith.constant 4 : i32
      %dma_start3A_768 = arith.constant 0 : i32
      %dma_start3A_769 = tpu.memref_slice %arg7[%dma_start3A_765, %dma_start3A_767, %dma_start3A_768] : memref<4x16x1024xf32, #tpu.memory_space<vmem>> -> memref<1x4x1024xf32, #tpu.memory_space<vmem>>
      %dma_start3A_770 = tpu.memref_squeeze %dma_start3A_769 : memref<1x4x1024xf32, #tpu.memory_space<vmem>> -> memref<4x1024xf32, #tpu.memory_space<vmem>>
      %dma_start3A_771 = arith.constant 0 : i32
      %dma_start3A_772 = tpu.memref_slice %arg5[%dma_start3A_766, %add3A_742, %dma_start3A_771] : memref<4x8192x1024xf32, #tpu.memory_space<hbm>> -> memref<1x4x1024xf32, #tpu.memory_space<hbm>>
      %dma_start3A_773 = tpu.memref_squeeze %dma_start3A_772 : memref<1x4x1024xf32, #tpu.memory_space<hbm>> -> memref<4x1024xf32, #tpu.memory_space<hbm>>
      %dma_start3A_774 = arith.constant 0 : i32
      %dma_start3A_775 = tpu.memref_slice %arg5[%dma_start3A_766, %add3A_742, %dma_start3A_774] : memref<4x8192x1024xf32, #tpu.memory_space<hbm>> -> memref<1x4x1024xf32, #tpu.memory_space<hbm>>
      %dma_start3A_776 = tpu.memref_squeeze %dma_start3A_775 : memref<1x4x1024xf32, #tpu.memory_space<hbm>> -> memref<4x1024xf32, #tpu.memory_space<hbm>>
      %dma_start3A_777 = arith.constant 4 : i32
      %dma_start3A_778 = arith.constant 0 : i32
      %dma_start3A_779 = tpu.memref_slice %arg7[%dma_start3A_765, %dma_start3A_777, %dma_start3A_778] : memref<4x16x1024xf32, #tpu.memory_space<vmem>> -> memref<1x4x1024xf32, #tpu.memory_space<vmem>>
      %dma_start3A_780 = tpu.memref_squeeze %dma_start3A_779 : memref<1x4x1024xf32, #tpu.memory_space<vmem>> -> memref<4x1024xf32, #tpu.memory_space<vmem>>
      tpu.enqueue_dma source(%dma_start3A_780 : memref<4x1024xf32, #tpu.memory_space<vmem>>) target(%dma_start3A_776 : memref<4x1024xf32, #tpu.memory_space<hbm>>) target_semaphore(%arg16 : memref<!tpu.dma_semaphore, #tpu.memory_space<semaphore_mem>>)
      %dma_start3A_781 = arith.constant 3 : i32
      %dma_start3A_782 = arith.constant 2 : i32
      %dma_start3A_783 = arith.constant 8 : i32
      %dma_start3A_784 = arith.constant 0 : i32
      %dma_start3A_785 = tpu.memref_slice %arg7[%dma_start3A_781, %dma_start3A_783, %dma_start3A_784] : memref<4x16x1024xf32, #tpu.memory_space<vmem>> -> memref<1x4x1024xf32, #tpu.memory_space<vmem>>
      %dma_start3A_786 = tpu.memref_squeeze %dma_start3A_785 : memref<1x4x1024xf32, #tpu.memory_space<vmem>> -> memref<4x1024xf32, #tpu.memory_space<vmem>>
      %dma_start3A_787 = arith.constant 0 : i32
      %dma_start3A_788 = tpu.memref_slice %arg5[%dma_start3A_782, %add3A_745, %dma_start3A_787] : memref<4x8192x1024xf32, #tpu.memory_space<hbm>> -> memref<1x4x1024xf32, #tpu.memory_space<hbm>>
      %dma_start3A_789 = tpu.memref_squeeze %dma_start3A_788 : memref<1x4x1024xf32, #tpu.memory_space<hbm>> -> memref<4x1024xf32, #tpu.memory_space<hbm>>
      %dma_start3A_790 = arith.constant 0 : i32
      %dma_start3A_791 = tpu.memref_slice %arg5[%dma_start3A_782, %add3A_745, %dma_start3A_790] : memref<4x8192x1024xf32, #tpu.memory_space<hbm>> -> memref<1x4x1024xf32, #tpu.memory_space<hbm>>
      %dma_start3A_792 = tpu.memref_squeeze %dma_start3A_791 : memref<1x4x1024xf32, #tpu.memory_space<hbm>> -> memref<4x1024xf32, #tpu.memory_space<hbm>>
      %dma_start3A_793 = arith.constant 8 : i32
      %dma_start3A_794 = arith.constant 0 : i32
      %dma_start3A_795 = tpu.memref_slice %arg7[%dma_start3A_781, %dma_start3A_793, %dma_start3A_794] : memref<4x16x1024xf32, #tpu.memory_space<vmem>> -> memref<1x4x1024xf32, #tpu.memory_space<vmem>>
      %dma_start3A_796 = tpu.memref_squeeze %dma_start3A_795 : memref<1x4x1024xf32, #tpu.memory_space<vmem>> -> memref<4x1024xf32, #tpu.memory_space<vmem>>
      tpu.enqueue_dma source(%dma_start3A_796 : memref<4x1024xf32, #tpu.memory_space<vmem>>) target(%dma_start3A_792 : memref<4x1024xf32, #tpu.memory_space<hbm>>) target_semaphore(%arg16 : memref<!tpu.dma_semaphore, #tpu.memory_space<semaphore_mem>>)
      %dma_start3A_797 = arith.constant 3 : i32
      %dma_start3A_798 = arith.constant 3 : i32
      %dma_start3A_799 = arith.constant 12 : i32
      %dma_start3A_800 = arith.constant 0 : i32
      %dma_start3A_801 = tpu.memref_slice %arg7[%dma_start3A_797, %dma_start3A_799, %dma_start3A_800] : memref<4x16x1024xf32, #tpu.memory_space<vmem>> -> memref<1x4x1024xf32, #tpu.memory_space<vmem>>
      %dma_start3A_802 = tpu.memref_squeeze %dma_start3A_801 : memref<1x4x1024xf32, #tpu.memory_space<vmem>> -> memref<4x1024xf32, #tpu.memory_space<vmem>>
      %dma_start3A_803 = arith.constant 0 : i32
      %dma_start3A_804 = tpu.memref_slice %arg5[%dma_start3A_798, %add3A_748, %dma_start3A_803] : memref<4x8192x1024xf32, #tpu.memory_space<hbm>> -> memref<1x4x1024xf32, #tpu.memory_space<hbm>>
      %dma_start3A_805 = tpu.memref_squeeze %dma_start3A_804 : memref<1x4x1024xf32, #tpu.memory_space<hbm>> -> memref<4x1024xf32, #tpu.memory_space<hbm>>
      %dma_start3A_806 = arith.constant 0 : i32
      %dma_start3A_807 = tpu.memref_slice %arg5[%dma_start3A_798, %add3A_748, %dma_start3A_806] : memref<4x8192x1024xf32, #tpu.memory_space<hbm>> -> memref<1x4x1024xf32, #tpu.memory_space<hbm>>
      %dma_start3A_808 = tpu.memref_squeeze %dma_start3A_807 : memref<1x4x1024xf32, #tpu.memory_space<hbm>> -> memref<4x1024xf32, #tpu.memory_space<hbm>>
      %dma_start3A_809 = arith.constant 12 : i32
      %dma_start3A_810 = arith.constant 0 : i32
      %dma_start3A_811 = tpu.memref_slice %arg7[%dma_start3A_797, %dma_start3A_809, %dma_start3A_810] : memref<4x16x1024xf32, #tpu.memory_space<vmem>> -> memref<1x4x1024xf32, #tpu.memory_space<vmem>>
      %dma_start3A_812 = tpu.memref_squeeze %dma_start3A_811 : memref<1x4x1024xf32, #tpu.memory_space<vmem>> -> memref<4x1024xf32, #tpu.memory_space<vmem>>
      tpu.enqueue_dma source(%dma_start3A_812 : memref<4x1024xf32, #tpu.memory_space<vmem>>) target(%dma_start3A_808 : memref<4x1024xf32, #tpu.memory_space<hbm>>) target_semaphore(%arg16 : memref<!tpu.dma_semaphore, #tpu.memory_space<semaphore_mem>>)
    }
    %scan3A_60 = arith.constant 16 : i32
    %add3A_61 = arith.constant 240 : i32
    %add3A_62 = arith.addi %mul3A_2, %add3A_61 : i32
    %add3A_63 = arith.constant 240 : i32
    %add3A_64 = arith.addi %mul3A_2, %add3A_63 : i32
    %add3A_65 = arith.constant 240 : i32
    %add3A_66 = arith.addi %mul3A_2, %add3A_65 : i32
    %add3A_67 = arith.constant 240 : i32
    %add3A_68 = arith.addi %mul3A_2, %add3A_67 : i32
    %dma_wait3A = arith.constant 0 : i32
    %dma_wait3A_69 = arith.constant 0 : i32
    %dma_wait3A_70 = arith.constant 0 : i32
    %dma_wait3A_71 = arith.constant 0 : i32
    %dma_wait3A_72 = tpu.memref_slice %arg7[%dma_wait3A, %dma_wait3A_70, %dma_wait3A_71] : memref<4x16x1024xf32, #tpu.memory_space<vmem>> -> memref<1x4x1024xf32, #tpu.memory_space<vmem>>
    %dma_wait3A_73 = tpu.memref_squeeze %dma_wait3A_72 : memref<1x4x1024xf32, #tpu.memory_space<vmem>> -> memref<4x1024xf32, #tpu.memory_space<vmem>>
    %dma_wait3A_74 = arith.constant 0 : i32
    %dma_wait3A_75 = tpu.memref_slice %arg5[%dma_wait3A_69, %add3A_62, %dma_wait3A_74] : memref<4x8192x1024xf32, #tpu.memory_space<hbm>> -> memref<1x4x1024xf32, #tpu.memory_space<hbm>>
    %dma_wait3A_76 = tpu.memref_squeeze %dma_wait3A_75 : memref<1x4x1024xf32, #tpu.memory_space<hbm>> -> memref<4x1024xf32, #tpu.memory_space<hbm>>
    %dma_wait3A_77 = arith.constant 0 : i32
    %dma_wait3A_78 = tpu.memref_slice %arg5[%dma_wait3A_69, %add3A_62, %dma_wait3A_77] : memref<4x8192x1024xf32, #tpu.memory_space<hbm>> -> memref<1x4x1024xf32, #tpu.memory_space<hbm>>
    %dma_wait3A_79 = tpu.memref_squeeze %dma_wait3A_78 : memref<1x4x1024xf32, #tpu.memory_space<hbm>> -> memref<4x1024xf32, #tpu.memory_space<hbm>>
    %dma_wait3A_80 = arith.constant 0 : i32
    %dma_wait3A_81 = arith.constant 0 : i32
    %dma_wait3A_82 = tpu.memref_slice %arg7[%dma_wait3A, %dma_wait3A_80, %dma_wait3A_81] : memref<4x16x1024xf32, #tpu.memory_space<vmem>> -> memref<1x4x1024xf32, #tpu.memory_space<vmem>>
    %dma_wait3A_83 = tpu.memref_squeeze %dma_wait3A_82 : memref<1x4x1024xf32, #tpu.memory_space<vmem>> -> memref<4x1024xf32, #tpu.memory_space<vmem>>
    tpu.wait_dma2 semaphore(%arg13 : memref<!tpu.dma_semaphore, #tpu.memory_space<semaphore_mem>>) src(%dma_wait3A_83 : memref<4x1024xf32, #tpu.memory_space<vmem>>) dst(%dma_wait3A_79 : memref<4x1024xf32, #tpu.memory_space<hbm>>)
    %dma_wait3A_84 = arith.constant 0 : i32
    %dma_wait3A_85 = arith.constant 1 : i32
    %dma_wait3A_86 = arith.constant 4 : i32
    %dma_wait3A_87 = arith.constant 0 : i32
    %dma_wait3A_88 = tpu.memref_slice %arg7[%dma_wait3A_84, %dma_wait3A_86, %dma_wait3A_87] : memref<4x16x1024xf32, #tpu.memory_space<vmem>> -> memref<1x4x1024xf32, #tpu.memory_space<vmem>>
    %dma_wait3A_89 = tpu.memref_squeeze %dma_wait3A_88 : memref<1x4x1024xf32, #tpu.memory_space<vmem>> -> memref<4x1024xf32, #tpu.memory_space<vmem>>
    %dma_wait3A_90 = arith.constant 0 : i32
    %dma_wait3A_91 = tpu.memref_slice %arg5[%dma_wait3A_85, %add3A_64, %dma_wait3A_90] : memref<4x8192x1024xf32, #tpu.memory_space<hbm>> -> memref<1x4x1024xf32, #tpu.memory_space<hbm>>
    %dma_wait3A_92 = tpu.memref_squeeze %dma_wait3A_91 : memref<1x4x1024xf32, #tpu.memory_space<hbm>> -> memref<4x1024xf32, #tpu.memory_space<hbm>>
    %dma_wait3A_93 = arith.constant 0 : i32
    %dma_wait3A_94 = tpu.memref_slice %arg5[%dma_wait3A_85, %add3A_64, %dma_wait3A_93] : memref<4x8192x1024xf32, #tpu.memory_space<hbm>> -> memref<1x4x1024xf32, #tpu.memory_space<hbm>>
    %dma_wait3A_95 = tpu.memref_squeeze %dma_wait3A_94 : memref<1x4x1024xf32, #tpu.memory_space<hbm>> -> memref<4x1024xf32, #tpu.memory_space<hbm>>
    %dma_wait3A_96 = arith.constant 4 : i32
    %dma_wait3A_97 = arith.constant 0 : i32
    %dma_wait3A_98 = tpu.memref_slice %arg7[%dma_wait3A_84, %dma_wait3A_96, %dma_wait3A_97] : memref<4x16x1024xf32, #tpu.memory_space<vmem>> -> memref<1x4x1024xf32, #tpu.memory_space<vmem>>
    %dma_wait3A_99 = tpu.memref_squeeze %dma_wait3A_98 : memref<1x4x1024xf32, #tpu.memory_space<vmem>> -> memref<4x1024xf32, #tpu.memory_space<vmem>>
    tpu.wait_dma2 semaphore(%arg13 : memref<!tpu.dma_semaphore, #tpu.memory_space<semaphore_mem>>) src(%dma_wait3A_99 : memref<4x1024xf32, #tpu.memory_space<vmem>>) dst(%dma_wait3A_95 : memref<4x1024xf32, #tpu.memory_space<hbm>>)
    %dma_wait3A_100 = arith.constant 0 : i32
    %dma_wait3A_101 = arith.constant 2 : i32
    %dma_wait3A_102 = arith.constant 8 : i32
    %dma_wait3A_103 = arith.constant 0 : i32
    %dma_wait3A_104 = tpu.memref_slice %arg7[%dma_wait3A_100, %dma_wait3A_102, %dma_wait3A_103] : memref<4x16x1024xf32, #tpu.memory_space<vmem>> -> memref<1x4x1024xf32, #tpu.memory_space<vmem>>
    %dma_wait3A_105 = tpu.memref_squeeze %dma_wait3A_104 : memref<1x4x1024xf32, #tpu.memory_space<vmem>> -> memref<4x1024xf32, #tpu.memory_space<vmem>>
    %dma_wait3A_106 = arith.constant 0 : i32
    %dma_wait3A_107 = tpu.memref_slice %arg5[%dma_wait3A_101, %add3A_66, %dma_wait3A_106] : memref<4x8192x1024xf32, #tpu.memory_space<hbm>> -> memref<1x4x1024xf32, #tpu.memory_space<hbm>>
    %dma_wait3A_108 = tpu.memref_squeeze %dma_wait3A_107 : memref<1x4x1024xf32, #tpu.memory_space<hbm>> -> memref<4x1024xf32, #tpu.memory_space<hbm>>
    %dma_wait3A_109 = arith.constant 0 : i32
    %dma_wait3A_110 = tpu.memref_slice %arg5[%dma_wait3A_101, %add3A_66, %dma_wait3A_109] : memref<4x8192x1024xf32, #tpu.memory_space<hbm>> -> memref<1x4x1024xf32, #tpu.memory_space<hbm>>
    %dma_wait3A_111 = tpu.memref_squeeze %dma_wait3A_110 : memref<1x4x1024xf32, #tpu.memory_space<hbm>> -> memref<4x1024xf32, #tpu.memory_space<hbm>>
    %dma_wait3A_112 = arith.constant 8 : i32
    %dma_wait3A_113 = arith.constant 0 : i32
    %dma_wait3A_114 = tpu.memref_slice %arg7[%dma_wait3A_100, %dma_wait3A_112, %dma_wait3A_113] : memref<4x16x1024xf32, #tpu.memory_space<vmem>> -> memref<1x4x1024xf32, #tpu.memory_space<vmem>>
    %dma_wait3A_115 = tpu.memref_squeeze %dma_wait3A_114 : memref<1x4x1024xf32, #tpu.memory_space<vmem>> -> memref<4x1024xf32, #tpu.memory_space<vmem>>
    tpu.wait_dma2 semaphore(%arg13 : memref<!tpu.dma_semaphore, #tpu.memory_space<semaphore_mem>>) src(%dma_wait3A_115 : memref<4x1024xf32, #tpu.memory_space<vmem>>) dst(%dma_wait3A_111 : memref<4x1024xf32, #tpu.memory_space<hbm>>)
    %dma_wait3A_116 = arith.constant 0 : i32
    %dma_wait3A_117 = arith.constant 3 : i32
    %dma_wait3A_118 = arith.constant 12 : i32
    %dma_wait3A_119 = arith.constant 0 : i32
    %dma_wait3A_120 = tpu.memref_slice %arg7[%dma_wait3A_116, %dma_wait3A_118, %dma_wait3A_119] : memref<4x16x1024xf32, #tpu.memory_space<vmem>> -> memref<1x4x1024xf32, #tpu.memory_space<vmem>>
    %dma_wait3A_121 = tpu.memref_squeeze %dma_wait3A_120 : memref<1x4x1024xf32, #tpu.memory_space<vmem>> -> memref<4x1024xf32, #tpu.memory_space<vmem>>
    %dma_wait3A_122 = arith.constant 0 : i32
    %dma_wait3A_123 = tpu.memref_slice %arg5[%dma_wait3A_117, %add3A_68, %dma_wait3A_122] : memref<4x8192x1024xf32, #tpu.memory_space<hbm>> -> memref<1x4x1024xf32, #tpu.memory_space<hbm>>
    %dma_wait3A_124 = tpu.memref_squeeze %dma_wait3A_123 : memref<1x4x1024xf32, #tpu.memory_space<hbm>> -> memref<4x1024xf32, #tpu.memory_space<hbm>>
    %dma_wait3A_125 = arith.constant 0 : i32
    %dma_wait3A_126 = tpu.memref_slice %arg5[%dma_wait3A_117, %add3A_68, %dma_wait3A_125] : memref<4x8192x1024xf32, #tpu.memory_space<hbm>> -> memref<1x4x1024xf32, #tpu.memory_space<hbm>>
    %dma_wait3A_127 = tpu.memref_squeeze %dma_wait3A_126 : memref<1x4x1024xf32, #tpu.memory_space<hbm>> -> memref<4x1024xf32, #tpu.memory_space<hbm>>
    %dma_wait3A_128 = arith.constant 12 : i32
    %dma_wait3A_129 = arith.constant 0 : i32
    %dma_wait3A_130 = tpu.memref_slice %arg7[%dma_wait3A_116, %dma_wait3A_128, %dma_wait3A_129] : memref<4x16x1024xf32, #tpu.memory_space<vmem>> -> memref<1x4x1024xf32, #tpu.memory_space<vmem>>
    %dma_wait3A_131 = tpu.memref_squeeze %dma_wait3A_130 : memref<1x4x1024xf32, #tpu.memory_space<vmem>> -> memref<4x1024xf32, #tpu.memory_space<vmem>>
    tpu.wait_dma2 semaphore(%arg13 : memref<!tpu.dma_semaphore, #tpu.memory_space<semaphore_mem>>) src(%dma_wait3A_131 : memref<4x1024xf32, #tpu.memory_space<vmem>>) dst(%dma_wait3A_127 : memref<4x1024xf32, #tpu.memory_space<hbm>>)
    %add3A_132 = arith.constant 244 : i32
    %add3A_133 = arith.addi %mul3A_2, %add3A_132 : i32
    %add3A_134 = arith.constant 244 : i32
    %add3A_135 = arith.addi %mul3A_2, %add3A_134 : i32
    %add3A_136 = arith.constant 244 : i32
    %add3A_137 = arith.addi %mul3A_2, %add3A_136 : i32
    %add3A_138 = arith.constant 244 : i32
    %add3A_139 = arith.addi %mul3A_2, %add3A_138 : i32
    %dma_wait3A_140 = arith.constant 1 : i32
    %dma_wait3A_141 = arith.constant 0 : i32
    %dma_wait3A_142 = arith.constant 0 : i32
    %dma_wait3A_143 = arith.constant 0 : i32
    %dma_wait3A_144 = tpu.memref_slice %arg7[%dma_wait3A_140, %dma_wait3A_142, %dma_wait3A_143] : memref<4x16x1024xf32, #tpu.memory_space<vmem>> -> memref<1x4x1024xf32, #tpu.memory_space<vmem>>
    %dma_wait3A_145 = tpu.memref_squeeze %dma_wait3A_144 : memref<1x4x1024xf32, #tpu.memory_space<vmem>> -> memref<4x1024xf32, #tpu.memory_space<vmem>>
    %dma_wait3A_146 = arith.constant 0 : i32
    %dma_wait3A_147 = tpu.memref_slice %arg5[%dma_wait3A_141, %add3A_133, %dma_wait3A_146] : memref<4x8192x1024xf32, #tpu.memory_space<hbm>> -> memref<1x4x1024xf32, #tpu.memory_space<hbm>>
    %dma_wait3A_148 = tpu.memref_squeeze %dma_wait3A_147 : memref<1x4x1024xf32, #tpu.memory_space<hbm>> -> memref<4x1024xf32, #tpu.memory_space<hbm>>
    %dma_wait3A_149 = arith.constant 0 : i32
    %dma_wait3A_150 = tpu.memref_slice %arg5[%dma_wait3A_141, %add3A_133, %dma_wait3A_149] : memref<4x8192x1024xf32, #tpu.memory_space<hbm>> -> memref<1x4x1024xf32, #tpu.memory_space<hbm>>
    %dma_wait3A_151 = tpu.memref_squeeze %dma_wait3A_150 : memref<1x4x1024xf32, #tpu.memory_space<hbm>> -> memref<4x1024xf32, #tpu.memory_space<hbm>>
    %dma_wait3A_152 = arith.constant 0 : i32
    %dma_wait3A_153 = arith.constant 0 : i32
    %dma_wait3A_154 = tpu.memref_slice %arg7[%dma_wait3A_140, %dma_wait3A_152, %dma_wait3A_153] : memref<4x16x1024xf32, #tpu.memory_space<vmem>> -> memref<1x4x1024xf32, #tpu.memory_space<vmem>>
    %dma_wait3A_155 = tpu.memref_squeeze %dma_wait3A_154 : memref<1x4x1024xf32, #tpu.memory_space<vmem>> -> memref<4x1024xf32, #tpu.memory_space<vmem>>
    tpu.wait_dma2 semaphore(%arg14 : memref<!tpu.dma_semaphore, #tpu.memory_space<semaphore_mem>>) src(%dma_wait3A_155 : memref<4x1024xf32, #tpu.memory_space<vmem>>) dst(%dma_wait3A_151 : memref<4x1024xf32, #tpu.memory_space<hbm>>)
    %dma_wait3A_156 = arith.constant 1 : i32
    %dma_wait3A_157 = arith.constant 1 : i32
    %dma_wait3A_158 = arith.constant 4 : i32
    %dma_wait3A_159 = arith.constant 0 : i32
    %dma_wait3A_160 = tpu.memref_slice %arg7[%dma_wait3A_156, %dma_wait3A_158, %dma_wait3A_159] : memref<4x16x1024xf32, #tpu.memory_space<vmem>> -> memref<1x4x1024xf32, #tpu.memory_space<vmem>>
    %dma_wait3A_161 = tpu.memref_squeeze %dma_wait3A_160 : memref<1x4x1024xf32, #tpu.memory_space<vmem>> -> memref<4x1024xf32, #tpu.memory_space<vmem>>
    %dma_wait3A_162 = arith.constant 0 : i32
    %dma_wait3A_163 = tpu.memref_slice %arg5[%dma_wait3A_157, %add3A_135, %dma_wait3A_162] : memref<4x8192x1024xf32, #tpu.memory_space<hbm>> -> memref<1x4x1024xf32, #tpu.memory_space<hbm>>
    %dma_wait3A_164 = tpu.memref_squeeze %dma_wait3A_163 : memref<1x4x1024xf32, #tpu.memory_space<hbm>> -> memref<4x1024xf32, #tpu.memory_space<hbm>>
    %dma_wait3A_165 = arith.constant 0 : i32
    %dma_wait3A_166 = tpu.memref_slice %arg5[%dma_wait3A_157, %add3A_135, %dma_wait3A_165] : memref<4x8192x1024xf32, #tpu.memory_space<hbm>> -> memref<1x4x1024xf32, #tpu.memory_space<hbm>>
    %dma_wait3A_167 = tpu.memref_squeeze %dma_wait3A_166 : memref<1x4x1024xf32, #tpu.memory_space<hbm>> -> memref<4x1024xf32, #tpu.memory_space<hbm>>
    %dma_wait3A_168 = arith.constant 4 : i32
    %dma_wait3A_169 = arith.constant 0 : i32
    %dma_wait3A_170 = tpu.memref_slice %arg7[%dma_wait3A_156, %dma_wait3A_168, %dma_wait3A_169] : memref<4x16x1024xf32, #tpu.memory_space<vmem>> -> memref<1x4x1024xf32, #tpu.memory_space<vmem>>
    %dma_wait3A_171 = tpu.memref_squeeze %dma_wait3A_170 : memref<1x4x1024xf32, #tpu.memory_space<vmem>> -> memref<4x1024xf32, #tpu.memory_space<vmem>>
    tpu.wait_dma2 semaphore(%arg14 : memref<!tpu.dma_semaphore, #tpu.memory_space<semaphore_mem>>) src(%dma_wait3A_171 : memref<4x1024xf32, #tpu.memory_space<vmem>>) dst(%dma_wait3A_167 : memref<4x1024xf32, #tpu.memory_space<hbm>>)
    %dma_wait3A_172 = arith.constant 1 : i32
    %dma_wait3A_173 = arith.constant 2 : i32
    %dma_wait3A_174 = arith.constant 8 : i32
    %dma_wait3A_175 = arith.constant 0 : i32
    %dma_wait3A_176 = tpu.memref_slice %arg7[%dma_wait3A_172, %dma_wait3A_174, %dma_wait3A_175] : memref<4x16x1024xf32, #tpu.memory_space<vmem>> -> memref<1x4x1024xf32, #tpu.memory_space<vmem>>
    %dma_wait3A_177 = tpu.memref_squeeze %dma_wait3A_176 : memref<1x4x1024xf32, #tpu.memory_space<vmem>> -> memref<4x1024xf32, #tpu.memory_space<vmem>>
    %dma_wait3A_178 = arith.constant 0 : i32
    %dma_wait3A_179 = tpu.memref_slice %arg5[%dma_wait3A_173, %add3A_137, %dma_wait3A_178] : memref<4x8192x1024xf32, #tpu.memory_space<hbm>> -> memref<1x4x1024xf32, #tpu.memory_space<hbm>>
    %dma_wait3A_180 = tpu.memref_squeeze %dma_wait3A_179 : memref<1x4x1024xf32, #tpu.memory_space<hbm>> -> memref<4x1024xf32, #tpu.memory_space<hbm>>
    %dma_wait3A_181 = arith.constant 0 : i32
    %dma_wait3A_182 = tpu.memref_slice %arg5[%dma_wait3A_173, %add3A_137, %dma_wait3A_181] : memref<4x8192x1024xf32, #tpu.memory_space<hbm>> -> memref<1x4x1024xf32, #tpu.memory_space<hbm>>
    %dma_wait3A_183 = tpu.memref_squeeze %dma_wait3A_182 : memref<1x4x1024xf32, #tpu.memory_space<hbm>> -> memref<4x1024xf32, #tpu.memory_space<hbm>>
    %dma_wait3A_184 = arith.constant 8 : i32
    %dma_wait3A_185 = arith.constant 0 : i32
    %dma_wait3A_186 = tpu.memref_slice %arg7[%dma_wait3A_172, %dma_wait3A_184, %dma_wait3A_185] : memref<4x16x1024xf32, #tpu.memory_space<vmem>> -> memref<1x4x1024xf32, #tpu.memory_space<vmem>>
    %dma_wait3A_187 = tpu.memref_squeeze %dma_wait3A_186 : memref<1x4x1024xf32, #tpu.memory_space<vmem>> -> memref<4x1024xf32, #tpu.memory_space<vmem>>
    tpu.wait_dma2 semaphore(%arg14 : memref<!tpu.dma_semaphore, #tpu.memory_space<semaphore_mem>>) src(%dma_wait3A_187 : memref<4x1024xf32, #tpu.memory_space<vmem>>) dst(%dma_wait3A_183 : memref<4x1024xf32, #tpu.memory_space<hbm>>)
    %dma_wait3A_188 = arith.constant 1 : i32
    %dma_wait3A_189 = arith.constant 3 : i32
    %dma_wait3A_190 = arith.constant 12 : i32
    %dma_wait3A_191 = arith.constant 0 : i32
    %dma_wait3A_192 = tpu.memref_slice %arg7[%dma_wait3A_188, %dma_wait3A_190, %dma_wait3A_191] : memref<4x16x1024xf32, #tpu.memory_space<vmem>> -> memref<1x4x1024xf32, #tpu.memory_space<vmem>>
    %dma_wait3A_193 = tpu.memref_squeeze %dma_wait3A_192 : memref<1x4x1024xf32, #tpu.memory_space<vmem>> -> memref<4x1024xf32, #tpu.memory_space<vmem>>
    %dma_wait3A_194 = arith.constant 0 : i32
    %dma_wait3A_195 = tpu.memref_slice %arg5[%dma_wait3A_189, %add3A_139, %dma_wait3A_194] : memref<4x8192x1024xf32, #tpu.memory_space<hbm>> -> memref<1x4x1024xf32, #tpu.memory_space<hbm>>
    %dma_wait3A_196 = tpu.memref_squeeze %dma_wait3A_195 : memref<1x4x1024xf32, #tpu.memory_space<hbm>> -> memref<4x1024xf32, #tpu.memory_space<hbm>>
    %dma_wait3A_197 = arith.constant 0 : i32
    %dma_wait3A_198 = tpu.memref_slice %arg5[%dma_wait3A_189, %add3A_139, %dma_wait3A_197] : memref<4x8192x1024xf32, #tpu.memory_space<hbm>> -> memref<1x4x1024xf32, #tpu.memory_space<hbm>>
    %dma_wait3A_199 = tpu.memref_squeeze %dma_wait3A_198 : memref<1x4x1024xf32, #tpu.memory_space<hbm>> -> memref<4x1024xf32, #tpu.memory_space<hbm>>
    %dma_wait3A_200 = arith.constant 12 : i32
    %dma_wait3A_201 = arith.constant 0 : i32
    %dma_wait3A_202 = tpu.memref_slice %arg7[%dma_wait3A_188, %dma_wait3A_200, %dma_wait3A_201] : memref<4x16x1024xf32, #tpu.memory_space<vmem>> -> memref<1x4x1024xf32, #tpu.memory_space<vmem>>
    %dma_wait3A_203 = tpu.memref_squeeze %dma_wait3A_202 : memref<1x4x1024xf32, #tpu.memory_space<vmem>> -> memref<4x1024xf32, #tpu.memory_space<vmem>>
    tpu.wait_dma2 semaphore(%arg14 : memref<!tpu.dma_semaphore, #tpu.memory_space<semaphore_mem>>) src(%dma_wait3A_203 : memref<4x1024xf32, #tpu.memory_space<vmem>>) dst(%dma_wait3A_199 : memref<4x1024xf32, #tpu.memory_space<hbm>>)
    %add3A_204 = arith.constant 248 : i32
    %add3A_205 = arith.addi %mul3A_2, %add3A_204 : i32
    %add3A_206 = arith.constant 248 : i32
    %add3A_207 = arith.addi %mul3A_2, %add3A_206 : i32
    %add3A_208 = arith.constant 248 : i32
    %add3A_209 = arith.addi %mul3A_2, %add3A_208 : i32
    %add3A_210 = arith.constant 248 : i32
    %add3A_211 = arith.addi %mul3A_2, %add3A_210 : i32
    %dma_wait3A_212 = arith.constant 2 : i32
    %dma_wait3A_213 = arith.constant 0 : i32
    %dma_wait3A_214 = arith.constant 0 : i32
    %dma_wait3A_215 = arith.constant 0 : i32
    %dma_wait3A_216 = tpu.memref_slice %arg7[%dma_wait3A_212, %dma_wait3A_214, %dma_wait3A_215] : memref<4x16x1024xf32, #tpu.memory_space<vmem>> -> memref<1x4x1024xf32, #tpu.memory_space<vmem>>
    %dma_wait3A_217 = tpu.memref_squeeze %dma_wait3A_216 : memref<1x4x1024xf32, #tpu.memory_space<vmem>> -> memref<4x1024xf32, #tpu.memory_space<vmem>>
    %dma_wait3A_218 = arith.constant 0 : i32
    %dma_wait3A_219 = tpu.memref_slice %arg5[%dma_wait3A_213, %add3A_205, %dma_wait3A_218] : memref<4x8192x1024xf32, #tpu.memory_space<hbm>> -> memref<1x4x1024xf32, #tpu.memory_space<hbm>>
    %dma_wait3A_220 = tpu.memref_squeeze %dma_wait3A_219 : memref<1x4x1024xf32, #tpu.memory_space<hbm>> -> memref<4x1024xf32, #tpu.memory_space<hbm>>
    %dma_wait3A_221 = arith.constant 0 : i32
    %dma_wait3A_222 = tpu.memref_slice %arg5[%dma_wait3A_213, %add3A_205, %dma_wait3A_221] : memref<4x8192x1024xf32, #tpu.memory_space<hbm>> -> memref<1x4x1024xf32, #tpu.memory_space<hbm>>
    %dma_wait3A_223 = tpu.memref_squeeze %dma_wait3A_222 : memref<1x4x1024xf32, #tpu.memory_space<hbm>> -> memref<4x1024xf32, #tpu.memory_space<hbm>>
    %dma_wait3A_224 = arith.constant 0 : i32
    %dma_wait3A_225 = arith.constant 0 : i32
    %dma_wait3A_226 = tpu.memref_slice %arg7[%dma_wait3A_212, %dma_wait3A_224, %dma_wait3A_225] : memref<4x16x1024xf32, #tpu.memory_space<vmem>> -> memref<1x4x1024xf32, #tpu.memory_space<vmem>>
    %dma_wait3A_227 = tpu.memref_squeeze %dma_wait3A_226 : memref<1x4x1024xf32, #tpu.memory_space<vmem>> -> memref<4x1024xf32, #tpu.memory_space<vmem>>
    tpu.wait_dma2 semaphore(%arg15 : memref<!tpu.dma_semaphore, #tpu.memory_space<semaphore_mem>>) src(%dma_wait3A_227 : memref<4x1024xf32, #tpu.memory_space<vmem>>) dst(%dma_wait3A_223 : memref<4x1024xf32, #tpu.memory_space<hbm>>)
    %dma_wait3A_228 = arith.constant 2 : i32
    %dma_wait3A_229 = arith.constant 1 : i32
    %dma_wait3A_230 = arith.constant 4 : i32
    %dma_wait3A_231 = arith.constant 0 : i32
    %dma_wait3A_232 = tpu.memref_slice %arg7[%dma_wait3A_228, %dma_wait3A_230, %dma_wait3A_231] : memref<4x16x1024xf32, #tpu.memory_space<vmem>> -> memref<1x4x1024xf32, #tpu.memory_space<vmem>>
    %dma_wait3A_233 = tpu.memref_squeeze %dma_wait3A_232 : memref<1x4x1024xf32, #tpu.memory_space<vmem>> -> memref<4x1024xf32, #tpu.memory_space<vmem>>
    %dma_wait3A_234 = arith.constant 0 : i32
    %dma_wait3A_235 = tpu.memref_slice %arg5[%dma_wait3A_229, %add3A_207, %dma_wait3A_234] : memref<4x8192x1024xf32, #tpu.memory_space<hbm>> -> memref<1x4x1024xf32, #tpu.memory_space<hbm>>
    %dma_wait3A_236 = tpu.memref_squeeze %dma_wait3A_235 : memref<1x4x1024xf32, #tpu.memory_space<hbm>> -> memref<4x1024xf32, #tpu.memory_space<hbm>>
    %dma_wait3A_237 = arith.constant 0 : i32
    %dma_wait3A_238 = tpu.memref_slice %arg5[%dma_wait3A_229, %add3A_207, %dma_wait3A_237] : memref<4x8192x1024xf32, #tpu.memory_space<hbm>> -> memref<1x4x1024xf32, #tpu.memory_space<hbm>>
    %dma_wait3A_239 = tpu.memref_squeeze %dma_wait3A_238 : memref<1x4x1024xf32, #tpu.memory_space<hbm>> -> memref<4x1024xf32, #tpu.memory_space<hbm>>
    %dma_wait3A_240 = arith.constant 4 : i32
    %dma_wait3A_241 = arith.constant 0 : i32
    %dma_wait3A_242 = tpu.memref_slice %arg7[%dma_wait3A_228, %dma_wait3A_240, %dma_wait3A_241] : memref<4x16x1024xf32, #tpu.memory_space<vmem>> -> memref<1x4x1024xf32, #tpu.memory_space<vmem>>
    %dma_wait3A_243 = tpu.memref_squeeze %dma_wait3A_242 : memref<1x4x1024xf32, #tpu.memory_space<vmem>> -> memref<4x1024xf32, #tpu.memory_space<vmem>>
    tpu.wait_dma2 semaphore(%arg15 : memref<!tpu.dma_semaphore, #tpu.memory_space<semaphore_mem>>) src(%dma_wait3A_243 : memref<4x1024xf32, #tpu.memory_space<vmem>>) dst(%dma_wait3A_239 : memref<4x1024xf32, #tpu.memory_space<hbm>>)
    %dma_wait3A_244 = arith.constant 2 : i32
    %dma_wait3A_245 = arith.constant 2 : i32
    %dma_wait3A_246 = arith.constant 8 : i32
    %dma_wait3A_247 = arith.constant 0 : i32
    %dma_wait3A_248 = tpu.memref_slice %arg7[%dma_wait3A_244, %dma_wait3A_246, %dma_wait3A_247] : memref<4x16x1024xf32, #tpu.memory_space<vmem>> -> memref<1x4x1024xf32, #tpu.memory_space<vmem>>
    %dma_wait3A_249 = tpu.memref_squeeze %dma_wait3A_248 : memref<1x4x1024xf32, #tpu.memory_space<vmem>> -> memref<4x1024xf32, #tpu.memory_space<vmem>>
    %dma_wait3A_250 = arith.constant 0 : i32
    %dma_wait3A_251 = tpu.memref_slice %arg5[%dma_wait3A_245, %add3A_209, %dma_wait3A_250] : memref<4x8192x1024xf32, #tpu.memory_space<hbm>> -> memref<1x4x1024xf32, #tpu.memory_space<hbm>>
    %dma_wait3A_252 = tpu.memref_squeeze %dma_wait3A_251 : memref<1x4x1024xf32, #tpu.memory_space<hbm>> -> memref<4x1024xf32, #tpu.memory_space<hbm>>
    %dma_wait3A_253 = arith.constant 0 : i32
    %dma_wait3A_254 = tpu.memref_slice %arg5[%dma_wait3A_245, %add3A_209, %dma_wait3A_253] : memref<4x8192x1024xf32, #tpu.memory_space<hbm>> -> memref<1x4x1024xf32, #tpu.memory_space<hbm>>
    %dma_wait3A_255 = tpu.memref_squeeze %dma_wait3A_254 : memref<1x4x1024xf32, #tpu.memory_space<hbm>> -> memref<4x1024xf32, #tpu.memory_space<hbm>>
    %dma_wait3A_256 = arith.constant 8 : i32
    %dma_wait3A_257 = arith.constant 0 : i32
    %dma_wait3A_258 = tpu.memref_slice %arg7[%dma_wait3A_244, %dma_wait3A_256, %dma_wait3A_257] : memref<4x16x1024xf32, #tpu.memory_space<vmem>> -> memref<1x4x1024xf32, #tpu.memory_space<vmem>>
    %dma_wait3A_259 = tpu.memref_squeeze %dma_wait3A_258 : memref<1x4x1024xf32, #tpu.memory_space<vmem>> -> memref<4x1024xf32, #tpu.memory_space<vmem>>
    tpu.wait_dma2 semaphore(%arg15 : memref<!tpu.dma_semaphore, #tpu.memory_space<semaphore_mem>>) src(%dma_wait3A_259 : memref<4x1024xf32, #tpu.memory_space<vmem>>) dst(%dma_wait3A_255 : memref<4x1024xf32, #tpu.memory_space<hbm>>)
    %dma_wait3A_260 = arith.constant 2 : i32
    %dma_wait3A_261 = arith.constant 3 : i32
    %dma_wait3A_262 = arith.constant 12 : i32
    %dma_wait3A_263 = arith.constant 0 : i32
    %dma_wait3A_264 = tpu.memref_slice %arg7[%dma_wait3A_260, %dma_wait3A_262, %dma_wait3A_263] : memref<4x16x1024xf32, #tpu.memory_space<vmem>> -> memref<1x4x1024xf32, #tpu.memory_space<vmem>>
    %dma_wait3A_265 = tpu.memref_squeeze %dma_wait3A_264 : memref<1x4x1024xf32, #tpu.memory_space<vmem>> -> memref<4x1024xf32, #tpu.memory_space<vmem>>
    %dma_wait3A_266 = arith.constant 0 : i32
    %dma_wait3A_267 = tpu.memref_slice %arg5[%dma_wait3A_261, %add3A_211, %dma_wait3A_266] : memref<4x8192x1024xf32, #tpu.memory_space<hbm>> -> memref<1x4x1024xf32, #tpu.memory_space<hbm>>
    %dma_wait3A_268 = tpu.memref_squeeze %dma_wait3A_267 : memref<1x4x1024xf32, #tpu.memory_space<hbm>> -> memref<4x1024xf32, #tpu.memory_space<hbm>>
    %dma_wait3A_269 = arith.constant 0 : i32
    %dma_wait3A_270 = tpu.memref_slice %arg5[%dma_wait3A_261, %add3A_211, %dma_wait3A_269] : memref<4x8192x1024xf32, #tpu.memory_space<hbm>> -> memref<1x4x1024xf32, #tpu.memory_space<hbm>>
    %dma_wait3A_271 = tpu.memref_squeeze %dma_wait3A_270 : memref<1x4x1024xf32, #tpu.memory_space<hbm>> -> memref<4x1024xf32, #tpu.memory_space<hbm>>
    %dma_wait3A_272 = arith.constant 12 : i32
    %dma_wait3A_273 = arith.constant 0 : i32
    %dma_wait3A_274 = tpu.memref_slice %arg7[%dma_wait3A_260, %dma_wait3A_272, %dma_wait3A_273] : memref<4x16x1024xf32, #tpu.memory_space<vmem>> -> memref<1x4x1024xf32, #tpu.memory_space<vmem>>
    %dma_wait3A_275 = tpu.memref_squeeze %dma_wait3A_274 : memref<1x4x1024xf32, #tpu.memory_space<vmem>> -> memref<4x1024xf32, #tpu.memory_space<vmem>>
    tpu.wait_dma2 semaphore(%arg15 : memref<!tpu.dma_semaphore, #tpu.memory_space<semaphore_mem>>) src(%dma_wait3A_275 : memref<4x1024xf32, #tpu.memory_space<vmem>>) dst(%dma_wait3A_271 : memref<4x1024xf32, #tpu.memory_space<hbm>>)
    %add3A_276 = arith.constant 252 : i32
    %add3A_277 = arith.addi %mul3A_2, %add3A_276 : i32
    %add3A_278 = arith.constant 252 : i32
    %add3A_279 = arith.addi %mul3A_2, %add3A_278 : i32
    %add3A_280 = arith.constant 252 : i32
    %add3A_281 = arith.addi %mul3A_2, %add3A_280 : i32
    %add3A_282 = arith.constant 252 : i32
    %add3A_283 = arith.addi %mul3A_2, %add3A_282 : i32
    %dma_wait3A_284 = arith.constant 3 : i32
    %dma_wait3A_285 = arith.constant 0 : i32
    %dma_wait3A_286 = arith.constant 0 : i32
    %dma_wait3A_287 = arith.constant 0 : i32
    %dma_wait3A_288 = tpu.memref_slice %arg7[%dma_wait3A_284, %dma_wait3A_286, %dma_wait3A_287] : memref<4x16x1024xf32, #tpu.memory_space<vmem>> -> memref<1x4x1024xf32, #tpu.memory_space<vmem>>
    %dma_wait3A_289 = tpu.memref_squeeze %dma_wait3A_288 : memref<1x4x1024xf32, #tpu.memory_space<vmem>> -> memref<4x1024xf32, #tpu.memory_space<vmem>>
    %dma_wait3A_290 = arith.constant 0 : i32
    %dma_wait3A_291 = tpu.memref_slice %arg5[%dma_wait3A_285, %add3A_277, %dma_wait3A_290] : memref<4x8192x1024xf32, #tpu.memory_space<hbm>> -> memref<1x4x1024xf32, #tpu.memory_space<hbm>>
    %dma_wait3A_292 = tpu.memref_squeeze %dma_wait3A_291 : memref<1x4x1024xf32, #tpu.memory_space<hbm>> -> memref<4x1024xf32, #tpu.memory_space<hbm>>
    %dma_wait3A_293 = arith.constant 0 : i32
    %dma_wait3A_294 = tpu.memref_slice %arg5[%dma_wait3A_285, %add3A_277, %dma_wait3A_293] : memref<4x8192x1024xf32, #tpu.memory_space<hbm>> -> memref<1x4x1024xf32, #tpu.memory_space<hbm>>
    %dma_wait3A_295 = tpu.memref_squeeze %dma_wait3A_294 : memref<1x4x1024xf32, #tpu.memory_space<hbm>> -> memref<4x1024xf32, #tpu.memory_space<hbm>>
    %dma_wait3A_296 = arith.constant 0 : i32
    %dma_wait3A_297 = arith.constant 0 : i32
    %dma_wait3A_298 = tpu.memref_slice %arg7[%dma_wait3A_284, %dma_wait3A_296, %dma_wait3A_297] : memref<4x16x1024xf32, #tpu.memory_space<vmem>> -> memref<1x4x1024xf32, #tpu.memory_space<vmem>>
    %dma_wait3A_299 = tpu.memref_squeeze %dma_wait3A_298 : memref<1x4x1024xf32, #tpu.memory_space<vmem>> -> memref<4x1024xf32, #tpu.memory_space<vmem>>
    tpu.wait_dma2 semaphore(%arg16 : memref<!tpu.dma_semaphore, #tpu.memory_space<semaphore_mem>>) src(%dma_wait3A_299 : memref<4x1024xf32, #tpu.memory_space<vmem>>) dst(%dma_wait3A_295 : memref<4x1024xf32, #tpu.memory_space<hbm>>)
    %dma_wait3A_300 = arith.constant 3 : i32
    %dma_wait3A_301 = arith.constant 1 : i32
    %dma_wait3A_302 = arith.constant 4 : i32
    %dma_wait3A_303 = arith.constant 0 : i32
    %dma_wait3A_304 = tpu.memref_slice %arg7[%dma_wait3A_300, %dma_wait3A_302, %dma_wait3A_303] : memref<4x16x1024xf32, #tpu.memory_space<vmem>> -> memref<1x4x1024xf32, #tpu.memory_space<vmem>>
    %dma_wait3A_305 = tpu.memref_squeeze %dma_wait3A_304 : memref<1x4x1024xf32, #tpu.memory_space<vmem>> -> memref<4x1024xf32, #tpu.memory_space<vmem>>
    %dma_wait3A_306 = arith.constant 0 : i32
    %dma_wait3A_307 = tpu.memref_slice %arg5[%dma_wait3A_301, %add3A_279, %dma_wait3A_306] : memref<4x8192x1024xf32, #tpu.memory_space<hbm>> -> memref<1x4x1024xf32, #tpu.memory_space<hbm>>
    %dma_wait3A_308 = tpu.memref_squeeze %dma_wait3A_307 : memref<1x4x1024xf32, #tpu.memory_space<hbm>> -> memref<4x1024xf32, #tpu.memory_space<hbm>>
    %dma_wait3A_309 = arith.constant 0 : i32
    %dma_wait3A_310 = tpu.memref_slice %arg5[%dma_wait3A_301, %add3A_279, %dma_wait3A_309] : memref<4x8192x1024xf32, #tpu.memory_space<hbm>> -> memref<1x4x1024xf32, #tpu.memory_space<hbm>>
    %dma_wait3A_311 = tpu.memref_squeeze %dma_wait3A_310 : memref<1x4x1024xf32, #tpu.memory_space<hbm>> -> memref<4x1024xf32, #tpu.memory_space<hbm>>
    %dma_wait3A_312 = arith.constant 4 : i32
    %dma_wait3A_313 = arith.constant 0 : i32
    %dma_wait3A_314 = tpu.memref_slice %arg7[%dma_wait3A_300, %dma_wait3A_312, %dma_wait3A_313] : memref<4x16x1024xf32, #tpu.memory_space<vmem>> -> memref<1x4x1024xf32, #tpu.memory_space<vmem>>
    %dma_wait3A_315 = tpu.memref_squeeze %dma_wait3A_314 : memref<1x4x1024xf32, #tpu.memory_space<vmem>> -> memref<4x1024xf32, #tpu.memory_space<vmem>>
    tpu.wait_dma2 semaphore(%arg16 : memref<!tpu.dma_semaphore, #tpu.memory_space<semaphore_mem>>) src(%dma_wait3A_315 : memref<4x1024xf32, #tpu.memory_space<vmem>>) dst(%dma_wait3A_311 : memref<4x1024xf32, #tpu.memory_space<hbm>>)
    %dma_wait3A_316 = arith.constant 3 : i32
    %dma_wait3A_317 = arith.constant 2 : i32
    %dma_wait3A_318 = arith.constant 8 : i32
    %dma_wait3A_319 = arith.constant 0 : i32
    %dma_wait3A_320 = tpu.memref_slice %arg7[%dma_wait3A_316, %dma_wait3A_318, %dma_wait3A_319] : memref<4x16x1024xf32, #tpu.memory_space<vmem>> -> memref<1x4x1024xf32, #tpu.memory_space<vmem>>
    %dma_wait3A_321 = tpu.memref_squeeze %dma_wait3A_320 : memref<1x4x1024xf32, #tpu.memory_space<vmem>> -> memref<4x1024xf32, #tpu.memory_space<vmem>>
    %dma_wait3A_322 = arith.constant 0 : i32
    %dma_wait3A_323 = tpu.memref_slice %arg5[%dma_wait3A_317, %add3A_281, %dma_wait3A_322] : memref<4x8192x1024xf32, #tpu.memory_space<hbm>> -> memref<1x4x1024xf32, #tpu.memory_space<hbm>>
    %dma_wait3A_324 = tpu.memref_squeeze %dma_wait3A_323 : memref<1x4x1024xf32, #tpu.memory_space<hbm>> -> memref<4x1024xf32, #tpu.memory_space<hbm>>
    %dma_wait3A_325 = arith.constant 0 : i32
    %dma_wait3A_326 = tpu.memref_slice %arg5[%dma_wait3A_317, %add3A_281, %dma_wait3A_325] : memref<4x8192x1024xf32, #tpu.memory_space<hbm>> -> memref<1x4x1024xf32, #tpu.memory_space<hbm>>
    %dma_wait3A_327 = tpu.memref_squeeze %dma_wait3A_326 : memref<1x4x1024xf32, #tpu.memory_space<hbm>> -> memref<4x1024xf32, #tpu.memory_space<hbm>>
    %dma_wait3A_328 = arith.constant 8 : i32
    %dma_wait3A_329 = arith.constant 0 : i32
    %dma_wait3A_330 = tpu.memref_slice %arg7[%dma_wait3A_316, %dma_wait3A_328, %dma_wait3A_329] : memref<4x16x1024xf32, #tpu.memory_space<vmem>> -> memref<1x4x1024xf32, #tpu.memory_space<vmem>>
    %dma_wait3A_331 = tpu.memref_squeeze %dma_wait3A_330 : memref<1x4x1024xf32, #tpu.memory_space<vmem>> -> memref<4x1024xf32, #tpu.memory_space<vmem>>
    tpu.wait_dma2 semaphore(%arg16 : memref<!tpu.dma_semaphore, #tpu.memory_space<semaphore_mem>>) src(%dma_wait3A_331 : memref<4x1024xf32, #tpu.memory_space<vmem>>) dst(%dma_wait3A_327 : memref<4x1024xf32, #tpu.memory_space<hbm>>)
    %dma_wait3A_332 = arith.constant 3 : i32
    %dma_wait3A_333 = arith.constant 3 : i32
    %dma_wait3A_334 = arith.constant 12 : i32
    %dma_wait3A_335 = arith.constant 0 : i32
    %dma_wait3A_336 = tpu.memref_slice %arg7[%dma_wait3A_332, %dma_wait3A_334, %dma_wait3A_335] : memref<4x16x1024xf32, #tpu.memory_space<vmem>> -> memref<1x4x1024xf32, #tpu.memory_space<vmem>>
    %dma_wait3A_337 = tpu.memref_squeeze %dma_wait3A_336 : memref<1x4x1024xf32, #tpu.memory_space<vmem>> -> memref<4x1024xf32, #tpu.memory_space<vmem>>
    %dma_wait3A_338 = arith.constant 0 : i32
    %dma_wait3A_339 = tpu.memref_slice %arg5[%dma_wait3A_333, %add3A_283, %dma_wait3A_338] : memref<4x8192x1024xf32, #tpu.memory_space<hbm>> -> memref<1x4x1024xf32, #tpu.memory_space<hbm>>
    %dma_wait3A_340 = tpu.memref_squeeze %dma_wait3A_339 : memref<1x4x1024xf32, #tpu.memory_space<hbm>> -> memref<4x1024xf32, #tpu.memory_space<hbm>>
    %dma_wait3A_341 = arith.constant 0 : i32
    %dma_wait3A_342 = tpu.memref_slice %arg5[%dma_wait3A_333, %add3A_283, %dma_wait3A_341] : memref<4x8192x1024xf32, #tpu.memory_space<hbm>> -> memref<1x4x1024xf32, #tpu.memory_space<hbm>>
    %dma_wait3A_343 = tpu.memref_squeeze %dma_wait3A_342 : memref<1x4x1024xf32, #tpu.memory_space<hbm>> -> memref<4x1024xf32, #tpu.memory_space<hbm>>
    %dma_wait3A_344 = arith.constant 12 : i32
    %dma_wait3A_345 = arith.constant 0 : i32
    %dma_wait3A_346 = tpu.memref_slice %arg7[%dma_wait3A_332, %dma_wait3A_344, %dma_wait3A_345] : memref<4x16x1024xf32, #tpu.memory_space<vmem>> -> memref<1x4x1024xf32, #tpu.memory_space<vmem>>
    %dma_wait3A_347 = tpu.memref_squeeze %dma_wait3A_346 : memref<1x4x1024xf32, #tpu.memory_space<vmem>> -> memref<4x1024xf32, #tpu.memory_space<vmem>>
    tpu.wait_dma2 semaphore(%arg16 : memref<!tpu.dma_semaphore, #tpu.memory_space<semaphore_mem>>) src(%dma_wait3A_347 : memref<4x1024xf32, #tpu.memory_space<vmem>>) dst(%dma_wait3A_343 : memref<4x1024xf32, #tpu.memory_space<hbm>>)
    return
  }
}

</mosaic_0001>

<sc_bundles>
// kernel: kernel.3.cloned.1.call-start
scs
__scs_entry_jumppad:
0x0: {  	(pc) =	sbr.rel $0x88, $3  }
0x1: {  	(tag) =	ssettag $0x0;
	lr =	simm.s32 $0x1  }
0x2: {  	[smem:$0x3F9E] =	sst lr;
	_ =	strace $0xD0000000  }
0x3: {  	_ = 	snop  }
0x4: {  	_ = 	snop  }
0x5: {  	_ = 	snop  }
0x6: {  	_ = 	snop  }
0x7: {  	_ = 	snop  }
__scs_overlays_trampoline_lowered:
0x8: {  	[smem:$0x3FAD] =	sst s0  }
0x9: {  	[smem:$0x3FAE] =	sst s1  }
0xa: {  	[smem:$0x3FAF] =	sst s2  }
0xb: {  	[smem:$0x3FB0] =	sst s3  }
0xc: {  	[smem:$0x3FB1] =	sst s4  }
0xd: {  	[smem:$0x3FB2] =	sst s5  }
0xe: {  	[smem:$0x3FB3] =	sst s6  }
0xf: {  	[smem:$0x3FB4] =	sst s7  }
0x10: {  	[smem:$0x3FB5] =	sst s8  }
0x11: {  	[smem:$0x3FB6] =	sst s9;
	s0 =	simm.s32 @!p0 $0x0  }
0x12: {  	s1 =	sld [smem:$0x3F9C];
	s0 =	simm.s32 @p0 $0x1  }
0x13: {  	[smem:$0x3FB7] =	sst s0;
	s0 =	simm.s32 @!p1 $0x0  }
0x14: {  	s2 =	sld [smem:$0x3F9B];
	s0 =	simm.s32 @p1 $0x1  }
0x15: {  	[smem:$0x3FB8] =	sst s0;
	s0 =	simm.s32 @!p2 $0x0  }
0x16: {  	s3 =	sld [smem:$0x3FDB];
	s0 =	simm.s32 @p2 $0x1  }
0x17: {  	s4 =	simm.s32 $0x1BF5;
	[smem:$0x3FBA] =	sst s0  }
0x18: {  	s0 =	sld [smem:$0x3F9D];
	_ =	swait.ge [sflag:s4], $0x0  }
0x19: {  	s7 =	sld [smem:$0x3F9E]  }
0x1a: {  	s8 =	sadd.s32 $0xFFFFE003, lr  }
0x1b: {  	s9 =	sadd.s32 $0xFFFFFEF7, lr;
	s5 =	simm.s32 $0xFFFFFFFF;
	p2 =	slt.u32 s8, $0xFFFFF086  }
0x1c: {  	p1 =	slt.u32 s9, $0xF7A;
	s5 =	simm.s32 @!p2 $0x0  }
0x1d: {  	s5 =	simm.s32 @p1 $0x1;
	p0 =	seq.s32 s7, s2  }
0x1e: {  	s7 =	smul.u32 @!p0 $0xF7A, s2;
	p2 =	seq.s32 @!p0 s5, $0x0  }
0x1f: {  	s9 =	smul.u32 $0xF7A, s1;
	s8 =	simm.s32 @!p0 $0x1BF5;
	p2 =	por !p2, p0  }
0x20: {  	[sflag:s8] =	ssyncset.s32 @!p0 $0xFFFFF086;
	s6 =	sadd.s32 @!p0 s3, s7;
	s7 =	simm.s32 @!p0 $0x108  }
0x21: {  	s3 =	sadd.s32 s3, s9;
	s6 =	sadd.s32 @!p0 $0x88, s6;
	s7 =	simm.s32 @p2 $0x1082  }
0x22: {  	[simem:s7], [sflag:s8] =	dma.local @!p0 [hbm:s6], $0xF7A  }
0x23: {  	s9 =	sor.u32 $0xD0000000, s2;
	s6 =	simm.s32 $0x108;
	_ =	swait.ge @!p0 [sflag:s8], $0x0  }
0x24: {  	s3 =	sadd.s32 $0x88, s3;
	s6 =	simm.s32 @!p1 $0x1082;
	[sflag:s4] =	ssyncset.s32 $0xFFFFF086  }
0x25: {  	[simem:s6], [sflag:s4] =	dma.local [hbm:s3], $0xF7A  }
0x26: {  	[smem:$0x3F9E] =	sst s1;
	(tag) =	ssettag s2;
	_ =	strace s9  }
0x27: {  	s1 =	sld [smem:$0x3FAE]  }
0x28: {  	s2 =	sld [smem:$0x3FAF]  }
0x29: {  	s4 =	sld [smem:$0x3FB1]  }
0x2a: {  	p0 =	seq.s32 s5, $0x0;
	s5 =	sld [smem:$0x3FB2]  }
0x2b: {  	s6 =	sld [smem:$0x3FB3]  }
0x2c: {  	s7 =	sld [smem:$0x3FB4]  }
0x2d: {  	s3 =	simm.s32 $0x108;
	s8 =	sld [smem:$0x3FB5]  }
0x2e: {  	s3 =	simm.s32 @!p0 $0x1082;
	s9 =	sld [smem:$0x3FB6]  }
0x2f: {  	lr =	sadd.s32 s0, s3;
	s0 =	sld [smem:$0x3FAD]  }
0x30: {  	s3 =	sld [smem:$0x3FB0]  }
0x31: {  	[smem:$0x3FB9] =	sst s10  }
0x32: {  	s10 =	sld [smem:$0x3FB7];
	_ =	sdelay $0x3  }
0x33: {  	p0 =	seq.s32 s10, $0x1;
	s10 =	sld [smem:$0x3FB9];
	_ =	sdelay $0x3  }
0x34: {  	[smem:$0x3FB9] =	sst s10  }
0x35: {  	s10 =	sld [smem:$0x3FB8];
	_ =	sdelay $0x3  }
0x36: {  	p1 =	seq.s32 s10, $0x1;
	s10 =	sld [smem:$0x3FB9];
	_ =	sdelay $0x3  }
0x37: {  	[smem:$0x3FB9] =	sst s10  }
0x38: {  	s10 =	sld [smem:$0x3FBA]  }
0x39: {  	_ = 	snop;
	(pc) =	sbr.ind lr, $3  }
0x3a: {  	_ = 	snop  }
0x3b: {  	_ = 	snop  }
0x3c: {  	p2 =	seq.s32 s10, $0x1;
	s10 =	sld [smem:$0x3FB9]  }
0x3d: {  	_ =	shalt  }
0x3e: {  	_ =	shalt  }
0x3f: {  	_ =	shalt  }
0x40: {  	_ =	shalt  }
0x41: {  	_ =	shalt  }
0x42: {  	_ =	shalt  }
0x43: {  	_ =	shalt  }
0x44: {  	_ =	shalt  }
0x45: {  	_ =	shalt  }
0x46: {  	_ =	shalt  }
0x47: {  	_ =	shalt  }
0x48: {  	_ =	shalt  }
0x49: {  	_ =	shalt  }
0x4a: {  	_ =	shalt  }
0x4b: {  	_ =	shalt  }
0x4c: {  	_ =	shalt  }
0x4d: {  	_ =	shalt  }
0x4e: {  	_ =	shalt  }
0x4f: {  	_ =	shalt  }
0x50: {  	_ =	shalt  }
0x51: {  	_ =	shalt  }
0x52: {  	_ =	shalt  }
0x53: {  	_ =	shalt  }
0x54: {  	_ =	shalt  }
0x55: {  	_ =	shalt  }
0x56: {  	_ =	shalt  }
0x57: {  	_ =	shalt  }
0x58: {  	_ =	shalt  }
0x59: {  	_ =	shalt  }
0x5a: {  	_ =	shalt  }
0x5b: {  	_ =	shalt  }
0x5c: {  	_ =	shalt  }
0x5d: {  	_ =	shalt  }
0x5e: {  	_ =	shalt  }
0x5f: {  	_ =	shalt  }
0x60: {  	_ =	shalt  }
0x61: {  	_ =	shalt  }
0x62: {  	_ =	shalt  }
0x63: {  	_ =	shalt  }
0x64: {  	_ =	shalt  }
0x65: {  	_ =	shalt  }
0x66: {  	_ =	shalt  }
0x67: {  	_ =	shalt  }
0x68: {  	_ =	shalt  }
0x69: {  	_ =	shalt  }
0x6a: {  	_ =	shalt  }
0x6b: {  	_ =	shalt  }
0x6c: {  	_ =	shalt  }
0x6d: {  	_ =	shalt  }
0x6e: {  	_ =	shalt  }
0x6f: {  	_ =	shalt  }
0x70: {  	_ =	shalt  }
0x71: {  	_ =	shalt  }
0x72: {  	_ =	shalt  }
0x73: {  	_ =	shalt  }
0x74: {  	_ =	shalt  }
0x75: {  	_ =	shalt  }
0x76: {  	_ =	shalt  }
0x77: {  	_ =	shalt  }
0x78: {  	_ =	shalt  }
0x79: {  	_ =	shalt  }
0x7a: {  	_ =	shalt  }
0x7b: {  	_ =	shalt  }
0x7c: {  	_ =	shalt  }
0x7d: {  	_ =	shalt  }
0x7e: {  	_ =	shalt  }
0x7f: {  	_ =	shalt  }
0x80: {  	_ =	shalt  }
0x81: {  	_ =	shalt  }
0x82: {  	_ =	shalt  }
0x83: {  	_ =	shalt  }
0x84: {  	_ =	shalt  }
0x85: {  	_ =	shalt  }
0x86: {  	_ =	shalt  }
0x87: {  	_ =	shalt  }
.Lfunc_end0:
.L_simem_size_0:
called_computation_lowered:
.L_overlay_start_0:
0x88: {  	s2 =	sld [smem:$0x3FD9]  }
0x89: {  	s3 =	sld [smem:$0x3FFE];
	_ =	sdelay $0x1  }
0x8a: {  	s1 =	srdreg.scid  }
0x8b: {  	s0 =	sand.u32 $0x1, s1  }
0x8c: {  	s17 =	sshll.u32 s0, $0xA;
	s2 =	sadd.s32 s3, s2  }
0x8d: {  	s2 =	sadd.s32 s2, s17  }
0x8e: {  	[smem:$0x3FC5] =	sst s2  }
0x8f: {  	_ = 	snop  }
0x90: {  	s2 =	sld [smem:$0x3FC8]  }
0x91: {  	s18 =	sld [smem:$0x3FC7]  }
0x92: {  	s4 =	sld [smem:$0x3FD0];
	(tm) =	ssettm $0x1  }
0x93: {  	s5 =	sld [smem:$0x3FFB];
	_ =	sdelay $0x3  }
0x94: {  	_ =	strace s5  }
0x95: {  	s5 =	sld [smem:$0x3FFC];
	_ =	sdelay $0x3  }
0x96: {  	_ =	strace s5  }
0x97: {  	s5 =	sld [smem:$0x3FFD];
	_ =	sdelay $0x3  }
0x98: {  	_ =	strace s5  }
0x99: {  	_ =	strace $0x8FFFFFFF  }
0x9a: {  	s19 =	sld [smem:$0x3FDB];
	_ =	sdelay $0x1  }
0x9b: {  	s6 =	simm.s32 $_scs_section_size  }
0x9c: {  	s7 =	simm.s32 $_size__tile_overlayer_lowered;
	s8 =	simm.s32 $_tile_overlayer_lowered  }
0x9d: {  	s22 =	simm.s32 $0x1BFF;
	s21 =	sshll.u32 s8, $0x1;
	s5 =	sadd.s32 s6, s19  }
0x9e: {  	s9 =	simm.s32 $0x0;
	s20 =	sshll.u32 s7, $0x1;
	s7 =	sadd.s32 s21, s5  }
0x9f: {  	[timem:s9], [sflag:s22] =	dma.local [hbm:s7], s20  }
0xa0: {  	_ =	swait.ge [sflag:s22], s20  }
0xa1: {  	s6 =	ssub.s32 $0x0, s20;
	[sflag:s22] =	ssyncset.done $0x0  }
0xa2: {  	[sflag:s22] =	ssyncadd.s32 s6;
	_ =	sdelay $0x1  }
0xa3: {  	s23 =	simm.s32 $0x1B8B  }
0xa4: {  	_ =	swait.ge [sflag:s23], $0x1  }
0xa5: {  	[sflag:s23] =	ssyncset.done $0x0  }
0xa6: {  	s25 =	simm.s32 $0x1B8E;
	s24 =	sld [smem:$0x3FFE];
	[sflag:s23] =	ssyncadd.s32 $0xFFFFFFFF  }
0xa7: {  	s26 =	simm.s32 $execute0_lowered;
	[smem:$0x3FD2] =	sst s25  }
0xa8: {  	s7 =	sshll.u32 s26, $0x1;
	_ =	strace $0x80000046;
	[dreg:$0x1] =	wrdreg $0xFFFFFFFF  }
0xa9: {  	s28 =	simm.s32 $_size_execute0_lowered;
	s5 =	sadd.s32 s5, s7;
	[dreg:$0x0] =	wrdreg $0x0  }
0xaa: {  	s7 =	sshll.u32 s28, $0x1;
	[dreg:$0x2] =	wrdreg s5  }
0xab: {  	[dreg:$0x3] =	wrdreg s7  }
0xac: {  	[dreg:$0x4] =	wrdreg $0xC0  }
0xad: {  	_ =	task [dreg:s9], $0x5FFFF  }
0xae: {  	[dreg:$0x1] =	wrdreg $0xFFFFFFFF  }
0xaf: {  	[dreg:$0x0] =	wrdreg $0x60  }
0xb0: {  	[dreg:$0x2] =	wrdreg s24  }
0xb1: {  	[dreg:$0x3] =	wrdreg s2  }
0xb2: {  	[dreg:$0x4] =	wrdreg s18  }
0xb3: {  	[dreg:$0x5] =	wrdreg s4  }
0xb4: {  	[dreg:$0x6] =	wrdreg $0x9  }
0xb5: {  	_ =	task.clear_ibuf [dreg:s9], $0x7FFFF;
	_ =	strace $0x90000046  }
0xb6: {  	s29 =	simm.s32 $0x9;
	_ =	strace $0x80000048  }
0xb7: {  	_ =	swait.ge [sflag:s29], $0x1  }
0xb8: {  	[sflag:s29] =	ssyncadd.s32 $0xFFFFFFFF  }
0xb9: {  	_ =	strace $0x90000048  }
0xba: {  	_ =	sfence  }
0xbb: {  	s30 =	sld [smem:$0x0];
	_ =	sdelay $0x2  }
0xbc: {  	s31 =	sshll.u32 s1, $0xD;
	s1 =	sshrl.u32 s1, $0x2  }
0xbd: {  	s3 =	sand.u32 $0x4000, s31;
	s1 =	sadd.s32 s1, s30  }
0xbe: {  	s0 =	sor.u32 s3, s0;
	s1 =	sshll.u32 s1, $0x11  }
0xbf: {  	s0 =	sor.u32 s1, s0  }
0xc0: {  	s0 =	sadd.s32 $0x8F2B, s0  }
0xc1: {  	[sflag:s0] =	ssyncadd.remote.s32 $0x1  }
0xc2: {  	_ =	sfence.sel $0xFFFF  }
0xc3: {  	[dreg:$0x0] =	wrdreg $0xFFFFFFFF;
	(pc) =	sbr.abs _section_cstart, $3  }
0xc4: {  	[dreg:$0x1] =	wrdreg $0xFFFFFFFF  }
0xc5: {  	_ =	task.clear_ibuf [dreg:s9], $0x2FFFF;
	_ =	strace $0x9FFFFFFF  }
0xc6: {  	(tm) =	ssettm $0x7FFFFFFF  }
0xc7: {  	_ =	shalt  }
tec
execute0_lowered:
.L_overlay_start_1:
0x0: {  	(tag) =	ssettag $0x1  }
0x1: {  	s0 =	rddreg [dreg:$0x0]  }
0x2: {  	s3 =	rddreg [dreg:$0x1]  }
0x3: {  	s2 =	rddreg [dreg:$0x2]  }
0x4: {  	s4 =	srdreg.scid;
	s1 =	stileid.u32  }
0x5: {  	s8 =	rddreg [dreg:$0x3];
	s5 =	sand.u32 $0x1, s4;
	s4 =	simm.s32 $0x0  }
0x6: {  	s31 =	simm.s32 $0xA000;
	s24 =	sadd.s32 $0x40, s2;
	[smem:$0x7FF] =	sst s4  }
0x7: {  	s25 =	sadd.s32 $0x40, s8;
	_ =	strace $0x80000047;
	[dreg:$0x9] =	wrdreg s24  }
0x8: {  	s6 =	sshll.u32 s1, $0x1;
	s26 =	sadd.s32 $0x100040, s8;
	[dreg:$0xb] =	wrdreg s25  }
0x9: {  	s28 =	sadd.s32 $0x200040, s8;
	s29 =	sadd.s32 $0x300040, s8;
	[dreg:$0xc] =	wrdreg s26  }
0xa: {  	s6 =	sor.u32 s5, s6;
	s5 =	ssub.s32 $0x2, s5;
	[dreg:$0xd] =	wrdreg s28  }
0xb: {  	s7 =	sshll.u32 s6, $0xA;
	s21 =	sshll.u32 s6, $0x12;
	[dreg:$0xe] =	wrdreg s29  }
0xc: {  	s20 =	sshrl.u32 s5, $0x1;
	s22 =	sshll.u32 s6, $0xF;
	[dreg:$0x5] =	wrdreg s21  }
0xd: {  	s0 =	sadd.s32 s7, s0;
	s23 =	sadd.s32 s2, s22;
	[dreg:$0x6] =	wrdreg s22  }
0xe: {  	s5 =	ssub.s32 s5, s20;
	s0 =	sadd.s32 $0x400, s0;
	[dreg:$0x8] =	wrdreg s23  }
0xf: {  	v2 =	vlaneseq.u32;
	s9 =	sadd.s32 $0x100, s3;
	s30 =	smax.u32 s5, $0x1;
	[dreg:$0x7] =	wrdreg s0  }
0x10: {  	vm0 =	vmmov $0xffff;
	s10 =	sadd.s32 $0x200, s3;
	v1 =	vshrl.u32 v2, $0x3;
	s0 =	sadd.s32 s22, s24;
	[dreg:$0xf] =	wrdreg s30  }
0x11: {  	s11 =	sadd.s32 $0x300, s3;
	v0 =	vand.u32 $0x7, v2;
	v2 =	vor.u32 $0x8, v2;
	v1 =	vmul.u32 $0x8, v1;
	s2 =	simm.s32 $0x0;
	[dreg:$0xa] =	wrdreg s0  }
.LBB2_1:
0x12: {  	[dreg:$0x10] =	wrdreg s2  }
0x13: {  	s0 =	rddreg [dreg:$0x7];
	s6 =	simm.s32 $0x9  }
0x14: {  	[tilespmem:s4], [sflag:$0x9] =	stream.linear.gather [hbm4b:s0+s4], $0x2000, $0x38;
	[tilespmem:$0x16000] =	vst v63  }
0x15: {  	_ =	swait.ge [sflag:s6], $0x2000  }
0x16: {  	s8 =	simm.s32 $0x200;
	s3 =	simm.s32 $0x400;
	[sflag:s6] =	ssyncset.done $0x0  }
0x17: {  	s1 =	simm.s32 $0x12000;
	s7 =	rddreg [dreg:$0x8];
	[sflag:s6] =	ssyncadd.s32 $0xFFFFE000  }
0x18: {  	[tilespmem:s1], [sflag:$0x1] =	stream.strided.gather [hbm4b:s7+s8], $0x1000, s3, s8, $0x38;
	[tilespmem:$0x16000] =	vst v63  }
0x19: {  	v3 =	vld [tilespmem:$0x0];
	_ =	sdelay $0x4  }
0x1a: {  	v4 =	vshll.u32 v3, $0x3  }
0x1b: {  	v3 =	vand.u32 $0x7, v3;
	v4 =	vand.u32 $0xFFFFFFC0, v4  }
0x1c: {  	v3 =	vor.u32 v3, v4  }
0x1d: {  	v4 =	vperm.xlane v3, v0;
	_ =	sdelay $0x1  }
0x1e: {  	v4 =	vadd.s32 v1, v4;
	_ =	sdelay $0x3  }
0x1f: {  	s13 =	simm.s32 $0x2000;
	s12 =	rddreg [dreg:$0x1]  }
0x20: {  	[tilespmem:s13], [sflag:$0x1] =	stream.indirect_vreg.gather [hbm4b:s12+s4], $0x80, v4, vm0, $0xb8;
	[tilespmem:$0x16000] =	vst v63  }
0x21: {  	s14 =	simm.s32 $0x2800;
	v3 =	vperm.xlane v3, v2  }
0x22: {  	[tilespmem:s14], [sflag:$0x1] =	stream.indirect_vreg.gather [hbm4b:s9+s4], $0x80, v4, vm0, $0xb8;
	[tilespmem:$0x16000] =	vst v63  }
0x23: {  	s15 =	simm.s32 $0x3000;
	v3 =	vadd.s32 v1, v3  }
0x24: {  	[tilespmem:s15], [sflag:$0x1] =	stream.indirect_vreg.gather [hbm4b:s10+s4], $0x80, v4, vm0, $0xb8;
	[tilespmem:$0x16000] =	vst v63  }
0x25: {  	s16 =	simm.s32 $0x3800  }
0x26: {  	[tilespmem:s16], [sflag:$0x1] =	stream.indirect_vreg.gather [hbm4b:s11+s4], $0x80, v4, vm0, $0xb8;
	[tilespmem:$0x16000] =	vst v63  }
0x27: {  	s17 =	simm.s32 $0x4000  }
0x28: {  	[tilespmem:s17], [sflag:$0x1] =	stream.indirect_vreg.gather [hbm4b:s12+s4], $0x80, v3, vm0, $0xb8;
	[tilespmem:$0x16000] =	vst v63  }
0x29: {  	s18 =	simm.s32 $0x4800  }
0x2a: {  	[tilespmem:s18], [sflag:$0x1] =	stream.indirect_vreg.gather [hbm4b:s9+s4], $0x80, v3, vm0, $0xb8;
	[tilespmem:$0x16000] =	vst v63  }
0x2b: {  	s19 =	simm.s32 $0x5000  }
0x2c: {  	[tilespmem:s19], [sflag:$0x1] =	stream.indirect_vreg.gather [hbm4b:s10+s4], $0x80, v3, vm0, $0xb8;
	[tilespmem:$0x16000] =	vst v63  }
0x2d: {  	s20 =	simm.s32 $0x5800  }
0x2e: {  	[tilespmem:s20], [sflag:$0x1] =	stream.indirect_vreg.gather [hbm4b:s11+s4], $0x80, v3, vm0, $0xb8;
	[tilespmem:$0x16000] =	vst v63  }
0x2f: {  	s5 =	simm.s32 $0x13000;
	s21 =	rddreg [dreg:$0xa]  }
0x30: {  	[tilespmem:s5], [sflag:$0x2] =	stream.strided.gather [hbm4b:s21+s8], $0x1000, s3, s8, $0x38;
	[tilespmem:$0x16000] =	vst v63  }
0x31: {  	v3 =	vld [tilespmem:$0x80];
	_ =	sdelay $0x4  }
0x32: {  	v63 =	vshll.u32 v3, $0x3  }
0x33: {  	v3 =	vand.u32 $0x7, v3;
	v4 =	vand.u32 $0xFFFFFFC0, v63  }
0x34: {  	v3 =	vor.u32 v3, v4  }
0x35: {  	v4 =	vperm.xlane v3, v0;
	_ =	sdelay $0x1  }
0x36: {  	v4 =	vadd.s32 v1, v4;
	_ =	sdelay $0x3  }
0x37: {  	s22 =	simm.s32 $0x6000  }
0x38: {  	[tilespmem:s22], [sflag:$0x2] =	stream.indirect_vreg.gather [hbm4b:s12+s4], $0x80, v4, vm0, $0xb8;
	[tilespmem:$0x16000] =	vst v63  }
0x39: {  	s23 =	simm.s32 $0x6800;
	v3 =	vperm.xlane v3, v2  }
0x3a: {  	[tilespmem:s23], [sflag:$0x2] =	stream.indirect_vreg.gather [hbm4b:s9+s4], $0x80, v4, vm0, $0xb8;
	[tilespmem:$0x16000] =	vst v63  }
0x3b: {  	s24 =	simm.s32 $0x7000;
	v3 =	vadd.s32 v1, v3  }
0x3c: {  	[tilespmem:s24], [sflag:$0x2] =	stream.indirect_vreg.gather [hbm4b:s10+s4], $0x80, v4, vm0, $0xb8;
	[tilespmem:$0x16000] =	vst v63  }
0x3d: {  	s25 =	simm.s32 $0x7800  }
0x3e: {  	[tilespmem:s25], [sflag:$0x2] =	stream.indirect_vreg.gather [hbm4b:s11+s4], $0x80, v4, vm0, $0xb8;
	[tilespmem:$0x16000] =	vst v63  }
0x3f: {  	s26 =	simm.s32 $0x8000  }
0x40: {  	[tilespmem:s26], [sflag:$0x2] =	stream.indirect_vreg.gather [hbm4b:s12+s4], $0x80, v3, vm0, $0xb8;
	[tilespmem:$0x16000] =	vst v63  }
0x41: {  	s28 =	simm.s32 $0x8800  }
0x42: {  	[tilespmem:s28], [sflag:$0x2] =	stream.indirect_vreg.gather [hbm4b:s9+s4], $0x80, v3, vm0, $0xb8;
	[tilespmem:$0x16000] =	vst v63  }
0x43: {  	s29 =	simm.s32 $0x9000  }
0x44: {  	[tilespmem:s29], [sflag:$0x2] =	stream.indirect_vreg.gather [hbm4b:s10+s4], $0x80, v3, vm0, $0xb8;
	[tilespmem:$0x16000] =	vst v63  }
0x45: {  	s30 =	simm.s32 $0x9800;
	s26 =	simm.s32 $0x0  }
0x46: {  	[tilespmem:s30], [sflag:$0x2] =	stream.indirect_vreg.gather [hbm4b:s11+s4], $0x80, v3, vm0, $0xb8;
	[tilespmem:$0x16000] =	vst v63  }
.LBB2_2:
0x47: {  	p0 =	seq.s32 s26, $0x0  }
0x48: {  	s0 =	simm.s32 @!p0 $0x7  }
0x49: {  	_ =	swait.ge @!p0 [sflag:s0], $0x1000  }
0x4a: {  	[sflag:s0] =	ssyncset.done @!p0 $0x0  }
0x4b: {  	[sflag:s0] =	ssyncadd.s32 @!p0 $0xFFFFF000  }
0x4c: {  	_ =	swait.ge @!p0 [sflag:s0], $0x1000  }
0x4d: {  	[sflag:s0] =	ssyncset.done @!p0 $0x0  }
0x4e: {  	[sflag:s0] =	ssyncadd.s32 @!p0 $0xFFFFF000  }
0x4f: {  	_ =	swait.ge @!p0 [sflag:s0], $0x1000  }
0x50: {  	s28 =	sshll.u32 s26, $0x2;
	[sflag:s0] =	ssyncset.done @!p0 $0x0  }
0x51: {  	s13 =	simm.s32 $0x200;
	s3 =	simm.s32 $0x400;
	[sflag:s0] =	ssyncadd.s32 @!p0 $0xFFFFF000  }
0x52: {  	s5 =	simm.s32 $0x14000;
	s1 =	sor.u32 $0x2, s28;
	_ =	swait.ge @!p0 [sflag:s0], $0x1000  }
0x53: {  	s2 =	sshll.u32 s1, $0x9;
	[sflag:s0] =	ssyncset.done @!p0 $0x0;
	s12 =	rddreg [dreg:$0x8]  }
0x54: {  	s14 =	sshrl.u32 s2, $0x2;
	[sflag:s0] =	ssyncadd.s32 @!p0 $0xFFFFF000;
	s0 =	sadd.s32 s2, s12  }
0x55: {  	[tilespmem:s5], [sflag:$0x3] =	stream.strided.gather [hbm4b:s0+s13], $0x1000, s3, s13, $0x38;
	[tilespmem:$0x16000] =	vst v63  }
0x56: {  	v3 =	vld [tilespmem:s14+$0x0];
	_ =	sdelay $0x4  }
0x57: {  	v4 =	vshll.u32 v3, $0x3  }
0x58: {  	v3 =	vand.u32 $0x7, v3;
	v4 =	vand.u32 $0xFFFFFFC0, v4  }
0x59: {  	v3 =	vor.u32 v3, v4  }
0x5a: {  	v4 =	vperm.xlane v3, v0;
	_ =	sdelay $0x1  }
0x5b: {  	v4 =	vadd.s32 v1, v4;
	_ =	sdelay $0x3  }
0x5c: {  	s15 =	simm.s32 $0x0;
	s16 =	rddreg [dreg:$0x1]  }
0x5d: {  	[tilespmem:s31], [sflag:$0x3] =	stream.indirect_vreg.gather [hbm4b:s16+s15], $0x80, v4, vm0, $0xb8;
	[tilespmem:$0x16000] =	vst v63  }
0x5e: {  	s17 =	simm.s32 $0xA800;
	v3 =	vperm.xlane v3, v2  }
0x5f: {  	[tilespmem:s17], [sflag:$0x3] =	stream.indirect_vreg.gather [hbm4b:s9+s15], $0x80, v4, vm0, $0xb8;
	[tilespmem:$0x16000] =	vst v63  }
0x60: {  	s18 =	simm.s32 $0xB000;
	v3 =	vadd.s32 v1, v3  }
0x61: {  	[tilespmem:s18], [sflag:$0x3] =	stream.indirect_vreg.gather [hbm4b:s10+s15], $0x80, v4, vm0, $0xb8;
	[tilespmem:$0x16000] =	vst v63  }
0x62: {  	s19 =	simm.s32 $0xB800  }
0x63: {  	[tilespmem:s19], [sflag:$0x3] =	stream.indirect_vreg.gather [hbm4b:s11+s15], $0x80, v4, vm0, $0xb8;
	[tilespmem:$0x16000] =	vst v63  }
0x64: {  	s20 =	simm.s32 $0xC000  }
0x65: {  	[tilespmem:s20], [sflag:$0x3] =	stream.indirect_vreg.gather [hbm4b:s16+s15], $0x80, v3, vm0, $0xb8;
	[tilespmem:$0x16000] =	vst v63  }
0x66: {  	s21 =	simm.s32 $0xC800  }
0x67: {  	[tilespmem:s21], [sflag:$0x3] =	stream.indirect_vreg.gather [hbm4b:s9+s15], $0x80, v3, vm0, $0xb8;
	[tilespmem:$0x16000] =	vst v63  }
0x68: {  	s22 =	simm.s32 $0xD000  }
0x69: {  	[tilespmem:s22], [sflag:$0x3] =	stream.indirect_vreg.gather [hbm4b:s10+s15], $0x80, v3, vm0, $0xb8;
	[tilespmem:$0x16000] =	vst v63  }
0x6a: {  	s23 =	simm.s32 $0xD800;
	s24 =	simm.s32 $0x1;
	[dreg:$0x11] =	wrdreg s1  }
0x6b: {  	[tilespmem:s23], [sflag:$0x3] =	stream.indirect_vreg.gather [hbm4b:s11+s15], $0x80, v3, vm0, $0xb8;
	[tilespmem:$0x16000] =	vst v63  }
0x6c: {  	_ =	swait.ge [sflag:s24], $0x1000  }
0x6d: {  	[sflag:s24] =	ssyncset.done $0x0  }
0x6e: {  	s25 =	simm.s32 $0x0;
	[sflag:s24] =	ssyncadd.s32 $0xFFFFF000  }
0x6f: {  	s29 =	sand.u32 $0x3FFFFE00, s25;
	s13 =	sand.u32 $0x60, s15;
	_ =	swait.ge [sflag:s24], $0x4000  }
0x70: {  	s0 =	sadd.s32 $0x12000, s29;
	s7 =	sor.u32 $0x10, s13;
	[sflag:s24] =	ssyncset.done $0x0  }
0x71: {  	s5 =	sor.u32 s7, s0;
	[sflag:s24] =	ssyncadd.s32 $0xFFFFC000  }
0x72: {  	s0 =	sor.u32 s13, s0;
	v3 =	vld [tilespmem:s5+$0x0]  }
0x73: {  	s1 =	simm.s32 $0x0;
	v4 =	vld [tilespmem:s0+$0x0]  }
0x74: {  	s14 =	sand.u32 $0x3FFFFC00, s1  }
0x75: {  	s2 =	sadd.s32 $0x2000, s14  }
0x76: {  	s6 =	sor.u32 s7, s2  }
0x77: {  	s2 =	sor.u32 s13, s2;
	[tilespmem:s6+$0x0] =	vst.add.f32.msk $0xffff, v3  }
0x78: {  	s12 =	sor.u32 $0x200, s6;
	[tilespmem:s2+$0x0] =	vst.add.f32.msk $0xffff, v4  }
0x79: {  	s8 =	sadd.s32 $0x4000, s14;
	s21 =	sor.u32 $0x200, s2;
	[tilespmem:s12+$0x0] =	vst.add.f32.msk $0xffff, v3  }
0x7a: {  	s3 =	sor.u32 s7, s8;
	[tilespmem:s21+$0x0] =	vst.add.f32.msk $0xffff, v4  }
0x7b: {  	s8 =	sor.u32 s13, s8;
	s15 =	sadd.s32 $0x4200, s14;
	[tilespmem:s3+$0x0] =	vst.add.f32.msk $0xffff, v3  }
0x7c: {  	s16 =	sor.u32 s7, s15;
	[tilespmem:s8+$0x0] =	vst.add.f32.msk $0xffff, v4  }
0x7d: {  	s22 =	sor.u32 s13, s15;
	[tilespmem:s16+$0x0] =	vst.add.f32.msk $0xffff, v3  }
0x7e: {  	[tilespmem:s22+$0x0] =	vst.add.f32.msk $0xffff, v4  }
0x7f: {  	v3 =	vld [tilespmem:s5+$0x80]  }
0x80: {  	v4 =	vld [tilespmem:s0+$0x80];
	_ =	sdelay $0x2  }
0x81: {  	s17 =	sor.u32 $0x80, s6  }
0x82: {  	s1 =	sor.u32 $0x80, s2;
	[tilespmem:s17+$0x0] =	vst.add.f32.msk $0xffff, v3  }
0x83: {  	s18 =	sor.u32 $0x280, s6;
	s16 =	sadd.s32 $0x4080, s14;
	[tilespmem:s1+$0x0] =	vst.add.f32.msk $0xffff, v4  }
0x84: {  	s19 =	sor.u32 s7, s16;
	s17 =	sadd.s32 $0x4280, s14;
	[tilespmem:s18+$0x0] =	vst.add.f32.msk $0xffff, v3  }
0x85: {  	s20 =	sor.u32 s7, s17;
	[tilespmem:s19+$0x0] =	vst.add.f32.msk $0xffff, v3  }
0x86: {  	[tilespmem:s20+$0x0] =	vst.add.f32.msk $0xffff, v3  }
0x87: {  	s3 =	sor.u32 $0x280, s2;
	v3 =	vld [tilespmem:s5+$0x100]  }
0x88: {  	s16 =	sor.u32 s13, s16;
	[tilespmem:s3+$0x0] =	vst.add.f32.msk $0xffff, v4  }
0x89: {  	s18 =	sor.u32 s13, s17;
	[tilespmem:s16+$0x0] =	vst.add.f32.msk $0xffff, v4  }
0x8a: {  	[tilespmem:s18+$0x0] =	vst.add.f32.msk $0xffff, v4  }
0x8b: {  	s23 =	sor.u32 $0x100, s6;
	v4 =	vld [tilespmem:s0+$0x100]  }
0x8c: {  	s15 =	sadd.s32 $0x4100, s14;
	s24 =	sor.u32 $0x300, s6;
	[tilespmem:s23+$0x0] =	vst.add.f32.msk $0xffff, v3  }
0x8d: {  	s25 =	sor.u32 s7, s15;
	s8 =	sadd.s32 $0x4300, s14;
	[tilespmem:s24+$0x0] =	vst.add.f32.msk $0xffff, v3  }
0x8e: {  	s29 =	sor.u32 s7, s8;
	[tilespmem:s25+$0x0] =	vst.add.f32.msk $0xffff, v3  }
0x8f: {  	s30 =	simm.s32 $0x20;
	[tilespmem:s29+$0x0] =	vst.add.f32.msk $0xffff, v3  }
0x90: {  	s21 =	simm.s32 $0x80;
	s19 =	sor.u32 $0x180, s6;
	s20 =	sor.u32 $0x380, s6;
	v3 =	vld [tilespmem:s5+$0x180]  }
0x91: {  	s6 =	sand.u32 $0x3FFFFE00, s21;
	s18 =	sor.u32 $0x100, s2;
	s5 =	sand.u32 $0x60, s30  }
0x92: {  	s23 =	sadd.s32 $0x12000, s6;
	[tilespmem:s18+$0x0] =	vst.add.f32.msk $0xffff, v4;
	s25 =	sor.u32 $0x300, s2;
	s6 =	sor.u32 $0x10, s5  }
0x93: {  	[tilespmem:s25+$0x0] =	vst.add.f32.msk $0xffff, v4;
	s16 =	sor.u32 s6, s23  }
0x94: {  	v5 =	vld [tilespmem:s16+$0x0]  }
0x95: {  	s12 =	sadd.s32 $0x4180, s14;
	[tilespmem:s19+$0x0] =	vst.add.f32.msk $0xffff, v3  }
0x96: {  	s22 =	sor.u32 s7, s12;
	s14 =	sadd.s32 $0x4380, s14;
	s24 =	simm.s32 $0x100;
	[tilespmem:s20+$0x0] =	vst.add.f32.msk $0xffff, v3  }
0x97: {  	s7 =	sor.u32 s7, s14;
	s17 =	sand.u32 $0x3FFFFC00, s24;
	[tilespmem:s22+$0x0] =	vst.add.f32.msk $0xffff, v3  }
0x98: {  	s29 =	sadd.s32 $0x2000, s17;
	s31 =	sor.u32 s5, s23;
	[tilespmem:s7+$0x0] =	vst.add.f32.msk $0xffff, v3  }
0x99: {  	s20 =	sor.u32 s6, s29;
	v3 =	vld [tilespmem:s31+$0x0]  }
0x9a: {  	s1 =	sadd.s32 $0x4000, s17;
	s19 =	sor.u32 $0x200, s20;
	[tilespmem:s20+$0x0] =	vst.add.f32.msk $0xffff, v5  }
0x9b: {  	s3 =	sor.u32 s6, s1;
	s22 =	sadd.s32 $0x4200, s17;
	[tilespmem:s19+$0x0] =	vst.add.f32.msk $0xffff, v5  }
0x9c: {  	s21 =	sor.u32 s6, s22;
	[tilespmem:s3+$0x0] =	vst.add.f32.msk $0xffff, v5  }
0x9d: {  	[tilespmem:s21+$0x0] =	vst.add.f32.msk $0xffff, v5  }
0x9e: {  	s15 =	sor.u32 s13, s15;
	v5 =	vld [tilespmem:s16+$0x80]  }
0x9f: {  	s18 =	sor.u32 s13, s8;
	[tilespmem:s15+$0x0] =	vst.add.f32.msk $0xffff, v4  }
0xa0: {  	[tilespmem:s18+$0x0] =	vst.add.f32.msk $0xffff, v4;
	s21 =	sor.u32 s5, s29  }
0xa1: {  	s23 =	sor.u32 $0x200, s21;
	[tilespmem:s21+$0x0] =	vst.add.f32.msk $0xffff, v3  }
0xa2: {  	s24 =	sor.u32 $0x80, s20;
	[tilespmem:s23+$0x0] =	vst.add.f32.msk $0xffff, v3  }
0xa3: {  	s15 =	sadd.s32 $0x4080, s17;
	s25 =	sor.u32 $0x280, s20;
	[tilespmem:s24+$0x0] =	vst.add.f32.msk $0xffff, v5  }
0xa4: {  	s29 =	sor.u32 s6, s15;
	s23 =	sadd.s32 $0x4280, s17;
	[tilespmem:s25+$0x0] =	vst.add.f32.msk $0xffff, v5  }
0xa5: {  	s7 =	sor.u32 s5, s1;
	s1 =	sor.u32 s6, s23;
	[tilespmem:s29+$0x0] =	vst.add.f32.msk $0xffff, v5  }
0xa6: {  	[tilespmem:s1+$0x0] =	vst.add.f32.msk $0xffff, v5  }
0xa7: {  	v5 =	vld [tilespmem:s16+$0x100]  }
0xa8: {  	s3 =	sor.u32 s5, s22;
	[tilespmem:s7+$0x0] =	vst.add.f32.msk $0xffff, v3  }
0xa9: {  	[tilespmem:s3+$0x0] =	vst.add.f32.msk $0xffff, v3  }
0xaa: {  	v3 =	vld [tilespmem:s0+$0x180]  }
0xab: {  	s19 =	sor.u32 $0x100, s20;
	v6 =	vld [tilespmem:s31+$0x80]  }
0xac: {  	s8 =	sadd.s32 $0x4100, s17;
	s22 =	sor.u32 $0x300, s20;
	[tilespmem:s19+$0x0] =	vst.add.f32.msk $0xffff, v5  }
0xad: {  	s24 =	sadd.s32 $0x4300, s17;
	s25 =	sor.u32 s6, s8;
	[tilespmem:s22+$0x0] =	vst.add.f32.msk $0xffff, v5  }
0xae: {  	s29 =	sor.u32 s6, s24;
	[tilespmem:s25+$0x0] =	vst.add.f32.msk $0xffff, v5  }
0xaf: {  	[tilespmem:s29+$0x0] =	vst.add.f32.msk $0xffff, v5  }
0xb0: {  	s18 =	simm.s32 $0x2;
	s1 =	sor.u32 $0x80, s21;
	v4 =	vld [tilespmem:s16+$0x180]  }
0xb1: {  	s7 =	sor.u32 s13, s12;
	s13 =	sor.u32 s13, s14;
	s3 =	sor.u32 $0x280, s21;
	[tilespmem:s1+$0x0] =	vst.add.f32.msk $0xffff, v6  }
0xb2: {  	s23 =	sor.u32 s5, s23;
	s14 =	sor.u32 s5, s8;
	[tilespmem:s3+$0x0] =	vst.add.f32.msk $0xffff, v6;
	s16 =	sor.u32 s5, s15  }
0xb3: {  	s12 =	sor.u32 $0x180, s21;
	s0 =	sor.u32 $0x180, s2;
	s2 =	sor.u32 $0x380, s2;
	[tilespmem:s16+$0x0] =	vst.add.f32.msk $0xffff, v6  }
0xb4: {  	s19 =	sor.u32 $0x100, s21;
	s15 =	sor.u32 s5, s24;
	s24 =	sor.u32 $0x180, s20;
	[tilespmem:s23+$0x0] =	vst.add.f32.msk $0xffff, v6  }
0xb5: {  	s25 =	sadd.s32 $0x4180, s17;
	s17 =	sadd.s32 $0x4380, s17;
	s29 =	sor.u32 $0x380, s20;
	[tilespmem:s24+$0x0] =	vst.add.f32.msk $0xffff, v4  }
0xb6: {  	s22 =	sor.u32 s5, s25;
	s8 =	sor.u32 s6, s25;
	s16 =	sor.u32 $0x300, s21;
	[tilespmem:s29+$0x0] =	vst.add.f32.msk $0xffff, v4  }
0xb7: {  	s23 =	sor.u32 s5, s17;
	s5 =	sor.u32 s6, s17;
	s6 =	sor.u32 $0x380, s21;
	[tilespmem:s8+$0x0] =	vst.add.f32.msk $0xffff, v4  }
.LBB2_3:
0xb8: {  	s18 =	sadd.s32 $0x2, s18;
	[tilespmem:s5+$0x0] =	vst.add.f32.msk $0xffff, v4  }
0xb9: {  	s30 =	sadd.s32 $0x20, s30;
	s5 =	sshll.u32 s18, $0x6;
	p1 =	slt.u32 s18, $0x3E;
	v4 =	vld [tilespmem:s31+$0x100]  }
0xba: {  	s20 =	sand.u32 $0x60, s30;
	s5 =	sand.u32 $0x3FFFFE00, s5;
	[tilespmem:s0+$0x0] =	vst.add.f32.msk $0xffff, v3;
	s0 =	smov.u32 s12  }
0xbb: {  	s21 =	sor.u32 $0x10, s20;
	s5 =	sadd.s32 $0x12000, s5;
	[tilespmem:s2+$0x0] =	vst.add.f32.msk $0xffff, v3;
	s2 =	smov.u32 s6  }
0xbc: {  	s17 =	sor.u32 s20, s5;
	s5 =	sor.u32 s21, s5;
	[tilespmem:s7+$0x0] =	vst.add.f32.msk $0xffff, v3;
	s7 =	smov.u32 s22  }
0xbd: {  	v5 =	vld [tilespmem:s5+$0x0]  }
0xbe: {  	s6 =	sshll.u32 s18, $0x7;
	v6 =	vld [tilespmem:s17+$0x0]  }
0xbf: {  	s8 =	sand.u32 $0x3FFFFC00, s6;
	[tilespmem:s19+$0x0] =	vst.add.f32.msk $0xffff, v4  }
0xc0: {  	s6 =	sadd.s32 $0x2000, s8;
	[tilespmem:s16+$0x0] =	vst.add.f32.msk $0xffff, v4  }
0xc1: {  	s1 =	sor.u32 s20, s6;
	s22 =	sor.u32 s21, s6;
	[tilespmem:s14+$0x0] =	vst.add.f32.msk $0xffff, v4  }
0xc2: {  	s6 =	sadd.s32 $0x4000, s8;
	s12 =	sor.u32 $0x200, s22;
	s14 =	sor.u32 $0x200, s1;
	[tilespmem:s22+$0x0] =	vst.add.f32.msk $0xffff, v5  }
0xc3: {  	s29 =	sor.u32 s20, s6;
	s6 =	sor.u32 s21, s6;
	s16 =	sadd.s32 $0x4200, s8;
	[tilespmem:s12+$0x0] =	vst.add.f32.msk $0xffff, v5  }
0xc4: {  	s24 =	sor.u32 $0x80, s1;
	s3 =	sor.u32 s20, s16;
	[tilespmem:s6+$0x0] =	vst.add.f32.msk $0xffff, v5;
	s6 =	sor.u32 s21, s16  }
0xc5: {  	s25 =	sor.u32 $0x280, s1;
	s19 =	sor.u32 $0x100, s1;
	s16 =	sor.u32 $0x300, s1;
	[tilespmem:s6+$0x0] =	vst.add.f32.msk $0xffff, v5  }
0xc6: {  	s12 =	sor.u32 $0x180, s1;
	s6 =	sor.u32 $0x380, s1;
	v5 =	vld [tilespmem:s5+$0x80]  }
0xc7: {  	[tilespmem:s1+$0x0] =	vst.add.f32.msk $0xffff, v6  }
0xc8: {  	[tilespmem:s14+$0x0] =	vst.add.f32.msk $0xffff, v6  }
0xc9: {  	[tilespmem:s29+$0x0] =	vst.add.f32.msk $0xffff, v6  }
0xca: {  	s1 =	sor.u32 $0x80, s22;
	[tilespmem:s3+$0x0] =	vst.add.f32.msk $0xffff, v6  }
0xcb: {  	s3 =	sadd.s32 $0x4080, s8;
	[tilespmem:s1+$0x0] =	vst.add.f32.msk $0xffff, v5;
	s1 =	sor.u32 $0x280, s22  }
0xcc: {  	s14 =	sadd.s32 $0x4280, s8;
	s29 =	sor.u32 s20, s3;
	[tilespmem:s1+$0x0] =	vst.add.f32.msk $0xffff, v5;
	s1 =	sor.u32 s21, s3  }
0xcd: {  	s3 =	sor.u32 s20, s14;
	[tilespmem:s1+$0x0] =	vst.add.f32.msk $0xffff, v5;
	s1 =	sor.u32 s21, s14  }
0xce: {  	[tilespmem:s1+$0x0] =	vst.add.f32.msk $0xffff, v5  }
0xcf: {  	v5 =	vld [tilespmem:s5+$0x100]  }
0xd0: {  	v6 =	vld [tilespmem:s17+$0x80]  }
0xd1: {  	[tilespmem:s15+$0x0] =	vst.add.f32.msk $0xffff, v4  }
0xd2: {  	v4 =	vld [tilespmem:s31+$0x180];
	s31 =	smov.u32 s17  }
0xd3: {  	s1 =	sor.u32 $0x100, s22;
	[tilespmem:s13+$0x0] =	vst.add.f32.msk $0xffff, v3;
	s13 =	smov.u32 s23  }
0xd4: {  	s15 =	sadd.s32 $0x4100, s8;
	[tilespmem:s1+$0x0] =	vst.add.f32.msk $0xffff, v5;
	s1 =	sor.u32 $0x300, s22  }
0xd5: {  	s14 =	sor.u32 s20, s15;
	s17 =	sadd.s32 $0x4300, s8;
	[tilespmem:s1+$0x0] =	vst.add.f32.msk $0xffff, v5;
	s1 =	sor.u32 s21, s15  }
0xd6: {  	s15 =	sor.u32 s20, s17;
	[tilespmem:s1+$0x0] =	vst.add.f32.msk $0xffff, v5;
	s1 =	sor.u32 s21, s17  }
0xd7: {  	[tilespmem:s1+$0x0] =	vst.add.f32.msk $0xffff, v5;
	v3 =	vmov v4  }
0xd8: {  	v4 =	vld [tilespmem:s5+$0x180]  }
0xd9: {  	[tilespmem:s24+$0x0] =	vst.add.f32.msk $0xffff, v6  }
0xda: {  	[tilespmem:s25+$0x0] =	vst.add.f32.msk $0xffff, v6  }
.Ltmp0:
0xdb: {  	[tilespmem:s29+$0x0] =	vst.add.f32.msk $0xffff, v6;
	(pc) =	sbr.rel @p1 .LBB2_3-.Ltmp0, $4  }
0xdc: {  	s1 =	sor.u32 $0x180, s22;
	[tilespmem:s3+$0x0] =	vst.add.f32.msk $0xffff, v6  }
0xdd: {  	s3 =	sadd.s32 $0x4180, s8;
	[tilespmem:s1+$0x0] =	vst.add.f32.msk $0xffff, v4;
	s1 =	sor.u32 $0x380, s22  }
0xde: {  	s5 =	sadd.s32 $0x4380, s8;
	s22 =	sor.u32 s20, s3;
	[tilespmem:s1+$0x0] =	vst.add.f32.msk $0xffff, v4;
	s1 =	sor.u32 s21, s3  }
0xdf: {  	s23 =	sor.u32 s20, s5;
	s5 =	sor.u32 s21, s5;
	[tilespmem:s1+$0x0] =	vst.add.f32.msk $0xffff, v4  }
0xe0: {  	v5 =	vld [tilespmem:s31+$0x100];
	_ =	sdelay $0x3  }
0xe1: {  	[tilespmem:s5+$0x0] =	vst.add.f32.msk $0xffff, v4  }
0xe2: {  	[tilespmem:s19+$0x0] =	vst.add.f32.msk $0xffff, v5  }
0xe3: {  	[tilespmem:s16+$0x0] =	vst.add.f32.msk $0xffff, v5  }
0xe4: {  	[tilespmem:s14+$0x0] =	vst.add.f32.msk $0xffff, v5  }
0xe5: {  	[tilespmem:s15+$0x0] =	vst.add.f32.msk $0xffff, v5  }
0xe6: {  	v4 =	vld [tilespmem:s31+$0x180]  }
0xe7: {  	[tilespmem:s0+$0x0] =	vst.add.f32.msk $0xffff, v3  }
0xe8: {  	[tilespmem:s2+$0x0] =	vst.add.f32.msk $0xffff, v3  }
0xe9: {  	[tilespmem:s7+$0x0] =	vst.add.f32.msk $0xffff, v3  }
0xea: {  	[tilespmem:s13+$0x0] =	vst.add.f32.msk $0xffff, v3  }
0xeb: {  	[tilespmem:s12+$0x0] =	vst.add.f32.msk $0xffff, v4  }
0xec: {  	[tilespmem:s6+$0x0] =	vst.add.f32.msk $0xffff, v4  }
0xed: {  	s5 =	sshll.u32 s26, $0xE;
	s1 =	rddreg [dreg:$0x5]  }
0xee: {  	s0 =	sadd.s32 s1, s5  }
0xef: {  	s2 =	rddreg [dreg:$0x3];
	[tilespmem:s22+$0x0] =	vst.add.f32.msk $0xffff, v4;
	s30 =	sshrl.u32 s0, $0x3  }
0xf0: {  	s7 =	simm.s32 $0x2000;
	[tilespmem:s23+$0x0] =	vst.add.f32.msk $0xffff, v4;
	s0 =	sadd.s32 s2, s30  }
0xf1: {  	[hbm4b:s0+s4] =	stream.linear.scatter [tilespmem:s7], [sflag:$0x5], $0x200, $0x38;
	[tilespmem:$0x16000] =	vst v63  }
0xf2: {  	s3 =	simm.s32 $0x2400;
	s8 =	sadd.s32 $0x80, s0  }
0xf3: {  	[hbm4b:s8+s4] =	stream.linear.scatter [tilespmem:s3], [sflag:$0x5], $0x200, $0x38;
	[tilespmem:$0x16000] =	vst v63  }
0xf4: {  	s13 =	simm.s32 $0x2800;
	s12 =	sadd.s32 $0x100, s0  }
0xf5: {  	[hbm4b:s12+s4] =	stream.linear.scatter [tilespmem:s13], [sflag:$0x5], $0x200, $0x38;
	[tilespmem:$0x16000] =	vst v63  }
0xf6: {  	s15 =	simm.s32 $0x2C00;
	s14 =	sadd.s32 $0x180, s0  }
0xf7: {  	[hbm4b:s14+s4] =	stream.linear.scatter [tilespmem:s15], [sflag:$0x5], $0x200, $0x38;
	[tilespmem:$0x16000] =	vst v63  }
0xf8: {  	s17 =	simm.s32 $0x3000;
	s16 =	sadd.s32 $0x200, s0  }
0xf9: {  	[hbm4b:s16+s4] =	stream.linear.scatter [tilespmem:s17], [sflag:$0x5], $0x200, $0x38;
	[tilespmem:$0x16000] =	vst v63  }
0xfa: {  	s19 =	simm.s32 $0x3400;
	s18 =	sadd.s32 $0x280, s0  }
0xfb: {  	[hbm4b:s18+s4] =	stream.linear.scatter [tilespmem:s19], [sflag:$0x5], $0x200, $0x38;
	[tilespmem:$0x16000] =	vst v63  }
0xfc: {  	s21 =	simm.s32 $0x3800;
	s20 =	sadd.s32 $0x300, s0  }
0xfd: {  	[hbm4b:s20+s4] =	stream.linear.scatter [tilespmem:s21], [sflag:$0x5], $0x200, $0x38;
	[tilespmem:$0x16000] =	vst v63  }
0xfe: {  	s22 =	simm.s32 $0x3C00;
	s23 =	sor.u32 $0x100000, s30;
	s0 =	sadd.s32 $0x380, s0  }
0xff: {  	[hbm4b:s0+s4] =	stream.linear.scatter [tilespmem:s22], [sflag:$0x5], $0x200, $0x38;
	[tilespmem:$0x16000] =	vst v63  }
0x100: {  	s24 =	simm.s32 $0x2200;
	s0 =	sadd.s32 s2, s23  }
0x101: {  	[hbm4b:s0+s4] =	stream.linear.scatter [tilespmem:s24], [sflag:$0x5], $0x200, $0x38;
	[tilespmem:$0x16000] =	vst v63  }
0x102: {  	s29 =	simm.s32 $0x2600;
	s25 =	sadd.s32 $0x80, s0  }
0x103: {  	[hbm4b:s25+s4] =	stream.linear.scatter [tilespmem:s29], [sflag:$0x5], $0x200, $0x38;
	[tilespmem:$0x16000] =	vst v63  }
0x104: {  	s6 =	simm.s32 $0x2A00;
	s5 =	sadd.s32 $0x100, s0  }
0x105: {  	[hbm4b:s5+s4] =	stream.linear.scatter [tilespmem:s6], [sflag:$0x5], $0x200, $0x38;
	[tilespmem:$0x16000] =	vst v63  }
0x106: {  	s8 =	simm.s32 $0x2E00;
	s7 =	sadd.s32 $0x180, s0  }
0x107: {  	[hbm4b:s7+s4] =	stream.linear.scatter [tilespmem:s8], [sflag:$0x5], $0x200, $0x38;
	[tilespmem:$0x16000] =	vst v63  }
0x108: {  	s13 =	simm.s32 $0x3200;
	s12 =	sadd.s32 $0x200, s0  }
0x109: {  	[hbm4b:s12+s4] =	stream.linear.scatter [tilespmem:s13], [sflag:$0x5], $0x200, $0x38;
	[tilespmem:$0x16000] =	vst v63  }
0x10a: {  	s15 =	simm.s32 $0x3600;
	s14 =	sadd.s32 $0x280, s0  }
0x10b: {  	[hbm4b:s14+s4] =	stream.linear.scatter [tilespmem:s15], [sflag:$0x5], $0x200, $0x38;
	[tilespmem:$0x16000] =	vst v63  }
0x10c: {  	s17 =	simm.s32 $0x3A00;
	s16 =	sadd.s32 $0x300, s0  }
0x10d: {  	[hbm4b:s16+s4] =	stream.linear.scatter [tilespmem:s17], [sflag:$0x5], $0x200, $0x38;
	[tilespmem:$0x16000] =	vst v63  }
0x10e: {  	s18 =	simm.s32 $0x3E00;
	s19 =	sor.u32 $0x200000, s30;
	s0 =	sadd.s32 $0x380, s0  }
0x10f: {  	[hbm4b:s0+s4] =	stream.linear.scatter [tilespmem:s18], [sflag:$0x5], $0x200, $0x38;
	[tilespmem:$0x16000] =	vst v63  }
0x110: {  	s20 =	simm.s32 $0x4000;
	s0 =	sadd.s32 s2, s19  }
0x111: {  	[hbm4b:s0+s4] =	stream.linear.scatter [tilespmem:s20], [sflag:$0x5], $0x200, $0x38;
	[tilespmem:$0x16000] =	vst v63  }
0x112: {  	s22 =	simm.s32 $0x4400;
	s21 =	sadd.s32 $0x80, s0  }
0x113: {  	[hbm4b:s21+s4] =	stream.linear.scatter [tilespmem:s22], [sflag:$0x5], $0x200, $0x38;
	[tilespmem:$0x16000] =	vst v63  }
0x114: {  	s24 =	simm.s32 $0x4800;
	s23 =	sadd.s32 $0x100, s0  }
0x115: {  	[hbm4b:s23+s4] =	stream.linear.scatter [tilespmem:s24], [sflag:$0x5], $0x200, $0x38;
	[tilespmem:$0x16000] =	vst v63  }
0x116: {  	s29 =	simm.s32 $0x4C00;
	s25 =	sadd.s32 $0x180, s0  }
0x117: {  	[hbm4b:s25+s4] =	stream.linear.scatter [tilespmem:s29], [sflag:$0x5], $0x200, $0x38;
	[tilespmem:$0x16000] =	vst v63  }
0x118: {  	s6 =	simm.s32 $0x5000;
	s5 =	sadd.s32 $0x200, s0  }
0x119: {  	[hbm4b:s5+s4] =	stream.linear.scatter [tilespmem:s6], [sflag:$0x5], $0x200, $0x38;
	[tilespmem:$0x16000] =	vst v63  }
0x11a: {  	s8 =	simm.s32 $0x5400;
	s7 =	sadd.s32 $0x280, s0  }
0x11b: {  	[hbm4b:s7+s4] =	stream.linear.scatter [tilespmem:s8], [sflag:$0x5], $0x200, $0x38;
	[tilespmem:$0x16000] =	vst v63  }
0x11c: {  	s13 =	simm.s32 $0x5800;
	s12 =	sadd.s32 $0x300, s0  }
0x11d: {  	[hbm4b:s12+s4] =	stream.linear.scatter [tilespmem:s13], [sflag:$0x5], $0x200, $0x38;
	[tilespmem:$0x16000] =	vst v63  }
0x11e: {  	s14 =	simm.s32 $0x5C00;
	s15 =	sor.u32 $0x300000, s30;
	s0 =	sadd.s32 $0x380, s0  }
0x11f: {  	[hbm4b:s0+s4] =	stream.linear.scatter [tilespmem:s14], [sflag:$0x5], $0x200, $0x38;
	[tilespmem:$0x16000] =	vst v63  }
0x120: {  	s16 =	simm.s32 $0x4200;
	s0 =	sadd.s32 s2, s15  }
0x121: {  	[hbm4b:s0+s4] =	stream.linear.scatter [tilespmem:s16], [sflag:$0x5], $0x200, $0x38;
	[tilespmem:$0x16000] =	vst v63  }
0x122: {  	s18 =	simm.s32 $0x4600;
	s17 =	sadd.s32 $0x80, s0  }
0x123: {  	[hbm4b:s17+s4] =	stream.linear.scatter [tilespmem:s18], [sflag:$0x5], $0x200, $0x38;
	[tilespmem:$0x16000] =	vst v63  }
0x124: {  	s20 =	simm.s32 $0x4A00;
	s19 =	sadd.s32 $0x100, s0  }
0x125: {  	[hbm4b:s19+s4] =	stream.linear.scatter [tilespmem:s20], [sflag:$0x5], $0x200, $0x38;
	[tilespmem:$0x16000] =	vst v63  }
0x126: {  	s22 =	simm.s32 $0x4E00;
	s21 =	sadd.s32 $0x180, s0  }
0x127: {  	[hbm4b:s21+s4] =	stream.linear.scatter [tilespmem:s22], [sflag:$0x5], $0x200, $0x38;
	[tilespmem:$0x16000] =	vst v63  }
0x128: {  	s24 =	simm.s32 $0x5200;
	s23 =	sadd.s32 $0x200, s0  }
0x129: {  	[hbm4b:s23+s4] =	stream.linear.scatter [tilespmem:s24], [sflag:$0x5], $0x200, $0x38;
	[tilespmem:$0x16000] =	vst v63  }
0x12a: {  	s29 =	simm.s32 $0x5600;
	s25 =	sadd.s32 $0x280, s0  }
0x12b: {  	[hbm4b:s25+s4] =	stream.linear.scatter [tilespmem:s29], [sflag:$0x5], $0x200, $0x38;
	[tilespmem:$0x16000] =	vst v63  }
0x12c: {  	s3 =	simm.s32 $0x5A00;
	s2 =	sadd.s32 $0x300, s0  }
0x12d: {  	[hbm4b:s2+s4] =	stream.linear.scatter [tilespmem:s3], [sflag:$0x5], $0x200, $0x38;
	[tilespmem:$0x16000] =	vst v63  }
0x12e: {  	s5 =	simm.s32 $0x5E00;
	s0 =	sadd.s32 $0x380, s0  }
0x12f: {  	[hbm4b:s0+s4] =	stream.linear.scatter [tilespmem:s5], [sflag:$0x5], $0x200, $0x38;
	[tilespmem:$0x16000] =	vst v63  }
0x130: {  	s0 =	simm.s32 @!p0 $0x8  }
0x131: {  	_ =	swait.ge @!p0 [sflag:s0], $0x1000  }
0x132: {  	[sflag:s0] =	ssyncset.done @!p0 $0x0  }
0x133: {  	[sflag:s0] =	ssyncadd.s32 @!p0 $0xFFFFF000  }
0x134: {  	_ =	swait.ge @!p0 [sflag:s0], $0x1000  }
0x135: {  	[sflag:s0] =	ssyncset.done @!p0 $0x0  }
0x136: {  	[sflag:s0] =	ssyncadd.s32 @!p0 $0xFFFFF000  }
0x137: {  	_ =	swait.ge @!p0 [sflag:s0], $0x1000  }
0x138: {  	s28 =	sor.u32 $0x3, s28;
	[sflag:s0] =	ssyncset.done @!p0 $0x0  }
0x139: {  	s6 =	sshll.u32 s28, $0x9;
	[sflag:s0] =	ssyncadd.s32 @!p0 $0xFFFFF000  }
0x13a: {  	s7 =	sand.u32 $0x7C00, s6;
	s13 =	simm.s32 $0x200;
	_ =	swait.ge @!p0 [sflag:s0], $0x1000  }
0x13b: {  	s14 =	simm.s32 $0x400;
	s15 =	simm.s32 $0x15000;
	s8 =	rddreg [dreg:$0x6]  }
0x13c: {  	[sflag:s0] =	ssyncset.done @!p0 $0x0;
	s12 =	rddreg [dreg:$0x9];
	s2 =	sor.u32 s7, s8  }
0x13d: {  	s16 =	sshrl.u32 s6, $0x2;
	[sflag:s0] =	ssyncadd.s32 @!p0 $0xFFFFF000;
	s0 =	sadd.s32 s2, s12  }
0x13e: {  	[tilespmem:s15], [sflag:$0x4] =	stream.strided.gather [hbm4b:s0+s13], $0x1000, s14, s13, $0x38;
	[tilespmem:$0x16000] =	vst v63  }
0x13f: {  	v3 =	vld [tilespmem:s16+$0x0];
	_ =	sdelay $0x4  }
0x140: {  	v4 =	vshll.u32 v3, $0x3  }
0x141: {  	v3 =	vand.u32 $0x7, v3;
	v4 =	vand.u32 $0xFFFFFFC0, v4  }
0x142: {  	v3 =	vor.u32 v3, v4  }
0x143: {  	v4 =	vperm.xlane v3, v0;
	_ =	sdelay $0x1  }
0x144: {  	v4 =	vadd.s32 v1, v4;
	_ =	sdelay $0x3  }
0x145: {  	s17 =	simm.s32 $0x0;
	s19 =	simm.s32 $0xE000;
	s18 =	rddreg [dreg:$0x1]  }
0x146: {  	[tilespmem:s19], [sflag:$0x4] =	stream.indirect_vreg.gather [hbm4b:s18+s17], $0x80, v4, vm0, $0xb8;
	[tilespmem:$0x16000] =	vst v63  }
0x147: {  	s20 =	simm.s32 $0xE800;
	v3 =	vperm.xlane v3, v2  }
0x148: {  	[tilespmem:s20], [sflag:$0x4] =	stream.indirect_vreg.gather [hbm4b:s9+s17], $0x80, v4, vm0, $0xb8;
	[tilespmem:$0x16000] =	vst v63  }
0x149: {  	s21 =	simm.s32 $0xF000;
	v3 =	vadd.s32 v1, v3  }
0x14a: {  	[tilespmem:s21], [sflag:$0x4] =	stream.indirect_vreg.gather [hbm4b:s10+s17], $0x80, v4, vm0, $0xb8;
	[tilespmem:$0x16000] =	vst v63  }
0x14b: {  	s22 =	simm.s32 $0xF800  }
0x14c: {  	[tilespmem:s22], [sflag:$0x4] =	stream.indirect_vreg.gather [hbm4b:s11+s17], $0x80, v4, vm0, $0xb8;
	[tilespmem:$0x16000] =	vst v63  }
0x14d: {  	s23 =	simm.s32 $0x10000  }
0x14e: {  	[tilespmem:s23], [sflag:$0x4] =	stream.indirect_vreg.gather [hbm4b:s18+s17], $0x80, v3, vm0, $0xb8;
	[tilespmem:$0x16000] =	vst v63  }
0x14f: {  	s24 =	simm.s32 $0x10800  }
0x150: {  	[tilespmem:s24], [sflag:$0x4] =	stream.indirect_vreg.gather [hbm4b:s9+s17], $0x80, v3, vm0, $0xb8;
	[tilespmem:$0x16000] =	vst v63  }
0x151: {  	s25 =	simm.s32 $0x11000  }
0x152: {  	[tilespmem:s25], [sflag:$0x4] =	stream.indirect_vreg.gather [hbm4b:s10+s17], $0x80, v3, vm0, $0xb8;
	[tilespmem:$0x16000] =	vst v63  }
0x153: {  	s29 =	simm.s32 $0x11800;
	s2 =	simm.s32 $0x2  }
0x154: {  	[tilespmem:s29], [sflag:$0x4] =	stream.indirect_vreg.gather [hbm4b:s11+s17], $0x80, v3, vm0, $0xb8;
	[tilespmem:$0x16000] =	vst v63  }
0x155: {  	_ =	swait.ge [sflag:s2], $0x1000  }
0x156: {  	[sflag:s2] =	ssyncset.done $0x0  }
0x157: {  	s5 =	simm.s32 $0x0;
	[sflag:s2] =	ssyncadd.s32 $0xFFFFF000  }
0x158: {  	s1 =	sand.u32 $0x3FFFFE00, s5;
	s13 =	sand.u32 $0x60, s17;
	_ =	swait.ge [sflag:s2], $0x4000  }
0x159: {  	s6 =	sadd.s32 $0x13000, s1;
	s0 =	sor.u32 $0x10, s13;
	[sflag:s2] =	ssyncset.done $0x0  }
0x15a: {  	s7 =	sor.u32 s0, s6;
	[sflag:s2] =	ssyncadd.s32 $0xFFFFC000  }
0x15b: {  	s2 =	sor.u32 s13, s6;
	v3 =	vld [tilespmem:s7+$0x0]  }
0x15c: {  	s8 =	simm.s32 $0x0;
	v4 =	vld [tilespmem:s2+$0x0]  }
0x15d: {  	s8 =	sand.u32 $0x3FFFFC00, s8  }
0x15e: {  	s3 =	sadd.s32 $0x6000, s8  }
0x15f: {  	s21 =	sor.u32 s0, s3  }
0x160: {  	s12 =	sadd.s32 $0x6200, s8;
	s3 =	sor.u32 s13, s3;
	[tilespmem:s21+$0x0] =	vst.add.f32.msk $0xffff, v3  }
0x161: {  	s23 =	sor.u32 s0, s12;
	[tilespmem:s3+$0x0] =	vst.add.f32.msk $0xffff, v4  }
0x162: {  	s22 =	sadd.s32 $0x8000, s8;
	s2 =	sor.u32 s13, s12;
	[tilespmem:s23+$0x0] =	vst.add.f32.msk $0xffff, v3  }
0x163: {  	s25 =	sor.u32 s0, s22;
	[tilespmem:s2+$0x0] =	vst.add.f32.msk $0xffff, v4  }
0x164: {  	s24 =	sadd.s32 $0x8200, s8;
	s21 =	sor.u32 s13, s22;
	[tilespmem:s25+$0x0] =	vst.add.f32.msk $0xffff, v3  }
0x165: {  	s14 =	sor.u32 s0, s24;
	[tilespmem:s21+$0x0] =	vst.add.f32.msk $0xffff, v4  }
0x166: {  	s29 =	sadd.s32 $0x13080, s1;
	s22 =	sor.u32 s13, s24;
	[tilespmem:s14+$0x0] =	vst.add.f32.msk $0xffff, v3  }
0x167: {  	s15 =	sor.u32 s0, s29;
	[tilespmem:s22+$0x0] =	vst.add.f32.msk $0xffff, v4  }
0x168: {  	s23 =	sor.u32 s13, s29;
	v3 =	vld [tilespmem:s15+$0x0]  }
0x169: {  	v4 =	vld [tilespmem:s23+$0x0];
	_ =	sdelay $0x1  }
0x16a: {  	s14 =	sadd.s32 $0x6080, s8  }
0x16b: {  	s16 =	sor.u32 s0, s14  }
0x16c: {  	s3 =	sadd.s32 $0x6280, s8;
	s12 =	sor.u32 s13, s14;
	[tilespmem:s16+$0x0] =	vst.add.f32.msk $0xffff, v3  }
0x16d: {  	s17 =	sor.u32 s0, s3;
	s15 =	sadd.s32 $0x8080, s8;
	[tilespmem:s12+$0x0] =	vst.add.f32.msk $0xffff, v4  }
0x16e: {  	s18 =	sor.u32 s0, s15;
	s16 =	sadd.s32 $0x8280, s8;
	[tilespmem:s17+$0x0] =	vst.add.f32.msk $0xffff, v3  }
0x16f: {  	s17 =	sadd.s32 $0x13100, s1;
	s19 =	sor.u32 s0, s16;
	[tilespmem:s18+$0x0] =	vst.add.f32.msk $0xffff, v3  }
0x170: {  	s20 =	sor.u32 s0, s17;
	[tilespmem:s19+$0x0] =	vst.add.f32.msk $0xffff, v3  }
0x171: {  	s14 =	sor.u32 s13, s3;
	v3 =	vld [tilespmem:s20+$0x0]  }
0x172: {  	s15 =	sor.u32 s13, s15;
	[tilespmem:s14+$0x0] =	vst.add.f32.msk $0xffff, v4  }
0x173: {  	s21 =	sor.u32 s13, s16;
	[tilespmem:s15+$0x0] =	vst.add.f32.msk $0xffff, v4  }
0x174: {  	s22 =	sor.u32 s13, s17;
	s19 =	sadd.s32 $0x6100, s8;
	[tilespmem:s21+$0x0] =	vst.add.f32.msk $0xffff, v4  }
0x175: {  	s20 =	sadd.s32 $0x6300, s8;
	s24 =	sor.u32 s0, s19;
	v4 =	vld [tilespmem:s22+$0x0]  }
0x176: {  	s18 =	sadd.s32 $0x8100, s8;
	s25 =	sor.u32 s0, s20;
	[tilespmem:s24+$0x0] =	vst.add.f32.msk $0xffff, v3  }
0x177: {  	s2 =	sadd.s32 $0x8300, s8;
	s29 =	sor.u32 s0, s18;
	[tilespmem:s25+$0x0] =	vst.add.f32.msk $0xffff, v3  }
0x178: {  	s5 =	sadd.s32 $0x13180, s1;
	s6 =	sor.u32 s0, s2;
	[tilespmem:s29+$0x0] =	vst.add.f32.msk $0xffff, v3  }
0x179: {  	s7 =	sor.u32 s0, s5;
	[tilespmem:s6+$0x0] =	vst.add.f32.msk $0xffff, v3  }
0x17a: {  	s31 =	simm.s32 $0x20;
	s25 =	simm.s32 $0x80;
	v3 =	vld [tilespmem:s7+$0x0]  }
0x17b: {  	s15 =	sand.u32 $0x60, s31;
	s17 =	sand.u32 $0x3FFFFE00, s25  }
0x17c: {  	s16 =	sor.u32 $0x10, s15;
	s25 =	sor.u32 s13, s19;
	s21 =	sadd.s32 $0x13000, s17  }
0x17d: {  	[tilespmem:s25+$0x0] =	vst.add.f32.msk $0xffff, v4;
	s7 =	sadd.s32 $0x6180, s8;
	s22 =	sor.u32 s16, s21  }
0x17e: {  	s6 =	sadd.s32 $0x6380, s8;
	s23 =	sor.u32 s0, s7;
	v5 =	vld [tilespmem:s22+$0x0]  }
0x17f: {  	s12 =	sadd.s32 $0x8180, s8;
	s24 =	sor.u32 s0, s6;
	[tilespmem:s23+$0x0] =	vst.add.f32.msk $0xffff, v3  }
0x180: {  	s14 =	sadd.s32 $0x8380, s8;
	s29 =	sor.u32 s0, s12;
	[tilespmem:s24+$0x0] =	vst.add.f32.msk $0xffff, v3  }
0x181: {  	s0 =	sor.u32 s0, s14;
	s24 =	simm.s32 $0x100;
	[tilespmem:s29+$0x0] =	vst.add.f32.msk $0xffff, v3  }
0x182: {  	s23 =	sor.u32 s15, s21;
	s8 =	sand.u32 $0x3FFFFC00, s24;
	[tilespmem:s0+$0x0] =	vst.add.f32.msk $0xffff, v3  }
0x183: {  	s29 =	sor.u32 s13, s20;
	v3 =	vld [tilespmem:s23+$0x0];
	s1 =	sadd.s32 $0x6000, s8  }
0x184: {  	[tilespmem:s29+$0x0] =	vst.add.f32.msk $0xffff, v4;
	s19 =	sadd.s32 $0x6200, s8;
	s22 =	sor.u32 s16, s1  }
0x185: {  	s23 =	sadd.s32 $0x8000, s8;
	s24 =	sor.u32 s16, s19;
	[tilespmem:s22+$0x0] =	vst.add.f32.msk $0xffff, v5  }
0x186: {  	s20 =	sadd.s32 $0x8200, s8;
	s25 =	sor.u32 s16, s23;
	[tilespmem:s24+$0x0] =	vst.add.f32.msk $0xffff, v5  }
0x187: {  	s21 =	sadd.s32 $0x13080, s17;
	s29 =	sor.u32 s16, s20;
	[tilespmem:s25+$0x0] =	vst.add.f32.msk $0xffff, v5  }
0x188: {  	s22 =	sor.u32 s16, s21;
	[tilespmem:s29+$0x0] =	vst.add.f32.msk $0xffff, v5  }
0x189: {  	s18 =	sor.u32 s13, s18;
	v5 =	vld [tilespmem:s22+$0x0]  }
0x18a: {  	s1 =	sor.u32 s15, s1;
	[tilespmem:s18+$0x0] =	vst.add.f32.msk $0xffff, v4  }
0x18b: {  	s0 =	sor.u32 s15, s19;
	[tilespmem:s1+$0x0] =	vst.add.f32.msk $0xffff, v3  }
0x18c: {  	s3 =	sadd.s32 $0x6080, s8;
	s23 =	sor.u32 s15, s23;
	[tilespmem:s0+$0x0] =	vst.add.f32.msk $0xffff, v3  }
0x18d: {  	s24 =	sor.u32 s16, s3;
	s1 =	sadd.s32 $0x6280, s8;
	[tilespmem:s23+$0x0] =	vst.add.f32.msk $0xffff, v3  }
0x18e: {  	s18 =	sadd.s32 $0x8080, s8;
	s25 =	sor.u32 s16, s1;
	[tilespmem:s24+$0x0] =	vst.add.f32.msk $0xffff, v5  }
0x18f: {  	s19 =	sadd.s32 $0x8280, s8;
	s29 =	sor.u32 s16, s18;
	[tilespmem:s25+$0x0] =	vst.add.f32.msk $0xffff, v5  }
0x190: {  	s22 =	sadd.s32 $0x13100, s17;
	s23 =	sor.u32 s16, s19;
	[tilespmem:s29+$0x0] =	vst.add.f32.msk $0xffff, v5  }
0x191: {  	s24 =	sor.u32 s16, s22;
	[tilespmem:s23+$0x0] =	vst.add.f32.msk $0xffff, v5  }
0x192: {  	s2 =	sor.u32 s13, s2;
	v5 =	vld [tilespmem:s24+$0x0]  }
0x193: {  	s20 =	sor.u32 s15, s20;
	[tilespmem:s2+$0x0] =	vst.add.f32.msk $0xffff, v4  }
0x194: {  	[tilespmem:s20+$0x0] =	vst.add.f32.msk $0xffff, v3;
	s25 =	sor.u32 s15, s21  }
0x195: {  	s20 =	sadd.s32 $0x6100, s8;
	v6 =	vld [tilespmem:s25+$0x0];
	s29 =	sor.u32 s13, s5  }
0x196: {  	s2 =	sor.u32 s16, s20;
	s21 =	sadd.s32 $0x6300, s8;
	v3 =	vld [tilespmem:s29+$0x0]  }
0x197: {  	s5 =	sor.u32 s16, s21;
	s23 =	sadd.s32 $0x8100, s8;
	[tilespmem:s2+$0x0] =	vst.add.f32.msk $0xffff, v5  }
0x198: {  	s24 =	sadd.s32 $0x8300, s8;
	s25 =	sor.u32 s16, s23;
	[tilespmem:s5+$0x0] =	vst.add.f32.msk $0xffff, v5  }
0x199: {  	s3 =	sor.u32 s15, s3;
	s17 =	sadd.s32 $0x13180, s17;
	s29 =	sor.u32 s16, s24;
	[tilespmem:s25+$0x0] =	vst.add.f32.msk $0xffff, v5  }
0x19a: {  	s0 =	sor.u32 s13, s7;
	s7 =	sor.u32 s13, s12;
	s12 =	sor.u32 s16, s17;
	[tilespmem:s29+$0x0] =	vst.add.f32.msk $0xffff, v5  }
0x19b: {  	s1 =	sor.u32 s15, s1;
	s2 =	sor.u32 s13, s6;
	s13 =	sor.u32 s13, s14;
	v4 =	vld [tilespmem:s12+$0x0]  }
0x19c: {  	[tilespmem:s3+$0x0] =	vst.add.f32.msk $0xffff, v6;
	s6 =	sor.u32 s15, s20;
	s14 =	sor.u32 s15, s23;
	s23 =	sadd.s32 $0x6180, s8  }
0x19d: {  	[tilespmem:s1+$0x0] =	vst.add.f32.msk $0xffff, v6;
	s5 =	sor.u32 s15, s22;
	s1 =	sor.u32 s16, s23;
	s25 =	sor.u32 s15, s18  }
0x19e: {  	s18 =	sor.u32 s15, s24;
	s24 =	sadd.s32 $0x6380, s8;
	s29 =	sor.u32 s15, s19;
	[tilespmem:s25+$0x0] =	vst.add.f32.msk $0xffff, v6  }
0x19f: {  	s19 =	sor.u32 s15, s17;
	s17 =	sor.u32 s15, s23;
	s22 =	sor.u32 s15, s24;
	[tilespmem:s29+$0x0] =	vst.add.f32.msk $0xffff, v6  }
0x1a0: {  	s25 =	sadd.s32 $0x8180, s8;
	s3 =	sor.u32 s16, s24;
	s23 =	simm.s32 $0x2;
	[tilespmem:s1+$0x0] =	vst.add.f32.msk $0xffff, v4  }
0x1a1: {  	s12 =	sor.u32 s15, s21;
	s29 =	sadd.s32 $0x8380, s8;
	s1 =	sor.u32 s16, s25;
	[tilespmem:s3+$0x0] =	vst.add.f32.msk $0xffff, v4  }
0x1a2: {  	s24 =	sor.u32 s15, s25;
	s15 =	sor.u32 s15, s29;
	s8 =	sor.u32 s16, s29;
	[tilespmem:s1+$0x0] =	vst.add.f32.msk $0xffff, v4  }
.LBB2_5:
0x1a3: {  	s23 =	sadd.s32 $0x2, s23;
	[tilespmem:s8+$0x0] =	vst.add.f32.msk $0xffff, v4  }
0x1a4: {  	s31 =	sadd.s32 $0x20, s31;
	s1 =	sshll.u32 s23, $0x6;
	p0 =	slt.u32 s23, $0x3E;
	v4 =	vld [tilespmem:s5+$0x0]  }
0x1a5: {  	s16 =	sand.u32 $0x60, s31;
	s8 =	sand.u32 $0x3FFFFE00, s1;
	[tilespmem:s0+$0x0] =	vst.add.f32.msk $0xffff, v3;
	s0 =	smov.u32 s17  }
0x1a6: {  	s20 =	sor.u32 $0x10, s16;
	s1 =	sadd.s32 $0x13000, s8;
	[tilespmem:s2+$0x0] =	vst.add.f32.msk $0xffff, v3;
	s2 =	smov.u32 s22  }
0x1a7: {  	s3 =	sor.u32 s16, s1;
	s1 =	sor.u32 s20, s1;
	[tilespmem:s7+$0x0] =	vst.add.f32.msk $0xffff, v3;
	s7 =	smov.u32 s24  }
0x1a8: {  	v5 =	vld [tilespmem:s1+$0x0]  }
0x1a9: {  	s1 =	sshll.u32 s23, $0x7;
	v6 =	vld [tilespmem:s3+$0x0]  }
0x1aa: {  	s21 =	sand.u32 $0x3FFFFC00, s1;
	[tilespmem:s6+$0x0] =	vst.add.f32.msk $0xffff, v4  }
0x1ab: {  	s1 =	sadd.s32 $0x6000, s21;
	[tilespmem:s12+$0x0] =	vst.add.f32.msk $0xffff, v4  }
0x1ac: {  	s5 =	sadd.s32 $0x6200, s21;
	s3 =	sor.u32 s16, s1;
	s1 =	sor.u32 s20, s1;
	[tilespmem:s14+$0x0] =	vst.add.f32.msk $0xffff, v4  }
0x1ad: {  	s6 =	sor.u32 s16, s5;
	s12 =	sadd.s32 $0x8000, s21;
	[tilespmem:s1+$0x0] =	vst.add.f32.msk $0xffff, v5;
	s1 =	sor.u32 s20, s5  }
0x1ae: {  	s14 =	sadd.s32 $0x8200, s21;
	s5 =	sor.u32 s16, s12;
	[tilespmem:s1+$0x0] =	vst.add.f32.msk $0xffff, v5;
	s1 =	sor.u32 s20, s12  }
0x1af: {  	s17 =	sadd.s32 $0x13080, s8;
	s12 =	sor.u32 s16, s14;
	[tilespmem:s1+$0x0] =	vst.add.f32.msk $0xffff, v5;
	s1 =	sor.u32 s20, s14  }
0x1b0: {  	s14 =	sor.u32 s16, s17;
	[tilespmem:s1+$0x0] =	vst.add.f32.msk $0xffff, v5;
	s1 =	sor.u32 s20, s17  }
0x1b1: {  	v5 =	vld [tilespmem:s1+$0x0]  }
0x1b2: {  	[tilespmem:s3+$0x0] =	vst.add.f32.msk $0xffff, v6  }
0x1b3: {  	[tilespmem:s6+$0x0] =	vst.add.f32.msk $0xffff, v6  }
0x1b4: {  	s1 =	sadd.s32 $0x6080, s21;
	[tilespmem:s5+$0x0] =	vst.add.f32.msk $0xffff, v6  }
0x1b5: {  	s3 =	sor.u32 s16, s1;
	s1 =	sor.u32 s20, s1;
	s5 =	sadd.s32 $0x6280, s21;
	[tilespmem:s12+$0x0] =	vst.add.f32.msk $0xffff, v6  }
0x1b6: {  	s6 =	sadd.s32 $0x8080, s21;
	s17 =	sor.u32 s16, s5;
	[tilespmem:s1+$0x0] =	vst.add.f32.msk $0xffff, v5;
	s1 =	sor.u32 s20, s5  }
0x1b7: {  	s22 =	sor.u32 s16, s6;
	s5 =	sadd.s32 $0x8280, s21;
	[tilespmem:s1+$0x0] =	vst.add.f32.msk $0xffff, v5;
	s1 =	sor.u32 s20, s6  }
0x1b8: {  	s24 =	sor.u32 s16, s5;
	s6 =	sadd.s32 $0x13100, s8;
	[tilespmem:s1+$0x0] =	vst.add.f32.msk $0xffff, v5;
	s1 =	sor.u32 s20, s5  }
0x1b9: {  	s5 =	sor.u32 s16, s6;
	[tilespmem:s1+$0x0] =	vst.add.f32.msk $0xffff, v5;
	s1 =	sor.u32 s20, s6  }
0x1ba: {  	v5 =	vld [tilespmem:s1+$0x0]  }
0x1bb: {  	v6 =	vld [tilespmem:s14+$0x0]  }
0x1bc: {  	[tilespmem:s18+$0x0] =	vst.add.f32.msk $0xffff, v4  }
0x1bd: {  	s1 =	sadd.s32 $0x6100, s21;
	v4 =	vld [tilespmem:s19+$0x0]  }
0x1be: {  	s6 =	sor.u32 s16, s1;
	s14 =	sadd.s32 $0x6300, s21;
	s1 =	sor.u32 s20, s1;
	[tilespmem:s13+$0x0] =	vst.add.f32.msk $0xffff, v3  }
0x1bf: {  	s12 =	sor.u32 s16, s14;
	s13 =	sadd.s32 $0x8100, s21;
	[tilespmem:s1+$0x0] =	vst.add.f32.msk $0xffff, v5;
	s1 =	sor.u32 s20, s14  }
0x1c0: {  	s19 =	sadd.s32 $0x8300, s21;
	s14 =	sor.u32 s16, s13;
	[tilespmem:s1+$0x0] =	vst.add.f32.msk $0xffff, v5;
	s1 =	sor.u32 s20, s13  }
0x1c1: {  	s8 =	sadd.s32 $0x13180, s8;
	s18 =	sor.u32 s16, s19;
	[tilespmem:s1+$0x0] =	vst.add.f32.msk $0xffff, v5;
	s1 =	sor.u32 s20, s19  }
0x1c2: {  	s13 =	smov.u32 s15;
	s19 =	sor.u32 s16, s8;
	[tilespmem:s1+$0x0] =	vst.add.f32.msk $0xffff, v5;
	s1 =	sor.u32 s20, s8;
	v3 =	vmov v4  }
0x1c3: {  	v4 =	vld [tilespmem:s1+$0x0]  }
0x1c4: {  	[tilespmem:s3+$0x0] =	vst.add.f32.msk $0xffff, v6  }
0x1c5: {  	[tilespmem:s17+$0x0] =	vst.add.f32.msk $0xffff, v6  }
.Ltmp1:
0x1c6: {  	s1 =	sadd.s32 $0x6180, s21;
	[tilespmem:s22+$0x0] =	vst.add.f32.msk $0xffff, v6;
	(pc) =	sbr.rel @p0 .LBB2_5-.Ltmp1, $4  }
0x1c7: {  	s3 =	sadd.s32 $0x6380, s21;
	s17 =	sor.u32 s16, s1;
	s1 =	sor.u32 s20, s1;
	[tilespmem:s24+$0x0] =	vst.add.f32.msk $0xffff, v6  }
0x1c8: {  	s8 =	sadd.s32 $0x8180, s21;
	s22 =	sor.u32 s16, s3;
	[tilespmem:s1+$0x0] =	vst.add.f32.msk $0xffff, v4;
	s1 =	sor.u32 s20, s3  }
0x1c9: {  	s24 =	sor.u32 s16, s8;
	s3 =	sadd.s32 $0x8380, s21;
	[tilespmem:s1+$0x0] =	vst.add.f32.msk $0xffff, v4;
	s1 =	sor.u32 s20, s8  }
0x1ca: {  	s15 =	sor.u32 s16, s3;
	s8 =	sor.u32 s20, s3;
	[tilespmem:s1+$0x0] =	vst.add.f32.msk $0xffff, v4  }
0x1cb: {  	v5 =	vld [tilespmem:s5+$0x0];
	_ =	sdelay $0x3  }
0x1cc: {  	[tilespmem:s8+$0x0] =	vst.add.f32.msk $0xffff, v4  }
0x1cd: {  	[tilespmem:s6+$0x0] =	vst.add.f32.msk $0xffff, v5  }
0x1ce: {  	[tilespmem:s12+$0x0] =	vst.add.f32.msk $0xffff, v5  }
0x1cf: {  	[tilespmem:s14+$0x0] =	vst.add.f32.msk $0xffff, v5  }
0x1d0: {  	[tilespmem:s18+$0x0] =	vst.add.f32.msk $0xffff, v5  }
0x1d1: {  	v4 =	vld [tilespmem:s19+$0x0]  }
0x1d2: {  	[tilespmem:s0+$0x0] =	vst.add.f32.msk $0xffff, v3  }
0x1d3: {  	[tilespmem:s2+$0x0] =	vst.add.f32.msk $0xffff, v3  }
0x1d4: {  	[tilespmem:s7+$0x0] =	vst.add.f32.msk $0xffff, v3  }
0x1d5: {  	[tilespmem:s13+$0x0] =	vst.add.f32.msk $0xffff, v3  }
0x1d6: {  	[tilespmem:s17+$0x0] =	vst.add.f32.msk $0xffff, v4  }
0x1d7: {  	[tilespmem:s22+$0x0] =	vst.add.f32.msk $0xffff, v4  }
0x1d8: {  	[tilespmem:s24+$0x0] =	vst.add.f32.msk $0xffff, v4  }
0x1d9: {  	[tilespmem:s15+$0x0] =	vst.add.f32.msk $0xffff, v4  }
0x1da: {  	s0 =	rddreg [dreg:$0xb]  }
0x1db: {  	s1 =	simm.s32 $0x6000;
	s0 =	sadd.s32 s30, s0  }
0x1dc: {  	[hbm4b:s0+s4] =	stream.linear.scatter [tilespmem:s1], [sflag:$0x6], $0x200, $0x38;
	[tilespmem:$0x16000] =	vst v63  }
0x1dd: {  	s5 =	simm.s32 $0x6400;
	s3 =	sadd.s32 $0x80, s0  }
0x1de: {  	[hbm4b:s3+s4] =	stream.linear.scatter [tilespmem:s5], [sflag:$0x6], $0x200, $0x38;
	[tilespmem:$0x16000] =	vst v63  }
0x1df: {  	s7 =	simm.s32 $0x6800;
	s6 =	sadd.s32 $0x100, s0  }
0x1e0: {  	[hbm4b:s6+s4] =	stream.linear.scatter [tilespmem:s7], [sflag:$0x6], $0x200, $0x38;
	[tilespmem:$0x16000] =	vst v63  }
0x1e1: {  	s12 =	simm.s32 $0x6C00;
	s8 =	sadd.s32 $0x180, s0  }
0x1e2: {  	[hbm4b:s8+s4] =	stream.linear.scatter [tilespmem:s12], [sflag:$0x6], $0x200, $0x38;
	[tilespmem:$0x16000] =	vst v63  }
0x1e3: {  	s14 =	simm.s32 $0x7000;
	s13 =	sadd.s32 $0x200, s0  }
0x1e4: {  	[hbm4b:s13+s4] =	stream.linear.scatter [tilespmem:s14], [sflag:$0x6], $0x200, $0x38;
	[tilespmem:$0x16000] =	vst v63  }
0x1e5: {  	s16 =	simm.s32 $0x7400;
	s15 =	sadd.s32 $0x280, s0  }
0x1e6: {  	[hbm4b:s15+s4] =	stream.linear.scatter [tilespmem:s16], [sflag:$0x6], $0x200, $0x38;
	[tilespmem:$0x16000] =	vst v63  }
0x1e7: {  	s20 =	sor.u32 $0x100040, s30;
	s18 =	simm.s32 $0x7800;
	s17 =	sadd.s32 $0x300, s0  }
0x1e8: {  	[hbm4b:s17+s4] =	stream.linear.scatter [tilespmem:s18], [sflag:$0x6], $0x200, $0x38;
	[tilespmem:$0x16000] =	vst v63  }
0x1e9: {  	s2 =	rddreg [dreg:$0x3];
	s19 =	simm.s32 $0x7C00;
	s0 =	sadd.s32 $0x380, s0  }
0x1ea: {  	[hbm4b:s0+s4] =	stream.linear.scatter [tilespmem:s19], [sflag:$0x6], $0x200, $0x38;
	[tilespmem:$0x16000] =	vst v63  }
0x1eb: {  	s21 =	simm.s32 $0x6200;
	s0 =	sadd.s32 s2, s20  }
0x1ec: {  	[hbm4b:s0+s4] =	stream.linear.scatter [tilespmem:s21], [sflag:$0x6], $0x200, $0x38;
	[tilespmem:$0x16000] =	vst v63  }
0x1ed: {  	s3 =	simm.s32 $0x6600;
	s22 =	sadd.s32 $0x80, s0  }
0x1ee: {  	[hbm4b:s22+s4] =	stream.linear.scatter [tilespmem:s3], [sflag:$0x6], $0x200, $0x38;
	[tilespmem:$0x16000] =	vst v63  }
0x1ef: {  	s24 =	simm.s32 $0x6A00;
	s23 =	sadd.s32 $0x100, s0  }
0x1f0: {  	[hbm4b:s23+s4] =	stream.linear.scatter [tilespmem:s24], [sflag:$0x6], $0x200, $0x38;
	[tilespmem:$0x16000] =	vst v63  }
0x1f1: {  	s29 =	simm.s32 $0x6E00;
	s25 =	sadd.s32 $0x180, s0  }
0x1f2: {  	[hbm4b:s25+s4] =	stream.linear.scatter [tilespmem:s29], [sflag:$0x6], $0x200, $0x38;
	[tilespmem:$0x16000] =	vst v63  }
0x1f3: {  	s6 =	simm.s32 $0x7200;
	s5 =	sadd.s32 $0x200, s0  }
0x1f4: {  	[hbm4b:s5+s4] =	stream.linear.scatter [tilespmem:s6], [sflag:$0x6], $0x200, $0x38;
	[tilespmem:$0x16000] =	vst v63  }
0x1f5: {  	s8 =	simm.s32 $0x7600;
	s7 =	sadd.s32 $0x280, s0  }
0x1f6: {  	[hbm4b:s7+s4] =	stream.linear.scatter [tilespmem:s8], [sflag:$0x6], $0x200, $0x38;
	[tilespmem:$0x16000] =	vst v63  }
0x1f7: {  	s13 =	simm.s32 $0x7A00;
	s12 =	sadd.s32 $0x300, s0  }
0x1f8: {  	[hbm4b:s12+s4] =	stream.linear.scatter [tilespmem:s13], [sflag:$0x6], $0x200, $0x38;
	[tilespmem:$0x16000] =	vst v63  }
0x1f9: {  	s14 =	simm.s32 $0x7E00;
	s15 =	sor.u32 $0x200040, s30;
	s0 =	sadd.s32 $0x380, s0  }
0x1fa: {  	[hbm4b:s0+s4] =	stream.linear.scatter [tilespmem:s14], [sflag:$0x6], $0x200, $0x38;
	[tilespmem:$0x16000] =	vst v63  }
0x1fb: {  	s16 =	simm.s32 $0x8000;
	s0 =	sadd.s32 s2, s15  }
0x1fc: {  	[hbm4b:s0+s4] =	stream.linear.scatter [tilespmem:s16], [sflag:$0x6], $0x200, $0x38;
	[tilespmem:$0x16000] =	vst v63  }
0x1fd: {  	s18 =	simm.s32 $0x8400;
	s17 =	sadd.s32 $0x80, s0  }
0x1fe: {  	[hbm4b:s17+s4] =	stream.linear.scatter [tilespmem:s18], [sflag:$0x6], $0x200, $0x38;
	[tilespmem:$0x16000] =	vst v63  }
0x1ff: {  	s20 =	simm.s32 $0x8800;
	s19 =	sadd.s32 $0x100, s0  }
0x200: {  	[hbm4b:s19+s4] =	stream.linear.scatter [tilespmem:s20], [sflag:$0x6], $0x200, $0x38;
	[tilespmem:$0x16000] =	vst v63  }
0x201: {  	s22 =	simm.s32 $0x8C00;
	s21 =	sadd.s32 $0x180, s0  }
0x202: {  	[hbm4b:s21+s4] =	stream.linear.scatter [tilespmem:s22], [sflag:$0x6], $0x200, $0x38;
	[tilespmem:$0x16000] =	vst v63  }
0x203: {  	s24 =	simm.s32 $0x9000;
	s23 =	sadd.s32 $0x200, s0  }
0x204: {  	[hbm4b:s23+s4] =	stream.linear.scatter [tilespmem:s24], [sflag:$0x6], $0x200, $0x38;
	[tilespmem:$0x16000] =	vst v63  }
0x205: {  	s29 =	simm.s32 $0x9400;
	s25 =	sadd.s32 $0x280, s0  }
0x206: {  	[hbm4b:s25+s4] =	stream.linear.scatter [tilespmem:s29], [sflag:$0x6], $0x200, $0x38;
	[tilespmem:$0x16000] =	vst v63  }
0x207: {  	s6 =	simm.s32 $0x9800;
	s5 =	sadd.s32 $0x300, s0  }
0x208: {  	[hbm4b:s5+s4] =	stream.linear.scatter [tilespmem:s6], [sflag:$0x6], $0x200, $0x38;
	[tilespmem:$0x16000] =	vst v63  }
0x209: {  	s7 =	simm.s32 $0x9C00;
	s8 =	sor.u32 $0x300040, s30;
	s0 =	sadd.s32 $0x380, s0  }
0x20a: {  	[hbm4b:s0+s4] =	stream.linear.scatter [tilespmem:s7], [sflag:$0x6], $0x200, $0x38;
	[tilespmem:$0x16000] =	vst v63  }
0x20b: {  	s12 =	simm.s32 $0x8200;
	s0 =	sadd.s32 s2, s8  }
0x20c: {  	[hbm4b:s0+s4] =	stream.linear.scatter [tilespmem:s12], [sflag:$0x6], $0x200, $0x38;
	[tilespmem:$0x16000] =	vst v63  }
0x20d: {  	s14 =	simm.s32 $0x8600;
	s13 =	sadd.s32 $0x80, s0  }
0x20e: {  	[hbm4b:s13+s4] =	stream.linear.scatter [tilespmem:s14], [sflag:$0x6], $0x200, $0x38;
	[tilespmem:$0x16000] =	vst v63  }
0x20f: {  	s16 =	simm.s32 $0x8A00;
	s15 =	sadd.s32 $0x100, s0  }
0x210: {  	[hbm4b:s15+s4] =	stream.linear.scatter [tilespmem:s16], [sflag:$0x6], $0x200, $0x38;
	[tilespmem:$0x16000] =	vst v63  }
0x211: {  	s18 =	simm.s32 $0x8E00;
	s17 =	sadd.s32 $0x180, s0  }
0x212: {  	[hbm4b:s17+s4] =	stream.linear.scatter [tilespmem:s18], [sflag:$0x6], $0x200, $0x38;
	[tilespmem:$0x16000] =	vst v63  }
0x213: {  	s20 =	simm.s32 $0x9200;
	s19 =	sadd.s32 $0x200, s0  }
0x214: {  	[hbm4b:s19+s4] =	stream.linear.scatter [tilespmem:s20], [sflag:$0x6], $0x200, $0x38;
	[tilespmem:$0x16000] =	vst v63  }
0x215: {  	s22 =	simm.s32 $0x9600;
	s21 =	sadd.s32 $0x280, s0  }
0x216: {  	[hbm4b:s21+s4] =	stream.linear.scatter [tilespmem:s22], [sflag:$0x6], $0x200, $0x38;
	[tilespmem:$0x16000] =	vst v63  }
0x217: {  	s24 =	simm.s32 $0x9A00;
	s23 =	sadd.s32 $0x300, s0  }
0x218: {  	[hbm4b:s23+s4] =	stream.linear.scatter [tilespmem:s24], [sflag:$0x6], $0x200, $0x38;
	[tilespmem:$0x16000] =	vst v63  }
0x219: {  	p0 =	seq.s32 s26, $0xF;
	s25 =	simm.s32 $0x9E00;
	s0 =	sadd.s32 $0x380, s0  }
0x21a: {  	[hbm4b:s0+s4] =	stream.linear.scatter [tilespmem:s25], [sflag:$0x6], $0x200, $0x38;
	[tilespmem:$0x16000] =	vst v63  }
0x21b: {  	s0 =	simm.s32 @!p0 $0x5  }
0x21c: {  	_ =	swait.ge @!p0 [sflag:s0], $0x1000  }
0x21d: {  	[sflag:s0] =	ssyncset.done @!p0 $0x0  }
0x21e: {  	[sflag:s0] =	ssyncadd.s32 @!p0 $0xFFFFF000  }
0x21f: {  	_ =	swait.ge @!p0 [sflag:s0], $0x1000  }
0x220: {  	[sflag:s0] =	ssyncset.done @!p0 $0x0  }
0x221: {  	[sflag:s0] =	ssyncadd.s32 @!p0 $0xFFFFF000  }
0x222: {  	_ =	swait.ge @!p0 [sflag:s0], $0x1000  }
0x223: {  	[sflag:s0] =	ssyncset.done @!p0 $0x0  }
0x224: {  	[sflag:s0] =	ssyncadd.s32 @!p0 $0xFFFFF000  }
0x225: {  	_ =	swait.ge @!p0 [sflag:s0], $0x1000  }
0x226: {  	s3 =	simm.s32 @!p0 $0x400;
	s30 =	sshll.u32 @!p0 s26, $0xB;
	[sflag:s0] =	ssyncset.done @!p0 $0x0  }
0x227: {  	s1 =	sadd.s32 @!p0 $0x800, s30;
	[sflag:s0] =	ssyncadd.s32 @!p0 $0xFFFFF000;
	s0 =	rddreg [dreg:$0x8]  }
0x228: {  	s5 =	simm.s32 @!p0 $0x12000;
	s2 =	simm.s32 @!p0 $0x200;
	s0 =	sadd.s32 @!p0 s1, s0  }
0x229: {  	[tilespmem:s5], [sflag:$0x1] =	stream.strided.gather @!p0 [hbm4b:s0+s2], $0x1000, s3, s2, $0x38;
	[tilespmem:$0x16000] =	vst v63  }
0x22a: {  	s0 =	sshrl.u32 @!p0 s1, $0x2  }
0x22b: {  	v3 =	vld @!p0 [tilespmem:s0+$0x0];
	_ =	sdelay $0x4  }
0x22c: {  	v4 =	vshll.u32 @!p0 v3, $0x3  }
0x22d: {  	v5 =	vlaneseq.u32 @!p0;
	v3 =	vand.u32 @!p0 $0x7, v3;
	v4 =	vand.u32 @!p0 $0xFFFFFFC0, v4  }
0x22e: {  	v6 =	vshrl.u32 @!p0 v5, $0x3;
	v3 =	vor.u32 @!p0 v3, v4;
	v4 =	vand.u32 @!p0 $0x7, v5  }
0x22f: {  	v6 =	vmul.u32 @!p0 $0x8, v6;
	v4 =	vperm.xlane @!p0 v3, v4;
	_ =	sdelay $0x1  }
0x230: {  	v4 =	vadd.s32 @!p0 v6, v4;
	_ =	sdelay $0x3  }
0x231: {  	vm1 =	vmmov @!p0 $0xffff;
	s1 =	simm.s32 @!p0 $0x2000;
	s2 =	rddreg [dreg:$0x1];
	s0 =	simm.s32 @!p0 $0x0  }
0x232: {  	v5 =	vor.u32 @!p0 $0x8, v5;
	[tilespmem:s1], [sflag:$0x1] =	stream.indirect_vreg.gather @!p0 [hbm4b:s2+s0], $0x80, v4, vm1, $0xb8;
	[tilespmem:$0x16000] =	vst v63  }
0x233: {  	v3 =	vperm.xlane @!p0 v3, v5;
	s1 =	simm.s32 @!p0 $0x2800  }
0x234: {  	[tilespmem:s1], [sflag:$0x1] =	stream.indirect_vreg.gather @!p0 [hbm4b:s9+s0], $0x80, v4, vm1, $0xb8;
	[tilespmem:$0x16000] =	vst v63  }
0x235: {  	v3 =	vadd.s32 @!p0 v6, v3;
	s1 =	simm.s32 @!p0 $0x3000  }
0x236: {  	[tilespmem:s1], [sflag:$0x1] =	stream.indirect_vreg.gather @!p0 [hbm4b:s10+s0], $0x80, v4, vm1, $0xb8;
	[tilespmem:$0x16000] =	vst v63  }
0x237: {  	s1 =	simm.s32 @!p0 $0x3800  }
0x238: {  	[tilespmem:s1], [sflag:$0x1] =	stream.indirect_vreg.gather @!p0 [hbm4b:s11+s0], $0x80, v4, vm1, $0xb8;
	[tilespmem:$0x16000] =	vst v63  }
0x239: {  	s1 =	simm.s32 @!p0 $0x4000  }
0x23a: {  	[tilespmem:s1], [sflag:$0x1] =	stream.indirect_vreg.gather @!p0 [hbm4b:s2+s0], $0x80, v3, vm1, $0xb8;
	[tilespmem:$0x16000] =	vst v63  }
0x23b: {  	s1 =	simm.s32 @!p0 $0x4800  }
0x23c: {  	[tilespmem:s1], [sflag:$0x1] =	stream.indirect_vreg.gather @!p0 [hbm4b:s9+s0], $0x80, v3, vm1, $0xb8;
	[tilespmem:$0x16000] =	vst v63  }
0x23d: {  	s1 =	simm.s32 @!p0 $0x5000  }
0x23e: {  	[tilespmem:s1], [sflag:$0x1] =	stream.indirect_vreg.gather @!p0 [hbm4b:s10+s0], $0x80, v3, vm1, $0xb8;
	[tilespmem:$0x16000] =	vst v63  }
0x23f: {  	s29 =	simm.s32 $0x3;
	s1 =	simm.s32 @!p0 $0x5800  }
0x240: {  	[tilespmem:s1], [sflag:$0x1] =	stream.indirect_vreg.gather @!p0 [hbm4b:s11+s0], $0x80, v3, vm1, $0xb8;
	[tilespmem:$0x16000] =	vst v63  }
0x241: {  	_ =	swait.ge [sflag:s29], $0x1000  }
0x242: {  	[sflag:s29] =	ssyncset.done $0x0  }
0x243: {  	s5 =	simm.s32 $0x0;
	s2 =	simm.s32 $0x0;
	[sflag:s29] =	ssyncadd.s32 $0xFFFFF000  }
0x244: {  	s13 =	sand.u32 $0x60, s2;
	s1 =	sand.u32 $0x3FFFFE00, s5;
	_ =	swait.ge [sflag:s29], $0x4000  }
0x245: {  	s0 =	sor.u32 $0x10, s13;
	s6 =	sadd.s32 $0x14000, s1;
	[sflag:s29] =	ssyncset.done $0x0  }
0x246: {  	s7 =	sor.u32 s0, s6;
	[sflag:s29] =	ssyncadd.s32 $0xFFFFC000  }
0x247: {  	s2 =	sor.u32 s13, s6;
	v3 =	vld [tilespmem:s7+$0x0]  }
0x248: {  	s8 =	simm.s32 $0x0;
	v4 =	vld [tilespmem:s2+$0x0]  }
0x249: {  	s8 =	sand.u32 $0x3FFFFC00, s8  }
0x24a: {  	s3 =	sadd.s32 $0xA000, s8  }
0x24b: {  	s21 =	sor.u32 s0, s3  }
0x24c: {  	s12 =	sadd.s32 $0xA200, s8;
	s3 =	sor.u32 s13, s3;
	[tilespmem:s21+$0x0] =	vst.add.f32.msk $0xffff, v3  }
0x24d: {  	s23 =	sor.u32 s0, s12;
	[tilespmem:s3+$0x0] =	vst.add.f32.msk $0xffff, v4  }
0x24e: {  	s22 =	sadd.s32 $0xC000, s8;
	s2 =	sor.u32 s13, s12;
	[tilespmem:s23+$0x0] =	vst.add.f32.msk $0xffff, v3  }
0x24f: {  	s25 =	sor.u32 s0, s22;
	[tilespmem:s2+$0x0] =	vst.add.f32.msk $0xffff, v4  }
0x250: {  	s24 =	sadd.s32 $0xC200, s8;
	s21 =	sor.u32 s13, s22;
	[tilespmem:s25+$0x0] =	vst.add.f32.msk $0xffff, v3  }
0x251: {  	s14 =	sor.u32 s0, s24;
	[tilespmem:s21+$0x0] =	vst.add.f32.msk $0xffff, v4  }
0x252: {  	s29 =	sadd.s32 $0x14080, s1;
	s22 =	sor.u32 s13, s24;
	[tilespmem:s14+$0x0] =	vst.add.f32.msk $0xffff, v3  }
0x253: {  	s15 =	sor.u32 s0, s29;
	[tilespmem:s22+$0x0] =	vst.add.f32.msk $0xffff, v4  }
0x254: {  	s23 =	sor.u32 s13, s29;
	v3 =	vld [tilespmem:s15+$0x0]  }
0x255: {  	v4 =	vld [tilespmem:s23+$0x0];
	_ =	sdelay $0x1  }
0x256: {  	s14 =	sadd.s32 $0xA080, s8  }
0x257: {  	s16 =	sor.u32 s0, s14  }
0x258: {  	s3 =	sadd.s32 $0xA280, s8;
	s12 =	sor.u32 s13, s14;
	[tilespmem:s16+$0x0] =	vst.add.f32.msk $0xffff, v3  }
0x259: {  	s17 =	sor.u32 s0, s3;
	s15 =	sadd.s32 $0xC080, s8;
	[tilespmem:s12+$0x0] =	vst.add.f32.msk $0xffff, v4  }
0x25a: {  	s18 =	sor.u32 s0, s15;
	s16 =	sadd.s32 $0xC280, s8;
	[tilespmem:s17+$0x0] =	vst.add.f32.msk $0xffff, v3  }
0x25b: {  	s17 =	sadd.s32 $0x14100, s1;
	s19 =	sor.u32 s0, s16;
	[tilespmem:s18+$0x0] =	vst.add.f32.msk $0xffff, v3  }
0x25c: {  	s20 =	sor.u32 s0, s17;
	[tilespmem:s19+$0x0] =	vst.add.f32.msk $0xffff, v3  }
0x25d: {  	s14 =	sor.u32 s13, s3;
	v3 =	vld [tilespmem:s20+$0x0]  }
0x25e: {  	s15 =	sor.u32 s13, s15;
	[tilespmem:s14+$0x0] =	vst.add.f32.msk $0xffff, v4  }
0x25f: {  	s21 =	sor.u32 s13, s16;
	[tilespmem:s15+$0x0] =	vst.add.f32.msk $0xffff, v4  }
0x260: {  	s22 =	sor.u32 s13, s17;
	s19 =	sadd.s32 $0xA100, s8;
	[tilespmem:s21+$0x0] =	vst.add.f32.msk $0xffff, v4  }
0x261: {  	s20 =	sadd.s32 $0xA300, s8;
	s24 =	sor.u32 s0, s19;
	v4 =	vld [tilespmem:s22+$0x0]  }
0x262: {  	s18 =	sadd.s32 $0xC100, s8;
	s25 =	sor.u32 s0, s20;
	[tilespmem:s24+$0x0] =	vst.add.f32.msk $0xffff, v3  }
0x263: {  	s2 =	sadd.s32 $0xC300, s8;
	s29 =	sor.u32 s0, s18;
	[tilespmem:s25+$0x0] =	vst.add.f32.msk $0xffff, v3  }
0x264: {  	s5 =	sadd.s32 $0x14180, s1;
	s6 =	sor.u32 s0, s2;
	[tilespmem:s29+$0x0] =	vst.add.f32.msk $0xffff, v3  }
0x265: {  	s7 =	sor.u32 s0, s5;
	[tilespmem:s6+$0x0] =	vst.add.f32.msk $0xffff, v3  }
0x266: {  	s31 =	simm.s32 $0x20;
	s25 =	simm.s32 $0x80;
	v3 =	vld [tilespmem:s7+$0x0]  }
0x267: {  	s15 =	sand.u32 $0x60, s31;
	s17 =	sand.u32 $0x3FFFFE00, s25  }
0x268: {  	s16 =	sor.u32 $0x10, s15;
	s25 =	sor.u32 s13, s19;
	s21 =	sadd.s32 $0x14000, s17  }
0x269: {  	[tilespmem:s25+$0x0] =	vst.add.f32.msk $0xffff, v4;
	s7 =	sadd.s32 $0xA180, s8;
	s22 =	sor.u32 s16, s21  }
0x26a: {  	s6 =	sadd.s32 $0xA380, s8;
	s23 =	sor.u32 s0, s7;
	v5 =	vld [tilespmem:s22+$0x0]  }
0x26b: {  	s12 =	sadd.s32 $0xC180, s8;
	s24 =	sor.u32 s0, s6;
	[tilespmem:s23+$0x0] =	vst.add.f32.msk $0xffff, v3  }
0x26c: {  	s14 =	sadd.s32 $0xC380, s8;
	s29 =	sor.u32 s0, s12;
	[tilespmem:s24+$0x0] =	vst.add.f32.msk $0xffff, v3  }
0x26d: {  	s0 =	sor.u32 s0, s14;
	s24 =	simm.s32 $0x100;
	[tilespmem:s29+$0x0] =	vst.add.f32.msk $0xffff, v3  }
0x26e: {  	s23 =	sor.u32 s15, s21;
	s8 =	sand.u32 $0x3FFFFC00, s24;
	[tilespmem:s0+$0x0] =	vst.add.f32.msk $0xffff, v3  }
0x26f: {  	s29 =	sor.u32 s13, s20;
	v3 =	vld [tilespmem:s23+$0x0];
	s1 =	sadd.s32 $0xA000, s8  }
0x270: {  	[tilespmem:s29+$0x0] =	vst.add.f32.msk $0xffff, v4;
	s19 =	sadd.s32 $0xA200, s8;
	s22 =	sor.u32 s16, s1  }
0x271: {  	s23 =	sadd.s32 $0xC000, s8;
	s24 =	sor.u32 s16, s19;
	[tilespmem:s22+$0x0] =	vst.add.f32.msk $0xffff, v5  }
0x272: {  	s20 =	sadd.s32 $0xC200, s8;
	s25 =	sor.u32 s16, s23;
	[tilespmem:s24+$0x0] =	vst.add.f32.msk $0xffff, v5  }
0x273: {  	s21 =	sadd.s32 $0x14080, s17;
	s29 =	sor.u32 s16, s20;
	[tilespmem:s25+$0x0] =	vst.add.f32.msk $0xffff, v5  }
0x274: {  	s22 =	sor.u32 s16, s21;
	[tilespmem:s29+$0x0] =	vst.add.f32.msk $0xffff, v5  }
0x275: {  	s18 =	sor.u32 s13, s18;
	v5 =	vld [tilespmem:s22+$0x0]  }
0x276: {  	s1 =	sor.u32 s15, s1;
	[tilespmem:s18+$0x0] =	vst.add.f32.msk $0xffff, v4  }
0x277: {  	s0 =	sor.u32 s15, s19;
	[tilespmem:s1+$0x0] =	vst.add.f32.msk $0xffff, v3  }
0x278: {  	s3 =	sadd.s32 $0xA080, s8;
	s23 =	sor.u32 s15, s23;
	[tilespmem:s0+$0x0] =	vst.add.f32.msk $0xffff, v3  }
0x279: {  	s24 =	sor.u32 s16, s3;
	s1 =	sadd.s32 $0xA280, s8;
	[tilespmem:s23+$0x0] =	vst.add.f32.msk $0xffff, v3  }
0x27a: {  	s18 =	sadd.s32 $0xC080, s8;
	s25 =	sor.u32 s16, s1;
	[tilespmem:s24+$0x0] =	vst.add.f32.msk $0xffff, v5  }
0x27b: {  	s19 =	sadd.s32 $0xC280, s8;
	s29 =	sor.u32 s16, s18;
	[tilespmem:s25+$0x0] =	vst.add.f32.msk $0xffff, v5  }
0x27c: {  	s22 =	sadd.s32 $0x14100, s17;
	s23 =	sor.u32 s16, s19;
	[tilespmem:s29+$0x0] =	vst.add.f32.msk $0xffff, v5  }
0x27d: {  	s24 =	sor.u32 s16, s22;
	[tilespmem:s23+$0x0] =	vst.add.f32.msk $0xffff, v5  }
0x27e: {  	s2 =	sor.u32 s13, s2;
	v5 =	vld [tilespmem:s24+$0x0]  }
0x27f: {  	s20 =	sor.u32 s15, s20;
	[tilespmem:s2+$0x0] =	vst.add.f32.msk $0xffff, v4  }
0x280: {  	[tilespmem:s20+$0x0] =	vst.add.f32.msk $0xffff, v3;
	s25 =	sor.u32 s15, s21  }
0x281: {  	s20 =	sadd.s32 $0xA100, s8;
	v6 =	vld [tilespmem:s25+$0x0];
	s29 =	sor.u32 s13, s5  }
0x282: {  	s2 =	sor.u32 s16, s20;
	s21 =	sadd.s32 $0xA300, s8;
	v3 =	vld [tilespmem:s29+$0x0]  }
0x283: {  	s5 =	sor.u32 s16, s21;
	s23 =	sadd.s32 $0xC100, s8;
	[tilespmem:s2+$0x0] =	vst.add.f32.msk $0xffff, v5  }
0x284: {  	s24 =	sadd.s32 $0xC300, s8;
	s25 =	sor.u32 s16, s23;
	[tilespmem:s5+$0x0] =	vst.add.f32.msk $0xffff, v5  }
0x285: {  	s3 =	sor.u32 s15, s3;
	s17 =	sadd.s32 $0x14180, s17;
	s29 =	sor.u32 s16, s24;
	[tilespmem:s25+$0x0] =	vst.add.f32.msk $0xffff, v5  }
0x286: {  	s0 =	sor.u32 s13, s7;
	s7 =	sor.u32 s13, s12;
	s12 =	sor.u32 s16, s17;
	[tilespmem:s29+$0x0] =	vst.add.f32.msk $0xffff, v5  }
0x287: {  	s1 =	sor.u32 s15, s1;
	s2 =	sor.u32 s13, s6;
	s13 =	sor.u32 s13, s14;
	v4 =	vld [tilespmem:s12+$0x0]  }
0x288: {  	[tilespmem:s3+$0x0] =	vst.add.f32.msk $0xffff, v6;
	s6 =	sor.u32 s15, s20;
	s14 =	sor.u32 s15, s23;
	s23 =	sadd.s32 $0xA180, s8  }
0x289: {  	[tilespmem:s1+$0x0] =	vst.add.f32.msk $0xffff, v6;
	s5 =	sor.u32 s15, s22;
	s1 =	sor.u32 s16, s23;
	s25 =	sor.u32 s15, s18  }
0x28a: {  	s18 =	sor.u32 s15, s24;
	s24 =	sadd.s32 $0xA380, s8;
	s29 =	sor.u32 s15, s19;
	[tilespmem:s25+$0x0] =	vst.add.f32.msk $0xffff, v6  }
0x28b: {  	s19 =	sor.u32 s15, s17;
	s17 =	sor.u32 s15, s23;
	s22 =	sor.u32 s15, s24;
	[tilespmem:s29+$0x0] =	vst.add.f32.msk $0xffff, v6  }
0x28c: {  	s25 =	sadd.s32 $0xC180, s8;
	s3 =	sor.u32 s16, s24;
	s23 =	simm.s32 $0x2;
	[tilespmem:s1+$0x0] =	vst.add.f32.msk $0xffff, v4  }
0x28d: {  	s12 =	sor.u32 s15, s21;
	s29 =	sadd.s32 $0xC380, s8;
	s1 =	sor.u32 s16, s25;
	[tilespmem:s3+$0x0] =	vst.add.f32.msk $0xffff, v4  }
0x28e: {  	s24 =	sor.u32 s15, s25;
	s15 =	sor.u32 s15, s29;
	s8 =	sor.u32 s16, s29;
	[tilespmem:s1+$0x0] =	vst.add.f32.msk $0xffff, v4  }
.LBB2_7:
0x28f: {  	s23 =	sadd.s32 $0x2, s23;
	[tilespmem:s8+$0x0] =	vst.add.f32.msk $0xffff, v4  }
0x290: {  	s31 =	sadd.s32 $0x20, s31;
	s1 =	sshll.u32 s23, $0x6;
	p1 =	slt.u32 s23, $0x3E;
	v4 =	vld [tilespmem:s5+$0x0]  }
0x291: {  	s16 =	sand.u32 $0x60, s31;
	s8 =	sand.u32 $0x3FFFFE00, s1;
	[tilespmem:s0+$0x0] =	vst.add.f32.msk $0xffff, v3;
	s0 =	smov.u32 s17  }
0x292: {  	s20 =	sor.u32 $0x10, s16;
	s1 =	sadd.s32 $0x14000, s8;
	[tilespmem:s2+$0x0] =	vst.add.f32.msk $0xffff, v3;
	s2 =	smov.u32 s22  }
0x293: {  	s3 =	sor.u32 s16, s1;
	s1 =	sor.u32 s20, s1;
	[tilespmem:s7+$0x0] =	vst.add.f32.msk $0xffff, v3;
	s7 =	smov.u32 s24  }
0x294: {  	v5 =	vld [tilespmem:s1+$0x0]  }
0x295: {  	s1 =	sshll.u32 s23, $0x7;
	v6 =	vld [tilespmem:s3+$0x0]  }
0x296: {  	s21 =	sand.u32 $0x3FFFFC00, s1;
	[tilespmem:s6+$0x0] =	vst.add.f32.msk $0xffff, v4  }
0x297: {  	s1 =	sadd.s32 $0xA000, s21;
	[tilespmem:s12+$0x0] =	vst.add.f32.msk $0xffff, v4  }
0x298: {  	s5 =	sadd.s32 $0xA200, s21;
	s3 =	sor.u32 s16, s1;
	s1 =	sor.u32 s20, s1;
	[tilespmem:s14+$0x0] =	vst.add.f32.msk $0xffff, v4  }
0x299: {  	s6 =	sor.u32 s16, s5;
	s12 =	sadd.s32 $0xC000, s21;
	[tilespmem:s1+$0x0] =	vst.add.f32.msk $0xffff, v5;
	s1 =	sor.u32 s20, s5  }
0x29a: {  	s14 =	sadd.s32 $0xC200, s21;
	s5 =	sor.u32 s16, s12;
	[tilespmem:s1+$0x0] =	vst.add.f32.msk $0xffff, v5;
	s1 =	sor.u32 s20, s12  }
0x29b: {  	s17 =	sadd.s32 $0x14080, s8;
	s12 =	sor.u32 s16, s14;
	[tilespmem:s1+$0x0] =	vst.add.f32.msk $0xffff, v5;
	s1 =	sor.u32 s20, s14  }
0x29c: {  	s14 =	sor.u32 s16, s17;
	[tilespmem:s1+$0x0] =	vst.add.f32.msk $0xffff, v5;
	s1 =	sor.u32 s20, s17  }
0x29d: {  	v5 =	vld [tilespmem:s1+$0x0]  }
0x29e: {  	[tilespmem:s3+$0x0] =	vst.add.f32.msk $0xffff, v6  }
0x29f: {  	[tilespmem:s6+$0x0] =	vst.add.f32.msk $0xffff, v6  }
0x2a0: {  	s1 =	sadd.s32 $0xA080, s21;
	[tilespmem:s5+$0x0] =	vst.add.f32.msk $0xffff, v6  }
0x2a1: {  	s3 =	sor.u32 s16, s1;
	s1 =	sor.u32 s20, s1;
	s5 =	sadd.s32 $0xA280, s21;
	[tilespmem:s12+$0x0] =	vst.add.f32.msk $0xffff, v6  }
0x2a2: {  	s6 =	sadd.s32 $0xC080, s21;
	s17 =	sor.u32 s16, s5;
	[tilespmem:s1+$0x0] =	vst.add.f32.msk $0xffff, v5;
	s1 =	sor.u32 s20, s5  }
0x2a3: {  	s22 =	sor.u32 s16, s6;
	s5 =	sadd.s32 $0xC280, s21;
	[tilespmem:s1+$0x0] =	vst.add.f32.msk $0xffff, v5;
	s1 =	sor.u32 s20, s6  }
0x2a4: {  	s24 =	sor.u32 s16, s5;
	s6 =	sadd.s32 $0x14100, s8;
	[tilespmem:s1+$0x0] =	vst.add.f32.msk $0xffff, v5;
	s1 =	sor.u32 s20, s5  }
0x2a5: {  	s5 =	sor.u32 s16, s6;
	[tilespmem:s1+$0x0] =	vst.add.f32.msk $0xffff, v5;
	s1 =	sor.u32 s20, s6  }
0x2a6: {  	v5 =	vld [tilespmem:s1+$0x0]  }
0x2a7: {  	v6 =	vld [tilespmem:s14+$0x0]  }
0x2a8: {  	[tilespmem:s18+$0x0] =	vst.add.f32.msk $0xffff, v4  }
0x2a9: {  	s1 =	sadd.s32 $0xA100, s21;
	v4 =	vld [tilespmem:s19+$0x0]  }
0x2aa: {  	s6 =	sor.u32 s16, s1;
	s14 =	sadd.s32 $0xA300, s21;
	s1 =	sor.u32 s20, s1;
	[tilespmem:s13+$0x0] =	vst.add.f32.msk $0xffff, v3  }
0x2ab: {  	s12 =	sor.u32 s16, s14;
	s13 =	sadd.s32 $0xC100, s21;
	[tilespmem:s1+$0x0] =	vst.add.f32.msk $0xffff, v5;
	s1 =	sor.u32 s20, s14  }
0x2ac: {  	s19 =	sadd.s32 $0xC300, s21;
	s14 =	sor.u32 s16, s13;
	[tilespmem:s1+$0x0] =	vst.add.f32.msk $0xffff, v5;
	s1 =	sor.u32 s20, s13  }
0x2ad: {  	s8 =	sadd.s32 $0x14180, s8;
	s18 =	sor.u32 s16, s19;
	[tilespmem:s1+$0x0] =	vst.add.f32.msk $0xffff, v5;
	s1 =	sor.u32 s20, s19  }
0x2ae: {  	s13 =	smov.u32 s15;
	s19 =	sor.u32 s16, s8;
	[tilespmem:s1+$0x0] =	vst.add.f32.msk $0xffff, v5;
	s1 =	sor.u32 s20, s8;
	v3 =	vmov v4  }
0x2af: {  	v4 =	vld [tilespmem:s1+$0x0]  }
0x2b0: {  	[tilespmem:s3+$0x0] =	vst.add.f32.msk $0xffff, v6  }
0x2b1: {  	[tilespmem:s17+$0x0] =	vst.add.f32.msk $0xffff, v6  }
.Ltmp2:
0x2b2: {  	s1 =	sadd.s32 $0xA180, s21;
	[tilespmem:s22+$0x0] =	vst.add.f32.msk $0xffff, v6;
	(pc) =	sbr.rel @p1 .LBB2_7-.Ltmp2, $4  }
0x2b3: {  	s3 =	sadd.s32 $0xA380, s21;
	s17 =	sor.u32 s16, s1;
	s1 =	sor.u32 s20, s1;
	[tilespmem:s24+$0x0] =	vst.add.f32.msk $0xffff, v6  }
0x2b4: {  	s8 =	sadd.s32 $0xC180, s21;
	s22 =	sor.u32 s16, s3;
	[tilespmem:s1+$0x0] =	vst.add.f32.msk $0xffff, v4;
	s1 =	sor.u32 s20, s3  }
0x2b5: {  	s24 =	sor.u32 s16, s8;
	s3 =	sadd.s32 $0xC380, s21;
	[tilespmem:s1+$0x0] =	vst.add.f32.msk $0xffff, v4;
	s1 =	sor.u32 s20, s8  }
0x2b6: {  	s15 =	sor.u32 s16, s3;
	s8 =	sor.u32 s20, s3;
	[tilespmem:s1+$0x0] =	vst.add.f32.msk $0xffff, v4  }
0x2b7: {  	v5 =	vld [tilespmem:s5+$0x0];
	_ =	sdelay $0x3  }
0x2b8: {  	[tilespmem:s8+$0x0] =	vst.add.f32.msk $0xffff, v4  }
0x2b9: {  	[tilespmem:s6+$0x0] =	vst.add.f32.msk $0xffff, v5  }
0x2ba: {  	[tilespmem:s12+$0x0] =	vst.add.f32.msk $0xffff, v5  }
0x2bb: {  	[tilespmem:s14+$0x0] =	vst.add.f32.msk $0xffff, v5  }
0x2bc: {  	[tilespmem:s18+$0x0] =	vst.add.f32.msk $0xffff, v5  }
0x2bd: {  	v4 =	vld [tilespmem:s19+$0x0]  }
0x2be: {  	[tilespmem:s0+$0x0] =	vst.add.f32.msk $0xffff, v3  }
0x2bf: {  	[tilespmem:s2+$0x0] =	vst.add.f32.msk $0xffff, v3  }
0x2c0: {  	[tilespmem:s7+$0x0] =	vst.add.f32.msk $0xffff, v3  }
0x2c1: {  	[tilespmem:s13+$0x0] =	vst.add.f32.msk $0xffff, v3  }
0x2c2: {  	[tilespmem:s17+$0x0] =	vst.add.f32.msk $0xffff, v4  }
0x2c3: {  	s0 =	rddreg [dreg:$0x11];
	[tilespmem:s22+$0x0] =	vst.add.f32.msk $0xffff, v4  }
0x2c4: {  	s0 =	sshll.u32 s0, $0xC;
	s1 =	rddreg [dreg:$0x5]  }
0x2c5: {  	s0 =	sadd.s32 s1, s0  }
0x2c6: {  	s3 =	rddreg [dreg:$0x3];
	[tilespmem:s24+$0x0] =	vst.add.f32.msk $0xffff, v4;
	s0 =	sshrl.u32 s0, $0x3  }
0x2c7: {  	s31 =	simm.s32 $0xA000;
	[tilespmem:s15+$0x0] =	vst.add.f32.msk $0xffff, v4;
	s23 =	sadd.s32 s3, s0  }
0x2c8: {  	[hbm4b:s23+s4] =	stream.linear.scatter [tilespmem:s31], [sflag:$0x7], $0x200, $0x38;
	[tilespmem:$0x16000] =	vst v63  }
0x2c9: {  	s25 =	simm.s32 $0xA400;
	s24 =	sadd.s32 $0x80, s23  }
0x2ca: {  	[hbm4b:s24+s4] =	stream.linear.scatter [tilespmem:s25], [sflag:$0x7], $0x200, $0x38;
	[tilespmem:$0x16000] =	vst v63  }
0x2cb: {  	s7 =	simm.s32 $0xA800;
	s6 =	sadd.s32 $0x100, s23  }
0x2cc: {  	[hbm4b:s6+s4] =	stream.linear.scatter [tilespmem:s7], [sflag:$0x7], $0x200, $0x38;
	[tilespmem:$0x16000] =	vst v63  }
0x2cd: {  	s12 =	simm.s32 $0xAC00;
	s8 =	sadd.s32 $0x180, s23  }
0x2ce: {  	[hbm4b:s8+s4] =	stream.linear.scatter [tilespmem:s12], [sflag:$0x7], $0x200, $0x38;
	[tilespmem:$0x16000] =	vst v63  }
0x2cf: {  	s14 =	simm.s32 $0xB000;
	s13 =	sadd.s32 $0x200, s23  }
0x2d0: {  	[hbm4b:s13+s4] =	stream.linear.scatter [tilespmem:s14], [sflag:$0x7], $0x200, $0x38;
	[tilespmem:$0x16000] =	vst v63  }
0x2d1: {  	s16 =	simm.s32 $0xB400;
	s15 =	sadd.s32 $0x280, s23  }
0x2d2: {  	[hbm4b:s15+s4] =	stream.linear.scatter [tilespmem:s16], [sflag:$0x7], $0x200, $0x38;
	[tilespmem:$0x16000] =	vst v63  }
0x2d3: {  	s18 =	simm.s32 $0xB800;
	s17 =	sadd.s32 $0x300, s23  }
0x2d4: {  	[hbm4b:s17+s4] =	stream.linear.scatter [tilespmem:s18], [sflag:$0x7], $0x200, $0x38;
	[tilespmem:$0x16000] =	vst v63  }
0x2d5: {  	s19 =	simm.s32 $0xBC00;
	s20 =	sor.u32 $0x100000, s0;
	s1 =	sadd.s32 $0x380, s23  }
0x2d6: {  	[hbm4b:s1+s4] =	stream.linear.scatter [tilespmem:s19], [sflag:$0x7], $0x200, $0x38;
	[tilespmem:$0x16000] =	vst v63  }
0x2d7: {  	s21 =	simm.s32 $0xA200;
	s1 =	sadd.s32 s3, s20  }
0x2d8: {  	[hbm4b:s1+s4] =	stream.linear.scatter [tilespmem:s21], [sflag:$0x7], $0x200, $0x38;
	[tilespmem:$0x16000] =	vst v63  }
0x2d9: {  	s23 =	simm.s32 $0xA600;
	s22 =	sadd.s32 $0x80, s1  }
0x2da: {  	[hbm4b:s22+s4] =	stream.linear.scatter [tilespmem:s23], [sflag:$0x7], $0x200, $0x38;
	[tilespmem:$0x16000] =	vst v63  }
0x2db: {  	s25 =	simm.s32 $0xAA00;
	s24 =	sadd.s32 $0x100, s1  }
0x2dc: {  	[hbm4b:s24+s4] =	stream.linear.scatter [tilespmem:s25], [sflag:$0x7], $0x200, $0x38;
	[tilespmem:$0x16000] =	vst v63  }
0x2dd: {  	s7 =	simm.s32 $0xAE00;
	s6 =	sadd.s32 $0x180, s1  }
0x2de: {  	[hbm4b:s6+s4] =	stream.linear.scatter [tilespmem:s7], [sflag:$0x7], $0x200, $0x38;
	[tilespmem:$0x16000] =	vst v63  }
0x2df: {  	s12 =	simm.s32 $0xB200;
	s8 =	sadd.s32 $0x200, s1  }
0x2e0: {  	[hbm4b:s8+s4] =	stream.linear.scatter [tilespmem:s12], [sflag:$0x7], $0x200, $0x38;
	[tilespmem:$0x16000] =	vst v63  }
0x2e1: {  	s14 =	simm.s32 $0xB600;
	s13 =	sadd.s32 $0x280, s1  }
0x2e2: {  	[hbm4b:s13+s4] =	stream.linear.scatter [tilespmem:s14], [sflag:$0x7], $0x200, $0x38;
	[tilespmem:$0x16000] =	vst v63  }
0x2e3: {  	s16 =	simm.s32 $0xBA00;
	s15 =	sadd.s32 $0x300, s1  }
0x2e4: {  	[hbm4b:s15+s4] =	stream.linear.scatter [tilespmem:s16], [sflag:$0x7], $0x200, $0x38;
	[tilespmem:$0x16000] =	vst v63  }
0x2e5: {  	s17 =	simm.s32 $0xBE00;
	s18 =	sor.u32 $0x200000, s0;
	s1 =	sadd.s32 $0x380, s1  }
0x2e6: {  	[hbm4b:s1+s4] =	stream.linear.scatter [tilespmem:s17], [sflag:$0x7], $0x200, $0x38;
	[tilespmem:$0x16000] =	vst v63  }
0x2e7: {  	s19 =	simm.s32 $0xC000;
	s1 =	sadd.s32 s3, s18  }
0x2e8: {  	[hbm4b:s1+s4] =	stream.linear.scatter [tilespmem:s19], [sflag:$0x7], $0x200, $0x38;
	[tilespmem:$0x16000] =	vst v63  }
0x2e9: {  	s21 =	simm.s32 $0xC400;
	s20 =	sadd.s32 $0x80, s1  }
0x2ea: {  	[hbm4b:s20+s4] =	stream.linear.scatter [tilespmem:s21], [sflag:$0x7], $0x200, $0x38;
	[tilespmem:$0x16000] =	vst v63  }
0x2eb: {  	s23 =	simm.s32 $0xC800;
	s22 =	sadd.s32 $0x100, s1  }
0x2ec: {  	[hbm4b:s22+s4] =	stream.linear.scatter [tilespmem:s23], [sflag:$0x7], $0x200, $0x38;
	[tilespmem:$0x16000] =	vst v63  }
0x2ed: {  	s25 =	simm.s32 $0xCC00;
	s24 =	sadd.s32 $0x180, s1  }
0x2ee: {  	[hbm4b:s24+s4] =	stream.linear.scatter [tilespmem:s25], [sflag:$0x7], $0x200, $0x38;
	[tilespmem:$0x16000] =	vst v63  }
0x2ef: {  	s6 =	simm.s32 $0xD000;
	s5 =	sadd.s32 $0x200, s1  }
0x2f0: {  	[hbm4b:s5+s4] =	stream.linear.scatter [tilespmem:s6], [sflag:$0x7], $0x200, $0x38;
	[tilespmem:$0x16000] =	vst v63  }
0x2f1: {  	s8 =	simm.s32 $0xD400;
	s7 =	sadd.s32 $0x280, s1  }
0x2f2: {  	[hbm4b:s7+s4] =	stream.linear.scatter [tilespmem:s8], [sflag:$0x7], $0x200, $0x38;
	[tilespmem:$0x16000] =	vst v63  }
0x2f3: {  	s13 =	simm.s32 $0xD800;
	s12 =	sadd.s32 $0x300, s1  }
0x2f4: {  	[hbm4b:s12+s4] =	stream.linear.scatter [tilespmem:s13], [sflag:$0x7], $0x200, $0x38;
	[tilespmem:$0x16000] =	vst v63  }
0x2f5: {  	s0 =	sor.u32 $0x300000, s0;
	s14 =	simm.s32 $0xDC00;
	s1 =	sadd.s32 $0x380, s1  }
0x2f6: {  	[hbm4b:s1+s4] =	stream.linear.scatter [tilespmem:s14], [sflag:$0x7], $0x200, $0x38;
	[tilespmem:$0x16000] =	vst v63  }
0x2f7: {  	s0 =	sadd.s32 s3, s0;
	s15 =	simm.s32 $0xC200  }
0x2f8: {  	[hbm4b:s0+s4] =	stream.linear.scatter [tilespmem:s15], [sflag:$0x7], $0x200, $0x38;
	[tilespmem:$0x16000] =	vst v63  }
0x2f9: {  	s16 =	sadd.s32 $0x80, s0;
	s17 =	simm.s32 $0xC600  }
0x2fa: {  	[hbm4b:s16+s4] =	stream.linear.scatter [tilespmem:s17], [sflag:$0x7], $0x200, $0x38;
	[tilespmem:$0x16000] =	vst v63  }
0x2fb: {  	s18 =	sadd.s32 $0x100, s0;
	s19 =	simm.s32 $0xCA00  }
0x2fc: {  	[hbm4b:s18+s4] =	stream.linear.scatter [tilespmem:s19], [sflag:$0x7], $0x200, $0x38;
	[tilespmem:$0x16000] =	vst v63  }
0x2fd: {  	s20 =	sadd.s32 $0x180, s0;
	s21 =	simm.s32 $0xCE00  }
0x2fe: {  	[hbm4b:s20+s4] =	stream.linear.scatter [tilespmem:s21], [sflag:$0x7], $0x200, $0x38;
	[tilespmem:$0x16000] =	vst v63  }
0x2ff: {  	s22 =	sadd.s32 $0x200, s0;
	s23 =	simm.s32 $0xD200  }
0x300: {  	[hbm4b:s22+s4] =	stream.linear.scatter [tilespmem:s23], [sflag:$0x7], $0x200, $0x38;
	[tilespmem:$0x16000] =	vst v63  }
0x301: {  	s24 =	sadd.s32 $0x280, s0;
	s25 =	simm.s32 $0xD600  }
0x302: {  	[hbm4b:s24+s4] =	stream.linear.scatter [tilespmem:s25], [sflag:$0x7], $0x200, $0x38;
	[tilespmem:$0x16000] =	vst v63  }
0x303: {  	s3 =	sadd.s32 $0x300, s0;
	s5 =	simm.s32 $0xDA00  }
0x304: {  	[hbm4b:s3+s4] =	stream.linear.scatter [tilespmem:s5], [sflag:$0x7], $0x200, $0x38;
	[tilespmem:$0x16000] =	vst v63  }
0x305: {  	s6 =	simm.s32 $0xDE00;
	s0 =	sadd.s32 $0x380, s0  }
0x306: {  	[hbm4b:s0+s4] =	stream.linear.scatter [tilespmem:s6], [sflag:$0x7], $0x200, $0x38;
	[tilespmem:$0x16000] =	vst v63  }
0x307: {  	s0 =	simm.s32 @!p0 $0x6  }
0x308: {  	_ =	swait.ge @!p0 [sflag:s0], $0x1000  }
0x309: {  	[sflag:s0] =	ssyncset.done @!p0 $0x0  }
0x30a: {  	[sflag:s0] =	ssyncadd.s32 @!p0 $0xFFFFF000  }
0x30b: {  	_ =	swait.ge @!p0 [sflag:s0], $0x1000  }
0x30c: {  	[sflag:s0] =	ssyncset.done @!p0 $0x0  }
0x30d: {  	[sflag:s0] =	ssyncadd.s32 @!p0 $0xFFFFF000  }
0x30e: {  	_ =	swait.ge @!p0 [sflag:s0], $0x1000  }
0x30f: {  	[sflag:s0] =	ssyncset.done @!p0 $0x0  }
0x310: {  	[sflag:s0] =	ssyncadd.s32 @!p0 $0xFFFFF000  }
0x311: {  	_ =	swait.ge @!p0 [sflag:s0], $0x1000  }
0x312: {  	s1 =	sadd.s32 @!p0 $0xA00, s30;
	s2 =	rddreg [dreg:$0x6]  }
0x313: {  	s3 =	simm.s32 @!p0 $0x400;
	[sflag:s0] =	ssyncset.done @!p0 $0x0;
	s2 =	sadd.s32 @!p0 s2, s1  }
0x314: {  	[sflag:s0] =	ssyncadd.s32 @!p0 $0xFFFFF000;
	s0 =	rddreg [dreg:$0x9];
	s2 =	sand.u32 @!p0 $0x1FF800, s2  }
0x315: {  	s5 =	simm.s32 @!p0 $0x13000;
	s0 =	sadd.s32 @!p0 s2, s0;
	s2 =	simm.s32 @!p0 $0x200  }
0x316: {  	[tilespmem:s5], [sflag:$0x2] =	stream.strided.gather @!p0 [hbm4b:s0+s2], $0x1000, s3, s2, $0x38;
	[tilespmem:$0x16000] =	vst v63  }
0x317: {  	s0 =	sshrl.u32 @!p0 s1, $0x2  }
0x318: {  	v3 =	vld @!p0 [tilespmem:s0+$0x0];
	_ =	sdelay $0x4  }
0x319: {  	v4 =	vshll.u32 @!p0 v3, $0x3  }
0x31a: {  	v5 =	vlaneseq.u32 @!p0;
	v3 =	vand.u32 @!p0 $0x7, v3;
	v4 =	vand.u32 @!p0 $0xFFFFFFC0, v4  }
0x31b: {  	v6 =	vshrl.u32 @!p0 v5, $0x3;
	v3 =	vor.u32 @!p0 v3, v4;
	v4 =	vand.u32 @!p0 $0x7, v5  }
0x31c: {  	v6 =	vmul.u32 @!p0 $0x8, v6;
	v4 =	vperm.xlane @!p0 v3, v4;
	_ =	sdelay $0x1  }
0x31d: {  	v4 =	vadd.s32 @!p0 v6, v4;
	_ =	sdelay $0x3  }
0x31e: {  	s1 =	simm.s32 @!p0 $0x6000;
	s2 =	rddreg [dreg:$0x1];
	s0 =	simm.s32 @!p0 $0x0  }
0x31f: {  	v5 =	vor.u32 @!p0 $0x8, v5;
	[tilespmem:s1], [sflag:$0x2] =	stream.indirect_vreg.gather @!p0 [hbm4b:s2+s0], $0x80, v4, vm1, $0xb8;
	[tilespmem:$0x16000] =	vst v63  }
0x320: {  	v3 =	vperm.xlane @!p0 v3, v5;
	s1 =	simm.s32 @!p0 $0x6800  }
0x321: {  	[tilespmem:s1], [sflag:$0x2] =	stream.indirect_vreg.gather @!p0 [hbm4b:s9+s0], $0x80, v4, vm1, $0xb8;
	[tilespmem:$0x16000] =	vst v63  }
0x322: {  	v3 =	vadd.s32 @!p0 v6, v3;
	s1 =	simm.s32 @!p0 $0x7000  }
0x323: {  	[tilespmem:s1], [sflag:$0x2] =	stream.indirect_vreg.gather @!p0 [hbm4b:s10+s0], $0x80, v4, vm1, $0xb8;
	[tilespmem:$0x16000] =	vst v63  }
0x324: {  	s1 =	simm.s32 @!p0 $0x7800  }
0x325: {  	[tilespmem:s1], [sflag:$0x2] =	stream.indirect_vreg.gather @!p0 [hbm4b:s11+s0], $0x80, v4, vm1, $0xb8;
	[tilespmem:$0x16000] =	vst v63  }
0x326: {  	s1 =	simm.s32 @!p0 $0x8000  }
0x327: {  	[tilespmem:s1], [sflag:$0x2] =	stream.indirect_vreg.gather @!p0 [hbm4b:s2+s0], $0x80, v3, vm1, $0xb8;
	[tilespmem:$0x16000] =	vst v63  }
0x328: {  	s1 =	simm.s32 @!p0 $0x8800  }
0x329: {  	[tilespmem:s1], [sflag:$0x2] =	stream.indirect_vreg.gather @!p0 [hbm4b:s9+s0], $0x80, v3, vm1, $0xb8;
	[tilespmem:$0x16000] =	vst v63  }
0x32a: {  	s1 =	simm.s32 @!p0 $0x9000  }
0x32b: {  	[tilespmem:s1], [sflag:$0x2] =	stream.indirect_vreg.gather @!p0 [hbm4b:s10+s0], $0x80, v3, vm1, $0xb8;
	[tilespmem:$0x16000] =	vst v63  }
0x32c: {  	s7 =	simm.s32 $0x4;
	s1 =	simm.s32 @!p0 $0x9800  }
0x32d: {  	[tilespmem:s1], [sflag:$0x2] =	stream.indirect_vreg.gather @!p0 [hbm4b:s11+s0], $0x80, v3, vm1, $0xb8;
	[tilespmem:$0x16000] =	vst v63  }
0x32e: {  	_ =	swait.ge [sflag:s7], $0x1000  }
0x32f: {  	[sflag:s7] =	ssyncset.done $0x0  }
0x330: {  	s8 =	simm.s32 $0x0;
	s12 =	simm.s32 $0x0;
	[sflag:s7] =	ssyncadd.s32 $0xFFFFF000  }
0x331: {  	s13 =	sand.u32 $0x60, s8;
	s1 =	sand.u32 $0x3FFFFE00, s12;
	_ =	swait.ge [sflag:s7], $0x4000  }
0x332: {  	s0 =	sor.u32 $0x10, s13;
	s14 =	sadd.s32 $0x15000, s1;
	[sflag:s7] =	ssyncset.done $0x0  }
0x333: {  	s15 =	sor.u32 s0, s14;
	[sflag:s7] =	ssyncadd.s32 $0xFFFFC000  }
0x334: {  	s2 =	sor.u32 s13, s14;
	v3 =	vld [tilespmem:s15+$0x0]  }
0x335: {  	s16 =	simm.s32 $0x0;
	v4 =	vld [tilespmem:s2+$0x0]  }
0x336: {  	s8 =	sand.u32 $0x3FFFFC00, s16  }
0x337: {  	s3 =	sadd.s32 $0xE000, s8  }
0x338: {  	s17 =	sor.u32 s0, s3  }
0x339: {  	s3 =	sor.u32 s13, s3;
	s2 =	sadd.s32 $0xE200, s8;
	[tilespmem:s17+$0x0] =	vst.add.f32.msk $0xffff, v3  }
0x33a: {  	s6 =	sadd.s32 $0x10000, s8;
	s18 =	sor.u32 s0, s2;
	[tilespmem:s3+$0x0] =	vst.add.f32.msk $0xffff, v4  }
0x33b: {  	s19 =	sor.u32 s0, s6;
	s7 =	sadd.s32 $0x10200, s8;
	[tilespmem:s18+$0x0] =	vst.add.f32.msk $0xffff, v3  }
0x33c: {  	s12 =	sadd.s32 $0x15080, s1;
	s20 =	sor.u32 s0, s7;
	[tilespmem:s19+$0x0] =	vst.add.f32.msk $0xffff, v3  }
0x33d: {  	s21 =	sor.u32 s0, s12;
	[tilespmem:s20+$0x0] =	vst.add.f32.msk $0xffff, v3  }
0x33e: {  	s2 =	sor.u32 s13, s2;
	v3 =	vld [tilespmem:s21+$0x0]  }
0x33f: {  	[tilespmem:s2+$0x0] =	vst.add.f32.msk $0xffff, v4;
	s19 =	sor.u32 s13, s6  }
0x340: {  	s20 =	sor.u32 s13, s7;
	[tilespmem:s19+$0x0] =	vst.add.f32.msk $0xffff, v4  }
0x341: {  	s14 =	sadd.s32 $0xE080, s8;
	s21 =	sor.u32 s13, s12;
	[tilespmem:s20+$0x0] =	vst.add.f32.msk $0xffff, v4  }
0x342: {  	s22 =	sor.u32 s0, s14;
	s3 =	sadd.s32 $0xE280, s8;
	v4 =	vld [tilespmem:s21+$0x0]  }
0x343: {  	s15 =	sadd.s32 $0x10080, s8;
	s23 =	sor.u32 s0, s3;
	[tilespmem:s22+$0x0] =	vst.add.f32.msk $0xffff, v3  }
0x344: {  	s16 =	sadd.s32 $0x10280, s8;
	s24 =	sor.u32 s0, s15;
	[tilespmem:s23+$0x0] =	vst.add.f32.msk $0xffff, v3  }
0x345: {  	s25 =	sor.u32 s0, s16;
	s17 =	sadd.s32 $0x15100, s1;
	[tilespmem:s24+$0x0] =	vst.add.f32.msk $0xffff, v3  }
0x346: {  	s18 =	sor.u32 s0, s17;
	[tilespmem:s25+$0x0] =	vst.add.f32.msk $0xffff, v3  }
0x347: {  	s7 =	sor.u32 s13, s14;
	v3 =	vld [tilespmem:s18+$0x0]  }
0x348: {  	s12 =	sor.u32 s13, s3;
	[tilespmem:s7+$0x0] =	vst.add.f32.msk $0xffff, v4  }
0x349: {  	s14 =	sor.u32 s13, s15;
	[tilespmem:s12+$0x0] =	vst.add.f32.msk $0xffff, v4  }
0x34a: {  	s19 =	sadd.s32 $0xE100, s8;
	s15 =	sor.u32 s13, s16;
	[tilespmem:s14+$0x0] =	vst.add.f32.msk $0xffff, v4  }
0x34b: {  	s20 =	sadd.s32 $0xE300, s8;
	s22 =	sor.u32 s0, s19;
	[tilespmem:s15+$0x0] =	vst.add.f32.msk $0xffff, v4  }
0x34c: {  	s23 =	sor.u32 s0, s20;
	s18 =	sadd.s32 $0x10100, s8;
	[tilespmem:s22+$0x0] =	vst.add.f32.msk $0xffff, v3  }
0x34d: {  	s2 =	sadd.s32 $0x10300, s8;
	s24 =	sor.u32 s0, s18;
	[tilespmem:s23+$0x0] =	vst.add.f32.msk $0xffff, v3  }
0x34e: {  	s5 =	sadd.s32 $0x15180, s1;
	s25 =	sor.u32 s0, s2;
	[tilespmem:s24+$0x0] =	vst.add.f32.msk $0xffff, v3  }
0x34f: {  	s6 =	sor.u32 s0, s5;
	[tilespmem:s25+$0x0] =	vst.add.f32.msk $0xffff, v3  }
0x350: {  	s16 =	sor.u32 s13, s17;
	v3 =	vld [tilespmem:s6+$0x0]  }
0x351: {  	v4 =	vld [tilespmem:s16+$0x0];
	_ =	sdelay $0x1  }
0x352: {  	s7 =	sadd.s32 $0xE180, s8  }
0x353: {  	s29 =	simm.s32 $0x20;
	s17 =	sor.u32 s0, s7;
	s22 =	simm.s32 $0x80  }
0x354: {  	s19 =	sor.u32 s13, s19;
	s15 =	sand.u32 $0x60, s29;
	[tilespmem:s17+$0x0] =	vst.add.f32.msk $0xffff, v3;
	s17 =	sand.u32 $0x3FFFFE00, s22  }
0x355: {  	s20 =	sor.u32 s13, s20;
	s16 =	sor.u32 $0x10, s15;
	[tilespmem:s19+$0x0] =	vst.add.f32.msk $0xffff, v4;
	s24 =	sadd.s32 $0x15000, s17  }
0x356: {  	[tilespmem:s20+$0x0] =	vst.add.f32.msk $0xffff, v4;
	s6 =	sadd.s32 $0xE380, s8;
	s25 =	sor.u32 s16, s24  }
0x357: {  	s12 =	sadd.s32 $0x10180, s8;
	s21 =	sor.u32 s0, s6;
	v5 =	vld [tilespmem:s25+$0x0]  }
0x358: {  	s14 =	sadd.s32 $0x10380, s8;
	s23 =	sor.u32 s0, s12;
	s8 =	simm.s32 $0x100;
	[tilespmem:s21+$0x0] =	vst.add.f32.msk $0xffff, v3  }
0x359: {  	s0 =	sor.u32 s0, s14;
	s8 =	sand.u32 $0x3FFFFC00, s8;
	[tilespmem:s23+$0x0] =	vst.add.f32.msk $0xffff, v3  }
0x35a: {  	s1 =	sadd.s32 $0xE000, s8;
	s3 =	sor.u32 s15, s24;
	[tilespmem:s0+$0x0] =	vst.add.f32.msk $0xffff, v3  }
0x35b: {  	s21 =	sor.u32 s16, s1;
	v3 =	vld [tilespmem:s3+$0x0];
	s0 =	sadd.s32 $0xE200, s8  }
0x35c: {  	s19 =	sadd.s32 $0x10000, s8;
	s22 =	sor.u32 s16, s0;
	[tilespmem:s21+$0x0] =	vst.add.f32.msk $0xffff, v5  }
0x35d: {  	s20 =	sadd.s32 $0x10200, s8;
	s23 =	sor.u32 s16, s19;
	[tilespmem:s22+$0x0] =	vst.add.f32.msk $0xffff, v5  }
0x35e: {  	s24 =	sor.u32 s16, s20;
	s21 =	sadd.s32 $0x15080, s17;
	[tilespmem:s23+$0x0] =	vst.add.f32.msk $0xffff, v5  }
0x35f: {  	s25 =	sor.u32 s16, s21;
	[tilespmem:s24+$0x0] =	vst.add.f32.msk $0xffff, v5  }
0x360: {  	s18 =	sor.u32 s13, s18;
	v5 =	vld [tilespmem:s25+$0x0]  }
0x361: {  	[tilespmem:s18+$0x0] =	vst.add.f32.msk $0xffff, v4;
	s1 =	sor.u32 s15, s1  }
0x362: {  	s0 =	sor.u32 s15, s0;
	[tilespmem:s1+$0x0] =	vst.add.f32.msk $0xffff, v3  }
0x363: {  	s18 =	sor.u32 s15, s19;
	s3 =	sadd.s32 $0xE080, s8;
	[tilespmem:s0+$0x0] =	vst.add.f32.msk $0xffff, v3  }
0x364: {  	s19 =	sor.u32 s16, s3;
	s1 =	sadd.s32 $0xE280, s8;
	[tilespmem:s18+$0x0] =	vst.add.f32.msk $0xffff, v3  }
0x365: {  	s22 =	sor.u32 s16, s1;
	s18 =	sadd.s32 $0x10080, s8;
	[tilespmem:s19+$0x0] =	vst.add.f32.msk $0xffff, v5  }
0x366: {  	s23 =	sor.u32 s16, s18;
	s19 =	sadd.s32 $0x10280, s8;
	[tilespmem:s22+$0x0] =	vst.add.f32.msk $0xffff, v5  }
0x367: {  	s22 =	sadd.s32 $0x15100, s17;
	s24 =	sor.u32 s16, s19;
	[tilespmem:s23+$0x0] =	vst.add.f32.msk $0xffff, v5  }
0x368: {  	s25 =	sor.u32 s16, s22;
	[tilespmem:s24+$0x0] =	vst.add.f32.msk $0xffff, v5  }
0x369: {  	s2 =	sor.u32 s13, s2;
	v5 =	vld [tilespmem:s25+$0x0]  }
0x36a: {  	[tilespmem:s2+$0x0] =	vst.add.f32.msk $0xffff, v4;
	s20 =	sor.u32 s15, s20  }
0x36b: {  	[tilespmem:s20+$0x0] =	vst.add.f32.msk $0xffff, v3;
	s23 =	sor.u32 s15, s21  }
0x36c: {  	s20 =	sadd.s32 $0xE100, s8;
	v6 =	vld [tilespmem:s23+$0x0];
	s24 =	sor.u32 s13, s5  }
0x36d: {  	s21 =	sadd.s32 $0xE300, s8;
	v3 =	vld [tilespmem:s24+$0x0];
	s25 =	sor.u32 s16, s20  }
0x36e: {  	s23 =	sadd.s32 $0x10100, s8;
	s2 =	sor.u32 s16, s21;
	[tilespmem:s25+$0x0] =	vst.add.f32.msk $0xffff, v5  }
0x36f: {  	s24 =	sadd.s32 $0x10300, s8;
	s5 =	sor.u32 s16, s23;
	[tilespmem:s2+$0x0] =	vst.add.f32.msk $0xffff, v5  }
0x370: {  	s3 =	sor.u32 s15, s3;
	s17 =	sadd.s32 $0x15180, s17;
	s25 =	sor.u32 s16, s24;
	[tilespmem:s5+$0x0] =	vst.add.f32.msk $0xffff, v5  }
0x371: {  	s0 =	sor.u32 s13, s7;
	s7 =	sor.u32 s13, s12;
	s12 =	sor.u32 s16, s17;
	[tilespmem:s25+$0x0] =	vst.add.f32.msk $0xffff, v5  }
0x372: {  	s1 =	sor.u32 s15, s1;
	s30 =	sor.u32 s15, s19;
	s19 =	sor.u32 s15, s17;
	v4 =	vld [tilespmem:s12+$0x0]  }
0x373: {  	[tilespmem:s3+$0x0] =	vst.add.f32.msk $0xffff, v6;
	s2 =	sor.u32 s13, s6;
	s13 =	sor.u32 s13, s14;
	s6 =	sor.u32 s15, s20  }
0x374: {  	[tilespmem:s1+$0x0] =	vst.add.f32.msk $0xffff, v6;
	s14 =	sor.u32 s15, s23;
	s23 =	sadd.s32 $0xE380, s8;
	s25 =	sor.u32 s15, s18  }
0x375: {  	s5 =	sor.u32 s15, s22;
	s22 =	sadd.s32 $0xE180, s8;
	s3 =	sor.u32 s16, s23;
	[tilespmem:s25+$0x0] =	vst.add.f32.msk $0xffff, v6  }
0x376: {  	s18 =	sor.u32 s15, s24;
	s17 =	sor.u32 s15, s22;
	s1 =	sor.u32 s16, s22;
	[tilespmem:s30+$0x0] =	vst.add.f32.msk $0xffff, v6  }
0x377: {  	s24 =	sadd.s32 $0x10180, s8;
	s12 =	sor.u32 s15, s21;
	s21 =	sor.u32 s15, s23;
	[tilespmem:s1+$0x0] =	vst.add.f32.msk $0xffff, v4  }
0x378: {  	s22 =	sor.u32 s15, s24;
	s25 =	sadd.s32 $0x10380, s8;
	s1 =	sor.u32 s16, s24;
	[tilespmem:s3+$0x0] =	vst.add.f32.msk $0xffff, v4  }
0x379: {  	s23 =	simm.s32 $0x2;
	s30 =	sor.u32 s15, s25;
	s8 =	sor.u32 s16, s25;
	[tilespmem:s1+$0x0] =	vst.add.f32.msk $0xffff, v4  }
.LBB2_9:
0x37a: {  	s23 =	sadd.s32 $0x2, s23;
	[tilespmem:s8+$0x0] =	vst.add.f32.msk $0xffff, v4  }
0x37b: {  	s29 =	sadd.s32 $0x20, s29;
	s1 =	sshll.u32 s23, $0x6;
	p0 =	slt.u32 s23, $0x3E;
	v4 =	vld [tilespmem:s5+$0x0]  }
0x37c: {  	s15 =	sand.u32 $0x60, s29;
	s8 =	sand.u32 $0x3FFFFE00, s1;
	[tilespmem:s0+$0x0] =	vst.add.f32.msk $0xffff, v3;
	s0 =	smov.u32 s17  }
0x37d: {  	s16 =	sor.u32 $0x10, s15;
	s1 =	sadd.s32 $0x15000, s8;
	[tilespmem:s2+$0x0] =	vst.add.f32.msk $0xffff, v3;
	s2 =	smov.u32 s21  }
0x37e: {  	s3 =	sor.u32 s15, s1;
	s1 =	sor.u32 s16, s1;
	[tilespmem:s7+$0x0] =	vst.add.f32.msk $0xffff, v3;
	s7 =	smov.u32 s22  }
0x37f: {  	v5 =	vld [tilespmem:s1+$0x0]  }
0x380: {  	s1 =	sshll.u32 s23, $0x7;
	v6 =	vld [tilespmem:s3+$0x0]  }
0x381: {  	s20 =	sand.u32 $0x3FFFFC00, s1;
	[tilespmem:s6+$0x0] =	vst.add.f32.msk $0xffff, v4  }
0x382: {  	s1 =	sadd.s32 $0xE000, s20;
	[tilespmem:s12+$0x0] =	vst.add.f32.msk $0xffff, v4  }
0x383: {  	s5 =	sadd.s32 $0xE200, s20;
	s3 =	sor.u32 s15, s1;
	s1 =	sor.u32 s16, s1;
	[tilespmem:s14+$0x0] =	vst.add.f32.msk $0xffff, v4  }
0x384: {  	s6 =	sor.u32 s15, s5;
	s12 =	sadd.s32 $0x10000, s20;
	[tilespmem:s1+$0x0] =	vst.add.f32.msk $0xffff, v5;
	s1 =	sor.u32 s16, s5  }
0x385: {  	s14 =	sadd.s32 $0x10200, s20;
	s5 =	sor.u32 s15, s12;
	[tilespmem:s1+$0x0] =	vst.add.f32.msk $0xffff, v5;
	s1 =	sor.u32 s16, s12  }
0x386: {  	s17 =	sadd.s32 $0x15080, s8;
	s12 =	sor.u32 s15, s14;
	[tilespmem:s1+$0x0] =	vst.add.f32.msk $0xffff, v5;
	s1 =	sor.u32 s16, s14  }
0x387: {  	s14 =	sor.u32 s15, s17;
	[tilespmem:s1+$0x0] =	vst.add.f32.msk $0xffff, v5;
	s1 =	sor.u32 s16, s17  }
0x388: {  	v5 =	vld [tilespmem:s1+$0x0]  }
0x389: {  	[tilespmem:s3+$0x0] =	vst.add.f32.msk $0xffff, v6  }
0x38a: {  	[tilespmem:s6+$0x0] =	vst.add.f32.msk $0xffff, v6  }
0x38b: {  	s1 =	sadd.s32 $0xE080, s20;
	[tilespmem:s5+$0x0] =	vst.add.f32.msk $0xffff, v6  }
0x38c: {  	s3 =	sor.u32 s15, s1;
	s1 =	sor.u32 s16, s1;
	s5 =	sadd.s32 $0xE280, s20;
	[tilespmem:s12+$0x0] =	vst.add.f32.msk $0xffff, v6  }
0x38d: {  	s6 =	sadd.s32 $0x10080, s20;
	s17 =	sor.u32 s15, s5;
	[tilespmem:s1+$0x0] =	vst.add.f32.msk $0xffff, v5;
	s1 =	sor.u32 s16, s5  }
0x38e: {  	s21 =	sor.u32 s15, s6;
	s5 =	sadd.s32 $0x10280, s20;
	[tilespmem:s1+$0x0] =	vst.add.f32.msk $0xffff, v5;
	s1 =	sor.u32 s16, s6  }
0x38f: {  	s22 =	sor.u32 s15, s5;
	s6 =	sadd.s32 $0x15100, s8;
	[tilespmem:s1+$0x0] =	vst.add.f32.msk $0xffff, v5;
	s1 =	sor.u32 s16, s5  }
0x390: {  	s5 =	sor.u32 s15, s6;
	[tilespmem:s1+$0x0] =	vst.add.f32.msk $0xffff, v5;
	s1 =	sor.u32 s16, s6  }
0x391: {  	v5 =	vld [tilespmem:s1+$0x0]  }
0x392: {  	v6 =	vld [tilespmem:s14+$0x0]  }
0x393: {  	[tilespmem:s18+$0x0] =	vst.add.f32.msk $0xffff, v4  }
0x394: {  	s1 =	sadd.s32 $0xE100, s20;
	v4 =	vld [tilespmem:s19+$0x0]  }
0x395: {  	s6 =	sor.u32 s15, s1;
	s14 =	sadd.s32 $0xE300, s20;
	s1 =	sor.u32 s16, s1;
	[tilespmem:s13+$0x0] =	vst.add.f32.msk $0xffff, v3  }
0x396: {  	s12 =	sor.u32 s15, s14;
	s13 =	sadd.s32 $0x10100, s20;
	[tilespmem:s1+$0x0] =	vst.add.f32.msk $0xffff, v5;
	s1 =	sor.u32 s16, s14  }
0x397: {  	s19 =	sadd.s32 $0x10300, s20;
	s14 =	sor.u32 s15, s13;
	[tilespmem:s1+$0x0] =	vst.add.f32.msk $0xffff, v5;
	s1 =	sor.u32 s16, s13  }
0x398: {  	s8 =	sadd.s32 $0x15180, s8;
	s18 =	sor.u32 s15, s19;
	[tilespmem:s1+$0x0] =	vst.add.f32.msk $0xffff, v5;
	s1 =	sor.u32 s16, s19  }
0x399: {  	s13 =	smov.u32 s30;
	s19 =	sor.u32 s15, s8;
	[tilespmem:s1+$0x0] =	vst.add.f32.msk $0xffff, v5;
	s1 =	sor.u32 s16, s8;
	v3 =	vmov v4  }
0x39a: {  	v4 =	vld [tilespmem:s1+$0x0]  }
0x39b: {  	[tilespmem:s3+$0x0] =	vst.add.f32.msk $0xffff, v6  }
0x39c: {  	[tilespmem:s17+$0x0] =	vst.add.f32.msk $0xffff, v6  }
.Ltmp3:
0x39d: {  	s1 =	sadd.s32 $0xE180, s20;
	[tilespmem:s21+$0x0] =	vst.add.f32.msk $0xffff, v6;
	(pc) =	sbr.rel @p0 .LBB2_9-.Ltmp3, $4  }
0x39e: {  	s3 =	sadd.s32 $0xE380, s20;
	s17 =	sor.u32 s15, s1;
	s1 =	sor.u32 s16, s1;
	[tilespmem:s22+$0x0] =	vst.add.f32.msk $0xffff, v6  }
0x39f: {  	s8 =	sadd.s32 $0x10180, s20;
	s21 =	sor.u32 s15, s3;
	[tilespmem:s1+$0x0] =	vst.add.f32.msk $0xffff, v4;
	s1 =	sor.u32 s16, s3  }
0x3a0: {  	s22 =	sor.u32 s15, s8;
	s3 =	sadd.s32 $0x10380, s20;
	[tilespmem:s1+$0x0] =	vst.add.f32.msk $0xffff, v4;
	s1 =	sor.u32 s16, s8  }
0x3a1: {  	s30 =	sor.u32 s15, s3;
	s8 =	sor.u32 s16, s3;
	[tilespmem:s1+$0x0] =	vst.add.f32.msk $0xffff, v4  }
0x3a2: {  	v5 =	vld [tilespmem:s5+$0x0];
	_ =	sdelay $0x3  }
0x3a3: {  	[tilespmem:s8+$0x0] =	vst.add.f32.msk $0xffff, v4  }
0x3a4: {  	[tilespmem:s6+$0x0] =	vst.add.f32.msk $0xffff, v5  }
0x3a5: {  	[tilespmem:s12+$0x0] =	vst.add.f32.msk $0xffff, v5  }
0x3a6: {  	[tilespmem:s14+$0x0] =	vst.add.f32.msk $0xffff, v5  }
0x3a7: {  	[tilespmem:s18+$0x0] =	vst.add.f32.msk $0xffff, v5  }
0x3a8: {  	v63 =	vld [tilespmem:s19+$0x0]  }
0x3a9: {  	[tilespmem:s0+$0x0] =	vst.add.f32.msk $0xffff, v3  }
0x3aa: {  	[tilespmem:s2+$0x0] =	vst.add.f32.msk $0xffff, v3  }
0x3ab: {  	[tilespmem:s7+$0x0] =	vst.add.f32.msk $0xffff, v3  }
0x3ac: {  	[tilespmem:s13+$0x0] =	vst.add.f32.msk $0xffff, v3  }
0x3ad: {  	[tilespmem:s17+$0x0] =	vst.add.f32.msk $0xffff, v63  }
0x3ae: {  	s14 =	sshll.u32 s28, $0xC;
	[tilespmem:s21+$0x0] =	vst.add.f32.msk $0xffff, v63  }
0x3af: {  	s0 =	sand.u32 $0x3E000, s14;
	s1 =	rddreg [dreg:$0x5];
	[tilespmem:s22+$0x0] =	vst.add.f32.msk $0xffff, v63  }
0x3b0: {  	s0 =	sor.u32 s1, s0;
	[tilespmem:s30+$0x0] =	vst.add.f32.msk $0xffff, v63  }
0x3b1: {  	s0 =	sshrl.u32 s0, $0x3;
	s15 =	rddreg [dreg:$0xb]  }
0x3b2: {  	s16 =	simm.s32 $0xE000;
	s1 =	sadd.s32 s0, s15  }
0x3b3: {  	[hbm4b:s1+s4] =	stream.linear.scatter [tilespmem:s16], [sflag:$0x8], $0x200, $0x38;
	[tilespmem:$0x16000] =	vst v63  }
0x3b4: {  	s3 =	simm.s32 $0xE400;
	s17 =	sadd.s32 $0x80, s1  }
0x3b5: {  	[hbm4b:s17+s4] =	stream.linear.scatter [tilespmem:s3], [sflag:$0x8], $0x200, $0x38;
	[tilespmem:$0x16000] =	vst v63  }
0x3b6: {  	s19 =	simm.s32 $0xE800;
	s18 =	sadd.s32 $0x100, s1  }
0x3b7: {  	[hbm4b:s18+s4] =	stream.linear.scatter [tilespmem:s19], [sflag:$0x8], $0x200, $0x38;
	[tilespmem:$0x16000] =	vst v63  }
0x3b8: {  	s21 =	simm.s32 $0xEC00;
	s20 =	sadd.s32 $0x180, s1  }
0x3b9: {  	[hbm4b:s20+s4] =	stream.linear.scatter [tilespmem:s21], [sflag:$0x8], $0x200, $0x38;
	[tilespmem:$0x16000] =	vst v63  }
0x3ba: {  	s23 =	simm.s32 $0xF000;
	s22 =	sadd.s32 $0x200, s1  }
0x3bb: {  	[hbm4b:s22+s4] =	stream.linear.scatter [tilespmem:s23], [sflag:$0x8], $0x200, $0x38;
	[tilespmem:$0x16000] =	vst v63  }
0x3bc: {  	s25 =	simm.s32 $0xF400;
	s24 =	sadd.s32 $0x280, s1  }
0x3bd: {  	[hbm4b:s24+s4] =	stream.linear.scatter [tilespmem:s25], [sflag:$0x8], $0x200, $0x38;
	[tilespmem:$0x16000] =	vst v63  }
0x3be: {  	s29 =	simm.s32 $0xF800;
	s28 =	sadd.s32 $0x300, s1  }
0x3bf: {  	[hbm4b:s28+s4] =	stream.linear.scatter [tilespmem:s29], [sflag:$0x8], $0x200, $0x38;
	[tilespmem:$0x16000] =	vst v63  }
0x3c0: {  	s30 =	simm.s32 $0xFC00;
	s2 =	rddreg [dreg:$0xc];
	s1 =	sadd.s32 $0x380, s1  }
0x3c1: {  	[hbm4b:s1+s4] =	stream.linear.scatter [tilespmem:s30], [sflag:$0x8], $0x200, $0x38;
	[tilespmem:$0x16000] =	vst v63  }
0x3c2: {  	s3 =	simm.s32 $0xE200;
	s1 =	sadd.s32 s0, s2  }
0x3c3: {  	[hbm4b:s1+s4] =	stream.linear.scatter [tilespmem:s3], [sflag:$0x8], $0x200, $0x38;
	[tilespmem:$0x16000] =	vst v63  }
0x3c4: {  	s6 =	simm.s32 $0xE600;
	s5 =	sadd.s32 $0x80, s1  }
0x3c5: {  	[hbm4b:s5+s4] =	stream.linear.scatter [tilespmem:s6], [sflag:$0x8], $0x200, $0x38;
	[tilespmem:$0x16000] =	vst v63  }
0x3c6: {  	s8 =	simm.s32 $0xEA00;
	s7 =	sadd.s32 $0x100, s1  }
0x3c7: {  	[hbm4b:s7+s4] =	stream.linear.scatter [tilespmem:s8], [sflag:$0x8], $0x200, $0x38;
	[tilespmem:$0x16000] =	vst v63  }
0x3c8: {  	s13 =	simm.s32 $0xEE00;
	s12 =	sadd.s32 $0x180, s1  }
0x3c9: {  	[hbm4b:s12+s4] =	stream.linear.scatter [tilespmem:s13], [sflag:$0x8], $0x200, $0x38;
	[tilespmem:$0x16000] =	vst v63  }
0x3ca: {  	s15 =	simm.s32 $0xF200;
	s14 =	sadd.s32 $0x200, s1  }
0x3cb: {  	[hbm4b:s14+s4] =	stream.linear.scatter [tilespmem:s15], [sflag:$0x8], $0x200, $0x38;
	[tilespmem:$0x16000] =	vst v63  }
0x3cc: {  	s17 =	simm.s32 $0xF600;
	s16 =	sadd.s32 $0x280, s1  }
0x3cd: {  	[hbm4b:s16+s4] =	stream.linear.scatter [tilespmem:s17], [sflag:$0x8], $0x200, $0x38;
	[tilespmem:$0x16000] =	vst v63  }
0x3ce: {  	s19 =	simm.s32 $0xFA00;
	s18 =	sadd.s32 $0x300, s1  }
0x3cf: {  	[hbm4b:s18+s4] =	stream.linear.scatter [tilespmem:s19], [sflag:$0x8], $0x200, $0x38;
	[tilespmem:$0x16000] =	vst v63  }
0x3d0: {  	s20 =	simm.s32 $0xFE00;
	s21 =	rddreg [dreg:$0xd];
	s1 =	sadd.s32 $0x380, s1  }
0x3d1: {  	[hbm4b:s1+s4] =	stream.linear.scatter [tilespmem:s20], [sflag:$0x8], $0x200, $0x38;
	[tilespmem:$0x16000] =	vst v63  }
0x3d2: {  	s22 =	simm.s32 $0x10000;
	s1 =	sadd.s32 s0, s21  }
0x3d3: {  	[hbm4b:s1+s4] =	stream.linear.scatter [tilespmem:s22], [sflag:$0x8], $0x200, $0x38;
	[tilespmem:$0x16000] =	vst v63  }
0x3d4: {  	s24 =	simm.s32 $0x10400;
	s23 =	sadd.s32 $0x80, s1  }
0x3d5: {  	[hbm4b:s23+s4] =	stream.linear.scatter [tilespmem:s24], [sflag:$0x8], $0x200, $0x38;
	[tilespmem:$0x16000] =	vst v63  }
0x3d6: {  	s28 =	simm.s32 $0x10800;
	s25 =	sadd.s32 $0x100, s1  }
0x3d7: {  	[hbm4b:s25+s4] =	stream.linear.scatter [tilespmem:s28], [sflag:$0x8], $0x200, $0x38;
	[tilespmem:$0x16000] =	vst v63  }
0x3d8: {  	s30 =	simm.s32 $0x10C00;
	s29 =	sadd.s32 $0x180, s1  }
0x3d9: {  	[hbm4b:s29+s4] =	stream.linear.scatter [tilespmem:s30], [sflag:$0x8], $0x200, $0x38;
	[tilespmem:$0x16000] =	vst v63  }
0x3da: {  	s5 =	simm.s32 $0x11000;
	s3 =	sadd.s32 $0x200, s1  }
0x3db: {  	[hbm4b:s3+s4] =	stream.linear.scatter [tilespmem:s5], [sflag:$0x8], $0x200, $0x38;
	[tilespmem:$0x16000] =	vst v63  }
0x3dc: {  	s7 =	simm.s32 $0x11400;
	s6 =	sadd.s32 $0x280, s1  }
0x3dd: {  	[hbm4b:s6+s4] =	stream.linear.scatter [tilespmem:s7], [sflag:$0x8], $0x200, $0x38;
	[tilespmem:$0x16000] =	vst v63  }
0x3de: {  	s12 =	simm.s32 $0x11800;
	s8 =	sadd.s32 $0x300, s1  }
0x3df: {  	[hbm4b:s8+s4] =	stream.linear.scatter [tilespmem:s12], [sflag:$0x8], $0x200, $0x38;
	[tilespmem:$0x16000] =	vst v63  }
0x3e0: {  	s13 =	simm.s32 $0x11C00;
	s14 =	rddreg [dreg:$0xe];
	s1 =	sadd.s32 $0x380, s1  }
0x3e1: {  	[hbm4b:s1+s4] =	stream.linear.scatter [tilespmem:s13], [sflag:$0x8], $0x200, $0x38;
	[tilespmem:$0x16000] =	vst v63  }
0x3e2: {  	s15 =	simm.s32 $0x10200;
	s0 =	sadd.s32 s0, s14  }
0x3e3: {  	[hbm4b:s0+s4] =	stream.linear.scatter [tilespmem:s15], [sflag:$0x8], $0x200, $0x38;
	[tilespmem:$0x16000] =	vst v63  }
0x3e4: {  	s17 =	simm.s32 $0x10600;
	s16 =	sadd.s32 $0x80, s0  }
0x3e5: {  	[hbm4b:s16+s4] =	stream.linear.scatter [tilespmem:s17], [sflag:$0x8], $0x200, $0x38;
	[tilespmem:$0x16000] =	vst v63  }
0x3e6: {  	s19 =	simm.s32 $0x10A00;
	s18 =	sadd.s32 $0x100, s0  }
0x3e7: {  	[hbm4b:s18+s4] =	stream.linear.scatter [tilespmem:s19], [sflag:$0x8], $0x200, $0x38;
	[tilespmem:$0x16000] =	vst v63  }
0x3e8: {  	s21 =	simm.s32 $0x10E00;
	s20 =	sadd.s32 $0x180, s0  }
0x3e9: {  	[hbm4b:s20+s4] =	stream.linear.scatter [tilespmem:s21], [sflag:$0x8], $0x200, $0x38;
	[tilespmem:$0x16000] =	vst v63  }
0x3ea: {  	s26 =	sadd.s32 $0x1, s26;
	s22 =	sadd.s32 $0x200, s0;
	s23 =	simm.s32 $0x11200  }
0x3eb: {  	[hbm4b:s22+s4] =	stream.linear.scatter [tilespmem:s23], [sflag:$0x8], $0x200, $0x38;
	[tilespmem:$0x16000] =	vst v63  }
0x3ec: {  	p0 =	sne.s32 s26, $0x10;
	s24 =	sadd.s32 $0x280, s0;
	s25 =	simm.s32 $0x11600  }
0x3ed: {  	[hbm4b:s24+s4] =	stream.linear.scatter [tilespmem:s25], [sflag:$0x8], $0x200, $0x38;
	[tilespmem:$0x16000] =	vst v63  }
.Ltmp4:
0x3ee: {  	_ = 	snop;
	(pc) =	sbr.rel @p0 .LBB2_2-.Ltmp4, $4  }
0x3ef: {  	s28 =	sadd.s32 $0x300, s0;
	s29 =	simm.s32 $0x11A00  }
0x3f0: {  	[hbm4b:s28+s4] =	stream.linear.scatter [tilespmem:s29], [sflag:$0x8], $0x200, $0x38;
	[tilespmem:$0x16000] =	vst v63  }
0x3f1: {  	s30 =	simm.s32 $0x11E00;
	s0 =	sadd.s32 $0x380, s0  }
0x3f2: {  	[hbm4b:s0+s4] =	stream.linear.scatter [tilespmem:s30], [sflag:$0x8], $0x200, $0x38;
	[tilespmem:$0x16000] =	vst v63  }
0x3f3: {  	s0 =	simm.s32 $0x5  }
0x3f4: {  	_ =	swait.ge [sflag:s0], $0x1000  }
0x3f5: {  	[sflag:s0] =	ssyncset.done $0x0  }
0x3f6: {  	[sflag:s0] =	ssyncadd.s32 $0xFFFFF000  }
0x3f7: {  	_ =	swait.ge [sflag:s0], $0x1000  }
0x3f8: {  	[sflag:s0] =	ssyncset.done $0x0  }
0x3f9: {  	[sflag:s0] =	ssyncadd.s32 $0xFFFFF000  }
0x3fa: {  	_ =	swait.ge [sflag:s0], $0x1000  }
0x3fb: {  	[sflag:s0] =	ssyncset.done $0x0  }
0x3fc: {  	[sflag:s0] =	ssyncadd.s32 $0xFFFFF000  }
0x3fd: {  	_ =	swait.ge [sflag:s0], $0x1000  }
0x3fe: {  	[sflag:s0] =	ssyncset.done $0x0  }
0x3ff: {  	s28 =	simm.s32 $0x6;
	[sflag:s0] =	ssyncadd.s32 $0xFFFFF000  }
0x400: {  	_ =	swait.ge [sflag:s28], $0x1000  }
0x401: {  	[sflag:s28] =	ssyncset.done $0x0  }
0x402: {  	[sflag:s28] =	ssyncadd.s32 $0xFFFFF000  }
0x403: {  	_ =	swait.ge [sflag:s28], $0x1000  }
0x404: {  	[sflag:s28] =	ssyncset.done $0x0  }
0x405: {  	[sflag:s28] =	ssyncadd.s32 $0xFFFFF000  }
0x406: {  	_ =	swait.ge [sflag:s28], $0x1000  }
0x407: {  	[sflag:s28] =	ssyncset.done $0x0  }
0x408: {  	[sflag:s28] =	ssyncadd.s32 $0xFFFFF000  }
0x409: {  	_ =	swait.ge [sflag:s28], $0x1000  }
0x40a: {  	[sflag:s28] =	ssyncset.done $0x0  }
0x40b: {  	s29 =	simm.s32 $0x7;
	[sflag:s28] =	ssyncadd.s32 $0xFFFFF000  }
0x40c: {  	_ =	swait.ge [sflag:s29], $0x1000  }
0x40d: {  	[sflag:s29] =	ssyncset.done $0x0  }
0x40e: {  	[sflag:s29] =	ssyncadd.s32 $0xFFFFF000  }
0x40f: {  	_ =	swait.ge [sflag:s29], $0x1000  }
0x410: {  	[sflag:s29] =	ssyncset.done $0x0  }
0x411: {  	[sflag:s29] =	ssyncadd.s32 $0xFFFFF000  }
0x412: {  	_ =	swait.ge [sflag:s29], $0x1000  }
0x413: {  	[sflag:s29] =	ssyncset.done $0x0  }
0x414: {  	[sflag:s29] =	ssyncadd.s32 $0xFFFFF000  }
0x415: {  	_ =	swait.ge [sflag:s29], $0x1000  }
0x416: {  	[sflag:s29] =	ssyncset.done $0x0  }
0x417: {  	s1 =	simm.s32 $0x8;
	[sflag:s29] =	ssyncadd.s32 $0xFFFFF000  }
0x418: {  	_ =	swait.ge [sflag:s1], $0x1000  }
0x419: {  	[sflag:s1] =	ssyncset.done $0x0  }
0x41a: {  	[sflag:s1] =	ssyncadd.s32 $0xFFFFF000  }
0x41b: {  	_ =	swait.ge [sflag:s1], $0x1000  }
0x41c: {  	[sflag:s1] =	ssyncset.done $0x0  }
0x41d: {  	[sflag:s1] =	ssyncadd.s32 $0xFFFFF000  }
0x41e: {  	_ =	swait.ge [sflag:s1], $0x1000  }
0x41f: {  	[sflag:s1] =	ssyncset.done $0x0  }
0x420: {  	[sflag:s1] =	ssyncadd.s32 $0xFFFFF000  }
0x421: {  	_ =	swait.ge [sflag:s1], $0x1000  }
0x422: {  	s2 =	rddreg [dreg:$0x10]  }
0x423: {  	s30 =	rddreg [dreg:$0xf];
	s2 =	sadd.s32 $0x1, s2  }
0x424: {  	p0 =	sne.s32 s2, s30  }
.Ltmp5:
0x425: {  	_ = 	snop;
	(pc) =	sbr.rel @p0 .LBB2_1-.Ltmp5, $3  }
0x426: {  	_ =	sdelay $0x1  }
0x427: {  	[sflag:s1] =	ssyncset.done $0x0  }
0x428: {  	[sflag:s1] =	ssyncadd.s32 $0xFFFFF000  }
0x429: {  	_ =	sfence.sel $0x180000  }
0x42a: {  	[bflag:$0x0] =	sbarrier.arrive $0xFFFF  }
0x42b: {  	_ =	strace $0x90000047  }
0x42c: {  	s0 =	stileid.u32;
	[bflag:$0x2] =	sbarrier.arrive $0xFFFF  }
0x42d: {  	p0 =	sne.s32 s0, $0x0;
	s0 =	rddreg [dreg:$0x4]  }
0x42e: {  	s0 =	sadd.s32 @!p0 $0x100000, s0  }
0x42f: {  	[sflag:s0] =	ssyncadd.tile.s32 @!p0 $0x1;
	_ =	shalt  }
.Lfunc_end2:
_tile_overlayer_lowered:
.L_overlay_start_2:
0x430: {  	(tag) =	ssettag $0x2  }
0x431: {  	s0 =	rddreg [dreg:$0x0];
	s2 =	stileid.u32  }
0x432: {  	s1 =	rddreg [dreg:$0x1];
	p0 =	sne.s32 s2, $0x0  }
0x433: {  	s3 =	rddreg [dreg:$0x2];
	[bflag:$0x3] =	sbarrier.arrive $0xFFFF;
	s2 =	simm.s32 @!p0 $0x1C09  }
0x434: {  	[timem:s3], [sflag:s2] =	dma.local @!p0 [hbm:s0], s1  }
0x435: {  	s0 =	simm.s32 @!p0 $0x9  }
0x436: {  	_ =	swait.ge @!p0 [sflag:s0], s1  }
0x437: {  	s1 =	ssub.s32 @!p0 $0x0, s1;
	[sflag:s0] =	ssyncset.done @!p0 $0x0  }
0x438: {  	[sflag:s0] =	ssyncadd.s32 @!p0 s1  }
0x439: {  	[bflag:$0x3] =	sbarrier.arrive $0xFFFF  }
0x43a: {  	_ =	shalt  }

</sc_bundles>
